<compile_context>
chip_gen: v7x
topology: tpu7x:2x2x1
jax: 0.10.2.dev20260603
libtpu: 0.0.44.dev20260713+nightly
codegen_flags: <defaults>
</compile_context>

<pallas_src>
import functools

import jax
import jax.numpy as jnp
from jax import lax
from jax.experimental import pallas as pl
from jax.experimental.pallas import tpu as pltpu
from jax.experimental.pallas import tpu_sc as plsc

N = 10000
NP = 10240
E = 320000
EP = 327680
D = 128
DH = D // 2
NC = 2
NS = 16
CHUNK = 128
NCHD = EP // (NC * NS) // CHUNK
NCH = EP // NS // CHUNK
PAD_NODE = 10200
RB = 4
NIB = 8

_mesh = plsc.VectorSubcoreMesh(core_axis_name="c", subcore_axis_name="s")


@functools.partial(
    pl.kernel,
    out_type=[
        jax.ShapeDtypeStruct((NC, NP), jnp.float32),
        jax.ShapeDtypeStruct((NC, NP), jnp.float32),
    ],
    mesh=_mesh,
    scratch_types=[
        pltpu.VMEM_SHARED((NP,), jnp.float32),
        pltpu.VMEM_SHARED((NP,), jnp.float32),
        pltpu.VMEM((NCHD, CHUNK), jnp.int32),
        pltpu.VMEM((NCHD, CHUNK), jnp.int32),
        pltpu.VMEM((CHUNK,), jnp.float32),
        pltpu.VMEM((NP // NS,), jnp.float32),
        [pltpu.SemaphoreType.DMA] * 4,
        [pltpu.SemaphoreType.DMA] * 4,
    ],
)
def _degree_kernel(src_hbm, dst_hbm, dout_hbm, din_hbm,
                   acc_out, acc_in, idx_s, idx_d, ones_v, zer_v, so, sd):
    c = lax.axis_index("c")
    s = lax.axis_index("s")
    for i in range(CHUNK // 16):
        ones_v[pl.ds(i * 16, 16)] = jnp.ones((16,), jnp.float32)
    for i in range((NP // NS) // 16):
        zer_v[pl.ds(i * 16, 16)] = jnp.zeros((16,), jnp.float32)
    off = s * (NP // NS)
    pltpu.sync_copy(zer_v, acc_out.at[pl.ds(off, NP // NS)])
    pltpu.sync_copy(zer_v, acc_in.at[pl.ds(off, NP // NS)])
    plsc.subcore_barrier()

    rb = (c * NS + s) * NCHD
    pltpu.sync_copy(src_hbm.at[pl.ds(rb, NCHD)], idx_s)
    pltpu.sync_copy(dst_hbm.at[pl.ds(rb, NCHD)], idx_d)

    def body(h, carry):
        j0 = 4 * h
        for k in range(4):
            pltpu.async_copy(ones_v, acc_out.at[idx_s.at[j0 + k]], so[k], add=True)
            pltpu.async_copy(ones_v, acc_in.at[idx_d.at[j0 + k]], sd[k], add=True)
        for k in range(4):
            pltpu.make_async_copy(ones_v, acc_out.at[idx_s.at[j0 + k]], so[k]).wait()
            pltpu.make_async_copy(ones_v, acc_in.at[idx_d.at[j0 + k]], sd[k]).wait()
        return carry

    lax.fori_loop(0, NCHD // 4, body, 0)
    plsc.subcore_barrier()
    pltpu.sync_copy(acc_out.at[pl.ds(off, NP // NS)],
                    dout_hbm.at[c, pl.ds(off, NP // NS)])
    pltpu.sync_copy(acc_in.at[pl.ds(off, NP // NS)],
                    din_hbm.at[c, pl.ds(off, NP // NS)])


@functools.partial(
    pl.kernel,
    out_type=jax.ShapeDtypeStruct((NC, NP, DH), jnp.float32),
    mesh=_mesh,
    scratch_types=[
        pltpu.VMEM_SHARED((NP, DH), jnp.float32),
        pltpu.VMEM_SHARED((NP, DH), jnp.float32),
        pltpu.VMEM((NIB, CHUNK), jnp.int32),
        pltpu.VMEM((NIB, CHUNK), jnp.int32),
        pltpu.VMEM((2, CHUNK, DH), jnp.float32),
        [pltpu.SemaphoreType.DMA] * 2,
        [pltpu.SemaphoreType.DMA] * 2,
        [pltpu.SemaphoreType.DMA] * NIB,
    ],
)
def _agg_kernel(xs_hbm, src_hbm, dst_hbm, part_hbm,
                xsl, acc, idx_s, idx_d, rows, sg, ss, si):
    c = lax.axis_index("c")
    s = lax.axis_index("s")

    roff = s * (NP // NS)
    pltpu.sync_copy(xs_hbm.at[c, pl.ds(roff, NP // NS)],
                    xsl.at[pl.ds(roff, NP // NS)])

    def zbody(i, carry):
        for jj in range(DH // 16):
            rows[0, i, pl.ds(jj * 16, 16)] = jnp.zeros((16,), jnp.float32)
        return carry

    lax.fori_loop(0, CHUNK, zbody, 0)
    for r in range((NP // NS) // CHUNK):
        pltpu.sync_copy(rows.at[0], acc.at[pl.ds(roff + r * CHUNK, CHUNK)])
    plsc.subcore_barrier()

    rbase = s * NCH

    def i_issue(j, q):
        pltpu.async_copy(src_hbm.at[rbase + j], idx_s.at[q], si[q])
        pltpu.async_copy(dst_hbm.at[rbase + j], idx_d.at[q], si[q])

    def i_wait(j, q):
        pltpu.make_async_copy(src_hbm.at[rbase + j], idx_s.at[q], si[q]).wait()
        pltpu.make_async_copy(dst_hbm.at[rbase + j], idx_d.at[q], si[q]).wait()

    def g_issue(q, r):
        pltpu.async_copy(xsl.at[idx_s.at[q]], rows.at[r], sg[r])

    def g_wait(q, r):
        pltpu.make_async_copy(xsl.at[idx_s.at[q]], rows.at[r], sg[r]).wait()

    def s_issue(q, r):
        pltpu.async_copy(rows.at[r], acc.at[idx_d.at[q]], ss[r], add=True)

    def s_wait(q, r):
        pltpu.make_async_copy(rows.at[r], acc.at[idx_d.at[q]], ss[r]).wait()

    def group(j0, first):
        g_wait(0, 0)
        if not first:
            s_wait(3, 1)
        i_issue(j0 + 3, 3)
        i_wait(j0 + 1, 1)
        g_issue(1, 1)
        s_issue(0, 0)
        g_wait(1, 1)
        s_wait(0, 0)
        i_issue(j0 + 4, 0)
        i_wait(j0 + 2, 2)
        g_issue(2, 0)
        s_issue(1, 1)
        g_wait(2, 0)
        s_wait(1, 1)
        i_issue(j0 + 5, 1)
        i_wait(j0 + 3, 3)
        g_issue(3, 1)
        s_issue(2, 0)
        g_wait(3, 1)
        s_wait(2, 0)
        i_issue(j0 + 6, 2)
        i_wait(j0 + 4, 0)
        g_issue(0, 0)
        s_issue(3, 1)

    i_issue(0, 0)
    i_issue(1, 1)
    i_issue(2, 2)
    i_wait(0, 0)
    g_issue(0, 0)
    group(0, first=True)

    def body(h, carry):
        group(4 * h, first=False)
        return carry

    lax.fori_loop(1, NCH // 4 - 1, body, 0)

    j0 = NCH - 4
    g_wait(0, 0)
    s_wait(3, 1)
    i_issue(j0 + 3, 3)
    i_wait(j0 + 1, 1)
    g_issue(1, 1)
    s_issue(0, 0)
    g_wait(1, 1)
    s_wait(0, 0)
    i_wait(j0 + 2, 2)
    g_issue(2, 0)
    s_issue(1, 1)
    g_wait(2, 0)
    s_wait(1, 1)
    i_wait(j0 + 3, 3)
    g_issue(3, 1)
    s_issue(2, 0)
    g_wait(3, 1)
    s_wait(2, 0)
    s_issue(3, 1)
    s_wait(3, 1)

    plsc.subcore_barrier()
    pltpu.sync_copy(acc.at[pl.ds(roff, NP // NS)],
                    part_hbm.at[c, pl.ds(roff, NP // NS)])


def _scale_body(x_ref, dp_ref, o_ref):
    d = dp_ref[0] + dp_ref[1]
    xs = x_ref[...] * lax.rsqrt(jnp.maximum(d, 1.0))
    o_ref[0] = xs[:, :DH]
    o_ref[1] = xs[:, DH:]


def _scale_call(xp, dout_p):
    R = 2048
    grid = (NP // R,)
    return pl.pallas_call(
        _scale_body,
        grid=grid,
        in_specs=[
            pl.BlockSpec((R, D), lambda i: (i, 0)),
            pl.BlockSpec((2, R, 1), lambda i: (0, i, 0)),
        ],
        out_specs=pl.BlockSpec((2, R, DH), lambda i: (0, i, 0)),
        out_shape=jax.ShapeDtypeStruct((NC, NP, DH), jnp.float32),
    )(xp, dout_p)


def _combine_body(p_ref, dp_ref, w_ref, o_ref):
    d = dp_ref[0] + dp_ref[1]
    agg = jnp.concatenate([p_ref[0], p_ref[1]], axis=1)
    agg = agg * lax.rsqrt(jnp.maximum(d, 1.0))
    o_ref[...] = jnp.dot(agg, w_ref[...], preferred_element_type=jnp.float32)


def _combine_call(part, din_p, W):
    R = 2000
    grid = (N // R,)
    return pl.pallas_call(
        _combine_body,
        grid=grid,
        in_specs=[
            pl.BlockSpec((2, R, DH), lambda i: (0, i, 0)),
            pl.BlockSpec((2, R, 1), lambda i: (0, i, 0)),
            pl.BlockSpec((D, D), lambda i: (0, 0)),
        ],
        out_specs=pl.BlockSpec((R, D), lambda i: (i, 0)),
        out_shape=jax.ShapeDtypeStruct((N, D), jnp.float32),
    )(part, din_p, W)


def kernel(x, edge_index, W):
    x = x.astype(jnp.float32)
    ei = edge_index.astype(jnp.int32)
    pad = jnp.full((EP - E,), PAD_NODE, jnp.int32)
    src2d = jnp.concatenate([ei[0], pad]).reshape(EP // CHUNK, CHUNK)
    dst2d = jnp.concatenate([ei[1], pad]).reshape(EP // CHUNK, CHUNK)

    dout_p, din_p = _degree_kernel(src2d, dst2d)

    xp = jnp.zeros((NP, D), jnp.float32).at[:N].set(x)
    xs = _scale_call(xp, dout_p.reshape(NC, NP, 1))

    part = _agg_kernel(xs, src2d, dst2d)

    out = _combine_call(part, din_p.reshape(NC, NP, 1), W)
    return out

# --- scband reference (transcript-rebuilt; emitter-appended) ---
"""Pipeline reference for scband-het-gnnconv-61100204753736 (READ-ONLY COPY).

The authoritative reference and input builder live on the scoring server;
editing this copy changes nothing except your own understanding.
"""

import jax, jax.numpy as jnp
import numpy as np

N_NODES = 10000
N_EDGES = 320000
D_FEAT = 128
D_OUT = 128


def setup_inputs(seed: int = 0) -> dict:
    key = jax.random.key(seed)
    k1, k2, k3 = jax.random.split(key, 3)
    x = jax.random.normal(k1, (N_NODES, D_FEAT), dtype=jnp.float32)
    edge_index = jax.random.randint(k2, (2, N_EDGES), 0, N_NODES, dtype=jnp.int64)
    # Learned weight of the wrapped GCN-style conv (het_mode=None path: out = gnn_conv(x, edge_index))
    W = jax.random.normal(k3, (D_FEAT, D_OUT), dtype=jnp.float32) * (1.0 / np.sqrt(D_FEAT))
    return {"x": x, "edge_index": edge_index, "W": W}


def reference(x, edge_index, W):
    # HetGNNConv with het_mode=None simply delegates to the single wrapped conv:
    #   out = self.gnn_conv(x, edge_index, het_mode=None)
    # We implement the wrapped conv as a standard GCN-style message-passing layer:
    #   h = x @ W; messages gathered from src, symmetric degree normalization, scatter-add to dst.
    src = edge_index[0]
    dst = edge_index[1]
    n = x.shape[0]
    # degree computed on dst (in-degree) and src (out-degree) for symmetric norm
    deg_in = jnp.zeros((n,), dtype=x.dtype).at[dst].add(1.0)
    deg_out = jnp.zeros((n,), dtype=x.dtype).at[src].add(1.0)
    deg_in = jnp.clip(deg_in, 1.0, None)
    deg_out = jnp.clip(deg_out, 1.0, None)
    norm = jax.lax.rsqrt(deg_out[src]) * jax.lax.rsqrt(deg_in[dst])
    h = x @ W
    msgs = jnp.take(h, src, axis=0) * norm[:, None]
    out = jnp.zeros((n, h.shape[1]), dtype=h.dtype).at[dst].add(msgs)
    return out

if __name__ == "__main__":
    import jax
    _d = setup_inputs()
    print(jax.jit(kernel)(*tuple(_d.values())))

</pallas_src>

<mosaic_0001>
#map = affine_map<(d0, d1) -> (0, 0)>
module attributes {stable_mosaic.version = 14 : i64} {
  func.func @_degree_kernel(%arg0: i32, %arg1: i32, %arg2: memref<2560x128xi32, #tpu.memory_space<hbm>>, %arg3: memref<2560x128xi32, #tpu.memory_space<hbm>>, %arg4: memref<2x10240xf32, #tpu.memory_space<hbm>>, %arg5: memref<2x10240xf32, #tpu.memory_space<hbm>>, %arg6: memref<10240xf32, #tpu.memory_space<vmem_shared>>, %arg7: memref<10240xf32, #tpu.memory_space<vmem_shared>>, %arg8: memref<80x128xi32, #tpu.memory_space<vmem>>, %arg9: memref<80x128xi32, #tpu.memory_space<vmem>>, %arg10: memref<128xf32, #tpu.memory_space<vmem>>, %arg11: memref<640xf32, #tpu.memory_space<vmem>>, %arg12: memref<!tpu.dma_semaphore, #tpu.memory_space<semaphore_mem>>, %arg13: memref<!tpu.dma_semaphore, #tpu.memory_space<semaphore_mem>>, %arg14: memref<!tpu.dma_semaphore, #tpu.memory_space<semaphore_mem>>, %arg15: memref<!tpu.dma_semaphore, #tpu.memory_space<semaphore_mem>>, %arg16: memref<!tpu.dma_semaphore, #tpu.memory_space<semaphore_mem>>, %arg17: memref<!tpu.dma_semaphore, #tpu.memory_space<semaphore_mem>>, %arg18: memref<!tpu.dma_semaphore, #tpu.memory_space<semaphore_mem>>, %arg19: memref<!tpu.dma_semaphore, #tpu.memory_space<semaphore_mem>>) attributes {dimension_semantics = [#tpu.dimension_semantics<core_parallel>, #tpu.dimension_semantics<subcore_parallel>], iteration_bounds = array<i64: 2, 16>, scalar_prefetch = 0 : i64, scratch_operands = 14 : i64, tpu.core_type = #tpu.core_type<sc_vector_subcore>, window_params = [{transform_indices = #map}, {transform_indices = #map}, {transform_indices = #map}, {transform_indices = #map}]} {
    %broadcast_in_dim3A = arith.constant 1.000000e+00 : f32
    %broadcast_in_dim3A_0 = vector.broadcast %broadcast_in_dim3A : f32 to vector<16xf32>
    %swap3A = arith.constant 0 : index
    %swap3A_1 = tpu.vector_load %arg10[%swap3A] {strides = array<i32>} : memref<128xf32, #tpu.memory_space<vmem>>, vector<16xf32>,
    %swap3A_2 = vector.shape_cast %swap3A_1 : vector<16xf32> to vector<16xf32>
    %swap3A_3 = vector.shape_cast %broadcast_in_dim3A_0 : vector<16xf32> to vector<16xf32>
    tpu.vector_store %arg10[%swap3A], %swap3A_3 {strides = array<i32>} : memref<128xf32, #tpu.memory_space<vmem>>, vector<16xf32>,
    %broadcast_in_dim3A_4 = arith.constant 1.000000e+00 : f32
    %broadcast_in_dim3A_5 = vector.broadcast %broadcast_in_dim3A_4 : f32 to vector<16xf32>
    %swap3A_6 = arith.constant 16 : index
    %swap3A_7 = tpu.vector_load %arg10[%swap3A_6] {strides = array<i32>} : memref<128xf32, #tpu.memory_space<vmem>>, vector<16xf32>,
    %swap3A_8 = vector.shape_cast %swap3A_7 : vector<16xf32> to vector<16xf32>
    %swap3A_9 = vector.shape_cast %broadcast_in_dim3A_5 : vector<16xf32> to vector<16xf32>
    tpu.vector_store %arg10[%swap3A_6], %swap3A_9 {strides = array<i32>} : memref<128xf32, #tpu.memory_space<vmem>>, vector<16xf32>,
    %broadcast_in_dim3A_10 = arith.constant 1.000000e+00 : f32
    %broadcast_in_dim3A_11 = vector.broadcast %broadcast_in_dim3A_10 : f32 to vector<16xf32>
    %swap3A_12 = arith.constant 32 : index
    %swap3A_13 = tpu.vector_load %arg10[%swap3A_12] {strides = array<i32>} : memref<128xf32, #tpu.memory_space<vmem>>, vector<16xf32>,
    %swap3A_14 = vector.shape_cast %swap3A_13 : vector<16xf32> to vector<16xf32>
    %swap3A_15 = vector.shape_cast %broadcast_in_dim3A_11 : vector<16xf32> to vector<16xf32>
    tpu.vector_store %arg10[%swap3A_12], %swap3A_15 {strides = array<i32>} : memref<128xf32, #tpu.memory_space<vmem>>, vector<16xf32>,
    %broadcast_in_dim3A_16 = arith.constant 1.000000e+00 : f32
    %broadcast_in_dim3A_17 = vector.broadcast %broadcast_in_dim3A_16 : f32 to vector<16xf32>
    %swap3A_18 = arith.constant 48 : index
    %swap3A_19 = tpu.vector_load %arg10[%swap3A_18] {strides = array<i32>} : memref<128xf32, #tpu.memory_space<vmem>>, vector<16xf32>,
    %swap3A_20 = vector.shape_cast %swap3A_19 : vector<16xf32> to vector<16xf32>
    %swap3A_21 = vector.shape_cast %broadcast_in_dim3A_17 : vector<16xf32> to vector<16xf32>
    tpu.vector_store %arg10[%swap3A_18], %swap3A_21 {strides = array<i32>} : memref<128xf32, #tpu.memory_space<vmem>>, vector<16xf32>,
    %broadcast_in_dim3A_22 = arith.constant 1.000000e+00 : f32
    %broadcast_in_dim3A_23 = vector.broadcast %broadcast_in_dim3A_22 : f32 to vector<16xf32>
    %swap3A_24 = arith.constant 64 : index
    %swap3A_25 = tpu.vector_load %arg10[%swap3A_24] {strides = array<i32>} : memref<128xf32, #tpu.memory_space<vmem>>, vector<16xf32>,
    %swap3A_26 = vector.shape_cast %swap3A_25 : vector<16xf32> to vector<16xf32>
    %swap3A_27 = vector.shape_cast %broadcast_in_dim3A_23 : vector<16xf32> to vector<16xf32>
    tpu.vector_store %arg10[%swap3A_24], %swap3A_27 {strides = array<i32>} : memref<128xf32, #tpu.memory_space<vmem>>, vector<16xf32>,
    %broadcast_in_dim3A_28 = arith.constant 1.000000e+00 : f32
    %broadcast_in_dim3A_29 = vector.broadcast %broadcast_in_dim3A_28 : f32 to vector<16xf32>
    %swap3A_30 = arith.constant 80 : index
    %swap3A_31 = tpu.vector_load %arg10[%swap3A_30] {strides = array<i32>} : memref<128xf32, #tpu.memory_space<vmem>>, vector<16xf32>,
    %swap3A_32 = vector.shape_cast %swap3A_31 : vector<16xf32> to vector<16xf32>
    %swap3A_33 = vector.shape_cast %broadcast_in_dim3A_29 : vector<16xf32> to vector<16xf32>
    tpu.vector_store %arg10[%swap3A_30], %swap3A_33 {strides = array<i32>} : memref<128xf32, #tpu.memory_space<vmem>>, vector<16xf32>,
    %broadcast_in_dim3A_34 = arith.constant 1.000000e+00 : f32
    %broadcast_in_dim3A_35 = vector.broadcast %broadcast_in_dim3A_34 : f32 to vector<16xf32>
    %swap3A_36 = arith.constant 96 : index
    %swap3A_37 = tpu.vector_load %arg10[%swap3A_36] {strides = array<i32>} : memref<128xf32, #tpu.memory_space<vmem>>, vector<16xf32>,
    %swap3A_38 = vector.shape_cast %swap3A_37 : vector<16xf32> to vector<16xf32>
    %swap3A_39 = vector.shape_cast %broadcast_in_dim3A_35 : vector<16xf32> to vector<16xf32>
    tpu.vector_store %arg10[%swap3A_36], %swap3A_39 {strides = array<i32>} : memref<128xf32, #tpu.memory_space<vmem>>, vector<16xf32>,
    %broadcast_in_dim3A_40 = arith.constant 1.000000e+00 : f32
    %broadcast_in_dim3A_41 = vector.broadcast %broadcast_in_dim3A_40 : f32 to vector<16xf32>
    %swap3A_42 = arith.constant 112 : index
    %swap3A_43 = tpu.vector_load %arg10[%swap3A_42] {strides = array<i32>} : memref<128xf32, #tpu.memory_space<vmem>>, vector<16xf32>,
    %swap3A_44 = vector.shape_cast %swap3A_43 : vector<16xf32> to vector<16xf32>
    %swap3A_45 = vector.shape_cast %broadcast_in_dim3A_41 : vector<16xf32> to vector<16xf32>
    tpu.vector_store %arg10[%swap3A_42], %swap3A_45 {strides = array<i32>} : memref<128xf32, #tpu.memory_space<vmem>>, vector<16xf32>,
    %broadcast_in_dim3A_46 = arith.constant 0.000000e+00 : f32
    %broadcast_in_dim3A_47 = vector.broadcast %broadcast_in_dim3A_46 : f32 to vector<16xf32>
    %swap3A_48 = arith.constant 0 : index
    %swap3A_49 = tpu.vector_load %arg11[%swap3A_48] {strides = array<i32>} : memref<640xf32, #tpu.memory_space<vmem>>, vector<16xf32>,
    %swap3A_50 = vector.shape_cast %swap3A_49 : vector<16xf32> to vector<16xf32>
    %swap3A_51 = vector.shape_cast %broadcast_in_dim3A_47 : vector<16xf32> to vector<16xf32>
    tpu.vector_store %arg11[%swap3A_48], %swap3A_51 {strides = array<i32>} : memref<640xf32, #tpu.memory_space<vmem>>, vector<16xf32>,
    %broadcast_in_dim3A_52 = arith.constant 0.000000e+00 : f32
    %broadcast_in_dim3A_53 = vector.broadcast %broadcast_in_dim3A_52 : f32 to vector<16xf32>
    %swap3A_54 = arith.constant 16 : index
    %swap3A_55 = tpu.vector_load %arg11[%swap3A_54] {strides = array<i32>} : memref<640xf32, #tpu.memory_space<vmem>>, vector<16xf32>,
    %swap3A_56 = vector.shape_cast %swap3A_55 : vector<16xf32> to vector<16xf32>
    %swap3A_57 = vector.shape_cast %broadcast_in_dim3A_53 : vector<16xf32> to vector<16xf32>
    tpu.vector_store %arg11[%swap3A_54], %swap3A_57 {strides = array<i32>} : memref<640xf32, #tpu.memory_space<vmem>>, vector<16xf32>,
    %broadcast_in_dim3A_58 = arith.constant 0.000000e+00 : f32
    %broadcast_in_dim3A_59 = vector.broadcast %broadcast_in_dim3A_58 : f32 to vector<16xf32>
    %swap3A_60 = arith.constant 32 : index
    %swap3A_61 = tpu.vector_load %arg11[%swap3A_60] {strides = array<i32>} : memref<640xf32, #tpu.memory_space<vmem>>, vector<16xf32>,
    %swap3A_62 = vector.shape_cast %swap3A_61 : vector<16xf32> to vector<16xf32>
    %swap3A_63 = vector.shape_cast %broadcast_in_dim3A_59 : vector<16xf32> to vector<16xf32>
    tpu.vector_store %arg11[%swap3A_60], %swap3A_63 {strides = array<i32>} : memref<640xf32, #tpu.memory_space<vmem>>, vector<16xf32>,
    %broadcast_in_dim3A_64 = arith.constant 0.000000e+00 : f32
    %broadcast_in_dim3A_65 = vector.broadcast %broadcast_in_dim3A_64 : f32 to vector<16xf32>
    %swap3A_66 = arith.constant 48 : index
    %swap3A_67 = tpu.vector_load %arg11[%swap3A_66] {strides = array<i32>} : memref<640xf32, #tpu.memory_space<vmem>>, vector<16xf32>,
    %swap3A_68 = vector.shape_cast %swap3A_67 : vector<16xf32> to vector<16xf32>
    %swap3A_69 = vector.shape_cast %broadcast_in_dim3A_65 : vector<16xf32> to vector<16xf32>
    tpu.vector_store %arg11[%swap3A_66], %swap3A_69 {strides = array<i32>} : memref<640xf32, #tpu.memory_space<vmem>>, vector<16xf32>,
    %broadcast_in_dim3A_70 = arith.constant 0.000000e+00 : f32
    %broadcast_in_dim3A_71 = vector.broadcast %broadcast_in_dim3A_70 : f32 to vector<16xf32>
    %swap3A_72 = arith.constant 64 : index
    %swap3A_73 = tpu.vector_load %arg11[%swap3A_72] {strides = array<i32>} : memref<640xf32, #tpu.memory_space<vmem>>, vector<16xf32>,
    %swap3A_74 = vector.shape_cast %swap3A_73 : vector<16xf32> to vector<16xf32>
    %swap3A_75 = vector.shape_cast %broadcast_in_dim3A_71 : vector<16xf32> to vector<16xf32>
    tpu.vector_store %arg11[%swap3A_72], %swap3A_75 {strides = array<i32>} : memref<640xf32, #tpu.memory_space<vmem>>, vector<16xf32>,
    %broadcast_in_dim3A_76 = arith.constant 0.000000e+00 : f32
    %broadcast_in_dim3A_77 = vector.broadcast %broadcast_in_dim3A_76 : f32 to vector<16xf32>
    %swap3A_78 = arith.constant 80 : index
    %swap3A_79 = tpu.vector_load %arg11[%swap3A_78] {strides = array<i32>} : memref<640xf32, #tpu.memory_space<vmem>>, vector<16xf32>,
    %swap3A_80 = vector.shape_cast %swap3A_79 : vector<16xf32> to vector<16xf32>
    %swap3A_81 = vector.shape_cast %broadcast_in_dim3A_77 : vector<16xf32> to vector<16xf32>
    tpu.vector_store %arg11[%swap3A_78], %swap3A_81 {strides = array<i32>} : memref<640xf32, #tpu.memory_space<vmem>>, vector<16xf32>,
    %broadcast_in_dim3A_82 = arith.constant 0.000000e+00 : f32
    %broadcast_in_dim3A_83 = vector.broadcast %broadcast_in_dim3A_82 : f32 to vector<16xf32>
    %swap3A_84 = arith.constant 96 : index
    %swap3A_85 = tpu.vector_load %arg11[%swap3A_84] {strides = array<i32>} : memref<640xf32, #tpu.memory_space<vmem>>, vector<16xf32>,
    %swap3A_86 = vector.shape_cast %swap3A_85 : vector<16xf32> to vector<16xf32>
    %swap3A_87 = vector.shape_cast %broadcast_in_dim3A_83 : vector<16xf32> to vector<16xf32>
    tpu.vector_store %arg11[%swap3A_84], %swap3A_87 {strides = array<i32>} : memref<640xf32, #tpu.memory_space<vmem>>, vector<16xf32>,
    %broadcast_in_dim3A_88 = arith.constant 0.000000e+00 : f32
    %broadcast_in_dim3A_89 = vector.broadcast %broadcast_in_dim3A_88 : f32 to vector<16xf32>
    %swap3A_90 = arith.constant 112 : index
    %swap3A_91 = tpu.vector_load %arg11[%swap3A_90] {strides = array<i32>} : memref<640xf32, #tpu.memory_space<vmem>>, vector<16xf32>,
    %swap3A_92 = vector.shape_cast %swap3A_91 : vector<16xf32> to vector<16xf32>
    %swap3A_93 = vector.shape_cast %broadcast_in_dim3A_89 : vector<16xf32> to vector<16xf32>
    tpu.vector_store %arg11[%swap3A_90], %swap3A_93 {strides = array<i32>} : memref<640xf32, #tpu.memory_space<vmem>>, vector<16xf32>,
    %broadcast_in_dim3A_94 = arith.constant 0.000000e+00 : f32
    %broadcast_in_dim3A_95 = vector.broadcast %broadcast_in_dim3A_94 : f32 to vector<16xf32>
    %swap3A_96 = arith.constant 128 : index
    %swap3A_97 = tpu.vector_load %arg11[%swap3A_96] {strides = array<i32>} : memref<640xf32, #tpu.memory_space<vmem>>, vector<16xf32>,
    %swap3A_98 = vector.shape_cast %swap3A_97 : vector<16xf32> to vector<16xf32>
    %swap3A_99 = vector.shape_cast %broadcast_in_dim3A_95 : vector<16xf32> to vector<16xf32>
    tpu.vector_store %arg11[%swap3A_96], %swap3A_99 {strides = array<i32>} : memref<640xf32, #tpu.memory_space<vmem>>, vector<16xf32>,
    %broadcast_in_dim3A_100 = arith.constant 0.000000e+00 : f32
    %broadcast_in_dim3A_101 = vector.broadcast %broadcast_in_dim3A_100 : f32 to vector<16xf32>
    %swap3A_102 = arith.constant 144 : index
    %swap3A_103 = tpu.vector_load %arg11[%swap3A_102] {strides = array<i32>} : memref<640xf32, #tpu.memory_space<vmem>>, vector<16xf32>,
    %swap3A_104 = vector.shape_cast %swap3A_103 : vector<16xf32> to vector<16xf32>
    %swap3A_105 = vector.shape_cast %broadcast_in_dim3A_101 : vector<16xf32> to vector<16xf32>
    tpu.vector_store %arg11[%swap3A_102], %swap3A_105 {strides = array<i32>} : memref<640xf32, #tpu.memory_space<vmem>>, vector<16xf32>,
    %broadcast_in_dim3A_106 = arith.constant 0.000000e+00 : f32
    %broadcast_in_dim3A_107 = vector.broadcast %broadcast_in_dim3A_106 : f32 to vector<16xf32>
    %swap3A_108 = arith.constant 160 : index
    %swap3A_109 = tpu.vector_load %arg11[%swap3A_108] {strides = array<i32>} : memref<640xf32, #tpu.memory_space<vmem>>, vector<16xf32>,
    %swap3A_110 = vector.shape_cast %swap3A_109 : vector<16xf32> to vector<16xf32>
    %swap3A_111 = vector.shape_cast %broadcast_in_dim3A_107 : vector<16xf32> to vector<16xf32>
    tpu.vector_store %arg11[%swap3A_108], %swap3A_111 {strides = array<i32>} : memref<640xf32, #tpu.memory_space<vmem>>, vector<16xf32>,
    %broadcast_in_dim3A_112 = arith.constant 0.000000e+00 : f32
    %broadcast_in_dim3A_113 = vector.broadcast %broadcast_in_dim3A_112 : f32 to vector<16xf32>
    %swap3A_114 = arith.constant 176 : index
    %swap3A_115 = tpu.vector_load %arg11[%swap3A_114] {strides = array<i32>} : memref<640xf32, #tpu.memory_space<vmem>>, vector<16xf32>,
    %swap3A_116 = vector.shape_cast %swap3A_115 : vector<16xf32> to vector<16xf32>
    %swap3A_117 = vector.shape_cast %broadcast_in_dim3A_113 : vector<16xf32> to vector<16xf32>
    tpu.vector_store %arg11[%swap3A_114], %swap3A_117 {strides = array<i32>} : memref<640xf32, #tpu.memory_space<vmem>>, vector<16xf32>,
    %broadcast_in_dim3A_118 = arith.constant 0.000000e+00 : f32
    %broadcast_in_dim3A_119 = vector.broadcast %broadcast_in_dim3A_118 : f32 to vector<16xf32>
    %swap3A_120 = arith.constant 192 : index
    %swap3A_121 = tpu.vector_load %arg11[%swap3A_120] {strides = array<i32>} : memref<640xf32, #tpu.memory_space<vmem>>, vector<16xf32>,
    %swap3A_122 = vector.shape_cast %swap3A_121 : vector<16xf32> to vector<16xf32>
    %swap3A_123 = vector.shape_cast %broadcast_in_dim3A_119 : vector<16xf32> to vector<16xf32>
    tpu.vector_store %arg11[%swap3A_120], %swap3A_123 {strides = array<i32>} : memref<640xf32, #tpu.memory_space<vmem>>, vector<16xf32>,
    %broadcast_in_dim3A_124 = arith.constant 0.000000e+00 : f32
    %broadcast_in_dim3A_125 = vector.broadcast %broadcast_in_dim3A_124 : f32 to vector<16xf32>
    %swap3A_126 = arith.constant 208 : index
    %swap3A_127 = tpu.vector_load %arg11[%swap3A_126] {strides = array<i32>} : memref<640xf32, #tpu.memory_space<vmem>>, vector<16xf32>,
    %swap3A_128 = vector.shape_cast %swap3A_127 : vector<16xf32> to vector<16xf32>
    %swap3A_129 = vector.shape_cast %broadcast_in_dim3A_125 : vector<16xf32> to vector<16xf32>
    tpu.vector_store %arg11[%swap3A_126], %swap3A_129 {strides = array<i32>} : memref<640xf32, #tpu.memory_space<vmem>>, vector<16xf32>,
    %broadcast_in_dim3A_130 = arith.constant 0.000000e+00 : f32
    %broadcast_in_dim3A_131 = vector.broadcast %broadcast_in_dim3A_130 : f32 to vector<16xf32>
    %swap3A_132 = arith.constant 224 : index
    %swap3A_133 = tpu.vector_load %arg11[%swap3A_132] {strides = array<i32>} : memref<640xf32, #tpu.memory_space<vmem>>, vector<16xf32>,
    %swap3A_134 = vector.shape_cast %swap3A_133 : vector<16xf32> to vector<16xf32>
    %swap3A_135 = vector.shape_cast %broadcast_in_dim3A_131 : vector<16xf32> to vector<16xf32>
    tpu.vector_store %arg11[%swap3A_132], %swap3A_135 {strides = array<i32>} : memref<640xf32, #tpu.memory_space<vmem>>, vector<16xf32>,
    %broadcast_in_dim3A_136 = arith.constant 0.000000e+00 : f32
    %broadcast_in_dim3A_137 = vector.broadcast %broadcast_in_dim3A_136 : f32 to vector<16xf32>
    %swap3A_138 = arith.constant 240 : index
    %swap3A_139 = tpu.vector_load %arg11[%swap3A_138] {strides = array<i32>} : memref<640xf32, #tpu.memory_space<vmem>>, vector<16xf32>,
    %swap3A_140 = vector.shape_cast %swap3A_139 : vector<16xf32> to vector<16xf32>
    %swap3A_141 = vector.shape_cast %broadcast_in_dim3A_137 : vector<16xf32> to vector<16xf32>
    tpu.vector_store %arg11[%swap3A_138], %swap3A_141 {strides = array<i32>} : memref<640xf32, #tpu.memory_space<vmem>>, vector<16xf32>,
    %broadcast_in_dim3A_142 = arith.constant 0.000000e+00 : f32
    %broadcast_in_dim3A_143 = vector.broadcast %broadcast_in_dim3A_142 : f32 to vector<16xf32>
    %swap3A_144 = arith.constant 256 : index
    %swap3A_145 = tpu.vector_load %arg11[%swap3A_144] {strides = array<i32>} : memref<640xf32, #tpu.memory_space<vmem>>, vector<16xf32>,
    %swap3A_146 = vector.shape_cast %swap3A_145 : vector<16xf32> to vector<16xf32>
    %swap3A_147 = vector.shape_cast %broadcast_in_dim3A_143 : vector<16xf32> to vector<16xf32>
    tpu.vector_store %arg11[%swap3A_144], %swap3A_147 {strides = array<i32>} : memref<640xf32, #tpu.memory_space<vmem>>, vector<16xf32>,
    %broadcast_in_dim3A_148 = arith.constant 0.000000e+00 : f32
    %broadcast_in_dim3A_149 = vector.broadcast %broadcast_in_dim3A_148 : f32 to vector<16xf32>
    %swap3A_150 = arith.constant 272 : index
    %swap3A_151 = tpu.vector_load %arg11[%swap3A_150] {strides = array<i32>} : memref<640xf32, #tpu.memory_space<vmem>>, vector<16xf32>,
    %swap3A_152 = vector.shape_cast %swap3A_151 : vector<16xf32> to vector<16xf32>
    %swap3A_153 = vector.shape_cast %broadcast_in_dim3A_149 : vector<16xf32> to vector<16xf32>
    tpu.vector_store %arg11[%swap3A_150], %swap3A_153 {strides = array<i32>} : memref<640xf32, #tpu.memory_space<vmem>>, vector<16xf32>,
    %broadcast_in_dim3A_154 = arith.constant 0.000000e+00 : f32
    %broadcast_in_dim3A_155 = vector.broadcast %broadcast_in_dim3A_154 : f32 to vector<16xf32>
    %swap3A_156 = arith.constant 288 : index
    %swap3A_157 = tpu.vector_load %arg11[%swap3A_156] {strides = array<i32>} : memref<640xf32, #tpu.memory_space<vmem>>, vector<16xf32>,
    %swap3A_158 = vector.shape_cast %swap3A_157 : vector<16xf32> to vector<16xf32>
    %swap3A_159 = vector.shape_cast %broadcast_in_dim3A_155 : vector<16xf32> to vector<16xf32>
    tpu.vector_store %arg11[%swap3A_156], %swap3A_159 {strides = array<i32>} : memref<640xf32, #tpu.memory_space<vmem>>, vector<16xf32>,
    %broadcast_in_dim3A_160 = arith.constant 0.000000e+00 : f32
    %broadcast_in_dim3A_161 = vector.broadcast %broadcast_in_dim3A_160 : f32 to vector<16xf32>
    %swap3A_162 = arith.constant 304 : index
    %swap3A_163 = tpu.vector_load %arg11[%swap3A_162] {strides = array<i32>} : memref<640xf32, #tpu.memory_space<vmem>>, vector<16xf32>,
    %swap3A_164 = vector.shape_cast %swap3A_163 : vector<16xf32> to vector<16xf32>
    %swap3A_165 = vector.shape_cast %broadcast_in_dim3A_161 : vector<16xf32> to vector<16xf32>
    tpu.vector_store %arg11[%swap3A_162], %swap3A_165 {strides = array<i32>} : memref<640xf32, #tpu.memory_space<vmem>>, vector<16xf32>,
    %broadcast_in_dim3A_166 = arith.constant 0.000000e+00 : f32
    %broadcast_in_dim3A_167 = vector.broadcast %broadcast_in_dim3A_166 : f32 to vector<16xf32>
    %swap3A_168 = arith.constant 320 : index
    %swap3A_169 = tpu.vector_load %arg11[%swap3A_168] {strides = array<i32>} : memref<640xf32, #tpu.memory_space<vmem>>, vector<16xf32>,
    %swap3A_170 = vector.shape_cast %swap3A_169 : vector<16xf32> to vector<16xf32>
    %swap3A_171 = vector.shape_cast %broadcast_in_dim3A_167 : vector<16xf32> to vector<16xf32>
    tpu.vector_store %arg11[%swap3A_168], %swap3A_171 {strides = array<i32>} : memref<640xf32, #tpu.memory_space<vmem>>, vector<16xf32>,
    %broadcast_in_dim3A_172 = arith.constant 0.000000e+00 : f32
    %broadcast_in_dim3A_173 = vector.broadcast %broadcast_in_dim3A_172 : f32 to vector<16xf32>
    %swap3A_174 = arith.constant 336 : index
    %swap3A_175 = tpu.vector_load %arg11[%swap3A_174] {strides = array<i32>} : memref<640xf32, #tpu.memory_space<vmem>>, vector<16xf32>,
    %swap3A_176 = vector.shape_cast %swap3A_175 : vector<16xf32> to vector<16xf32>
    %swap3A_177 = vector.shape_cast %broadcast_in_dim3A_173 : vector<16xf32> to vector<16xf32>
    tpu.vector_store %arg11[%swap3A_174], %swap3A_177 {strides = array<i32>} : memref<640xf32, #tpu.memory_space<vmem>>, vector<16xf32>,
    %broadcast_in_dim3A_178 = arith.constant 0.000000e+00 : f32
    %broadcast_in_dim3A_179 = vector.broadcast %broadcast_in_dim3A_178 : f32 to vector<16xf32>
    %swap3A_180 = arith.constant 352 : index
    %swap3A_181 = tpu.vector_load %arg11[%swap3A_180] {strides = array<i32>} : memref<640xf32, #tpu.memory_space<vmem>>, vector<16xf32>,
    %swap3A_182 = vector.shape_cast %swap3A_181 : vector<16xf32> to vector<16xf32>
    %swap3A_183 = vector.shape_cast %broadcast_in_dim3A_179 : vector<16xf32> to vector<16xf32>
    tpu.vector_store %arg11[%swap3A_180], %swap3A_183 {strides = array<i32>} : memref<640xf32, #tpu.memory_space<vmem>>, vector<16xf32>,
    %broadcast_in_dim3A_184 = arith.constant 0.000000e+00 : f32
    %broadcast_in_dim3A_185 = vector.broadcast %broadcast_in_dim3A_184 : f32 to vector<16xf32>
    %swap3A_186 = arith.constant 368 : index
    %swap3A_187 = tpu.vector_load %arg11[%swap3A_186] {strides = array<i32>} : memref<640xf32, #tpu.memory_space<vmem>>, vector<16xf32>,
    %swap3A_188 = vector.shape_cast %swap3A_187 : vector<16xf32> to vector<16xf32>
    %swap3A_189 = vector.shape_cast %broadcast_in_dim3A_185 : vector<16xf32> to vector<16xf32>
    tpu.vector_store %arg11[%swap3A_186], %swap3A_189 {strides = array<i32>} : memref<640xf32, #tpu.memory_space<vmem>>, vector<16xf32>,
    %broadcast_in_dim3A_190 = arith.constant 0.000000e+00 : f32
    %broadcast_in_dim3A_191 = vector.broadcast %broadcast_in_dim3A_190 : f32 to vector<16xf32>
    %swap3A_192 = arith.constant 384 : index
    %swap3A_193 = tpu.vector_load %arg11[%swap3A_192] {strides = array<i32>} : memref<640xf32, #tpu.memory_space<vmem>>, vector<16xf32>,
    %swap3A_194 = vector.shape_cast %swap3A_193 : vector<16xf32> to vector<16xf32>
    %swap3A_195 = vector.shape_cast %broadcast_in_dim3A_191 : vector<16xf32> to vector<16xf32>
    tpu.vector_store %arg11[%swap3A_192], %swap3A_195 {strides = array<i32>} : memref<640xf32, #tpu.memory_space<vmem>>, vector<16xf32>,
    %broadcast_in_dim3A_196 = arith.constant 0.000000e+00 : f32
    %broadcast_in_dim3A_197 = vector.broadcast %broadcast_in_dim3A_196 : f32 to vector<16xf32>
    %swap3A_198 = arith.constant 400 : index
    %swap3A_199 = tpu.vector_load %arg11[%swap3A_198] {strides = array<i32>} : memref<640xf32, #tpu.memory_space<vmem>>, vector<16xf32>,
    %swap3A_200 = vector.shape_cast %swap3A_199 : vector<16xf32> to vector<16xf32>
    %swap3A_201 = vector.shape_cast %broadcast_in_dim3A_197 : vector<16xf32> to vector<16xf32>
    tpu.vector_store %arg11[%swap3A_198], %swap3A_201 {strides = array<i32>} : memref<640xf32, #tpu.memory_space<vmem>>, vector<16xf32>,
    %broadcast_in_dim3A_202 = arith.constant 0.000000e+00 : f32
    %broadcast_in_dim3A_203 = vector.broadcast %broadcast_in_dim3A_202 : f32 to vector<16xf32>
    %swap3A_204 = arith.constant 416 : index
    %swap3A_205 = tpu.vector_load %arg11[%swap3A_204] {strides = array<i32>} : memref<640xf32, #tpu.memory_space<vmem>>, vector<16xf32>,
    %swap3A_206 = vector.shape_cast %swap3A_205 : vector<16xf32> to vector<16xf32>
    %swap3A_207 = vector.shape_cast %broadcast_in_dim3A_203 : vector<16xf32> to vector<16xf32>
    tpu.vector_store %arg11[%swap3A_204], %swap3A_207 {strides = array<i32>} : memref<640xf32, #tpu.memory_space<vmem>>, vector<16xf32>,
    %broadcast_in_dim3A_208 = arith.constant 0.000000e+00 : f32
    %broadcast_in_dim3A_209 = vector.broadcast %broadcast_in_dim3A_208 : f32 to vector<16xf32>
    %swap3A_210 = arith.constant 432 : index
    %swap3A_211 = tpu.vector_load %arg11[%swap3A_210] {strides = array<i32>} : memref<640xf32, #tpu.memory_space<vmem>>, vector<16xf32>,
    %swap3A_212 = vector.shape_cast %swap3A_211 : vector<16xf32> to vector<16xf32>
    %swap3A_213 = vector.shape_cast %broadcast_in_dim3A_209 : vector<16xf32> to vector<16xf32>
    tpu.vector_store %arg11[%swap3A_210], %swap3A_213 {strides = array<i32>} : memref<640xf32, #tpu.memory_space<vmem>>, vector<16xf32>,
    %broadcast_in_dim3A_214 = arith.constant 0.000000e+00 : f32
    %broadcast_in_dim3A_215 = vector.broadcast %broadcast_in_dim3A_214 : f32 to vector<16xf32>
    %swap3A_216 = arith.constant 448 : index
    %swap3A_217 = tpu.vector_load %arg11[%swap3A_216] {strides = array<i32>} : memref<640xf32, #tpu.memory_space<vmem>>, vector<16xf32>,
    %swap3A_218 = vector.shape_cast %swap3A_217 : vector<16xf32> to vector<16xf32>
    %swap3A_219 = vector.shape_cast %broadcast_in_dim3A_215 : vector<16xf32> to vector<16xf32>
    tpu.vector_store %arg11[%swap3A_216], %swap3A_219 {strides = array<i32>} : memref<640xf32, #tpu.memory_space<vmem>>, vector<16xf32>,
    %broadcast_in_dim3A_220 = arith.constant 0.000000e+00 : f32
    %broadcast_in_dim3A_221 = vector.broadcast %broadcast_in_dim3A_220 : f32 to vector<16xf32>
    %swap3A_222 = arith.constant 464 : index
    %swap3A_223 = tpu.vector_load %arg11[%swap3A_222] {strides = array<i32>} : memref<640xf32, #tpu.memory_space<vmem>>, vector<16xf32>,
    %swap3A_224 = vector.shape_cast %swap3A_223 : vector<16xf32> to vector<16xf32>
    %swap3A_225 = vector.shape_cast %broadcast_in_dim3A_221 : vector<16xf32> to vector<16xf32>
    tpu.vector_store %arg11[%swap3A_222], %swap3A_225 {strides = array<i32>} : memref<640xf32, #tpu.memory_space<vmem>>, vector<16xf32>,
    %broadcast_in_dim3A_226 = arith.constant 0.000000e+00 : f32
    %broadcast_in_dim3A_227 = vector.broadcast %broadcast_in_dim3A_226 : f32 to vector<16xf32>
    %swap3A_228 = arith.constant 480 : index
    %swap3A_229 = tpu.vector_load %arg11[%swap3A_228] {strides = array<i32>} : memref<640xf32, #tpu.memory_space<vmem>>, vector<16xf32>,
    %swap3A_230 = vector.shape_cast %swap3A_229 : vector<16xf32> to vector<16xf32>
    %swap3A_231 = vector.shape_cast %broadcast_in_dim3A_227 : vector<16xf32> to vector<16xf32>
    tpu.vector_store %arg11[%swap3A_228], %swap3A_231 {strides = array<i32>} : memref<640xf32, #tpu.memory_space<vmem>>, vector<16xf32>,
    %broadcast_in_dim3A_232 = arith.constant 0.000000e+00 : f32
    %broadcast_in_dim3A_233 = vector.broadcast %broadcast_in_dim3A_232 : f32 to vector<16xf32>
    %swap3A_234 = arith.constant 496 : index
    %swap3A_235 = tpu.vector_load %arg11[%swap3A_234] {strides = array<i32>} : memref<640xf32, #tpu.memory_space<vmem>>, vector<16xf32>,
    %swap3A_236 = vector.shape_cast %swap3A_235 : vector<16xf32> to vector<16xf32>
    %swap3A_237 = vector.shape_cast %broadcast_in_dim3A_233 : vector<16xf32> to vector<16xf32>
    tpu.vector_store %arg11[%swap3A_234], %swap3A_237 {strides = array<i32>} : memref<640xf32, #tpu.memory_space<vmem>>, vector<16xf32>,
    %broadcast_in_dim3A_238 = arith.constant 0.000000e+00 : f32
    %broadcast_in_dim3A_239 = vector.broadcast %broadcast_in_dim3A_238 : f32 to vector<16xf32>
    %swap3A_240 = arith.constant 512 : index
    %swap3A_241 = tpu.vector_load %arg11[%swap3A_240] {strides = array<i32>} : memref<640xf32, #tpu.memory_space<vmem>>, vector<16xf32>,
    %swap3A_242 = vector.shape_cast %swap3A_241 : vector<16xf32> to vector<16xf32>
    %swap3A_243 = vector.shape_cast %broadcast_in_dim3A_239 : vector<16xf32> to vector<16xf32>
    tpu.vector_store %arg11[%swap3A_240], %swap3A_243 {strides = array<i32>} : memref<640xf32, #tpu.memory_space<vmem>>, vector<16xf32>,
    %broadcast_in_dim3A_244 = arith.constant 0.000000e+00 : f32
    %broadcast_in_dim3A_245 = vector.broadcast %broadcast_in_dim3A_244 : f32 to vector<16xf32>
    %swap3A_246 = arith.constant 528 : index
    %swap3A_247 = tpu.vector_load %arg11[%swap3A_246] {strides = array<i32>} : memref<640xf32, #tpu.memory_space<vmem>>, vector<16xf32>,
    %swap3A_248 = vector.shape_cast %swap3A_247 : vector<16xf32> to vector<16xf32>
    %swap3A_249 = vector.shape_cast %broadcast_in_dim3A_245 : vector<16xf32> to vector<16xf32>
    tpu.vector_store %arg11[%swap3A_246], %swap3A_249 {strides = array<i32>} : memref<640xf32, #tpu.memory_space<vmem>>, vector<16xf32>,
    %broadcast_in_dim3A_250 = arith.constant 0.000000e+00 : f32
    %broadcast_in_dim3A_251 = vector.broadcast %broadcast_in_dim3A_250 : f32 to vector<16xf32>
    %swap3A_252 = arith.constant 544 : index
    %swap3A_253 = tpu.vector_load %arg11[%swap3A_252] {strides = array<i32>} : memref<640xf32, #tpu.memory_space<vmem>>, vector<16xf32>,
    %swap3A_254 = vector.shape_cast %swap3A_253 : vector<16xf32> to vector<16xf32>
    %swap3A_255 = vector.shape_cast %broadcast_in_dim3A_251 : vector<16xf32> to vector<16xf32>
    tpu.vector_store %arg11[%swap3A_252], %swap3A_255 {strides = array<i32>} : memref<640xf32, #tpu.memory_space<vmem>>, vector<16xf32>,
    %broadcast_in_dim3A_256 = arith.constant 0.000000e+00 : f32
    %broadcast_in_dim3A_257 = vector.broadcast %broadcast_in_dim3A_256 : f32 to vector<16xf32>
    %swap3A_258 = arith.constant 560 : index
    %swap3A_259 = tpu.vector_load %arg11[%swap3A_258] {strides = array<i32>} : memref<640xf32, #tpu.memory_space<vmem>>, vector<16xf32>,
    %swap3A_260 = vector.shape_cast %swap3A_259 : vector<16xf32> to vector<16xf32>
    %swap3A_261 = vector.shape_cast %broadcast_in_dim3A_257 : vector<16xf32> to vector<16xf32>
    tpu.vector_store %arg11[%swap3A_258], %swap3A_261 {strides = array<i32>} : memref<640xf32, #tpu.memory_space<vmem>>, vector<16xf32>,
    %broadcast_in_dim3A_262 = arith.constant 0.000000e+00 : f32
    %broadcast_in_dim3A_263 = vector.broadcast %broadcast_in_dim3A_262 : f32 to vector<16xf32>
    %swap3A_264 = arith.constant 576 : index
    %swap3A_265 = tpu.vector_load %arg11[%swap3A_264] {strides = array<i32>} : memref<640xf32, #tpu.memory_space<vmem>>, vector<16xf32>,
    %swap3A_266 = vector.shape_cast %swap3A_265 : vector<16xf32> to vector<16xf32>
    %swap3A_267 = vector.shape_cast %broadcast_in_dim3A_263 : vector<16xf32> to vector<16xf32>
    tpu.vector_store %arg11[%swap3A_264], %swap3A_267 {strides = array<i32>} : memref<640xf32, #tpu.memory_space<vmem>>, vector<16xf32>,
    %broadcast_in_dim3A_268 = arith.constant 0.000000e+00 : f32
    %broadcast_in_dim3A_269 = vector.broadcast %broadcast_in_dim3A_268 : f32 to vector<16xf32>
    %swap3A_270 = arith.constant 592 : index
    %swap3A_271 = tpu.vector_load %arg11[%swap3A_270] {strides = array<i32>} : memref<640xf32, #tpu.memory_space<vmem>>, vector<16xf32>,
    %swap3A_272 = vector.shape_cast %swap3A_271 : vector<16xf32> to vector<16xf32>
    %swap3A_273 = vector.shape_cast %broadcast_in_dim3A_269 : vector<16xf32> to vector<16xf32>
    tpu.vector_store %arg11[%swap3A_270], %swap3A_273 {strides = array<i32>} : memref<640xf32, #tpu.memory_space<vmem>>, vector<16xf32>,
    %broadcast_in_dim3A_274 = arith.constant 0.000000e+00 : f32
    %broadcast_in_dim3A_275 = vector.broadcast %broadcast_in_dim3A_274 : f32 to vector<16xf32>
    %swap3A_276 = arith.constant 608 : index
    %swap3A_277 = tpu.vector_load %arg11[%swap3A_276] {strides = array<i32>} : memref<640xf32, #tpu.memory_space<vmem>>, vector<16xf32>,
    %swap3A_278 = vector.shape_cast %swap3A_277 : vector<16xf32> to vector<16xf32>
    %swap3A_279 = vector.shape_cast %broadcast_in_dim3A_275 : vector<16xf32> to vector<16xf32>
    tpu.vector_store %arg11[%swap3A_276], %swap3A_279 {strides = array<i32>} : memref<640xf32, #tpu.memory_space<vmem>>, vector<16xf32>,
    %broadcast_in_dim3A_280 = arith.constant 0.000000e+00 : f32
    %broadcast_in_dim3A_281 = vector.broadcast %broadcast_in_dim3A_280 : f32 to vector<16xf32>
    %swap3A_282 = arith.constant 624 : index
    %swap3A_283 = tpu.vector_load %arg11[%swap3A_282] {strides = array<i32>} : memref<640xf32, #tpu.memory_space<vmem>>, vector<16xf32>,
    %swap3A_284 = vector.shape_cast %swap3A_283 : vector<16xf32> to vector<16xf32>
    %swap3A_285 = vector.shape_cast %broadcast_in_dim3A_281 : vector<16xf32> to vector<16xf32>
    tpu.vector_store %arg11[%swap3A_282], %swap3A_285 {strides = array<i32>} : memref<640xf32, #tpu.memory_space<vmem>>, vector<16xf32>,
    %mul3A = arith.constant 640 : i32
    %mul3A_286 = arith.muli %arg1, %mul3A : i32
    "tpu.region"() ({
      %run_scoped3A = tpu.sem_alloc : memref<!tpu.dma_semaphore, #tpu.memory_space<semaphore_mem>>
      %dma_start3A = tpu.memref_slice %arg6[%mul3A_286] : memref<10240xf32, #tpu.memory_space<vmem_shared>> -> memref<640xf32, #tpu.memory_space<vmem_shared>>
      %dma_start3A_297 = tpu.memref_slice %arg6[%mul3A_286] : memref<10240xf32, #tpu.memory_space<vmem_shared>> -> memref<640xf32, #tpu.memory_space<vmem_shared>>
      tpu.enqueue_dma source(%arg11 : memref<640xf32, #tpu.memory_space<vmem>>) target(%dma_start3A_297 : memref<640xf32, #tpu.memory_space<vmem_shared>>) target_semaphore(%run_scoped3A : memref<!tpu.dma_semaphore, #tpu.memory_space<semaphore_mem>>)
      %dma_wait3A = tpu.memref_slice %arg6[%mul3A_286] : memref<10240xf32, #tpu.memory_space<vmem_shared>> -> memref<640xf32, #tpu.memory_space<vmem_shared>>
      %dma_wait3A_298 = tpu.memref_slice %arg6[%mul3A_286] : memref<10240xf32, #tpu.memory_space<vmem_shared>> -> memref<640xf32, #tpu.memory_space<vmem_shared>>
      tpu.wait_dma2 semaphore(%run_scoped3A : memref<!tpu.dma_semaphore, #tpu.memory_space<semaphore_mem>>) src(%arg11 : memref<640xf32, #tpu.memory_space<vmem>>) dst(%dma_wait3A_298 : memref<640xf32, #tpu.memory_space<vmem_shared>>)
      tpu.yield
    }) : () -> ()
    "tpu.region"() ({
      %run_scoped3A = tpu.sem_alloc : memref<!tpu.dma_semaphore, #tpu.memory_space<semaphore_mem>>
      %dma_start3A = tpu.memref_slice %arg7[%mul3A_286] : memref<10240xf32, #tpu.memory_space<vmem_shared>> -> memref<640xf32, #tpu.memory_space<vmem_shared>>
      %dma_start3A_297 = tpu.memref_slice %arg7[%mul3A_286] : memref<10240xf32, #tpu.memory_space<vmem_shared>> -> memref<640xf32, #tpu.memory_space<vmem_shared>>
      tpu.enqueue_dma source(%arg11 : memref<640xf32, #tpu.memory_space<vmem>>) target(%dma_start3A_297 : memref<640xf32, #tpu.memory_space<vmem_shared>>) target_semaphore(%run_scoped3A : memref<!tpu.dma_semaphore, #tpu.memory_space<semaphore_mem>>)
      %dma_wait3A = tpu.memref_slice %arg7[%mul3A_286] : memref<10240xf32, #tpu.memory_space<vmem_shared>> -> memref<640xf32, #tpu.memory_space<vmem_shared>>
      %dma_wait3A_298 = tpu.memref_slice %arg7[%mul3A_286] : memref<10240xf32, #tpu.memory_space<vmem_shared>> -> memref<640xf32, #tpu.memory_space<vmem_shared>>
      tpu.wait_dma2 semaphore(%run_scoped3A : memref<!tpu.dma_semaphore, #tpu.memory_space<semaphore_mem>>) src(%arg11 : memref<640xf32, #tpu.memory_space<vmem>>) dst(%dma_wait3A_298 : memref<640xf32, #tpu.memory_space<vmem_shared>>)
      tpu.yield
    }) : () -> ()
    %barrier3A = arith.constant 0 : index
    tpu.barrier barrier_id(%barrier3A)
    %mul3A_287 = arith.constant 16 : i32
    %mul3A_288 = arith.muli %arg0, %mul3A_287 : i32
    %add3A = arith.addi %mul3A_288, %arg1 : i32
    %mul3A_289 = arith.constant 80 : i32
    %mul3A_290 = arith.muli %add3A, %mul3A_289 : i32
    "tpu.region"() ({
      %run_scoped3A = tpu.sem_alloc : memref<!tpu.dma_semaphore, #tpu.memory_space<semaphore_mem>>
      %dma_start3A = arith.constant 0 : i32
      %dma_start3A_297 = tpu.memref_slice %arg2[%mul3A_290, %dma_start3A] : memref<2560x128xi32, #tpu.memory_space<hbm>> -> memref<80x128xi32, #tpu.memory_space<hbm>>
      %dma_start3A_298 = arith.constant 0 : i32
      %dma_start3A_299 = tpu.memref_slice %arg2[%mul3A_290, %dma_start3A_298] : memref<2560x128xi32, #tpu.memory_space<hbm>> -> memref<80x128xi32, #tpu.memory_space<hbm>>
      tpu.enqueue_dma source(%dma_start3A_299 : memref<80x128xi32, #tpu.memory_space<hbm>>) target(%arg8 : memref<80x128xi32, #tpu.memory_space<vmem>>) target_semaphore(%run_scoped3A : memref<!tpu.dma_semaphore, #tpu.memory_space<semaphore_mem>>)
      %dma_wait3A = arith.constant 0 : i32
      %dma_wait3A_300 = tpu.memref_slice %arg2[%mul3A_290, %dma_wait3A] : memref<2560x128xi32, #tpu.memory_space<hbm>> -> memref<80x128xi32, #tpu.memory_space<hbm>>
      %dma_wait3A_301 = arith.constant 0 : i32
      %dma_wait3A_302 = tpu.memref_slice %arg2[%mul3A_290, %dma_wait3A_301] : memref<2560x128xi32, #tpu.memory_space<hbm>> -> memref<80x128xi32, #tpu.memory_space<hbm>>
      tpu.wait_dma2 semaphore(%run_scoped3A : memref<!tpu.dma_semaphore, #tpu.memory_space<semaphore_mem>>) src(%dma_wait3A_302 : memref<80x128xi32, #tpu.memory_space<hbm>>) dst(%arg8 : memref<80x128xi32, #tpu.memory_space<vmem>>)
      tpu.yield
    }) : () -> ()
    "tpu.region"() ({
      %run_scoped3A = tpu.sem_alloc : memref<!tpu.dma_semaphore, #tpu.memory_space<semaphore_mem>>
      %dma_start3A = arith.constant 0 : i32
      %dma_start3A_297 = tpu.memref_slice %arg3[%mul3A_290, %dma_start3A] : memref<2560x128xi32, #tpu.memory_space<hbm>> -> memref<80x128xi32, #tpu.memory_space<hbm>>
      %dma_start3A_298 = arith.constant 0 : i32
      %dma_start3A_299 = tpu.memref_slice %arg3[%mul3A_290, %dma_start3A_298] : memref<2560x128xi32, #tpu.memory_space<hbm>> -> memref<80x128xi32, #tpu.memory_space<hbm>>
      tpu.enqueue_dma source(%dma_start3A_299 : memref<80x128xi32, #tpu.memory_space<hbm>>) target(%arg9 : memref<80x128xi32, #tpu.memory_space<vmem>>) target_semaphore(%run_scoped3A : memref<!tpu.dma_semaphore, #tpu.memory_space<semaphore_mem>>)
      %dma_wait3A = arith.constant 0 : i32
      %dma_wait3A_300 = tpu.memref_slice %arg3[%mul3A_290, %dma_wait3A] : memref<2560x128xi32, #tpu.memory_space<hbm>> -> memref<80x128xi32, #tpu.memory_space<hbm>>
      %dma_wait3A_301 = arith.constant 0 : i32
      %dma_wait3A_302 = tpu.memref_slice %arg3[%mul3A_290, %dma_wait3A_301] : memref<2560x128xi32, #tpu.memory_space<hbm>> -> memref<80x128xi32, #tpu.memory_space<hbm>>
      tpu.wait_dma2 semaphore(%run_scoped3A : memref<!tpu.dma_semaphore, #tpu.memory_space<semaphore_mem>>) src(%dma_wait3A_302 : memref<80x128xi32, #tpu.memory_space<hbm>>) dst(%arg9 : memref<80x128xi32, #tpu.memory_space<vmem>>)
      tpu.yield
    }) : () -> ()
    %scan3A = arith.constant 0 : i32
    %scan3A_291 = arith.constant 0 : i32
    %scan3A_292 = arith.constant 20 : i32
    %scan3A_293 = arith.addi %scan3A_291, %scan3A_292 : i32
    %scan3A_294 = arith.constant 1 : i32
    scf.for %scan3A_297 = %scan3A_291 to %scan3A_293 step %scan3A_294  : i32 {
      %mul3A_298 = arith.constant 4 : i32
      %mul3A_299 = arith.muli %mul3A_298, %scan3A_297 : i32
      %add3A_300 = arith.constant 0 : i32
      %add3A_301 = arith.addi %mul3A_299, %add3A_300 : i32
      %dma_start3A = arith.constant 0 : i32
      %dma_start3A_302 = tpu.memref_slice %arg8[%add3A_301, %dma_start3A] : memref<80x128xi32, #tpu.memory_space<vmem>> -> memref<1x128xi32, #tpu.memory_space<vmem>>
      %dma_start3A_303 = tpu.memref_squeeze %dma_start3A_302 : memref<1x128xi32, #tpu.memory_space<vmem>> -> memref<128xi32, #tpu.memory_space<vmem>>
      %dma_start3A_304 = arith.constant 0 : i32
      %dma_start3A_305 = tpu.memref_slice %arg6[%dma_start3A_304] : memref<10240xf32, #tpu.memory_space<vmem_shared>> -> memref<10240xf32, #tpu.memory_space<vmem_shared>>
      tpu.enqueue_indirect_dma source(%arg10 : memref<128xf32, #tpu.memory_space<vmem>>) target(%dma_start3A_305 : memref<10240xf32, #tpu.memory_space<vmem_shared>>) offsets(%dma_start3A_303 : memref<128xi32, #tpu.memory_space<vmem>>) semaphore(%arg12 : memref<!tpu.dma_semaphore, #tpu.memory_space<semaphore_mem>>) {add = true}
      %add3A_306 = arith.constant 0 : i32
      %add3A_307 = arith.addi %mul3A_299, %add3A_306 : i32
      %dma_start3A_308 = arith.constant 0 : i32
      %dma_start3A_309 = tpu.memref_slice %arg9[%add3A_307, %dma_start3A_308] : memref<80x128xi32, #tpu.memory_space<vmem>> -> memref<1x128xi32, #tpu.memory_space<vmem>>
      %dma_start3A_310 = tpu.memref_squeeze %dma_start3A_309 : memref<1x128xi32, #tpu.memory_space<vmem>> -> memref<128xi32, #tpu.memory_space<vmem>>
      %dma_start3A_311 = arith.constant 0 : i32
      %dma_start3A_312 = tpu.memref_slice %arg7[%dma_start3A_311] : memref<10240xf32, #tpu.memory_space<vmem_shared>> -> memref<10240xf32, #tpu.memory_space<vmem_shared>>
      tpu.enqueue_indirect_dma source(%arg10 : memref<128xf32, #tpu.memory_space<vmem>>) target(%dma_start3A_312 : memref<10240xf32, #tpu.memory_space<vmem_shared>>) offsets(%dma_start3A_310 : memref<128xi32, #tpu.memory_space<vmem>>) semaphore(%arg16 : memref<!tpu.dma_semaphore, #tpu.memory_space<semaphore_mem>>) {add = true}
      %add3A_313 = arith.constant 1 : i32
      %add3A_314 = arith.addi %mul3A_299, %add3A_313 : i32
      %dma_start3A_315 = arith.constant 0 : i32
      %dma_start3A_316 = tpu.memref_slice %arg8[%add3A_314, %dma_start3A_315] : memref<80x128xi32, #tpu.memory_space<vmem>> -> memref<1x128xi32, #tpu.memory_space<vmem>>
      %dma_start3A_317 = tpu.memref_squeeze %dma_start3A_316 : memref<1x128xi32, #tpu.memory_space<vmem>> -> memref<128xi32, #tpu.memory_space<vmem>>
      %dma_start3A_318 = arith.constant 0 : i32
      %dma_start3A_319 = tpu.memref_slice %arg6[%dma_start3A_318] : memref<10240xf32, #tpu.memory_space<vmem_shared>> -> memref<10240xf32, #tpu.memory_space<vmem_shared>>
      tpu.enqueue_indirect_dma source(%arg10 : memref<128xf32, #tpu.memory_space<vmem>>) target(%dma_start3A_319 : memref<10240xf32, #tpu.memory_space<vmem_shared>>) offsets(%dma_start3A_317 : memref<128xi32, #tpu.memory_space<vmem>>) semaphore(%arg13 : memref<!tpu.dma_semaphore, #tpu.memory_space<semaphore_mem>>) {add = true}
      %add3A_320 = arith.constant 1 : i32
      %add3A_321 = arith.addi %mul3A_299, %add3A_320 : i32
      %dma_start3A_322 = arith.constant 0 : i32
      %dma_start3A_323 = tpu.memref_slice %arg9[%add3A_321, %dma_start3A_322] : memref<80x128xi32, #tpu.memory_space<vmem>> -> memref<1x128xi32, #tpu.memory_space<vmem>>
      %dma_start3A_324 = tpu.memref_squeeze %dma_start3A_323 : memref<1x128xi32, #tpu.memory_space<vmem>> -> memref<128xi32, #tpu.memory_space<vmem>>
      %dma_start3A_325 = arith.constant 0 : i32
      %dma_start3A_326 = tpu.memref_slice %arg7[%dma_start3A_325] : memref<10240xf32, #tpu.memory_space<vmem_shared>> -> memref<10240xf32, #tpu.memory_space<vmem_shared>>
      tpu.enqueue_indirect_dma source(%arg10 : memref<128xf32, #tpu.memory_space<vmem>>) target(%dma_start3A_326 : memref<10240xf32, #tpu.memory_space<vmem_shared>>) offsets(%dma_start3A_324 : memref<128xi32, #tpu.memory_space<vmem>>) semaphore(%arg17 : memref<!tpu.dma_semaphore, #tpu.memory_space<semaphore_mem>>) {add = true}
      %add3A_327 = arith.constant 2 : i32
      %add3A_328 = arith.addi %mul3A_299, %add3A_327 : i32
      %dma_start3A_329 = arith.constant 0 : i32
      %dma_start3A_330 = tpu.memref_slice %arg8[%add3A_328, %dma_start3A_329] : memref<80x128xi32, #tpu.memory_space<vmem>> -> memref<1x128xi32, #tpu.memory_space<vmem>>
      %dma_start3A_331 = tpu.memref_squeeze %dma_start3A_330 : memref<1x128xi32, #tpu.memory_space<vmem>> -> memref<128xi32, #tpu.memory_space<vmem>>
      %dma_start3A_332 = arith.constant 0 : i32
      %dma_start3A_333 = tpu.memref_slice %arg6[%dma_start3A_332] : memref<10240xf32, #tpu.memory_space<vmem_shared>> -> memref<10240xf32, #tpu.memory_space<vmem_shared>>
      tpu.enqueue_indirect_dma source(%arg10 : memref<128xf32, #tpu.memory_space<vmem>>) target(%dma_start3A_333 : memref<10240xf32, #tpu.memory_space<vmem_shared>>) offsets(%dma_start3A_331 : memref<128xi32, #tpu.memory_space<vmem>>) semaphore(%arg14 : memref<!tpu.dma_semaphore, #tpu.memory_space<semaphore_mem>>) {add = true}
      %add3A_334 = arith.constant 2 : i32
      %add3A_335 = arith.addi %mul3A_299, %add3A_334 : i32
      %dma_start3A_336 = arith.constant 0 : i32
      %dma_start3A_337 = tpu.memref_slice %arg9[%add3A_335, %dma_start3A_336] : memref<80x128xi32, #tpu.memory_space<vmem>> -> memref<1x128xi32, #tpu.memory_space<vmem>>
      %dma_start3A_338 = tpu.memref_squeeze %dma_start3A_337 : memref<1x128xi32, #tpu.memory_space<vmem>> -> memref<128xi32, #tpu.memory_space<vmem>>
      %dma_start3A_339 = arith.constant 0 : i32
      %dma_start3A_340 = tpu.memref_slice %arg7[%dma_start3A_339] : memref<10240xf32, #tpu.memory_space<vmem_shared>> -> memref<10240xf32, #tpu.memory_space<vmem_shared>>
      tpu.enqueue_indirect_dma source(%arg10 : memref<128xf32, #tpu.memory_space<vmem>>) target(%dma_start3A_340 : memref<10240xf32, #tpu.memory_space<vmem_shared>>) offsets(%dma_start3A_338 : memref<128xi32, #tpu.memory_space<vmem>>) semaphore(%arg18 : memref<!tpu.dma_semaphore, #tpu.memory_space<semaphore_mem>>) {add = true}
      %add3A_341 = arith.constant 3 : i32
      %add3A_342 = arith.addi %mul3A_299, %add3A_341 : i32
      %dma_start3A_343 = arith.constant 0 : i32
      %dma_start3A_344 = tpu.memref_slice %arg8[%add3A_342, %dma_start3A_343] : memref<80x128xi32, #tpu.memory_space<vmem>> -> memref<1x128xi32, #tpu.memory_space<vmem>>
      %dma_start3A_345 = tpu.memref_squeeze %dma_start3A_344 : memref<1x128xi32, #tpu.memory_space<vmem>> -> memref<128xi32, #tpu.memory_space<vmem>>
      %dma_start3A_346 = arith.constant 0 : i32
      %dma_start3A_347 = tpu.memref_slice %arg6[%dma_start3A_346] : memref<10240xf32, #tpu.memory_space<vmem_shared>> -> memref<10240xf32, #tpu.memory_space<vmem_shared>>
      tpu.enqueue_indirect_dma source(%arg10 : memref<128xf32, #tpu.memory_space<vmem>>) target(%dma_start3A_347 : memref<10240xf32, #tpu.memory_space<vmem_shared>>) offsets(%dma_start3A_345 : memref<128xi32, #tpu.memory_space<vmem>>) semaphore(%arg15 : memref<!tpu.dma_semaphore, #tpu.memory_space<semaphore_mem>>) {add = true}
      %add3A_348 = arith.constant 3 : i32
      %add3A_349 = arith.addi %mul3A_299, %add3A_348 : i32
      %dma_start3A_350 = arith.constant 0 : i32
      %dma_start3A_351 = tpu.memref_slice %arg9[%add3A_349, %dma_start3A_350] : memref<80x128xi32, #tpu.memory_space<vmem>> -> memref<1x128xi32, #tpu.memory_space<vmem>>
      %dma_start3A_352 = tpu.memref_squeeze %dma_start3A_351 : memref<1x128xi32, #tpu.memory_space<vmem>> -> memref<128xi32, #tpu.memory_space<vmem>>
      %dma_start3A_353 = arith.constant 0 : i32
      %dma_start3A_354 = tpu.memref_slice %arg7[%dma_start3A_353] : memref<10240xf32, #tpu.memory_space<vmem_shared>> -> memref<10240xf32, #tpu.memory_space<vmem_shared>>
      tpu.enqueue_indirect_dma source(%arg10 : memref<128xf32, #tpu.memory_space<vmem>>) target(%dma_start3A_354 : memref<10240xf32, #tpu.memory_space<vmem_shared>>) offsets(%dma_start3A_352 : memref<128xi32, #tpu.memory_space<vmem>>) semaphore(%arg19 : memref<!tpu.dma_semaphore, #tpu.memory_space<semaphore_mem>>) {add = true}
      %add3A_355 = arith.constant 0 : i32
      %add3A_356 = arith.addi %mul3A_299, %add3A_355 : i32
      %dma_wait3A = arith.constant 0 : i32
      %dma_wait3A_357 = tpu.memref_slice %arg8[%add3A_356, %dma_wait3A] : memref<80x128xi32, #tpu.memory_space<vmem>> -> memref<1x128xi32, #tpu.memory_space<vmem>>
      %dma_wait3A_358 = tpu.memref_squeeze %dma_wait3A_357 : memref<1x128xi32, #tpu.memory_space<vmem>> -> memref<128xi32, #tpu.memory_space<vmem>>
      %dma_wait3A_359 = arith.constant 0 : i32
      %dma_wait3A_360 = tpu.memref_slice %arg6[%dma_wait3A_359] : memref<10240xf32, #tpu.memory_space<vmem_shared>> -> memref<10240xf32, #tpu.memory_space<vmem_shared>>
      tpu.wait_indirect_dma semaphore(%arg12 : memref<!tpu.dma_semaphore, #tpu.memory_space<semaphore_mem>>) src(%arg10 : memref<128xf32, #tpu.memory_space<vmem>>) dst(%dma_wait3A_360 : memref<10240xf32, #tpu.memory_space<vmem_shared>>)
      %add3A_361 = arith.constant 0 : i32
      %add3A_362 = arith.addi %mul3A_299, %add3A_361 : i32
      %dma_wait3A_363 = arith.constant 0 : i32
      %dma_wait3A_364 = tpu.memref_slice %arg9[%add3A_362, %dma_wait3A_363] : memref<80x128xi32, #tpu.memory_space<vmem>> -> memref<1x128xi32, #tpu.memory_space<vmem>>
      %dma_wait3A_365 = tpu.memref_squeeze %dma_wait3A_364 : memref<1x128xi32, #tpu.memory_space<vmem>> -> memref<128xi32, #tpu.memory_space<vmem>>
      %dma_wait3A_366 = arith.constant 0 : i32
      %dma_wait3A_367 = tpu.memref_slice %arg7[%dma_wait3A_366] : memref<10240xf32, #tpu.memory_space<vmem_shared>> -> memref<10240xf32, #tpu.memory_space<vmem_shared>>
      tpu.wait_indirect_dma semaphore(%arg16 : memref<!tpu.dma_semaphore, #tpu.memory_space<semaphore_mem>>) src(%arg10 : memref<128xf32, #tpu.memory_space<vmem>>) dst(%dma_wait3A_367 : memref<10240xf32, #tpu.memory_space<vmem_shared>>)
      %add3A_368 = arith.constant 1 : i32
      %add3A_369 = arith.addi %mul3A_299, %add3A_368 : i32
      %dma_wait3A_370 = arith.constant 0 : i32
      %dma_wait3A_371 = tpu.memref_slice %arg8[%add3A_369, %dma_wait3A_370] : memref<80x128xi32, #tpu.memory_space<vmem>> -> memref<1x128xi32, #tpu.memory_space<vmem>>
      %dma_wait3A_372 = tpu.memref_squeeze %dma_wait3A_371 : memref<1x128xi32, #tpu.memory_space<vmem>> -> memref<128xi32, #tpu.memory_space<vmem>>
      %dma_wait3A_373 = arith.constant 0 : i32
      %dma_wait3A_374 = tpu.memref_slice %arg6[%dma_wait3A_373] : memref<10240xf32, #tpu.memory_space<vmem_shared>> -> memref<10240xf32, #tpu.memory_space<vmem_shared>>
      tpu.wait_indirect_dma semaphore(%arg13 : memref<!tpu.dma_semaphore, #tpu.memory_space<semaphore_mem>>) src(%arg10 : memref<128xf32, #tpu.memory_space<vmem>>) dst(%dma_wait3A_374 : memref<10240xf32, #tpu.memory_space<vmem_shared>>)
      %add3A_375 = arith.constant 1 : i32
      %add3A_376 = arith.addi %mul3A_299, %add3A_375 : i32
      %dma_wait3A_377 = arith.constant 0 : i32
      %dma_wait3A_378 = tpu.memref_slice %arg9[%add3A_376, %dma_wait3A_377] : memref<80x128xi32, #tpu.memory_space<vmem>> -> memref<1x128xi32, #tpu.memory_space<vmem>>
      %dma_wait3A_379 = tpu.memref_squeeze %dma_wait3A_378 : memref<1x128xi32, #tpu.memory_space<vmem>> -> memref<128xi32, #tpu.memory_space<vmem>>
      %dma_wait3A_380 = arith.constant 0 : i32
      %dma_wait3A_381 = tpu.memref_slice %arg7[%dma_wait3A_380] : memref<10240xf32, #tpu.memory_space<vmem_shared>> -> memref<10240xf32, #tpu.memory_space<vmem_shared>>
      tpu.wait_indirect_dma semaphore(%arg17 : memref<!tpu.dma_semaphore, #tpu.memory_space<semaphore_mem>>) src(%arg10 : memref<128xf32, #tpu.memory_space<vmem>>) dst(%dma_wait3A_381 : memref<10240xf32, #tpu.memory_space<vmem_shared>>)
      %add3A_382 = arith.constant 2 : i32
      %add3A_383 = arith.addi %mul3A_299, %add3A_382 : i32
      %dma_wait3A_384 = arith.constant 0 : i32
      %dma_wait3A_385 = tpu.memref_slice %arg8[%add3A_383, %dma_wait3A_384] : memref<80x128xi32, #tpu.memory_space<vmem>> -> memref<1x128xi32, #tpu.memory_space<vmem>>
      %dma_wait3A_386 = tpu.memref_squeeze %dma_wait3A_385 : memref<1x128xi32, #tpu.memory_space<vmem>> -> memref<128xi32, #tpu.memory_space<vmem>>
      %dma_wait3A_387 = arith.constant 0 : i32
      %dma_wait3A_388 = tpu.memref_slice %arg6[%dma_wait3A_387] : memref<10240xf32, #tpu.memory_space<vmem_shared>> -> memref<10240xf32, #tpu.memory_space<vmem_shared>>
      tpu.wait_indirect_dma semaphore(%arg14 : memref<!tpu.dma_semaphore, #tpu.memory_space<semaphore_mem>>) src(%arg10 : memref<128xf32, #tpu.memory_space<vmem>>) dst(%dma_wait3A_388 : memref<10240xf32, #tpu.memory_space<vmem_shared>>)
      %add3A_389 = arith.constant 2 : i32
      %add3A_390 = arith.addi %mul3A_299, %add3A_389 : i32
      %dma_wait3A_391 = arith.constant 0 : i32
      %dma_wait3A_392 = tpu.memref_slice %arg9[%add3A_390, %dma_wait3A_391] : memref<80x128xi32, #tpu.memory_space<vmem>> -> memref<1x128xi32, #tpu.memory_space<vmem>>
      %dma_wait3A_393 = tpu.memref_squeeze %dma_wait3A_392 : memref<1x128xi32, #tpu.memory_space<vmem>> -> memref<128xi32, #tpu.memory_space<vmem>>
      %dma_wait3A_394 = arith.constant 0 : i32
      %dma_wait3A_395 = tpu.memref_slice %arg7[%dma_wait3A_394] : memref<10240xf32, #tpu.memory_space<vmem_shared>> -> memref<10240xf32, #tpu.memory_space<vmem_shared>>
      tpu.wait_indirect_dma semaphore(%arg18 : memref<!tpu.dma_semaphore, #tpu.memory_space<semaphore_mem>>) src(%arg10 : memref<128xf32, #tpu.memory_space<vmem>>) dst(%dma_wait3A_395 : memref<10240xf32, #tpu.memory_space<vmem_shared>>)
      %add3A_396 = arith.constant 3 : i32
      %add3A_397 = arith.addi %mul3A_299, %add3A_396 : i32
      %dma_wait3A_398 = arith.constant 0 : i32
      %dma_wait3A_399 = tpu.memref_slice %arg8[%add3A_397, %dma_wait3A_398] : memref<80x128xi32, #tpu.memory_space<vmem>> -> memref<1x128xi32, #tpu.memory_space<vmem>>
      %dma_wait3A_400 = tpu.memref_squeeze %dma_wait3A_399 : memref<1x128xi32, #tpu.memory_space<vmem>> -> memref<128xi32, #tpu.memory_space<vmem>>
      %dma_wait3A_401 = arith.constant 0 : i32
      %dma_wait3A_402 = tpu.memref_slice %arg6[%dma_wait3A_401] : memref<10240xf32, #tpu.memory_space<vmem_shared>> -> memref<10240xf32, #tpu.memory_space<vmem_shared>>
      tpu.wait_indirect_dma semaphore(%arg15 : memref<!tpu.dma_semaphore, #tpu.memory_space<semaphore_mem>>) src(%arg10 : memref<128xf32, #tpu.memory_space<vmem>>) dst(%dma_wait3A_402 : memref<10240xf32, #tpu.memory_space<vmem_shared>>)
      %add3A_403 = arith.constant 3 : i32
      %add3A_404 = arith.addi %mul3A_299, %add3A_403 : i32
      %dma_wait3A_405 = arith.constant 0 : i32
      %dma_wait3A_406 = tpu.memref_slice %arg9[%add3A_404, %dma_wait3A_405] : memref<80x128xi32, #tpu.memory_space<vmem>> -> memref<1x128xi32, #tpu.memory_space<vmem>>
      %dma_wait3A_407 = tpu.memref_squeeze %dma_wait3A_406 : memref<1x128xi32, #tpu.memory_space<vmem>> -> memref<128xi32, #tpu.memory_space<vmem>>
      %dma_wait3A_408 = arith.constant 0 : i32
      %dma_wait3A_409 = tpu.memref_slice %arg7[%dma_wait3A_408] : memref<10240xf32, #tpu.memory_space<vmem_shared>> -> memref<10240xf32, #tpu.memory_space<vmem_shared>>
      tpu.wait_indirect_dma semaphore(%arg19 : memref<!tpu.dma_semaphore, #tpu.memory_space<semaphore_mem>>) src(%arg10 : memref<128xf32, #tpu.memory_space<vmem>>) dst(%dma_wait3A_409 : memref<10240xf32, #tpu.memory_space<vmem_shared>>)
    }
    %scan3A_295 = arith.constant 20 : i32
    %barrier3A_296 = arith.constant 0 : index
    tpu.barrier barrier_id(%barrier3A_296)
    "tpu.region"() ({
      %run_scoped3A = tpu.sem_alloc : memref<!tpu.dma_semaphore, #tpu.memory_space<semaphore_mem>>
      %dma_start3A = tpu.memref_slice %arg4[%arg0, %mul3A_286] : memref<2x10240xf32, #tpu.memory_space<hbm>> -> memref<1x640xf32, #tpu.memory_space<hbm>>
      %dma_start3A_297 = tpu.memref_squeeze %dma_start3A : memref<1x640xf32, #tpu.memory_space<hbm>> -> memref<640xf32, #tpu.memory_space<hbm>>
      %dma_start3A_298 = tpu.memref_slice %arg6[%mul3A_286] : memref<10240xf32, #tpu.memory_space<vmem_shared>> -> memref<640xf32, #tpu.memory_space<vmem_shared>>
      tpu.enqueue_dma source(%dma_start3A_298 : memref<640xf32, #tpu.memory_space<vmem_shared>>) target(%dma_start3A_297 : memref<640xf32, #tpu.memory_space<hbm>>) target_semaphore(%run_scoped3A : memref<!tpu.dma_semaphore, #tpu.memory_space<semaphore_mem>>)
      %dma_wait3A = tpu.memref_slice %arg4[%arg0, %mul3A_286] : memref<2x10240xf32, #tpu.memory_space<hbm>> -> memref<1x640xf32, #tpu.memory_space<hbm>>
      %dma_wait3A_299 = tpu.memref_squeeze %dma_wait3A : memref<1x640xf32, #tpu.memory_space<hbm>> -> memref<640xf32, #tpu.memory_space<hbm>>
      %dma_wait3A_300 = tpu.memref_slice %arg6[%mul3A_286] : memref<10240xf32, #tpu.memory_space<vmem_shared>> -> memref<640xf32, #tpu.memory_space<vmem_shared>>
      tpu.wait_dma2 semaphore(%run_scoped3A : memref<!tpu.dma_semaphore, #tpu.memory_space<semaphore_mem>>) src(%dma_wait3A_300 : memref<640xf32, #tpu.memory_space<vmem_shared>>) dst(%dma_wait3A_299 : memref<640xf32, #tpu.memory_space<hbm>>)
      tpu.yield
    }) : () -> ()
    "tpu.region"() ({
      %run_scoped3A = tpu.sem_alloc : memref<!tpu.dma_semaphore, #tpu.memory_space<semaphore_mem>>
      %dma_start3A = tpu.memref_slice %arg5[%arg0, %mul3A_286] : memref<2x10240xf32, #tpu.memory_space<hbm>> -> memref<1x640xf32, #tpu.memory_space<hbm>>
      %dma_start3A_297 = tpu.memref_squeeze %dma_start3A : memref<1x640xf32, #tpu.memory_space<hbm>> -> memref<640xf32, #tpu.memory_space<hbm>>
      %dma_start3A_298 = tpu.memref_slice %arg7[%mul3A_286] : memref<10240xf32, #tpu.memory_space<vmem_shared>> -> memref<640xf32, #tpu.memory_space<vmem_shared>>
      tpu.enqueue_dma source(%dma_start3A_298 : memref<640xf32, #tpu.memory_space<vmem_shared>>) target(%dma_start3A_297 : memref<640xf32, #tpu.memory_space<hbm>>) target_semaphore(%run_scoped3A : memref<!tpu.dma_semaphore, #tpu.memory_space<semaphore_mem>>)
      %dma_wait3A = tpu.memref_slice %arg5[%arg0, %mul3A_286] : memref<2x10240xf32, #tpu.memory_space<hbm>> -> memref<1x640xf32, #tpu.memory_space<hbm>>
      %dma_wait3A_299 = tpu.memref_squeeze %dma_wait3A : memref<1x640xf32, #tpu.memory_space<hbm>> -> memref<640xf32, #tpu.memory_space<hbm>>
      %dma_wait3A_300 = tpu.memref_slice %arg7[%mul3A_286] : memref<10240xf32, #tpu.memory_space<vmem_shared>> -> memref<640xf32, #tpu.memory_space<vmem_shared>>
      tpu.wait_dma2 semaphore(%run_scoped3A : memref<!tpu.dma_semaphore, #tpu.memory_space<semaphore_mem>>) src(%dma_wait3A_300 : memref<640xf32, #tpu.memory_space<vmem_shared>>) dst(%dma_wait3A_299 : memref<640xf32, #tpu.memory_space<hbm>>)
      tpu.yield
    }) : () -> ()
    return
  }
}

#map = affine_map<(d0, d1) -> (0, 0, 0)>
#map1 = affine_map<(d0, d1) -> (0, 0)>
module attributes {stable_mosaic.version = 14 : i64} {
  func.func @_agg_kernel(%arg0: i32, %arg1: i32, %arg2: memref<2x10240x64xf32, #tpu.memory_space<hbm>>, %arg3: memref<2560x128xi32, #tpu.memory_space<hbm>>, %arg4: memref<2560x128xi32, #tpu.memory_space<hbm>>, %arg5: memref<2x10240x64xf32, #tpu.memory_space<hbm>>, %arg6: memref<10240x64xf32, #tpu.memory_space<vmem_shared>>, %arg7: memref<10240x64xf32, #tpu.memory_space<vmem_shared>>, %arg8: memref<8x128xi32, #tpu.memory_space<vmem>>, %arg9: memref<8x128xi32, #tpu.memory_space<vmem>>, %arg10: memref<2x128x64xf32, #tpu.memory_space<vmem>>, %arg11: memref<!tpu.dma_semaphore, #tpu.memory_space<semaphore_mem>>, %arg12: memref<!tpu.dma_semaphore, #tpu.memory_space<semaphore_mem>>, %arg13: memref<!tpu.dma_semaphore, #tpu.memory_space<semaphore_mem>>, %arg14: memref<!tpu.dma_semaphore, #tpu.memory_space<semaphore_mem>>, %arg15: memref<!tpu.dma_semaphore, #tpu.memory_space<semaphore_mem>>, %arg16: memref<!tpu.dma_semaphore, #tpu.memory_space<semaphore_mem>>, %arg17: memref<!tpu.dma_semaphore, #tpu.memory_space<semaphore_mem>>, %arg18: memref<!tpu.dma_semaphore, #tpu.memory_space<semaphore_mem>>, %arg19: memref<!tpu.dma_semaphore, #tpu.memory_space<semaphore_mem>>, %arg20: memref<!tpu.dma_semaphore, #tpu.memory_space<semaphore_mem>>, %arg21: memref<!tpu.dma_semaphore, #tpu.memory_space<semaphore_mem>>, %arg22: memref<!tpu.dma_semaphore, #tpu.memory_space<semaphore_mem>>) attributes {dimension_semantics = [#tpu.dimension_semantics<core_parallel>, #tpu.dimension_semantics<subcore_parallel>], iteration_bounds = array<i64: 2, 16>, scalar_prefetch = 0 : i64, scratch_operands = 17 : i64, tpu.core_type = #tpu.core_type<sc_vector_subcore>, window_params = [{transform_indices = #map}, {transform_indices = #map1}, {transform_indices = #map1}, {transform_indices = #map}]} {
    %mul3A = arith.constant 640 : i32
    %mul3A_0 = arith.muli %arg1, %mul3A : i32
    "tpu.region"() ({
      %run_scoped3A_890 = tpu.sem_alloc : memref<!tpu.dma_semaphore, #tpu.memory_space<semaphore_mem>>
      %dma_start3A_891 = arith.constant 0 : i32
      %dma_start3A_892 = tpu.memref_slice %arg6[%mul3A_0, %dma_start3A_891] : memref<10240x64xf32, #tpu.memory_space<vmem_shared>> -> memref<640x64xf32, #tpu.memory_space<vmem_shared>>
      %dma_start3A_893 = arith.constant 0 : i32
      %dma_start3A_894 = tpu.memref_slice %arg2[%arg0, %mul3A_0, %dma_start3A_893] : memref<2x10240x64xf32, #tpu.memory_space<hbm>> -> memref<1x640x64xf32, #tpu.memory_space<hbm>>
      %dma_start3A_895 = tpu.memref_squeeze %dma_start3A_894 : memref<1x640x64xf32, #tpu.memory_space<hbm>> -> memref<640x64xf32, #tpu.memory_space<hbm>>
      tpu.enqueue_dma source(%dma_start3A_895 : memref<640x64xf32, #tpu.memory_space<hbm>>) target(%dma_start3A_892 : memref<640x64xf32, #tpu.memory_space<vmem_shared>>) target_semaphore(%run_scoped3A_890 : memref<!tpu.dma_semaphore, #tpu.memory_space<semaphore_mem>>)
      %dma_wait3A_896 = arith.constant 0 : i32
      %dma_wait3A_897 = tpu.memref_slice %arg6[%mul3A_0, %dma_wait3A_896] : memref<10240x64xf32, #tpu.memory_space<vmem_shared>> -> memref<640x64xf32, #tpu.memory_space<vmem_shared>>
      %dma_wait3A_898 = arith.constant 0 : i32
      %dma_wait3A_899 = tpu.memref_slice %arg2[%arg0, %mul3A_0, %dma_wait3A_898] : memref<2x10240x64xf32, #tpu.memory_space<hbm>> -> memref<1x640x64xf32, #tpu.memory_space<hbm>>
      %dma_wait3A_900 = tpu.memref_squeeze %dma_wait3A_899 : memref<1x640x64xf32, #tpu.memory_space<hbm>> -> memref<640x64xf32, #tpu.memory_space<hbm>>
      tpu.wait_dma2 semaphore(%run_scoped3A_890 : memref<!tpu.dma_semaphore, #tpu.memory_space<semaphore_mem>>) src(%dma_wait3A_900 : memref<640x64xf32, #tpu.memory_space<hbm>>) dst(%dma_wait3A_897 : memref<640x64xf32, #tpu.memory_space<vmem_shared>>)
      tpu.yield
    }) : () -> ()
    %scan3A = arith.constant 0 : i32
    %scan3A_1 = arith.constant 0 : i32
    %scan3A_2 = arith.constant 128 : i32
    %scan3A_3 = arith.addi %scan3A_1, %scan3A_2 : i32
    %scan3A_4 = arith.constant 1 : i32
    scf.for %scan3A_890 = %scan3A_1 to %scan3A_3 step %scan3A_4  : i32 {
      %broadcast_in_dim3A = arith.constant 0.000000e+00 : f32
      %broadcast_in_dim3A_891 = vector.broadcast %broadcast_in_dim3A : f32 to vector<16xf32>
      %swap3A = arith.constant 0 : i32
      %swap3A_892 = arith.index_cast %swap3A : i32 to index
      %swap3A_893 = arith.index_cast %scan3A_890 : i32 to index
      %swap3A_894 = arith.constant 0 : index
      %swap3A_895 = tpu.vector_load %arg10[%swap3A_892, %swap3A_893, %swap3A_894] {strides = array<i32>} : memref<2x128x64xf32, #tpu.memory_space<vmem>>, vector<1x1x16xf32>,
      %swap3A_896 = vector.shape_cast %swap3A_895 : vector<1x1x16xf32> to vector<16xf32>
      %swap3A_897 = vector.shape_cast %broadcast_in_dim3A_891 : vector<16xf32> to vector<1x1x16xf32>
      tpu.vector_store %arg10[%swap3A_892, %swap3A_893, %swap3A_894], %swap3A_897 {strides = array<i32>} : memref<2x128x64xf32, #tpu.memory_space<vmem>>, vector<1x1x16xf32>,
      %broadcast_in_dim3A_898 = arith.constant 0.000000e+00 : f32
      %broadcast_in_dim3A_899 = vector.broadcast %broadcast_in_dim3A_898 : f32 to vector<16xf32>
      %swap3A_900 = arith.constant 0 : i32
      %swap3A_901 = arith.index_cast %swap3A_900 : i32 to index
      %swap3A_902 = arith.index_cast %scan3A_890 : i32 to index
      %swap3A_903 = arith.constant 16 : index
      %swap3A_904 = tpu.vector_load %arg10[%swap3A_901, %swap3A_902, %swap3A_903] {strides = array<i32>} : memref<2x128x64xf32, #tpu.memory_space<vmem>>, vector<1x1x16xf32>,
      %swap3A_905 = vector.shape_cast %swap3A_904 : vector<1x1x16xf32> to vector<16xf32>
      %swap3A_906 = vector.shape_cast %broadcast_in_dim3A_899 : vector<16xf32> to vector<1x1x16xf32>
      tpu.vector_store %arg10[%swap3A_901, %swap3A_902, %swap3A_903], %swap3A_906 {strides = array<i32>} : memref<2x128x64xf32, #tpu.memory_space<vmem>>, vector<1x1x16xf32>,
      %broadcast_in_dim3A_907 = arith.constant 0.000000e+00 : f32
      %broadcast_in_dim3A_908 = vector.broadcast %broadcast_in_dim3A_907 : f32 to vector<16xf32>
      %swap3A_909 = arith.constant 0 : i32
      %swap3A_910 = arith.index_cast %swap3A_909 : i32 to index
      %swap3A_911 = arith.index_cast %scan3A_890 : i32 to index
      %swap3A_912 = arith.constant 32 : index
      %swap3A_913 = tpu.vector_load %arg10[%swap3A_910, %swap3A_911, %swap3A_912] {strides = array<i32>} : memref<2x128x64xf32, #tpu.memory_space<vmem>>, vector<1x1x16xf32>,
      %swap3A_914 = vector.shape_cast %swap3A_913 : vector<1x1x16xf32> to vector<16xf32>
      %swap3A_915 = vector.shape_cast %broadcast_in_dim3A_908 : vector<16xf32> to vector<1x1x16xf32>
      tpu.vector_store %arg10[%swap3A_910, %swap3A_911, %swap3A_912], %swap3A_915 {strides = array<i32>} : memref<2x128x64xf32, #tpu.memory_space<vmem>>, vector<1x1x16xf32>,
      %broadcast_in_dim3A_916 = arith.constant 0.000000e+00 : f32
      %broadcast_in_dim3A_917 = vector.broadcast %broadcast_in_dim3A_916 : f32 to vector<16xf32>
      %swap3A_918 = arith.constant 0 : i32
      %swap3A_919 = arith.index_cast %swap3A_918 : i32 to index
      %swap3A_920 = arith.index_cast %scan3A_890 : i32 to index
      %swap3A_921 = arith.constant 48 : index
      %swap3A_922 = tpu.vector_load %arg10[%swap3A_919, %swap3A_920, %swap3A_921] {strides = array<i32>} : memref<2x128x64xf32, #tpu.memory_space<vmem>>, vector<1x1x16xf32>,
      %swap3A_923 = vector.shape_cast %swap3A_922 : vector<1x1x16xf32> to vector<16xf32>
      %swap3A_924 = vector.shape_cast %broadcast_in_dim3A_917 : vector<16xf32> to vector<1x1x16xf32>
      tpu.vector_store %arg10[%swap3A_919, %swap3A_920, %swap3A_921], %swap3A_924 {strides = array<i32>} : memref<2x128x64xf32, #tpu.memory_space<vmem>>, vector<1x1x16xf32>,
    }
    %scan3A_5 = arith.constant 128 : i32
    %add3A = arith.constant 0 : i32
    %add3A_6 = arith.addi %mul3A_0, %add3A : i32
    %run_scoped3A = arith.constant 0 : i32
    "tpu.region"() ({
      %run_scoped3A_890 = tpu.sem_alloc : memref<!tpu.dma_semaphore, #tpu.memory_space<semaphore_mem>>
      %dma_start3A_891 = arith.constant 0 : i32
      %dma_start3A_892 = arith.constant 0 : i32
      %dma_start3A_893 = tpu.memref_slice %arg10[%run_scoped3A, %dma_start3A_891, %dma_start3A_892] : memref<2x128x64xf32, #tpu.memory_space<vmem>> -> memref<1x128x64xf32, #tpu.memory_space<vmem>>
      %dma_start3A_894 = tpu.memref_squeeze %dma_start3A_893 : memref<1x128x64xf32, #tpu.memory_space<vmem>> -> memref<128x64xf32, #tpu.memory_space<vmem>>
      %dma_start3A_895 = arith.constant 0 : i32
      %dma_start3A_896 = tpu.memref_slice %arg7[%add3A_6, %dma_start3A_895] : memref<10240x64xf32, #tpu.memory_space<vmem_shared>> -> memref<128x64xf32, #tpu.memory_space<vmem_shared>>
      %dma_start3A_897 = arith.constant 0 : i32
      %dma_start3A_898 = tpu.memref_slice %arg7[%add3A_6, %dma_start3A_897] : memref<10240x64xf32, #tpu.memory_space<vmem_shared>> -> memref<128x64xf32, #tpu.memory_space<vmem_shared>>
      %dma_start3A_899 = arith.constant 0 : i32
      %dma_start3A_900 = arith.constant 0 : i32
      %dma_start3A_901 = tpu.memref_slice %arg10[%run_scoped3A, %dma_start3A_899, %dma_start3A_900] : memref<2x128x64xf32, #tpu.memory_space<vmem>> -> memref<1x128x64xf32, #tpu.memory_space<vmem>>
      %dma_start3A_902 = tpu.memref_squeeze %dma_start3A_901 : memref<1x128x64xf32, #tpu.memory_space<vmem>> -> memref<128x64xf32, #tpu.memory_space<vmem>>
      tpu.enqueue_dma source(%dma_start3A_902 : memref<128x64xf32, #tpu.memory_space<vmem>>) target(%dma_start3A_898 : memref<128x64xf32, #tpu.memory_space<vmem_shared>>) target_semaphore(%run_scoped3A_890 : memref<!tpu.dma_semaphore, #tpu.memory_space<semaphore_mem>>)
      %dma_wait3A_903 = arith.constant 0 : i32
      %dma_wait3A_904 = arith.constant 0 : i32
      %dma_wait3A_905 = tpu.memref_slice %arg10[%run_scoped3A, %dma_wait3A_903, %dma_wait3A_904] : memref<2x128x64xf32, #tpu.memory_space<vmem>> -> memref<1x128x64xf32, #tpu.memory_space<vmem>>
      %dma_wait3A_906 = tpu.memref_squeeze %dma_wait3A_905 : memref<1x128x64xf32, #tpu.memory_space<vmem>> -> memref<128x64xf32, #tpu.memory_space<vmem>>
      %dma_wait3A_907 = arith.constant 0 : i32
      %dma_wait3A_908 = tpu.memref_slice %arg7[%add3A_6, %dma_wait3A_907] : memref<10240x64xf32, #tpu.memory_space<vmem_shared>> -> memref<128x64xf32, #tpu.memory_space<vmem_shared>>
      %dma_wait3A_909 = arith.constant 0 : i32
      %dma_wait3A_910 = tpu.memref_slice %arg7[%add3A_6, %dma_wait3A_909] : memref<10240x64xf32, #tpu.memory_space<vmem_shared>> -> memref<128x64xf32, #tpu.memory_space<vmem_shared>>
      %dma_wait3A_911 = arith.constant 0 : i32
      %dma_wait3A_912 = arith.constant 0 : i32
      %dma_wait3A_913 = tpu.memref_slice %arg10[%run_scoped3A, %dma_wait3A_911, %dma_wait3A_912] : memref<2x128x64xf32, #tpu.memory_space<vmem>> -> memref<1x128x64xf32, #tpu.memory_space<vmem>>
      %dma_wait3A_914 = tpu.memref_squeeze %dma_wait3A_913 : memref<1x128x64xf32, #tpu.memory_space<vmem>> -> memref<128x64xf32, #tpu.memory_space<vmem>>
      tpu.wait_dma2 semaphore(%run_scoped3A_890 : memref<!tpu.dma_semaphore, #tpu.memory_space<semaphore_mem>>) src(%dma_wait3A_914 : memref<128x64xf32, #tpu.memory_space<vmem>>) dst(%dma_wait3A_910 : memref<128x64xf32, #tpu.memory_space<vmem_shared>>)
      tpu.yield
    }) : () -> ()
    %add3A_7 = arith.constant 128 : i32
    %add3A_8 = arith.addi %mul3A_0, %add3A_7 : i32
    %run_scoped3A_9 = arith.constant 0 : i32
    "tpu.region"() ({
      %run_scoped3A_890 = tpu.sem_alloc : memref<!tpu.dma_semaphore, #tpu.memory_space<semaphore_mem>>
      %dma_start3A_891 = arith.constant 0 : i32
      %dma_start3A_892 = arith.constant 0 : i32
      %dma_start3A_893 = tpu.memref_slice %arg10[%run_scoped3A_9, %dma_start3A_891, %dma_start3A_892] : memref<2x128x64xf32, #tpu.memory_space<vmem>> -> memref<1x128x64xf32, #tpu.memory_space<vmem>>
      %dma_start3A_894 = tpu.memref_squeeze %dma_start3A_893 : memref<1x128x64xf32, #tpu.memory_space<vmem>> -> memref<128x64xf32, #tpu.memory_space<vmem>>
      %dma_start3A_895 = arith.constant 0 : i32
      %dma_start3A_896 = tpu.memref_slice %arg7[%add3A_8, %dma_start3A_895] : memref<10240x64xf32, #tpu.memory_space<vmem_shared>> -> memref<128x64xf32, #tpu.memory_space<vmem_shared>>
      %dma_start3A_897 = arith.constant 0 : i32
      %dma_start3A_898 = tpu.memref_slice %arg7[%add3A_8, %dma_start3A_897] : memref<10240x64xf32, #tpu.memory_space<vmem_shared>> -> memref<128x64xf32, #tpu.memory_space<vmem_shared>>
      %dma_start3A_899 = arith.constant 0 : i32
      %dma_start3A_900 = arith.constant 0 : i32
      %dma_start3A_901 = tpu.memref_slice %arg10[%run_scoped3A_9, %dma_start3A_899, %dma_start3A_900] : memref<2x128x64xf32, #tpu.memory_space<vmem>> -> memref<1x128x64xf32, #tpu.memory_space<vmem>>
      %dma_start3A_902 = tpu.memref_squeeze %dma_start3A_901 : memref<1x128x64xf32, #tpu.memory_space<vmem>> -> memref<128x64xf32, #tpu.memory_space<vmem>>
      tpu.enqueue_dma source(%dma_start3A_902 : memref<128x64xf32, #tpu.memory_space<vmem>>) target(%dma_start3A_898 : memref<128x64xf32, #tpu.memory_space<vmem_shared>>) target_semaphore(%run_scoped3A_890 : memref<!tpu.dma_semaphore, #tpu.memory_space<semaphore_mem>>)
      %dma_wait3A_903 = arith.constant 0 : i32
      %dma_wait3A_904 = arith.constant 0 : i32
      %dma_wait3A_905 = tpu.memref_slice %arg10[%run_scoped3A_9, %dma_wait3A_903, %dma_wait3A_904] : memref<2x128x64xf32, #tpu.memory_space<vmem>> -> memref<1x128x64xf32, #tpu.memory_space<vmem>>
      %dma_wait3A_906 = tpu.memref_squeeze %dma_wait3A_905 : memref<1x128x64xf32, #tpu.memory_space<vmem>> -> memref<128x64xf32, #tpu.memory_space<vmem>>
      %dma_wait3A_907 = arith.constant 0 : i32
      %dma_wait3A_908 = tpu.memref_slice %arg7[%add3A_8, %dma_wait3A_907] : memref<10240x64xf32, #tpu.memory_space<vmem_shared>> -> memref<128x64xf32, #tpu.memory_space<vmem_shared>>
      %dma_wait3A_909 = arith.constant 0 : i32
      %dma_wait3A_910 = tpu.memref_slice %arg7[%add3A_8, %dma_wait3A_909] : memref<10240x64xf32, #tpu.memory_space<vmem_shared>> -> memref<128x64xf32, #tpu.memory_space<vmem_shared>>
      %dma_wait3A_911 = arith.constant 0 : i32
      %dma_wait3A_912 = arith.constant 0 : i32
      %dma_wait3A_913 = tpu.memref_slice %arg10[%run_scoped3A_9, %dma_wait3A_911, %dma_wait3A_912] : memref<2x128x64xf32, #tpu.memory_space<vmem>> -> memref<1x128x64xf32, #tpu.memory_space<vmem>>
      %dma_wait3A_914 = tpu.memref_squeeze %dma_wait3A_913 : memref<1x128x64xf32, #tpu.memory_space<vmem>> -> memref<128x64xf32, #tpu.memory_space<vmem>>
      tpu.wait_dma2 semaphore(%run_scoped3A_890 : memref<!tpu.dma_semaphore, #tpu.memory_space<semaphore_mem>>) src(%dma_wait3A_914 : memref<128x64xf32, #tpu.memory_space<vmem>>) dst(%dma_wait3A_910 : memref<128x64xf32, #tpu.memory_space<vmem_shared>>)
      tpu.yield
    }) : () -> ()
    %add3A_10 = arith.constant 256 : i32
    %add3A_11 = arith.addi %mul3A_0, %add3A_10 : i32
    %run_scoped3A_12 = arith.constant 0 : i32
    "tpu.region"() ({
      %run_scoped3A_890 = tpu.sem_alloc : memref<!tpu.dma_semaphore, #tpu.memory_space<semaphore_mem>>
      %dma_start3A_891 = arith.constant 0 : i32
      %dma_start3A_892 = arith.constant 0 : i32
      %dma_start3A_893 = tpu.memref_slice %arg10[%run_scoped3A_12, %dma_start3A_891, %dma_start3A_892] : memref<2x128x64xf32, #tpu.memory_space<vmem>> -> memref<1x128x64xf32, #tpu.memory_space<vmem>>
      %dma_start3A_894 = tpu.memref_squeeze %dma_start3A_893 : memref<1x128x64xf32, #tpu.memory_space<vmem>> -> memref<128x64xf32, #tpu.memory_space<vmem>>
      %dma_start3A_895 = arith.constant 0 : i32
      %dma_start3A_896 = tpu.memref_slice %arg7[%add3A_11, %dma_start3A_895] : memref<10240x64xf32, #tpu.memory_space<vmem_shared>> -> memref<128x64xf32, #tpu.memory_space<vmem_shared>>
      %dma_start3A_897 = arith.constant 0 : i32
      %dma_start3A_898 = tpu.memref_slice %arg7[%add3A_11, %dma_start3A_897] : memref<10240x64xf32, #tpu.memory_space<vmem_shared>> -> memref<128x64xf32, #tpu.memory_space<vmem_shared>>
      %dma_start3A_899 = arith.constant 0 : i32
      %dma_start3A_900 = arith.constant 0 : i32
      %dma_start3A_901 = tpu.memref_slice %arg10[%run_scoped3A_12, %dma_start3A_899, %dma_start3A_900] : memref<2x128x64xf32, #tpu.memory_space<vmem>> -> memref<1x128x64xf32, #tpu.memory_space<vmem>>
      %dma_start3A_902 = tpu.memref_squeeze %dma_start3A_901 : memref<1x128x64xf32, #tpu.memory_space<vmem>> -> memref<128x64xf32, #tpu.memory_space<vmem>>
      tpu.enqueue_dma source(%dma_start3A_902 : memref<128x64xf32, #tpu.memory_space<vmem>>) target(%dma_start3A_898 : memref<128x64xf32, #tpu.memory_space<vmem_shared>>) target_semaphore(%run_scoped3A_890 : memref<!tpu.dma_semaphore, #tpu.memory_space<semaphore_mem>>)
      %dma_wait3A_903 = arith.constant 0 : i32
      %dma_wait3A_904 = arith.constant 0 : i32
      %dma_wait3A_905 = tpu.memref_slice %arg10[%run_scoped3A_12, %dma_wait3A_903, %dma_wait3A_904] : memref<2x128x64xf32, #tpu.memory_space<vmem>> -> memref<1x128x64xf32, #tpu.memory_space<vmem>>
      %dma_wait3A_906 = tpu.memref_squeeze %dma_wait3A_905 : memref<1x128x64xf32, #tpu.memory_space<vmem>> -> memref<128x64xf32, #tpu.memory_space<vmem>>
      %dma_wait3A_907 = arith.constant 0 : i32
      %dma_wait3A_908 = tpu.memref_slice %arg7[%add3A_11, %dma_wait3A_907] : memref<10240x64xf32, #tpu.memory_space<vmem_shared>> -> memref<128x64xf32, #tpu.memory_space<vmem_shared>>
      %dma_wait3A_909 = arith.constant 0 : i32
      %dma_wait3A_910 = tpu.memref_slice %arg7[%add3A_11, %dma_wait3A_909] : memref<10240x64xf32, #tpu.memory_space<vmem_shared>> -> memref<128x64xf32, #tpu.memory_space<vmem_shared>>
      %dma_wait3A_911 = arith.constant 0 : i32
      %dma_wait3A_912 = arith.constant 0 : i32
      %dma_wait3A_913 = tpu.memref_slice %arg10[%run_scoped3A_12, %dma_wait3A_911, %dma_wait3A_912] : memref<2x128x64xf32, #tpu.memory_space<vmem>> -> memref<1x128x64xf32, #tpu.memory_space<vmem>>
      %dma_wait3A_914 = tpu.memref_squeeze %dma_wait3A_913 : memref<1x128x64xf32, #tpu.memory_space<vmem>> -> memref<128x64xf32, #tpu.memory_space<vmem>>
      tpu.wait_dma2 semaphore(%run_scoped3A_890 : memref<!tpu.dma_semaphore, #tpu.memory_space<semaphore_mem>>) src(%dma_wait3A_914 : memref<128x64xf32, #tpu.memory_space<vmem>>) dst(%dma_wait3A_910 : memref<128x64xf32, #tpu.memory_space<vmem_shared>>)
      tpu.yield
    }) : () -> ()
    %add3A_13 = arith.constant 384 : i32
    %add3A_14 = arith.addi %mul3A_0, %add3A_13 : i32
    %run_scoped3A_15 = arith.constant 0 : i32
    "tpu.region"() ({
      %run_scoped3A_890 = tpu.sem_alloc : memref<!tpu.dma_semaphore, #tpu.memory_space<semaphore_mem>>
      %dma_start3A_891 = arith.constant 0 : i32
      %dma_start3A_892 = arith.constant 0 : i32
      %dma_start3A_893 = tpu.memref_slice %arg10[%run_scoped3A_15, %dma_start3A_891, %dma_start3A_892] : memref<2x128x64xf32, #tpu.memory_space<vmem>> -> memref<1x128x64xf32, #tpu.memory_space<vmem>>
      %dma_start3A_894 = tpu.memref_squeeze %dma_start3A_893 : memref<1x128x64xf32, #tpu.memory_space<vmem>> -> memref<128x64xf32, #tpu.memory_space<vmem>>
      %dma_start3A_895 = arith.constant 0 : i32
      %dma_start3A_896 = tpu.memref_slice %arg7[%add3A_14, %dma_start3A_895] : memref<10240x64xf32, #tpu.memory_space<vmem_shared>> -> memref<128x64xf32, #tpu.memory_space<vmem_shared>>
      %dma_start3A_897 = arith.constant 0 : i32
      %dma_start3A_898 = tpu.memref_slice %arg7[%add3A_14, %dma_start3A_897] : memref<10240x64xf32, #tpu.memory_space<vmem_shared>> -> memref<128x64xf32, #tpu.memory_space<vmem_shared>>
      %dma_start3A_899 = arith.constant 0 : i32
      %dma_start3A_900 = arith.constant 0 : i32
      %dma_start3A_901 = tpu.memref_slice %arg10[%run_scoped3A_15, %dma_start3A_899, %dma_start3A_900] : memref<2x128x64xf32, #tpu.memory_space<vmem>> -> memref<1x128x64xf32, #tpu.memory_space<vmem>>
      %dma_start3A_902 = tpu.memref_squeeze %dma_start3A_901 : memref<1x128x64xf32, #tpu.memory_space<vmem>> -> memref<128x64xf32, #tpu.memory_space<vmem>>
      tpu.enqueue_dma source(%dma_start3A_902 : memref<128x64xf32, #tpu.memory_space<vmem>>) target(%dma_start3A_898 : memref<128x64xf32, #tpu.memory_space<vmem_shared>>) target_semaphore(%run_scoped3A_890 : memref<!tpu.dma_semaphore, #tpu.memory_space<semaphore_mem>>)
      %dma_wait3A_903 = arith.constant 0 : i32
      %dma_wait3A_904 = arith.constant 0 : i32
      %dma_wait3A_905 = tpu.memref_slice %arg10[%run_scoped3A_15, %dma_wait3A_903, %dma_wait3A_904] : memref<2x128x64xf32, #tpu.memory_space<vmem>> -> memref<1x128x64xf32, #tpu.memory_space<vmem>>
      %dma_wait3A_906 = tpu.memref_squeeze %dma_wait3A_905 : memref<1x128x64xf32, #tpu.memory_space<vmem>> -> memref<128x64xf32, #tpu.memory_space<vmem>>
      %dma_wait3A_907 = arith.constant 0 : i32
      %dma_wait3A_908 = tpu.memref_slice %arg7[%add3A_14, %dma_wait3A_907] : memref<10240x64xf32, #tpu.memory_space<vmem_shared>> -> memref<128x64xf32, #tpu.memory_space<vmem_shared>>
      %dma_wait3A_909 = arith.constant 0 : i32
      %dma_wait3A_910 = tpu.memref_slice %arg7[%add3A_14, %dma_wait3A_909] : memref<10240x64xf32, #tpu.memory_space<vmem_shared>> -> memref<128x64xf32, #tpu.memory_space<vmem_shared>>
      %dma_wait3A_911 = arith.constant 0 : i32
      %dma_wait3A_912 = arith.constant 0 : i32
      %dma_wait3A_913 = tpu.memref_slice %arg10[%run_scoped3A_15, %dma_wait3A_911, %dma_wait3A_912] : memref<2x128x64xf32, #tpu.memory_space<vmem>> -> memref<1x128x64xf32, #tpu.memory_space<vmem>>
      %dma_wait3A_914 = tpu.memref_squeeze %dma_wait3A_913 : memref<1x128x64xf32, #tpu.memory_space<vmem>> -> memref<128x64xf32, #tpu.memory_space<vmem>>
      tpu.wait_dma2 semaphore(%run_scoped3A_890 : memref<!tpu.dma_semaphore, #tpu.memory_space<semaphore_mem>>) src(%dma_wait3A_914 : memref<128x64xf32, #tpu.memory_space<vmem>>) dst(%dma_wait3A_910 : memref<128x64xf32, #tpu.memory_space<vmem_shared>>)
      tpu.yield
    }) : () -> ()
    %add3A_16 = arith.constant 512 : i32
    %add3A_17 = arith.addi %mul3A_0, %add3A_16 : i32
    %run_scoped3A_18 = arith.constant 0 : i32
    "tpu.region"() ({
      %run_scoped3A_890 = tpu.sem_alloc : memref<!tpu.dma_semaphore, #tpu.memory_space<semaphore_mem>>
      %dma_start3A_891 = arith.constant 0 : i32
      %dma_start3A_892 = arith.constant 0 : i32
      %dma_start3A_893 = tpu.memref_slice %arg10[%run_scoped3A_18, %dma_start3A_891, %dma_start3A_892] : memref<2x128x64xf32, #tpu.memory_space<vmem>> -> memref<1x128x64xf32, #tpu.memory_space<vmem>>
      %dma_start3A_894 = tpu.memref_squeeze %dma_start3A_893 : memref<1x128x64xf32, #tpu.memory_space<vmem>> -> memref<128x64xf32, #tpu.memory_space<vmem>>
      %dma_start3A_895 = arith.constant 0 : i32
      %dma_start3A_896 = tpu.memref_slice %arg7[%add3A_17, %dma_start3A_895] : memref<10240x64xf32, #tpu.memory_space<vmem_shared>> -> memref<128x64xf32, #tpu.memory_space<vmem_shared>>
      %dma_start3A_897 = arith.constant 0 : i32
      %dma_start3A_898 = tpu.memref_slice %arg7[%add3A_17, %dma_start3A_897] : memref<10240x64xf32, #tpu.memory_space<vmem_shared>> -> memref<128x64xf32, #tpu.memory_space<vmem_shared>>
      %dma_start3A_899 = arith.constant 0 : i32
      %dma_start3A_900 = arith.constant 0 : i32
      %dma_start3A_901 = tpu.memref_slice %arg10[%run_scoped3A_18, %dma_start3A_899, %dma_start3A_900] : memref<2x128x64xf32, #tpu.memory_space<vmem>> -> memref<1x128x64xf32, #tpu.memory_space<vmem>>
      %dma_start3A_902 = tpu.memref_squeeze %dma_start3A_901 : memref<1x128x64xf32, #tpu.memory_space<vmem>> -> memref<128x64xf32, #tpu.memory_space<vmem>>
      tpu.enqueue_dma source(%dma_start3A_902 : memref<128x64xf32, #tpu.memory_space<vmem>>) target(%dma_start3A_898 : memref<128x64xf32, #tpu.memory_space<vmem_shared>>) target_semaphore(%run_scoped3A_890 : memref<!tpu.dma_semaphore, #tpu.memory_space<semaphore_mem>>)
      %dma_wait3A_903 = arith.constant 0 : i32
      %dma_wait3A_904 = arith.constant 0 : i32
      %dma_wait3A_905 = tpu.memref_slice %arg10[%run_scoped3A_18, %dma_wait3A_903, %dma_wait3A_904] : memref<2x128x64xf32, #tpu.memory_space<vmem>> -> memref<1x128x64xf32, #tpu.memory_space<vmem>>
      %dma_wait3A_906 = tpu.memref_squeeze %dma_wait3A_905 : memref<1x128x64xf32, #tpu.memory_space<vmem>> -> memref<128x64xf32, #tpu.memory_space<vmem>>
      %dma_wait3A_907 = arith.constant 0 : i32
      %dma_wait3A_908 = tpu.memref_slice %arg7[%add3A_17, %dma_wait3A_907] : memref<10240x64xf32, #tpu.memory_space<vmem_shared>> -> memref<128x64xf32, #tpu.memory_space<vmem_shared>>
      %dma_wait3A_909 = arith.constant 0 : i32
      %dma_wait3A_910 = tpu.memref_slice %arg7[%add3A_17, %dma_wait3A_909] : memref<10240x64xf32, #tpu.memory_space<vmem_shared>> -> memref<128x64xf32, #tpu.memory_space<vmem_shared>>
      %dma_wait3A_911 = arith.constant 0 : i32
      %dma_wait3A_912 = arith.constant 0 : i32
      %dma_wait3A_913 = tpu.memref_slice %arg10[%run_scoped3A_18, %dma_wait3A_911, %dma_wait3A_912] : memref<2x128x64xf32, #tpu.memory_space<vmem>> -> memref<1x128x64xf32, #tpu.memory_space<vmem>>
      %dma_wait3A_914 = tpu.memref_squeeze %dma_wait3A_913 : memref<1x128x64xf32, #tpu.memory_space<vmem>> -> memref<128x64xf32, #tpu.memory_space<vmem>>
      tpu.wait_dma2 semaphore(%run_scoped3A_890 : memref<!tpu.dma_semaphore, #tpu.memory_space<semaphore_mem>>) src(%dma_wait3A_914 : memref<128x64xf32, #tpu.memory_space<vmem>>) dst(%dma_wait3A_910 : memref<128x64xf32, #tpu.memory_space<vmem_shared>>)
      tpu.yield
    }) : () -> ()
    %barrier3A = arith.constant 0 : index
    tpu.barrier barrier_id(%barrier3A)
    %mul3A_19 = arith.constant 160 : i32
    %mul3A_20 = arith.muli %arg1, %mul3A_19 : i32
    %add3A_21 = arith.constant 0 : i32
    %add3A_22 = arith.addi %mul3A_20, %add3A_21 : i32
    %dma_start3A = arith.constant 0 : i32
    %dma_start3A_23 = arith.constant 0 : i32
    %dma_start3A_24 = tpu.memref_slice %arg8[%dma_start3A, %dma_start3A_23] : memref<8x128xi32, #tpu.memory_space<vmem>> -> memref<1x128xi32, #tpu.memory_space<vmem>>
    %dma_start3A_25 = tpu.memref_squeeze %dma_start3A_24 : memref<1x128xi32, #tpu.memory_space<vmem>> -> memref<128xi32, #tpu.memory_space<vmem>>
    %dma_start3A_26 = arith.constant 0 : i32
    %dma_start3A_27 = tpu.memref_slice %arg3[%add3A_22, %dma_start3A_26] : memref<2560x128xi32, #tpu.memory_space<hbm>> -> memref<1x128xi32, #tpu.memory_space<hbm>>
    %dma_start3A_28 = tpu.memref_squeeze %dma_start3A_27 : memref<1x128xi32, #tpu.memory_space<hbm>> -> memref<128xi32, #tpu.memory_space<hbm>>
    %dma_start3A_29 = arith.constant 0 : i32
    %dma_start3A_30 = tpu.memref_slice %arg8[%dma_start3A, %dma_start3A_29] : memref<8x128xi32, #tpu.memory_space<vmem>> -> memref<1x128xi32, #tpu.memory_space<vmem>>
    %dma_start3A_31 = tpu.memref_squeeze %dma_start3A_30 : memref<1x128xi32, #tpu.memory_space<vmem>> -> memref<128xi32, #tpu.memory_space<vmem>>
    %dma_start3A_32 = arith.constant 0 : i32
    %dma_start3A_33 = tpu.memref_slice %arg3[%add3A_22, %dma_start3A_32] : memref<2560x128xi32, #tpu.memory_space<hbm>> -> memref<1x128xi32, #tpu.memory_space<hbm>>
    %dma_start3A_34 = tpu.memref_squeeze %dma_start3A_33 : memref<1x128xi32, #tpu.memory_space<hbm>> -> memref<128xi32, #tpu.memory_space<hbm>>
    tpu.enqueue_dma source(%dma_start3A_34 : memref<128xi32, #tpu.memory_space<hbm>>) target(%dma_start3A_31 : memref<128xi32, #tpu.memory_space<vmem>>) target_semaphore(%arg15 : memref<!tpu.dma_semaphore, #tpu.memory_space<semaphore_mem>>)
    %add3A_35 = arith.constant 0 : i32
    %add3A_36 = arith.addi %mul3A_20, %add3A_35 : i32
    %dma_start3A_37 = arith.constant 0 : i32
    %dma_start3A_38 = arith.constant 0 : i32
    %dma_start3A_39 = tpu.memref_slice %arg9[%dma_start3A_37, %dma_start3A_38] : memref<8x128xi32, #tpu.memory_space<vmem>> -> memref<1x128xi32, #tpu.memory_space<vmem>>
    %dma_start3A_40 = tpu.memref_squeeze %dma_start3A_39 : memref<1x128xi32, #tpu.memory_space<vmem>> -> memref<128xi32, #tpu.memory_space<vmem>>
    %dma_start3A_41 = arith.constant 0 : i32
    %dma_start3A_42 = tpu.memref_slice %arg4[%add3A_36, %dma_start3A_41] : memref<2560x128xi32, #tpu.memory_space<hbm>> -> memref<1x128xi32, #tpu.memory_space<hbm>>
    %dma_start3A_43 = tpu.memref_squeeze %dma_start3A_42 : memref<1x128xi32, #tpu.memory_space<hbm>> -> memref<128xi32, #tpu.memory_space<hbm>>
    %dma_start3A_44 = arith.constant 0 : i32
    %dma_start3A_45 = tpu.memref_slice %arg9[%dma_start3A_37, %dma_start3A_44] : memref<8x128xi32, #tpu.memory_space<vmem>> -> memref<1x128xi32, #tpu.memory_space<vmem>>
    %dma_start3A_46 = tpu.memref_squeeze %dma_start3A_45 : memref<1x128xi32, #tpu.memory_space<vmem>> -> memref<128xi32, #tpu.memory_space<vmem>>
    %dma_start3A_47 = arith.constant 0 : i32
    %dma_start3A_48 = tpu.memref_slice %arg4[%add3A_36, %dma_start3A_47] : memref<2560x128xi32, #tpu.memory_space<hbm>> -> memref<1x128xi32, #tpu.memory_space<hbm>>
    %dma_start3A_49 = tpu.memref_squeeze %dma_start3A_48 : memref<1x128xi32, #tpu.memory_space<hbm>> -> memref<128xi32, #tpu.memory_space<hbm>>
    tpu.enqueue_dma source(%dma_start3A_49 : memref<128xi32, #tpu.memory_space<hbm>>) target(%dma_start3A_46 : memref<128xi32, #tpu.memory_space<vmem>>) target_semaphore(%arg15 : memref<!tpu.dma_semaphore, #tpu.memory_space<semaphore_mem>>)
    %add3A_50 = arith.constant 1 : i32
    %add3A_51 = arith.addi %mul3A_20, %add3A_50 : i32
    %dma_start3A_52 = arith.constant 1 : i32
    %dma_start3A_53 = arith.constant 0 : i32
    %dma_start3A_54 = tpu.memref_slice %arg8[%dma_start3A_52, %dma_start3A_53] : memref<8x128xi32, #tpu.memory_space<vmem>> -> memref<1x128xi32, #tpu.memory_space<vmem>>
    %dma_start3A_55 = tpu.memref_squeeze %dma_start3A_54 : memref<1x128xi32, #tpu.memory_space<vmem>> -> memref<128xi32, #tpu.memory_space<vmem>>
    %dma_start3A_56 = arith.constant 0 : i32
    %dma_start3A_57 = tpu.memref_slice %arg3[%add3A_51, %dma_start3A_56] : memref<2560x128xi32, #tpu.memory_space<hbm>> -> memref<1x128xi32, #tpu.memory_space<hbm>>
    %dma_start3A_58 = tpu.memref_squeeze %dma_start3A_57 : memref<1x128xi32, #tpu.memory_space<hbm>> -> memref<128xi32, #tpu.memory_space<hbm>>
    %dma_start3A_59 = arith.constant 0 : i32
    %dma_start3A_60 = tpu.memref_slice %arg8[%dma_start3A_52, %dma_start3A_59] : memref<8x128xi32, #tpu.memory_space<vmem>> -> memref<1x128xi32, #tpu.memory_space<vmem>>
    %dma_start3A_61 = tpu.memref_squeeze %dma_start3A_60 : memref<1x128xi32, #tpu.memory_space<vmem>> -> memref<128xi32, #tpu.memory_space<vmem>>
    %dma_start3A_62 = arith.constant 0 : i32
    %dma_start3A_63 = tpu.memref_slice %arg3[%add3A_51, %dma_start3A_62] : memref<2560x128xi32, #tpu.memory_space<hbm>> -> memref<1x128xi32, #tpu.memory_space<hbm>>
    %dma_start3A_64 = tpu.memref_squeeze %dma_start3A_63 : memref<1x128xi32, #tpu.memory_space<hbm>> -> memref<128xi32, #tpu.memory_space<hbm>>
    tpu.enqueue_dma source(%dma_start3A_64 : memref<128xi32, #tpu.memory_space<hbm>>) target(%dma_start3A_61 : memref<128xi32, #tpu.memory_space<vmem>>) target_semaphore(%arg16 : memref<!tpu.dma_semaphore, #tpu.memory_space<semaphore_mem>>)
    %add3A_65 = arith.constant 1 : i32
    %add3A_66 = arith.addi %mul3A_20, %add3A_65 : i32
    %dma_start3A_67 = arith.constant 1 : i32
    %dma_start3A_68 = arith.constant 0 : i32
    %dma_start3A_69 = tpu.memref_slice %arg9[%dma_start3A_67, %dma_start3A_68] : memref<8x128xi32, #tpu.memory_space<vmem>> -> memref<1x128xi32, #tpu.memory_space<vmem>>
    %dma_start3A_70 = tpu.memref_squeeze %dma_start3A_69 : memref<1x128xi32, #tpu.memory_space<vmem>> -> memref<128xi32, #tpu.memory_space<vmem>>
    %dma_start3A_71 = arith.constant 0 : i32
    %dma_start3A_72 = tpu.memref_slice %arg4[%add3A_66, %dma_start3A_71] : memref<2560x128xi32, #tpu.memory_space<hbm>> -> memref<1x128xi32, #tpu.memory_space<hbm>>
    %dma_start3A_73 = tpu.memref_squeeze %dma_start3A_72 : memref<1x128xi32, #tpu.memory_space<hbm>> -> memref<128xi32, #tpu.memory_space<hbm>>
    %dma_start3A_74 = arith.constant 0 : i32
    %dma_start3A_75 = tpu.memref_slice %arg9[%dma_start3A_67, %dma_start3A_74] : memref<8x128xi32, #tpu.memory_space<vmem>> -> memref<1x128xi32, #tpu.memory_space<vmem>>
    %dma_start3A_76 = tpu.memref_squeeze %dma_start3A_75 : memref<1x128xi32, #tpu.memory_space<vmem>> -> memref<128xi32, #tpu.memory_space<vmem>>
    %dma_start3A_77 = arith.constant 0 : i32
    %dma_start3A_78 = tpu.memref_slice %arg4[%add3A_66, %dma_start3A_77] : memref<2560x128xi32, #tpu.memory_space<hbm>> -> memref<1x128xi32, #tpu.memory_space<hbm>>
    %dma_start3A_79 = tpu.memref_squeeze %dma_start3A_78 : memref<1x128xi32, #tpu.memory_space<hbm>> -> memref<128xi32, #tpu.memory_space<hbm>>
    tpu.enqueue_dma source(%dma_start3A_79 : memref<128xi32, #tpu.memory_space<hbm>>) target(%dma_start3A_76 : memref<128xi32, #tpu.memory_space<vmem>>) target_semaphore(%arg16 : memref<!tpu.dma_semaphore, #tpu.memory_space<semaphore_mem>>)
    %add3A_80 = arith.constant 2 : i32
    %add3A_81 = arith.addi %mul3A_20, %add3A_80 : i32
    %dma_start3A_82 = arith.constant 2 : i32
    %dma_start3A_83 = arith.constant 0 : i32
    %dma_start3A_84 = tpu.memref_slice %arg8[%dma_start3A_82, %dma_start3A_83] : memref<8x128xi32, #tpu.memory_space<vmem>> -> memref<1x128xi32, #tpu.memory_space<vmem>>
    %dma_start3A_85 = tpu.memref_squeeze %dma_start3A_84 : memref<1x128xi32, #tpu.memory_space<vmem>> -> memref<128xi32, #tpu.memory_space<vmem>>
    %dma_start3A_86 = arith.constant 0 : i32
    %dma_start3A_87 = tpu.memref_slice %arg3[%add3A_81, %dma_start3A_86] : memref<2560x128xi32, #tpu.memory_space<hbm>> -> memref<1x128xi32, #tpu.memory_space<hbm>>
    %dma_start3A_88 = tpu.memref_squeeze %dma_start3A_87 : memref<1x128xi32, #tpu.memory_space<hbm>> -> memref<128xi32, #tpu.memory_space<hbm>>
    %dma_start3A_89 = arith.constant 0 : i32
    %dma_start3A_90 = tpu.memref_slice %arg8[%dma_start3A_82, %dma_start3A_89] : memref<8x128xi32, #tpu.memory_space<vmem>> -> memref<1x128xi32, #tpu.memory_space<vmem>>
    %dma_start3A_91 = tpu.memref_squeeze %dma_start3A_90 : memref<1x128xi32, #tpu.memory_space<vmem>> -> memref<128xi32, #tpu.memory_space<vmem>>
    %dma_start3A_92 = arith.constant 0 : i32
    %dma_start3A_93 = tpu.memref_slice %arg3[%add3A_81, %dma_start3A_92] : memref<2560x128xi32, #tpu.memory_space<hbm>> -> memref<1x128xi32, #tpu.memory_space<hbm>>
    %dma_start3A_94 = tpu.memref_squeeze %dma_start3A_93 : memref<1x128xi32, #tpu.memory_space<hbm>> -> memref<128xi32, #tpu.memory_space<hbm>>
    tpu.enqueue_dma source(%dma_start3A_94 : memref<128xi32, #tpu.memory_space<hbm>>) target(%dma_start3A_91 : memref<128xi32, #tpu.memory_space<vmem>>) target_semaphore(%arg17 : memref<!tpu.dma_semaphore, #tpu.memory_space<semaphore_mem>>)
    %add3A_95 = arith.constant 2 : i32
    %add3A_96 = arith.addi %mul3A_20, %add3A_95 : i32
    %dma_start3A_97 = arith.constant 2 : i32
    %dma_start3A_98 = arith.constant 0 : i32
    %dma_start3A_99 = tpu.memref_slice %arg9[%dma_start3A_97, %dma_start3A_98] : memref<8x128xi32, #tpu.memory_space<vmem>> -> memref<1x128xi32, #tpu.memory_space<vmem>>
    %dma_start3A_100 = tpu.memref_squeeze %dma_start3A_99 : memref<1x128xi32, #tpu.memory_space<vmem>> -> memref<128xi32, #tpu.memory_space<vmem>>
    %dma_start3A_101 = arith.constant 0 : i32
    %dma_start3A_102 = tpu.memref_slice %arg4[%add3A_96, %dma_start3A_101] : memref<2560x128xi32, #tpu.memory_space<hbm>> -> memref<1x128xi32, #tpu.memory_space<hbm>>
    %dma_start3A_103 = tpu.memref_squeeze %dma_start3A_102 : memref<1x128xi32, #tpu.memory_space<hbm>> -> memref<128xi32, #tpu.memory_space<hbm>>
    %dma_start3A_104 = arith.constant 0 : i32
    %dma_start3A_105 = tpu.memref_slice %arg9[%dma_start3A_97, %dma_start3A_104] : memref<8x128xi32, #tpu.memory_space<vmem>> -> memref<1x128xi32, #tpu.memory_space<vmem>>
    %dma_start3A_106 = tpu.memref_squeeze %dma_start3A_105 : memref<1x128xi32, #tpu.memory_space<vmem>> -> memref<128xi32, #tpu.memory_space<vmem>>
    %dma_start3A_107 = arith.constant 0 : i32
    %dma_start3A_108 = tpu.memref_slice %arg4[%add3A_96, %dma_start3A_107] : memref<2560x128xi32, #tpu.memory_space<hbm>> -> memref<1x128xi32, #tpu.memory_space<hbm>>
    %dma_start3A_109 = tpu.memref_squeeze %dma_start3A_108 : memref<1x128xi32, #tpu.memory_space<hbm>> -> memref<128xi32, #tpu.memory_space<hbm>>
    tpu.enqueue_dma source(%dma_start3A_109 : memref<128xi32, #tpu.memory_space<hbm>>) target(%dma_start3A_106 : memref<128xi32, #tpu.memory_space<vmem>>) target_semaphore(%arg17 : memref<!tpu.dma_semaphore, #tpu.memory_space<semaphore_mem>>)
    %add3A_110 = arith.constant 0 : i32
    %add3A_111 = arith.addi %mul3A_20, %add3A_110 : i32
    %dma_wait3A = arith.constant 0 : i32
    %dma_wait3A_112 = arith.constant 0 : i32
    %dma_wait3A_113 = tpu.memref_slice %arg8[%dma_wait3A, %dma_wait3A_112] : memref<8x128xi32, #tpu.memory_space<vmem>> -> memref<1x128xi32, #tpu.memory_space<vmem>>
    %dma_wait3A_114 = tpu.memref_squeeze %dma_wait3A_113 : memref<1x128xi32, #tpu.memory_space<vmem>> -> memref<128xi32, #tpu.memory_space<vmem>>
    %dma_wait3A_115 = arith.constant 0 : i32
    %dma_wait3A_116 = tpu.memref_slice %arg3[%add3A_111, %dma_wait3A_115] : memref<2560x128xi32, #tpu.memory_space<hbm>> -> memref<1x128xi32, #tpu.memory_space<hbm>>
    %dma_wait3A_117 = tpu.memref_squeeze %dma_wait3A_116 : memref<1x128xi32, #tpu.memory_space<hbm>> -> memref<128xi32, #tpu.memory_space<hbm>>
    %dma_wait3A_118 = arith.constant 0 : i32
    %dma_wait3A_119 = tpu.memref_slice %arg8[%dma_wait3A, %dma_wait3A_118] : memref<8x128xi32, #tpu.memory_space<vmem>> -> memref<1x128xi32, #tpu.memory_space<vmem>>
    %dma_wait3A_120 = tpu.memref_squeeze %dma_wait3A_119 : memref<1x128xi32, #tpu.memory_space<vmem>> -> memref<128xi32, #tpu.memory_space<vmem>>
    %dma_wait3A_121 = arith.constant 0 : i32
    %dma_wait3A_122 = tpu.memref_slice %arg3[%add3A_111, %dma_wait3A_121] : memref<2560x128xi32, #tpu.memory_space<hbm>> -> memref<1x128xi32, #tpu.memory_space<hbm>>
    %dma_wait3A_123 = tpu.memref_squeeze %dma_wait3A_122 : memref<1x128xi32, #tpu.memory_space<hbm>> -> memref<128xi32, #tpu.memory_space<hbm>>
    tpu.wait_dma2 semaphore(%arg15 : memref<!tpu.dma_semaphore, #tpu.memory_space<semaphore_mem>>) src(%dma_wait3A_123 : memref<128xi32, #tpu.memory_space<hbm>>) dst(%dma_wait3A_120 : memref<128xi32, #tpu.memory_space<vmem>>)
    %add3A_124 = arith.constant 0 : i32
    %add3A_125 = arith.addi %mul3A_20, %add3A_124 : i32
    %dma_wait3A_126 = arith.constant 0 : i32
    %dma_wait3A_127 = arith.constant 0 : i32
    %dma_wait3A_128 = tpu.memref_slice %arg9[%dma_wait3A_126, %dma_wait3A_127] : memref<8x128xi32, #tpu.memory_space<vmem>> -> memref<1x128xi32, #tpu.memory_space<vmem>>
    %dma_wait3A_129 = tpu.memref_squeeze %dma_wait3A_128 : memref<1x128xi32, #tpu.memory_space<vmem>> -> memref<128xi32, #tpu.memory_space<vmem>>
    %dma_wait3A_130 = arith.constant 0 : i32
    %dma_wait3A_131 = tpu.memref_slice %arg4[%add3A_125, %dma_wait3A_130] : memref<2560x128xi32, #tpu.memory_space<hbm>> -> memref<1x128xi32, #tpu.memory_space<hbm>>
    %dma_wait3A_132 = tpu.memref_squeeze %dma_wait3A_131 : memref<1x128xi32, #tpu.memory_space<hbm>> -> memref<128xi32, #tpu.memory_space<hbm>>
    %dma_wait3A_133 = arith.constant 0 : i32
    %dma_wait3A_134 = tpu.memref_slice %arg9[%dma_wait3A_126, %dma_wait3A_133] : memref<8x128xi32, #tpu.memory_space<vmem>> -> memref<1x128xi32, #tpu.memory_space<vmem>>
    %dma_wait3A_135 = tpu.memref_squeeze %dma_wait3A_134 : memref<1x128xi32, #tpu.memory_space<vmem>> -> memref<128xi32, #tpu.memory_space<vmem>>
    %dma_wait3A_136 = arith.constant 0 : i32
    %dma_wait3A_137 = tpu.memref_slice %arg4[%add3A_125, %dma_wait3A_136] : memref<2560x128xi32, #tpu.memory_space<hbm>> -> memref<1x128xi32, #tpu.memory_space<hbm>>
    %dma_wait3A_138 = tpu.memref_squeeze %dma_wait3A_137 : memref<1x128xi32, #tpu.memory_space<hbm>> -> memref<128xi32, #tpu.memory_space<hbm>>
    tpu.wait_dma2 semaphore(%arg15 : memref<!tpu.dma_semaphore, #tpu.memory_space<semaphore_mem>>) src(%dma_wait3A_138 : memref<128xi32, #tpu.memory_space<hbm>>) dst(%dma_wait3A_135 : memref<128xi32, #tpu.memory_space<vmem>>)
    %dma_start3A_139 = arith.constant 0 : i32
    %dma_start3A_140 = arith.constant 0 : i32
    %dma_start3A_141 = arith.constant 0 : i32
    %dma_start3A_142 = arith.constant 0 : i32
    %dma_start3A_143 = tpu.memref_slice %arg10[%dma_start3A_140, %dma_start3A_141, %dma_start3A_142] : memref<2x128x64xf32, #tpu.memory_space<vmem>> -> memref<1x128x64xf32, #tpu.memory_space<vmem>>
    %dma_start3A_144 = tpu.memref_squeeze %dma_start3A_143 : memref<1x128x64xf32, #tpu.memory_space<vmem>> -> memref<128x64xf32, #tpu.memory_space<vmem>>
    %dma_start3A_145 = arith.constant 0 : i32
    %dma_start3A_146 = tpu.memref_slice %arg8[%dma_start3A_139, %dma_start3A_145] : memref<8x128xi32, #tpu.memory_space<vmem>> -> memref<1x128xi32, #tpu.memory_space<vmem>>
    %dma_start3A_147 = tpu.memref_squeeze %dma_start3A_146 : memref<1x128xi32, #tpu.memory_space<vmem>> -> memref<128xi32, #tpu.memory_space<vmem>>
    %dma_start3A_148 = arith.constant 0 : i32
    %dma_start3A_149 = arith.constant 0 : i32
    %dma_start3A_150 = tpu.memref_slice %arg6[%dma_start3A_148, %dma_start3A_149] : memref<10240x64xf32, #tpu.memory_space<vmem_shared>> -> memref<10240x64xf32, #tpu.memory_space<vmem_shared>>
    tpu.enqueue_indirect_dma source(%dma_start3A_150 : memref<10240x64xf32, #tpu.memory_space<vmem_shared>>) target(%dma_start3A_144 : memref<128x64xf32, #tpu.memory_space<vmem>>) offsets(%dma_start3A_147 : memref<128xi32, #tpu.memory_space<vmem>>) semaphore(%arg11 : memref<!tpu.dma_semaphore, #tpu.memory_space<semaphore_mem>>)
    %dma_wait3A_151 = arith.constant 0 : i32
    %dma_wait3A_152 = arith.constant 0 : i32
    %dma_wait3A_153 = arith.constant 0 : i32
    %dma_wait3A_154 = arith.constant 0 : i32
    %dma_wait3A_155 = tpu.memref_slice %arg10[%dma_wait3A_152, %dma_wait3A_153, %dma_wait3A_154] : memref<2x128x64xf32, #tpu.memory_space<vmem>> -> memref<1x128x64xf32, #tpu.memory_space<vmem>>
    %dma_wait3A_156 = tpu.memref_squeeze %dma_wait3A_155 : memref<1x128x64xf32, #tpu.memory_space<vmem>> -> memref<128x64xf32, #tpu.memory_space<vmem>>
    %dma_wait3A_157 = arith.constant 0 : i32
    %dma_wait3A_158 = tpu.memref_slice %arg8[%dma_wait3A_151, %dma_wait3A_157] : memref<8x128xi32, #tpu.memory_space<vmem>> -> memref<1x128xi32, #tpu.memory_space<vmem>>
    %dma_wait3A_159 = tpu.memref_squeeze %dma_wait3A_158 : memref<1x128xi32, #tpu.memory_space<vmem>> -> memref<128xi32, #tpu.memory_space<vmem>>
    %dma_wait3A_160 = arith.constant 0 : i32
    %dma_wait3A_161 = arith.constant 0 : i32
    %dma_wait3A_162 = tpu.memref_slice %arg6[%dma_wait3A_160, %dma_wait3A_161] : memref<10240x64xf32, #tpu.memory_space<vmem_shared>> -> memref<10240x64xf32, #tpu.memory_space<vmem_shared>>
    tpu.wait_indirect_dma semaphore(%arg11 : memref<!tpu.dma_semaphore, #tpu.memory_space<semaphore_mem>>) src(%dma_wait3A_162 : memref<10240x64xf32, #tpu.memory_space<vmem_shared>>) dst(%dma_wait3A_156 : memref<128x64xf32, #tpu.memory_space<vmem>>)
    %add3A_163 = arith.constant 3 : i32
    %add3A_164 = arith.addi %mul3A_20, %add3A_163 : i32
    %dma_start3A_165 = arith.constant 3 : i32
    %dma_start3A_166 = arith.constant 0 : i32
    %dma_start3A_167 = tpu.memref_slice %arg8[%dma_start3A_165, %dma_start3A_166] : memref<8x128xi32, #tpu.memory_space<vmem>> -> memref<1x128xi32, #tpu.memory_space<vmem>>
    %dma_start3A_168 = tpu.memref_squeeze %dma_start3A_167 : memref<1x128xi32, #tpu.memory_space<vmem>> -> memref<128xi32, #tpu.memory_space<vmem>>
    %dma_start3A_169 = arith.constant 0 : i32
    %dma_start3A_170 = tpu.memref_slice %arg3[%add3A_164, %dma_start3A_169] : memref<2560x128xi32, #tpu.memory_space<hbm>> -> memref<1x128xi32, #tpu.memory_space<hbm>>
    %dma_start3A_171 = tpu.memref_squeeze %dma_start3A_170 : memref<1x128xi32, #tpu.memory_space<hbm>> -> memref<128xi32, #tpu.memory_space<hbm>>
    %dma_start3A_172 = arith.constant 0 : i32
    %dma_start3A_173 = tpu.memref_slice %arg8[%dma_start3A_165, %dma_start3A_172] : memref<8x128xi32, #tpu.memory_space<vmem>> -> memref<1x128xi32, #tpu.memory_space<vmem>>
    %dma_start3A_174 = tpu.memref_squeeze %dma_start3A_173 : memref<1x128xi32, #tpu.memory_space<vmem>> -> memref<128xi32, #tpu.memory_space<vmem>>
    %dma_start3A_175 = arith.constant 0 : i32
    %dma_start3A_176 = tpu.memref_slice %arg3[%add3A_164, %dma_start3A_175] : memref<2560x128xi32, #tpu.memory_space<hbm>> -> memref<1x128xi32, #tpu.memory_space<hbm>>
    %dma_start3A_177 = tpu.memref_squeeze %dma_start3A_176 : memref<1x128xi32, #tpu.memory_space<hbm>> -> memref<128xi32, #tpu.memory_space<hbm>>
    tpu.enqueue_dma source(%dma_start3A_177 : memref<128xi32, #tpu.memory_space<hbm>>) target(%dma_start3A_174 : memref<128xi32, #tpu.memory_space<vmem>>) target_semaphore(%arg18 : memref<!tpu.dma_semaphore, #tpu.memory_space<semaphore_mem>>)
    %add3A_178 = arith.constant 3 : i32
    %add3A_179 = arith.addi %mul3A_20, %add3A_178 : i32
    %dma_start3A_180 = arith.constant 3 : i32
    %dma_start3A_181 = arith.constant 0 : i32
    %dma_start3A_182 = tpu.memref_slice %arg9[%dma_start3A_180, %dma_start3A_181] : memref<8x128xi32, #tpu.memory_space<vmem>> -> memref<1x128xi32, #tpu.memory_space<vmem>>
    %dma_start3A_183 = tpu.memref_squeeze %dma_start3A_182 : memref<1x128xi32, #tpu.memory_space<vmem>> -> memref<128xi32, #tpu.memory_space<vmem>>
    %dma_start3A_184 = arith.constant 0 : i32
    %dma_start3A_185 = tpu.memref_slice %arg4[%add3A_179, %dma_start3A_184] : memref<2560x128xi32, #tpu.memory_space<hbm>> -> memref<1x128xi32, #tpu.memory_space<hbm>>
    %dma_start3A_186 = tpu.memref_squeeze %dma_start3A_185 : memref<1x128xi32, #tpu.memory_space<hbm>> -> memref<128xi32, #tpu.memory_space<hbm>>
    %dma_start3A_187 = arith.constant 0 : i32
    %dma_start3A_188 = tpu.memref_slice %arg9[%dma_start3A_180, %dma_start3A_187] : memref<8x128xi32, #tpu.memory_space<vmem>> -> memref<1x128xi32, #tpu.memory_space<vmem>>
    %dma_start3A_189 = tpu.memref_squeeze %dma_start3A_188 : memref<1x128xi32, #tpu.memory_space<vmem>> -> memref<128xi32, #tpu.memory_space<vmem>>
    %dma_start3A_190 = arith.constant 0 : i32
    %dma_start3A_191 = tpu.memref_slice %arg4[%add3A_179, %dma_start3A_190] : memref<2560x128xi32, #tpu.memory_space<hbm>> -> memref<1x128xi32, #tpu.memory_space<hbm>>
    %dma_start3A_192 = tpu.memref_squeeze %dma_start3A_191 : memref<1x128xi32, #tpu.memory_space<hbm>> -> memref<128xi32, #tpu.memory_space<hbm>>
    tpu.enqueue_dma source(%dma_start3A_192 : memref<128xi32, #tpu.memory_space<hbm>>) target(%dma_start3A_189 : memref<128xi32, #tpu.memory_space<vmem>>) target_semaphore(%arg18 : memref<!tpu.dma_semaphore, #tpu.memory_space<semaphore_mem>>)
    %add3A_193 = arith.constant 1 : i32
    %add3A_194 = arith.addi %mul3A_20, %add3A_193 : i32
    %dma_wait3A_195 = arith.constant 1 : i32
    %dma_wait3A_196 = arith.constant 0 : i32
    %dma_wait3A_197 = tpu.memref_slice %arg8[%dma_wait3A_195, %dma_wait3A_196] : memref<8x128xi32, #tpu.memory_space<vmem>> -> memref<1x128xi32, #tpu.memory_space<vmem>>
    %dma_wait3A_198 = tpu.memref_squeeze %dma_wait3A_197 : memref<1x128xi32, #tpu.memory_space<vmem>> -> memref<128xi32, #tpu.memory_space<vmem>>
    %dma_wait3A_199 = arith.constant 0 : i32
    %dma_wait3A_200 = tpu.memref_slice %arg3[%add3A_194, %dma_wait3A_199] : memref<2560x128xi32, #tpu.memory_space<hbm>> -> memref<1x128xi32, #tpu.memory_space<hbm>>
    %dma_wait3A_201 = tpu.memref_squeeze %dma_wait3A_200 : memref<1x128xi32, #tpu.memory_space<hbm>> -> memref<128xi32, #tpu.memory_space<hbm>>
    %dma_wait3A_202 = arith.constant 0 : i32
    %dma_wait3A_203 = tpu.memref_slice %arg8[%dma_wait3A_195, %dma_wait3A_202] : memref<8x128xi32, #tpu.memory_space<vmem>> -> memref<1x128xi32, #tpu.memory_space<vmem>>
    %dma_wait3A_204 = tpu.memref_squeeze %dma_wait3A_203 : memref<1x128xi32, #tpu.memory_space<vmem>> -> memref<128xi32, #tpu.memory_space<vmem>>
    %dma_wait3A_205 = arith.constant 0 : i32
    %dma_wait3A_206 = tpu.memref_slice %arg3[%add3A_194, %dma_wait3A_205] : memref<2560x128xi32, #tpu.memory_space<hbm>> -> memref<1x128xi32, #tpu.memory_space<hbm>>
    %dma_wait3A_207 = tpu.memref_squeeze %dma_wait3A_206 : memref<1x128xi32, #tpu.memory_space<hbm>> -> memref<128xi32, #tpu.memory_space<hbm>>
    tpu.wait_dma2 semaphore(%arg16 : memref<!tpu.dma_semaphore, #tpu.memory_space<semaphore_mem>>) src(%dma_wait3A_207 : memref<128xi32, #tpu.memory_space<hbm>>) dst(%dma_wait3A_204 : memref<128xi32, #tpu.memory_space<vmem>>)
    %add3A_208 = arith.constant 1 : i32
    %add3A_209 = arith.addi %mul3A_20, %add3A_208 : i32
    %dma_wait3A_210 = arith.constant 1 : i32
    %dma_wait3A_211 = arith.constant 0 : i32
    %dma_wait3A_212 = tpu.memref_slice %arg9[%dma_wait3A_210, %dma_wait3A_211] : memref<8x128xi32, #tpu.memory_space<vmem>> -> memref<1x128xi32, #tpu.memory_space<vmem>>
    %dma_wait3A_213 = tpu.memref_squeeze %dma_wait3A_212 : memref<1x128xi32, #tpu.memory_space<vmem>> -> memref<128xi32, #tpu.memory_space<vmem>>
    %dma_wait3A_214 = arith.constant 0 : i32
    %dma_wait3A_215 = tpu.memref_slice %arg4[%add3A_209, %dma_wait3A_214] : memref<2560x128xi32, #tpu.memory_space<hbm>> -> memref<1x128xi32, #tpu.memory_space<hbm>>
    %dma_wait3A_216 = tpu.memref_squeeze %dma_wait3A_215 : memref<1x128xi32, #tpu.memory_space<hbm>> -> memref<128xi32, #tpu.memory_space<hbm>>
    %dma_wait3A_217 = arith.constant 0 : i32
    %dma_wait3A_218 = tpu.memref_slice %arg9[%dma_wait3A_210, %dma_wait3A_217] : memref<8x128xi32, #tpu.memory_space<vmem>> -> memref<1x128xi32, #tpu.memory_space<vmem>>
    %dma_wait3A_219 = tpu.memref_squeeze %dma_wait3A_218 : memref<1x128xi32, #tpu.memory_space<vmem>> -> memref<128xi32, #tpu.memory_space<vmem>>
    %dma_wait3A_220 = arith.constant 0 : i32
    %dma_wait3A_221 = tpu.memref_slice %arg4[%add3A_209, %dma_wait3A_220] : memref<2560x128xi32, #tpu.memory_space<hbm>> -> memref<1x128xi32, #tpu.memory_space<hbm>>
    %dma_wait3A_222 = tpu.memref_squeeze %dma_wait3A_221 : memref<1x128xi32, #tpu.memory_space<hbm>> -> memref<128xi32, #tpu.memory_space<hbm>>
    tpu.wait_dma2 semaphore(%arg16 : memref<!tpu.dma_semaphore, #tpu.memory_space<semaphore_mem>>) src(%dma_wait3A_222 : memref<128xi32, #tpu.memory_space<hbm>>) dst(%dma_wait3A_219 : memref<128xi32, #tpu.memory_space<vmem>>)
    %dma_start3A_223 = arith.constant 1 : i32
    %dma_start3A_224 = arith.constant 1 : i32
    %dma_start3A_225 = arith.constant 0 : i32
    %dma_start3A_226 = arith.constant 0 : i32
    %dma_start3A_227 = tpu.memref_slice %arg10[%dma_start3A_224, %dma_start3A_225, %dma_start3A_226] : memref<2x128x64xf32, #tpu.memory_space<vmem>> -> memref<1x128x64xf32, #tpu.memory_space<vmem>>
    %dma_start3A_228 = tpu.memref_squeeze %dma_start3A_227 : memref<1x128x64xf32, #tpu.memory_space<vmem>> -> memref<128x64xf32, #tpu.memory_space<vmem>>
    %dma_start3A_229 = arith.constant 0 : i32
    %dma_start3A_230 = tpu.memref_slice %arg8[%dma_start3A_223, %dma_start3A_229] : memref<8x128xi32, #tpu.memory_space<vmem>> -> memref<1x128xi32, #tpu.memory_space<vmem>>
    %dma_start3A_231 = tpu.memref_squeeze %dma_start3A_230 : memref<1x128xi32, #tpu.memory_space<vmem>> -> memref<128xi32, #tpu.memory_space<vmem>>
    %dma_start3A_232 = arith.constant 0 : i32
    %dma_start3A_233 = arith.constant 0 : i32
    %dma_start3A_234 = tpu.memref_slice %arg6[%dma_start3A_232, %dma_start3A_233] : memref<10240x64xf32, #tpu.memory_space<vmem_shared>> -> memref<10240x64xf32, #tpu.memory_space<vmem_shared>>
    tpu.enqueue_indirect_dma source(%dma_start3A_234 : memref<10240x64xf32, #tpu.memory_space<vmem_shared>>) target(%dma_start3A_228 : memref<128x64xf32, #tpu.memory_space<vmem>>) offsets(%dma_start3A_231 : memref<128xi32, #tpu.memory_space<vmem>>) semaphore(%arg12 : memref<!tpu.dma_semaphore, #tpu.memory_space<semaphore_mem>>)
    %dma_start3A_235 = arith.constant 0 : i32
    %dma_start3A_236 = arith.constant 0 : i32
    %dma_start3A_237 = arith.constant 0 : i32
    %dma_start3A_238 = arith.constant 0 : i32
    %dma_start3A_239 = tpu.memref_slice %arg10[%dma_start3A_235, %dma_start3A_237, %dma_start3A_238] : memref<2x128x64xf32, #tpu.memory_space<vmem>> -> memref<1x128x64xf32, #tpu.memory_space<vmem>>
    %dma_start3A_240 = tpu.memref_squeeze %dma_start3A_239 : memref<1x128x64xf32, #tpu.memory_space<vmem>> -> memref<128x64xf32, #tpu.memory_space<vmem>>
    %dma_start3A_241 = arith.constant 0 : i32
    %dma_start3A_242 = tpu.memref_slice %arg9[%dma_start3A_236, %dma_start3A_241] : memref<8x128xi32, #tpu.memory_space<vmem>> -> memref<1x128xi32, #tpu.memory_space<vmem>>
    %dma_start3A_243 = tpu.memref_squeeze %dma_start3A_242 : memref<1x128xi32, #tpu.memory_space<vmem>> -> memref<128xi32, #tpu.memory_space<vmem>>
    %dma_start3A_244 = arith.constant 0 : i32
    %dma_start3A_245 = arith.constant 0 : i32
    %dma_start3A_246 = tpu.memref_slice %arg7[%dma_start3A_244, %dma_start3A_245] : memref<10240x64xf32, #tpu.memory_space<vmem_shared>> -> memref<10240x64xf32, #tpu.memory_space<vmem_shared>>
    tpu.enqueue_indirect_dma source(%dma_start3A_240 : memref<128x64xf32, #tpu.memory_space<vmem>>) target(%dma_start3A_246 : memref<10240x64xf32, #tpu.memory_space<vmem_shared>>) offsets(%dma_start3A_243 : memref<128xi32, #tpu.memory_space<vmem>>) semaphore(%arg13 : memref<!tpu.dma_semaphore, #tpu.memory_space<semaphore_mem>>) {add = true}
    %dma_wait3A_247 = arith.constant 1 : i32
    %dma_wait3A_248 = arith.constant 1 : i32
    %dma_wait3A_249 = arith.constant 0 : i32
    %dma_wait3A_250 = arith.constant 0 : i32
    %dma_wait3A_251 = tpu.memref_slice %arg10[%dma_wait3A_248, %dma_wait3A_249, %dma_wait3A_250] : memref<2x128x64xf32, #tpu.memory_space<vmem>> -> memref<1x128x64xf32, #tpu.memory_space<vmem>>
    %dma_wait3A_252 = tpu.memref_squeeze %dma_wait3A_251 : memref<1x128x64xf32, #tpu.memory_space<vmem>> -> memref<128x64xf32, #tpu.memory_space<vmem>>
    %dma_wait3A_253 = arith.constant 0 : i32
    %dma_wait3A_254 = tpu.memref_slice %arg8[%dma_wait3A_247, %dma_wait3A_253] : memref<8x128xi32, #tpu.memory_space<vmem>> -> memref<1x128xi32, #tpu.memory_space<vmem>>
    %dma_wait3A_255 = tpu.memref_squeeze %dma_wait3A_254 : memref<1x128xi32, #tpu.memory_space<vmem>> -> memref<128xi32, #tpu.memory_space<vmem>>
    %dma_wait3A_256 = arith.constant 0 : i32
    %dma_wait3A_257 = arith.constant 0 : i32
    %dma_wait3A_258 = tpu.memref_slice %arg6[%dma_wait3A_256, %dma_wait3A_257] : memref<10240x64xf32, #tpu.memory_space<vmem_shared>> -> memref<10240x64xf32, #tpu.memory_space<vmem_shared>>
    tpu.wait_indirect_dma semaphore(%arg12 : memref<!tpu.dma_semaphore, #tpu.memory_space<semaphore_mem>>) src(%dma_wait3A_258 : memref<10240x64xf32, #tpu.memory_space<vmem_shared>>) dst(%dma_wait3A_252 : memref<128x64xf32, #tpu.memory_space<vmem>>)
    %dma_wait3A_259 = arith.constant 0 : i32
    %dma_wait3A_260 = arith.constant 0 : i32
    %dma_wait3A_261 = arith.constant 0 : i32
    %dma_wait3A_262 = arith.constant 0 : i32
    %dma_wait3A_263 = tpu.memref_slice %arg10[%dma_wait3A_259, %dma_wait3A_261, %dma_wait3A_262] : memref<2x128x64xf32, #tpu.memory_space<vmem>> -> memref<1x128x64xf32, #tpu.memory_space<vmem>>
    %dma_wait3A_264 = tpu.memref_squeeze %dma_wait3A_263 : memref<1x128x64xf32, #tpu.memory_space<vmem>> -> memref<128x64xf32, #tpu.memory_space<vmem>>
    %dma_wait3A_265 = arith.constant 0 : i32
    %dma_wait3A_266 = tpu.memref_slice %arg9[%dma_wait3A_260, %dma_wait3A_265] : memref<8x128xi32, #tpu.memory_space<vmem>> -> memref<1x128xi32, #tpu.memory_space<vmem>>
    %dma_wait3A_267 = tpu.memref_squeeze %dma_wait3A_266 : memref<1x128xi32, #tpu.memory_space<vmem>> -> memref<128xi32, #tpu.memory_space<vmem>>
    %dma_wait3A_268 = arith.constant 0 : i32
    %dma_wait3A_269 = arith.constant 0 : i32
    %dma_wait3A_270 = tpu.memref_slice %arg7[%dma_wait3A_268, %dma_wait3A_269] : memref<10240x64xf32, #tpu.memory_space<vmem_shared>> -> memref<10240x64xf32, #tpu.memory_space<vmem_shared>>
    tpu.wait_indirect_dma semaphore(%arg13 : memref<!tpu.dma_semaphore, #tpu.memory_space<semaphore_mem>>) src(%dma_wait3A_264 : memref<128x64xf32, #tpu.memory_space<vmem>>) dst(%dma_wait3A_270 : memref<10240x64xf32, #tpu.memory_space<vmem_shared>>)
    %add3A_271 = arith.constant 4 : i32
    %add3A_272 = arith.addi %mul3A_20, %add3A_271 : i32
    %dma_start3A_273 = arith.constant 0 : i32
    %dma_start3A_274 = arith.constant 0 : i32
    %dma_start3A_275 = tpu.memref_slice %arg8[%dma_start3A_273, %dma_start3A_274] : memref<8x128xi32, #tpu.memory_space<vmem>> -> memref<1x128xi32, #tpu.memory_space<vmem>>
    %dma_start3A_276 = tpu.memref_squeeze %dma_start3A_275 : memref<1x128xi32, #tpu.memory_space<vmem>> -> memref<128xi32, #tpu.memory_space<vmem>>
    %dma_start3A_277 = arith.constant 0 : i32
    %dma_start3A_278 = tpu.memref_slice %arg3[%add3A_272, %dma_start3A_277] : memref<2560x128xi32, #tpu.memory_space<hbm>> -> memref<1x128xi32, #tpu.memory_space<hbm>>
    %dma_start3A_279 = tpu.memref_squeeze %dma_start3A_278 : memref<1x128xi32, #tpu.memory_space<hbm>> -> memref<128xi32, #tpu.memory_space<hbm>>
    %dma_start3A_280 = arith.constant 0 : i32
    %dma_start3A_281 = tpu.memref_slice %arg8[%dma_start3A_273, %dma_start3A_280] : memref<8x128xi32, #tpu.memory_space<vmem>> -> memref<1x128xi32, #tpu.memory_space<vmem>>
    %dma_start3A_282 = tpu.memref_squeeze %dma_start3A_281 : memref<1x128xi32, #tpu.memory_space<vmem>> -> memref<128xi32, #tpu.memory_space<vmem>>
    %dma_start3A_283 = arith.constant 0 : i32
    %dma_start3A_284 = tpu.memref_slice %arg3[%add3A_272, %dma_start3A_283] : memref<2560x128xi32, #tpu.memory_space<hbm>> -> memref<1x128xi32, #tpu.memory_space<hbm>>
    %dma_start3A_285 = tpu.memref_squeeze %dma_start3A_284 : memref<1x128xi32, #tpu.memory_space<hbm>> -> memref<128xi32, #tpu.memory_space<hbm>>
    tpu.enqueue_dma source(%dma_start3A_285 : memref<128xi32, #tpu.memory_space<hbm>>) target(%dma_start3A_282 : memref<128xi32, #tpu.memory_space<vmem>>) target_semaphore(%arg15 : memref<!tpu.dma_semaphore, #tpu.memory_space<semaphore_mem>>)
    %add3A_286 = arith.constant 4 : i32
    %add3A_287 = arith.addi %mul3A_20, %add3A_286 : i32
    %dma_start3A_288 = arith.constant 0 : i32
    %dma_start3A_289 = arith.constant 0 : i32
    %dma_start3A_290 = tpu.memref_slice %arg9[%dma_start3A_288, %dma_start3A_289] : memref<8x128xi32, #tpu.memory_space<vmem>> -> memref<1x128xi32, #tpu.memory_space<vmem>>
    %dma_start3A_291 = tpu.memref_squeeze %dma_start3A_290 : memref<1x128xi32, #tpu.memory_space<vmem>> -> memref<128xi32, #tpu.memory_space<vmem>>
    %dma_start3A_292 = arith.constant 0 : i32
    %dma_start3A_293 = tpu.memref_slice %arg4[%add3A_287, %dma_start3A_292] : memref<2560x128xi32, #tpu.memory_space<hbm>> -> memref<1x128xi32, #tpu.memory_space<hbm>>
    %dma_start3A_294 = tpu.memref_squeeze %dma_start3A_293 : memref<1x128xi32, #tpu.memory_space<hbm>> -> memref<128xi32, #tpu.memory_space<hbm>>
    %dma_start3A_295 = arith.constant 0 : i32
    %dma_start3A_296 = tpu.memref_slice %arg9[%dma_start3A_288, %dma_start3A_295] : memref<8x128xi32, #tpu.memory_space<vmem>> -> memref<1x128xi32, #tpu.memory_space<vmem>>
    %dma_start3A_297 = tpu.memref_squeeze %dma_start3A_296 : memref<1x128xi32, #tpu.memory_space<vmem>> -> memref<128xi32, #tpu.memory_space<vmem>>
    %dma_start3A_298 = arith.constant 0 : i32
    %dma_start3A_299 = tpu.memref_slice %arg4[%add3A_287, %dma_start3A_298] : memref<2560x128xi32, #tpu.memory_space<hbm>> -> memref<1x128xi32, #tpu.memory_space<hbm>>
    %dma_start3A_300 = tpu.memref_squeeze %dma_start3A_299 : memref<1x128xi32, #tpu.memory_space<hbm>> -> memref<128xi32, #tpu.memory_space<hbm>>
    tpu.enqueue_dma source(%dma_start3A_300 : memref<128xi32, #tpu.memory_space<hbm>>) target(%dma_start3A_297 : memref<128xi32, #tpu.memory_space<vmem>>) target_semaphore(%arg15 : memref<!tpu.dma_semaphore, #tpu.memory_space<semaphore_mem>>)
    %add3A_301 = arith.constant 2 : i32
    %add3A_302 = arith.addi %mul3A_20, %add3A_301 : i32
    %dma_wait3A_303 = arith.constant 2 : i32
    %dma_wait3A_304 = arith.constant 0 : i32
    %dma_wait3A_305 = tpu.memref_slice %arg8[%dma_wait3A_303, %dma_wait3A_304] : memref<8x128xi32, #tpu.memory_space<vmem>> -> memref<1x128xi32, #tpu.memory_space<vmem>>
    %dma_wait3A_306 = tpu.memref_squeeze %dma_wait3A_305 : memref<1x128xi32, #tpu.memory_space<vmem>> -> memref<128xi32, #tpu.memory_space<vmem>>
    %dma_wait3A_307 = arith.constant 0 : i32
    %dma_wait3A_308 = tpu.memref_slice %arg3[%add3A_302, %dma_wait3A_307] : memref<2560x128xi32, #tpu.memory_space<hbm>> -> memref<1x128xi32, #tpu.memory_space<hbm>>
    %dma_wait3A_309 = tpu.memref_squeeze %dma_wait3A_308 : memref<1x128xi32, #tpu.memory_space<hbm>> -> memref<128xi32, #tpu.memory_space<hbm>>
    %dma_wait3A_310 = arith.constant 0 : i32
    %dma_wait3A_311 = tpu.memref_slice %arg8[%dma_wait3A_303, %dma_wait3A_310] : memref<8x128xi32, #tpu.memory_space<vmem>> -> memref<1x128xi32, #tpu.memory_space<vmem>>
    %dma_wait3A_312 = tpu.memref_squeeze %dma_wait3A_311 : memref<1x128xi32, #tpu.memory_space<vmem>> -> memref<128xi32, #tpu.memory_space<vmem>>
    %dma_wait3A_313 = arith.constant 0 : i32
    %dma_wait3A_314 = tpu.memref_slice %arg3[%add3A_302, %dma_wait3A_313] : memref<2560x128xi32, #tpu.memory_space<hbm>> -> memref<1x128xi32, #tpu.memory_space<hbm>>
    %dma_wait3A_315 = tpu.memref_squeeze %dma_wait3A_314 : memref<1x128xi32, #tpu.memory_space<hbm>> -> memref<128xi32, #tpu.memory_space<hbm>>
    tpu.wait_dma2 semaphore(%arg17 : memref<!tpu.dma_semaphore, #tpu.memory_space<semaphore_mem>>) src(%dma_wait3A_315 : memref<128xi32, #tpu.memory_space<hbm>>) dst(%dma_wait3A_312 : memref<128xi32, #tpu.memory_space<vmem>>)
    %add3A_316 = arith.constant 2 : i32
    %add3A_317 = arith.addi %mul3A_20, %add3A_316 : i32
    %dma_wait3A_318 = arith.constant 2 : i32
    %dma_wait3A_319 = arith.constant 0 : i32
    %dma_wait3A_320 = tpu.memref_slice %arg9[%dma_wait3A_318, %dma_wait3A_319] : memref<8x128xi32, #tpu.memory_space<vmem>> -> memref<1x128xi32, #tpu.memory_space<vmem>>
    %dma_wait3A_321 = tpu.memref_squeeze %dma_wait3A_320 : memref<1x128xi32, #tpu.memory_space<vmem>> -> memref<128xi32, #tpu.memory_space<vmem>>
    %dma_wait3A_322 = arith.constant 0 : i32
    %dma_wait3A_323 = tpu.memref_slice %arg4[%add3A_317, %dma_wait3A_322] : memref<2560x128xi32, #tpu.memory_space<hbm>> -> memref<1x128xi32, #tpu.memory_space<hbm>>
    %dma_wait3A_324 = tpu.memref_squeeze %dma_wait3A_323 : memref<1x128xi32, #tpu.memory_space<hbm>> -> memref<128xi32, #tpu.memory_space<hbm>>
    %dma_wait3A_325 = arith.constant 0 : i32
    %dma_wait3A_326 = tpu.memref_slice %arg9[%dma_wait3A_318, %dma_wait3A_325] : memref<8x128xi32, #tpu.memory_space<vmem>> -> memref<1x128xi32, #tpu.memory_space<vmem>>
    %dma_wait3A_327 = tpu.memref_squeeze %dma_wait3A_326 : memref<1x128xi32, #tpu.memory_space<vmem>> -> memref<128xi32, #tpu.memory_space<vmem>>
    %dma_wait3A_328 = arith.constant 0 : i32
    %dma_wait3A_329 = tpu.memref_slice %arg4[%add3A_317, %dma_wait3A_328] : memref<2560x128xi32, #tpu.memory_space<hbm>> -> memref<1x128xi32, #tpu.memory_space<hbm>>
    %dma_wait3A_330 = tpu.memref_squeeze %dma_wait3A_329 : memref<1x128xi32, #tpu.memory_space<hbm>> -> memref<128xi32, #tpu.memory_space<hbm>>
    tpu.wait_dma2 semaphore(%arg17 : memref<!tpu.dma_semaphore, #tpu.memory_space<semaphore_mem>>) src(%dma_wait3A_330 : memref<128xi32, #tpu.memory_space<hbm>>) dst(%dma_wait3A_327 : memref<128xi32, #tpu.memory_space<vmem>>)
    %dma_start3A_331 = arith.constant 2 : i32
    %dma_start3A_332 = arith.constant 0 : i32
    %dma_start3A_333 = arith.constant 0 : i32
    %dma_start3A_334 = arith.constant 0 : i32
    %dma_start3A_335 = tpu.memref_slice %arg10[%dma_start3A_332, %dma_start3A_333, %dma_start3A_334] : memref<2x128x64xf32, #tpu.memory_space<vmem>> -> memref<1x128x64xf32, #tpu.memory_space<vmem>>
    %dma_start3A_336 = tpu.memref_squeeze %dma_start3A_335 : memref<1x128x64xf32, #tpu.memory_space<vmem>> -> memref<128x64xf32, #tpu.memory_space<vmem>>
    %dma_start3A_337 = arith.constant 0 : i32
    %dma_start3A_338 = tpu.memref_slice %arg8[%dma_start3A_331, %dma_start3A_337] : memref<8x128xi32, #tpu.memory_space<vmem>> -> memref<1x128xi32, #tpu.memory_space<vmem>>
    %dma_start3A_339 = tpu.memref_squeeze %dma_start3A_338 : memref<1x128xi32, #tpu.memory_space<vmem>> -> memref<128xi32, #tpu.memory_space<vmem>>
    %dma_start3A_340 = arith.constant 0 : i32
    %dma_start3A_341 = arith.constant 0 : i32
    %dma_start3A_342 = tpu.memref_slice %arg6[%dma_start3A_340, %dma_start3A_341] : memref<10240x64xf32, #tpu.memory_space<vmem_shared>> -> memref<10240x64xf32, #tpu.memory_space<vmem_shared>>
    tpu.enqueue_indirect_dma source(%dma_start3A_342 : memref<10240x64xf32, #tpu.memory_space<vmem_shared>>) target(%dma_start3A_336 : memref<128x64xf32, #tpu.memory_space<vmem>>) offsets(%dma_start3A_339 : memref<128xi32, #tpu.memory_space<vmem>>) semaphore(%arg11 : memref<!tpu.dma_semaphore, #tpu.memory_space<semaphore_mem>>)
    %dma_start3A_343 = arith.constant 1 : i32
    %dma_start3A_344 = arith.constant 1 : i32
    %dma_start3A_345 = arith.constant 0 : i32
    %dma_start3A_346 = arith.constant 0 : i32
    %dma_start3A_347 = tpu.memref_slice %arg10[%dma_start3A_343, %dma_start3A_345, %dma_start3A_346] : memref<2x128x64xf32, #tpu.memory_space<vmem>> -> memref<1x128x64xf32, #tpu.memory_space<vmem>>
    %dma_start3A_348 = tpu.memref_squeeze %dma_start3A_347 : memref<1x128x64xf32, #tpu.memory_space<vmem>> -> memref<128x64xf32, #tpu.memory_space<vmem>>
    %dma_start3A_349 = arith.constant 0 : i32
    %dma_start3A_350 = tpu.memref_slice %arg9[%dma_start3A_344, %dma_start3A_349] : memref<8x128xi32, #tpu.memory_space<vmem>> -> memref<1x128xi32, #tpu.memory_space<vmem>>
    %dma_start3A_351 = tpu.memref_squeeze %dma_start3A_350 : memref<1x128xi32, #tpu.memory_space<vmem>> -> memref<128xi32, #tpu.memory_space<vmem>>
    %dma_start3A_352 = arith.constant 0 : i32
    %dma_start3A_353 = arith.constant 0 : i32
    %dma_start3A_354 = tpu.memref_slice %arg7[%dma_start3A_352, %dma_start3A_353] : memref<10240x64xf32, #tpu.memory_space<vmem_shared>> -> memref<10240x64xf32, #tpu.memory_space<vmem_shared>>
    tpu.enqueue_indirect_dma source(%dma_start3A_348 : memref<128x64xf32, #tpu.memory_space<vmem>>) target(%dma_start3A_354 : memref<10240x64xf32, #tpu.memory_space<vmem_shared>>) offsets(%dma_start3A_351 : memref<128xi32, #tpu.memory_space<vmem>>) semaphore(%arg14 : memref<!tpu.dma_semaphore, #tpu.memory_space<semaphore_mem>>) {add = true}
    %dma_wait3A_355 = arith.constant 2 : i32
    %dma_wait3A_356 = arith.constant 0 : i32
    %dma_wait3A_357 = arith.constant 0 : i32
    %dma_wait3A_358 = arith.constant 0 : i32
    %dma_wait3A_359 = tpu.memref_slice %arg10[%dma_wait3A_356, %dma_wait3A_357, %dma_wait3A_358] : memref<2x128x64xf32, #tpu.memory_space<vmem>> -> memref<1x128x64xf32, #tpu.memory_space<vmem>>
    %dma_wait3A_360 = tpu.memref_squeeze %dma_wait3A_359 : memref<1x128x64xf32, #tpu.memory_space<vmem>> -> memref<128x64xf32, #tpu.memory_space<vmem>>
    %dma_wait3A_361 = arith.constant 0 : i32
    %dma_wait3A_362 = tpu.memref_slice %arg8[%dma_wait3A_355, %dma_wait3A_361] : memref<8x128xi32, #tpu.memory_space<vmem>> -> memref<1x128xi32, #tpu.memory_space<vmem>>
    %dma_wait3A_363 = tpu.memref_squeeze %dma_wait3A_362 : memref<1x128xi32, #tpu.memory_space<vmem>> -> memref<128xi32, #tpu.memory_space<vmem>>
    %dma_wait3A_364 = arith.constant 0 : i32
    %dma_wait3A_365 = arith.constant 0 : i32
    %dma_wait3A_366 = tpu.memref_slice %arg6[%dma_wait3A_364, %dma_wait3A_365] : memref<10240x64xf32, #tpu.memory_space<vmem_shared>> -> memref<10240x64xf32, #tpu.memory_space<vmem_shared>>
    tpu.wait_indirect_dma semaphore(%arg11 : memref<!tpu.dma_semaphore, #tpu.memory_space<semaphore_mem>>) src(%dma_wait3A_366 : memref<10240x64xf32, #tpu.memory_space<vmem_shared>>) dst(%dma_wait3A_360 : memref<128x64xf32, #tpu.memory_space<vmem>>)
    %dma_wait3A_367 = arith.constant 1 : i32
    %dma_wait3A_368 = arith.constant 1 : i32
    %dma_wait3A_369 = arith.constant 0 : i32
    %dma_wait3A_370 = arith.constant 0 : i32
    %dma_wait3A_371 = tpu.memref_slice %arg10[%dma_wait3A_367, %dma_wait3A_369, %dma_wait3A_370] : memref<2x128x64xf32, #tpu.memory_space<vmem>> -> memref<1x128x64xf32, #tpu.memory_space<vmem>>
    %dma_wait3A_372 = tpu.memref_squeeze %dma_wait3A_371 : memref<1x128x64xf32, #tpu.memory_space<vmem>> -> memref<128x64xf32, #tpu.memory_space<vmem>>
    %dma_wait3A_373 = arith.constant 0 : i32
    %dma_wait3A_374 = tpu.memref_slice %arg9[%dma_wait3A_368, %dma_wait3A_373] : memref<8x128xi32, #tpu.memory_space<vmem>> -> memref<1x128xi32, #tpu.memory_space<vmem>>
    %dma_wait3A_375 = tpu.memref_squeeze %dma_wait3A_374 : memref<1x128xi32, #tpu.memory_space<vmem>> -> memref<128xi32, #tpu.memory_space<vmem>>
    %dma_wait3A_376 = arith.constant 0 : i32
    %dma_wait3A_377 = arith.constant 0 : i32
    %dma_wait3A_378 = tpu.memref_slice %arg7[%dma_wait3A_376, %dma_wait3A_377] : memref<10240x64xf32, #tpu.memory_space<vmem_shared>> -> memref<10240x64xf32, #tpu.memory_space<vmem_shared>>
    tpu.wait_indirect_dma semaphore(%arg14 : memref<!tpu.dma_semaphore, #tpu.memory_space<semaphore_mem>>) src(%dma_wait3A_372 : memref<128x64xf32, #tpu.memory_space<vmem>>) dst(%dma_wait3A_378 : memref<10240x64xf32, #tpu.memory_space<vmem_shared>>)
    %add3A_379 = arith.constant 5 : i32
    %add3A_380 = arith.addi %mul3A_20, %add3A_379 : i32
    %dma_start3A_381 = arith.constant 1 : i32
    %dma_start3A_382 = arith.constant 0 : i32
    %dma_start3A_383 = tpu.memref_slice %arg8[%dma_start3A_381, %dma_start3A_382] : memref<8x128xi32, #tpu.memory_space<vmem>> -> memref<1x128xi32, #tpu.memory_space<vmem>>
    %dma_start3A_384 = tpu.memref_squeeze %dma_start3A_383 : memref<1x128xi32, #tpu.memory_space<vmem>> -> memref<128xi32, #tpu.memory_space<vmem>>
    %dma_start3A_385 = arith.constant 0 : i32
    %dma_start3A_386 = tpu.memref_slice %arg3[%add3A_380, %dma_start3A_385] : memref<2560x128xi32, #tpu.memory_space<hbm>> -> memref<1x128xi32, #tpu.memory_space<hbm>>
    %dma_start3A_387 = tpu.memref_squeeze %dma_start3A_386 : memref<1x128xi32, #tpu.memory_space<hbm>> -> memref<128xi32, #tpu.memory_space<hbm>>
    %dma_start3A_388 = arith.constant 0 : i32
    %dma_start3A_389 = tpu.memref_slice %arg8[%dma_start3A_381, %dma_start3A_388] : memref<8x128xi32, #tpu.memory_space<vmem>> -> memref<1x128xi32, #tpu.memory_space<vmem>>
    %dma_start3A_390 = tpu.memref_squeeze %dma_start3A_389 : memref<1x128xi32, #tpu.memory_space<vmem>> -> memref<128xi32, #tpu.memory_space<vmem>>
    %dma_start3A_391 = arith.constant 0 : i32
    %dma_start3A_392 = tpu.memref_slice %arg3[%add3A_380, %dma_start3A_391] : memref<2560x128xi32, #tpu.memory_space<hbm>> -> memref<1x128xi32, #tpu.memory_space<hbm>>
    %dma_start3A_393 = tpu.memref_squeeze %dma_start3A_392 : memref<1x128xi32, #tpu.memory_space<hbm>> -> memref<128xi32, #tpu.memory_space<hbm>>
    tpu.enqueue_dma source(%dma_start3A_393 : memref<128xi32, #tpu.memory_space<hbm>>) target(%dma_start3A_390 : memref<128xi32, #tpu.memory_space<vmem>>) target_semaphore(%arg16 : memref<!tpu.dma_semaphore, #tpu.memory_space<semaphore_mem>>)
    %add3A_394 = arith.constant 5 : i32
    %add3A_395 = arith.addi %mul3A_20, %add3A_394 : i32
    %dma_start3A_396 = arith.constant 1 : i32
    %dma_start3A_397 = arith.constant 0 : i32
    %dma_start3A_398 = tpu.memref_slice %arg9[%dma_start3A_396, %dma_start3A_397] : memref<8x128xi32, #tpu.memory_space<vmem>> -> memref<1x128xi32, #tpu.memory_space<vmem>>
    %dma_start3A_399 = tpu.memref_squeeze %dma_start3A_398 : memref<1x128xi32, #tpu.memory_space<vmem>> -> memref<128xi32, #tpu.memory_space<vmem>>
    %dma_start3A_400 = arith.constant 0 : i32
    %dma_start3A_401 = tpu.memref_slice %arg4[%add3A_395, %dma_start3A_400] : memref<2560x128xi32, #tpu.memory_space<hbm>> -> memref<1x128xi32, #tpu.memory_space<hbm>>
    %dma_start3A_402 = tpu.memref_squeeze %dma_start3A_401 : memref<1x128xi32, #tpu.memory_space<hbm>> -> memref<128xi32, #tpu.memory_space<hbm>>
    %dma_start3A_403 = arith.constant 0 : i32
    %dma_start3A_404 = tpu.memref_slice %arg9[%dma_start3A_396, %dma_start3A_403] : memref<8x128xi32, #tpu.memory_space<vmem>> -> memref<1x128xi32, #tpu.memory_space<vmem>>
    %dma_start3A_405 = tpu.memref_squeeze %dma_start3A_404 : memref<1x128xi32, #tpu.memory_space<vmem>> -> memref<128xi32, #tpu.memory_space<vmem>>
    %dma_start3A_406 = arith.constant 0 : i32
    %dma_start3A_407 = tpu.memref_slice %arg4[%add3A_395, %dma_start3A_406] : memref<2560x128xi32, #tpu.memory_space<hbm>> -> memref<1x128xi32, #tpu.memory_space<hbm>>
    %dma_start3A_408 = tpu.memref_squeeze %dma_start3A_407 : memref<1x128xi32, #tpu.memory_space<hbm>> -> memref<128xi32, #tpu.memory_space<hbm>>
    tpu.enqueue_dma source(%dma_start3A_408 : memref<128xi32, #tpu.memory_space<hbm>>) target(%dma_start3A_405 : memref<128xi32, #tpu.memory_space<vmem>>) target_semaphore(%arg16 : memref<!tpu.dma_semaphore, #tpu.memory_space<semaphore_mem>>)
    %add3A_409 = arith.constant 3 : i32
    %add3A_410 = arith.addi %mul3A_20, %add3A_409 : i32
    %dma_wait3A_411 = arith.constant 3 : i32
    %dma_wait3A_412 = arith.constant 0 : i32
    %dma_wait3A_413 = tpu.memref_slice %arg8[%dma_wait3A_411, %dma_wait3A_412] : memref<8x128xi32, #tpu.memory_space<vmem>> -> memref<1x128xi32, #tpu.memory_space<vmem>>
    %dma_wait3A_414 = tpu.memref_squeeze %dma_wait3A_413 : memref<1x128xi32, #tpu.memory_space<vmem>> -> memref<128xi32, #tpu.memory_space<vmem>>
    %dma_wait3A_415 = arith.constant 0 : i32
    %dma_wait3A_416 = tpu.memref_slice %arg3[%add3A_410, %dma_wait3A_415] : memref<2560x128xi32, #tpu.memory_space<hbm>> -> memref<1x128xi32, #tpu.memory_space<hbm>>
    %dma_wait3A_417 = tpu.memref_squeeze %dma_wait3A_416 : memref<1x128xi32, #tpu.memory_space<hbm>> -> memref<128xi32, #tpu.memory_space<hbm>>
    %dma_wait3A_418 = arith.constant 0 : i32
    %dma_wait3A_419 = tpu.memref_slice %arg8[%dma_wait3A_411, %dma_wait3A_418] : memref<8x128xi32, #tpu.memory_space<vmem>> -> memref<1x128xi32, #tpu.memory_space<vmem>>
    %dma_wait3A_420 = tpu.memref_squeeze %dma_wait3A_419 : memref<1x128xi32, #tpu.memory_space<vmem>> -> memref<128xi32, #tpu.memory_space<vmem>>
    %dma_wait3A_421 = arith.constant 0 : i32
    %dma_wait3A_422 = tpu.memref_slice %arg3[%add3A_410, %dma_wait3A_421] : memref<2560x128xi32, #tpu.memory_space<hbm>> -> memref<1x128xi32, #tpu.memory_space<hbm>>
    %dma_wait3A_423 = tpu.memref_squeeze %dma_wait3A_422 : memref<1x128xi32, #tpu.memory_space<hbm>> -> memref<128xi32, #tpu.memory_space<hbm>>
    tpu.wait_dma2 semaphore(%arg18 : memref<!tpu.dma_semaphore, #tpu.memory_space<semaphore_mem>>) src(%dma_wait3A_423 : memref<128xi32, #tpu.memory_space<hbm>>) dst(%dma_wait3A_420 : memref<128xi32, #tpu.memory_space<vmem>>)
    %add3A_424 = arith.constant 3 : i32
    %add3A_425 = arith.addi %mul3A_20, %add3A_424 : i32
    %dma_wait3A_426 = arith.constant 3 : i32
    %dma_wait3A_427 = arith.constant 0 : i32
    %dma_wait3A_428 = tpu.memref_slice %arg9[%dma_wait3A_426, %dma_wait3A_427] : memref<8x128xi32, #tpu.memory_space<vmem>> -> memref<1x128xi32, #tpu.memory_space<vmem>>
    %dma_wait3A_429 = tpu.memref_squeeze %dma_wait3A_428 : memref<1x128xi32, #tpu.memory_space<vmem>> -> memref<128xi32, #tpu.memory_space<vmem>>
    %dma_wait3A_430 = arith.constant 0 : i32
    %dma_wait3A_431 = tpu.memref_slice %arg4[%add3A_425, %dma_wait3A_430] : memref<2560x128xi32, #tpu.memory_space<hbm>> -> memref<1x128xi32, #tpu.memory_space<hbm>>
    %dma_wait3A_432 = tpu.memref_squeeze %dma_wait3A_431 : memref<1x128xi32, #tpu.memory_space<hbm>> -> memref<128xi32, #tpu.memory_space<hbm>>
    %dma_wait3A_433 = arith.constant 0 : i32
    %dma_wait3A_434 = tpu.memref_slice %arg9[%dma_wait3A_426, %dma_wait3A_433] : memref<8x128xi32, #tpu.memory_space<vmem>> -> memref<1x128xi32, #tpu.memory_space<vmem>>
    %dma_wait3A_435 = tpu.memref_squeeze %dma_wait3A_434 : memref<1x128xi32, #tpu.memory_space<vmem>> -> memref<128xi32, #tpu.memory_space<vmem>>
    %dma_wait3A_436 = arith.constant 0 : i32
    %dma_wait3A_437 = tpu.memref_slice %arg4[%add3A_425, %dma_wait3A_436] : memref<2560x128xi32, #tpu.memory_space<hbm>> -> memref<1x128xi32, #tpu.memory_space<hbm>>
    %dma_wait3A_438 = tpu.memref_squeeze %dma_wait3A_437 : memref<1x128xi32, #tpu.memory_space<hbm>> -> memref<128xi32, #tpu.memory_space<hbm>>
    tpu.wait_dma2 semaphore(%arg18 : memref<!tpu.dma_semaphore, #tpu.memory_space<semaphore_mem>>) src(%dma_wait3A_438 : memref<128xi32, #tpu.memory_space<hbm>>) dst(%dma_wait3A_435 : memref<128xi32, #tpu.memory_space<vmem>>)
    %dma_start3A_439 = arith.constant 3 : i32
    %dma_start3A_440 = arith.constant 1 : i32
    %dma_start3A_441 = arith.constant 0 : i32
    %dma_start3A_442 = arith.constant 0 : i32
    %dma_start3A_443 = tpu.memref_slice %arg10[%dma_start3A_440, %dma_start3A_441, %dma_start3A_442] : memref<2x128x64xf32, #tpu.memory_space<vmem>> -> memref<1x128x64xf32, #tpu.memory_space<vmem>>
    %dma_start3A_444 = tpu.memref_squeeze %dma_start3A_443 : memref<1x128x64xf32, #tpu.memory_space<vmem>> -> memref<128x64xf32, #tpu.memory_space<vmem>>
    %dma_start3A_445 = arith.constant 0 : i32
    %dma_start3A_446 = tpu.memref_slice %arg8[%dma_start3A_439, %dma_start3A_445] : memref<8x128xi32, #tpu.memory_space<vmem>> -> memref<1x128xi32, #tpu.memory_space<vmem>>
    %dma_start3A_447 = tpu.memref_squeeze %dma_start3A_446 : memref<1x128xi32, #tpu.memory_space<vmem>> -> memref<128xi32, #tpu.memory_space<vmem>>
    %dma_start3A_448 = arith.constant 0 : i32
    %dma_start3A_449 = arith.constant 0 : i32
    %dma_start3A_450 = tpu.memref_slice %arg6[%dma_start3A_448, %dma_start3A_449] : memref<10240x64xf32, #tpu.memory_space<vmem_shared>> -> memref<10240x64xf32, #tpu.memory_space<vmem_shared>>
    tpu.enqueue_indirect_dma source(%dma_start3A_450 : memref<10240x64xf32, #tpu.memory_space<vmem_shared>>) target(%dma_start3A_444 : memref<128x64xf32, #tpu.memory_space<vmem>>) offsets(%dma_start3A_447 : memref<128xi32, #tpu.memory_space<vmem>>) semaphore(%arg12 : memref<!tpu.dma_semaphore, #tpu.memory_space<semaphore_mem>>)
    %dma_start3A_451 = arith.constant 0 : i32
    %dma_start3A_452 = arith.constant 2 : i32
    %dma_start3A_453 = arith.constant 0 : i32
    %dma_start3A_454 = arith.constant 0 : i32
    %dma_start3A_455 = tpu.memref_slice %arg10[%dma_start3A_451, %dma_start3A_453, %dma_start3A_454] : memref<2x128x64xf32, #tpu.memory_space<vmem>> -> memref<1x128x64xf32, #tpu.memory_space<vmem>>
    %dma_start3A_456 = tpu.memref_squeeze %dma_start3A_455 : memref<1x128x64xf32, #tpu.memory_space<vmem>> -> memref<128x64xf32, #tpu.memory_space<vmem>>
    %dma_start3A_457 = arith.constant 0 : i32
    %dma_start3A_458 = tpu.memref_slice %arg9[%dma_start3A_452, %dma_start3A_457] : memref<8x128xi32, #tpu.memory_space<vmem>> -> memref<1x128xi32, #tpu.memory_space<vmem>>
    %dma_start3A_459 = tpu.memref_squeeze %dma_start3A_458 : memref<1x128xi32, #tpu.memory_space<vmem>> -> memref<128xi32, #tpu.memory_space<vmem>>
    %dma_start3A_460 = arith.constant 0 : i32
    %dma_start3A_461 = arith.constant 0 : i32
    %dma_start3A_462 = tpu.memref_slice %arg7[%dma_start3A_460, %dma_start3A_461] : memref<10240x64xf32, #tpu.memory_space<vmem_shared>> -> memref<10240x64xf32, #tpu.memory_space<vmem_shared>>
    tpu.enqueue_indirect_dma source(%dma_start3A_456 : memref<128x64xf32, #tpu.memory_space<vmem>>) target(%dma_start3A_462 : memref<10240x64xf32, #tpu.memory_space<vmem_shared>>) offsets(%dma_start3A_459 : memref<128xi32, #tpu.memory_space<vmem>>) semaphore(%arg13 : memref<!tpu.dma_semaphore, #tpu.memory_space<semaphore_mem>>) {add = true}
    %dma_wait3A_463 = arith.constant 3 : i32
    %dma_wait3A_464 = arith.constant 1 : i32
    %dma_wait3A_465 = arith.constant 0 : i32
    %dma_wait3A_466 = arith.constant 0 : i32
    %dma_wait3A_467 = tpu.memref_slice %arg10[%dma_wait3A_464, %dma_wait3A_465, %dma_wait3A_466] : memref<2x128x64xf32, #tpu.memory_space<vmem>> -> memref<1x128x64xf32, #tpu.memory_space<vmem>>
    %dma_wait3A_468 = tpu.memref_squeeze %dma_wait3A_467 : memref<1x128x64xf32, #tpu.memory_space<vmem>> -> memref<128x64xf32, #tpu.memory_space<vmem>>
    %dma_wait3A_469 = arith.constant 0 : i32
    %dma_wait3A_470 = tpu.memref_slice %arg8[%dma_wait3A_463, %dma_wait3A_469] : memref<8x128xi32, #tpu.memory_space<vmem>> -> memref<1x128xi32, #tpu.memory_space<vmem>>
    %dma_wait3A_471 = tpu.memref_squeeze %dma_wait3A_470 : memref<1x128xi32, #tpu.memory_space<vmem>> -> memref<128xi32, #tpu.memory_space<vmem>>
    %dma_wait3A_472 = arith.constant 0 : i32
    %dma_wait3A_473 = arith.constant 0 : i32
    %dma_wait3A_474 = tpu.memref_slice %arg6[%dma_wait3A_472, %dma_wait3A_473] : memref<10240x64xf32, #tpu.memory_space<vmem_shared>> -> memref<10240x64xf32, #tpu.memory_space<vmem_shared>>
    tpu.wait_indirect_dma semaphore(%arg12 : memref<!tpu.dma_semaphore, #tpu.memory_space<semaphore_mem>>) src(%dma_wait3A_474 : memref<10240x64xf32, #tpu.memory_space<vmem_shared>>) dst(%dma_wait3A_468 : memref<128x64xf32, #tpu.memory_space<vmem>>)
    %dma_wait3A_475 = arith.constant 0 : i32
    %dma_wait3A_476 = arith.constant 2 : i32
    %dma_wait3A_477 = arith.constant 0 : i32
    %dma_wait3A_478 = arith.constant 0 : i32
    %dma_wait3A_479 = tpu.memref_slice %arg10[%dma_wait3A_475, %dma_wait3A_477, %dma_wait3A_478] : memref<2x128x64xf32, #tpu.memory_space<vmem>> -> memref<1x128x64xf32, #tpu.memory_space<vmem>>
    %dma_wait3A_480 = tpu.memref_squeeze %dma_wait3A_479 : memref<1x128x64xf32, #tpu.memory_space<vmem>> -> memref<128x64xf32, #tpu.memory_space<vmem>>
    %dma_wait3A_481 = arith.constant 0 : i32
    %dma_wait3A_482 = tpu.memref_slice %arg9[%dma_wait3A_476, %dma_wait3A_481] : memref<8x128xi32, #tpu.memory_space<vmem>> -> memref<1x128xi32, #tpu.memory_space<vmem>>
    %dma_wait3A_483 = tpu.memref_squeeze %dma_wait3A_482 : memref<1x128xi32, #tpu.memory_space<vmem>> -> memref<128xi32, #tpu.memory_space<vmem>>
    %dma_wait3A_484 = arith.constant 0 : i32
    %dma_wait3A_485 = arith.constant 0 : i32
    %dma_wait3A_486 = tpu.memref_slice %arg7[%dma_wait3A_484, %dma_wait3A_485] : memref<10240x64xf32, #tpu.memory_space<vmem_shared>> -> memref<10240x64xf32, #tpu.memory_space<vmem_shared>>
    tpu.wait_indirect_dma semaphore(%arg13 : memref<!tpu.dma_semaphore, #tpu.memory_space<semaphore_mem>>) src(%dma_wait3A_480 : memref<128x64xf32, #tpu.memory_space<vmem>>) dst(%dma_wait3A_486 : memref<10240x64xf32, #tpu.memory_space<vmem_shared>>)
    %add3A_487 = arith.constant 6 : i32
    %add3A_488 = arith.addi %mul3A_20, %add3A_487 : i32
    %dma_start3A_489 = arith.constant 2 : i32
    %dma_start3A_490 = arith.constant 0 : i32
    %dma_start3A_491 = tpu.memref_slice %arg8[%dma_start3A_489, %dma_start3A_490] : memref<8x128xi32, #tpu.memory_space<vmem>> -> memref<1x128xi32, #tpu.memory_space<vmem>>
    %dma_start3A_492 = tpu.memref_squeeze %dma_start3A_491 : memref<1x128xi32, #tpu.memory_space<vmem>> -> memref<128xi32, #tpu.memory_space<vmem>>
    %dma_start3A_493 = arith.constant 0 : i32
    %dma_start3A_494 = tpu.memref_slice %arg3[%add3A_488, %dma_start3A_493] : memref<2560x128xi32, #tpu.memory_space<hbm>> -> memref<1x128xi32, #tpu.memory_space<hbm>>
    %dma_start3A_495 = tpu.memref_squeeze %dma_start3A_494 : memref<1x128xi32, #tpu.memory_space<hbm>> -> memref<128xi32, #tpu.memory_space<hbm>>
    %dma_start3A_496 = arith.constant 0 : i32
    %dma_start3A_497 = tpu.memref_slice %arg8[%dma_start3A_489, %dma_start3A_496] : memref<8x128xi32, #tpu.memory_space<vmem>> -> memref<1x128xi32, #tpu.memory_space<vmem>>
    %dma_start3A_498 = tpu.memref_squeeze %dma_start3A_497 : memref<1x128xi32, #tpu.memory_space<vmem>> -> memref<128xi32, #tpu.memory_space<vmem>>
    %dma_start3A_499 = arith.constant 0 : i32
    %dma_start3A_500 = tpu.memref_slice %arg3[%add3A_488, %dma_start3A_499] : memref<2560x128xi32, #tpu.memory_space<hbm>> -> memref<1x128xi32, #tpu.memory_space<hbm>>
    %dma_start3A_501 = tpu.memref_squeeze %dma_start3A_500 : memref<1x128xi32, #tpu.memory_space<hbm>> -> memref<128xi32, #tpu.memory_space<hbm>>
    tpu.enqueue_dma source(%dma_start3A_501 : memref<128xi32, #tpu.memory_space<hbm>>) target(%dma_start3A_498 : memref<128xi32, #tpu.memory_space<vmem>>) target_semaphore(%arg17 : memref<!tpu.dma_semaphore, #tpu.memory_space<semaphore_mem>>)
    %add3A_502 = arith.constant 6 : i32
    %add3A_503 = arith.addi %mul3A_20, %add3A_502 : i32
    %dma_start3A_504 = arith.constant 2 : i32
    %dma_start3A_505 = arith.constant 0 : i32
    %dma_start3A_506 = tpu.memref_slice %arg9[%dma_start3A_504, %dma_start3A_505] : memref<8x128xi32, #tpu.memory_space<vmem>> -> memref<1x128xi32, #tpu.memory_space<vmem>>
    %dma_start3A_507 = tpu.memref_squeeze %dma_start3A_506 : memref<1x128xi32, #tpu.memory_space<vmem>> -> memref<128xi32, #tpu.memory_space<vmem>>
    %dma_start3A_508 = arith.constant 0 : i32
    %dma_start3A_509 = tpu.memref_slice %arg4[%add3A_503, %dma_start3A_508] : memref<2560x128xi32, #tpu.memory_space<hbm>> -> memref<1x128xi32, #tpu.memory_space<hbm>>
    %dma_start3A_510 = tpu.memref_squeeze %dma_start3A_509 : memref<1x128xi32, #tpu.memory_space<hbm>> -> memref<128xi32, #tpu.memory_space<hbm>>
    %dma_start3A_511 = arith.constant 0 : i32
    %dma_start3A_512 = tpu.memref_slice %arg9[%dma_start3A_504, %dma_start3A_511] : memref<8x128xi32, #tpu.memory_space<vmem>> -> memref<1x128xi32, #tpu.memory_space<vmem>>
    %dma_start3A_513 = tpu.memref_squeeze %dma_start3A_512 : memref<1x128xi32, #tpu.memory_space<vmem>> -> memref<128xi32, #tpu.memory_space<vmem>>
    %dma_start3A_514 = arith.constant 0 : i32
    %dma_start3A_515 = tpu.memref_slice %arg4[%add3A_503, %dma_start3A_514] : memref<2560x128xi32, #tpu.memory_space<hbm>> -> memref<1x128xi32, #tpu.memory_space<hbm>>
    %dma_start3A_516 = tpu.memref_squeeze %dma_start3A_515 : memref<1x128xi32, #tpu.memory_space<hbm>> -> memref<128xi32, #tpu.memory_space<hbm>>
    tpu.enqueue_dma source(%dma_start3A_516 : memref<128xi32, #tpu.memory_space<hbm>>) target(%dma_start3A_513 : memref<128xi32, #tpu.memory_space<vmem>>) target_semaphore(%arg17 : memref<!tpu.dma_semaphore, #tpu.memory_space<semaphore_mem>>)
    %add3A_517 = arith.constant 4 : i32
    %add3A_518 = arith.addi %mul3A_20, %add3A_517 : i32
    %dma_wait3A_519 = arith.constant 0 : i32
    %dma_wait3A_520 = arith.constant 0 : i32
    %dma_wait3A_521 = tpu.memref_slice %arg8[%dma_wait3A_519, %dma_wait3A_520] : memref<8x128xi32, #tpu.memory_space<vmem>> -> memref<1x128xi32, #tpu.memory_space<vmem>>
    %dma_wait3A_522 = tpu.memref_squeeze %dma_wait3A_521 : memref<1x128xi32, #tpu.memory_space<vmem>> -> memref<128xi32, #tpu.memory_space<vmem>>
    %dma_wait3A_523 = arith.constant 0 : i32
    %dma_wait3A_524 = tpu.memref_slice %arg3[%add3A_518, %dma_wait3A_523] : memref<2560x128xi32, #tpu.memory_space<hbm>> -> memref<1x128xi32, #tpu.memory_space<hbm>>
    %dma_wait3A_525 = tpu.memref_squeeze %dma_wait3A_524 : memref<1x128xi32, #tpu.memory_space<hbm>> -> memref<128xi32, #tpu.memory_space<hbm>>
    %dma_wait3A_526 = arith.constant 0 : i32
    %dma_wait3A_527 = tpu.memref_slice %arg8[%dma_wait3A_519, %dma_wait3A_526] : memref<8x128xi32, #tpu.memory_space<vmem>> -> memref<1x128xi32, #tpu.memory_space<vmem>>
    %dma_wait3A_528 = tpu.memref_squeeze %dma_wait3A_527 : memref<1x128xi32, #tpu.memory_space<vmem>> -> memref<128xi32, #tpu.memory_space<vmem>>
    %dma_wait3A_529 = arith.constant 0 : i32
    %dma_wait3A_530 = tpu.memref_slice %arg3[%add3A_518, %dma_wait3A_529] : memref<2560x128xi32, #tpu.memory_space<hbm>> -> memref<1x128xi32, #tpu.memory_space<hbm>>
    %dma_wait3A_531 = tpu.memref_squeeze %dma_wait3A_530 : memref<1x128xi32, #tpu.memory_space<hbm>> -> memref<128xi32, #tpu.memory_space<hbm>>
    tpu.wait_dma2 semaphore(%arg15 : memref<!tpu.dma_semaphore, #tpu.memory_space<semaphore_mem>>) src(%dma_wait3A_531 : memref<128xi32, #tpu.memory_space<hbm>>) dst(%dma_wait3A_528 : memref<128xi32, #tpu.memory_space<vmem>>)
    %add3A_532 = arith.constant 4 : i32
    %add3A_533 = arith.addi %mul3A_20, %add3A_532 : i32
    %dma_wait3A_534 = arith.constant 0 : i32
    %dma_wait3A_535 = arith.constant 0 : i32
    %dma_wait3A_536 = tpu.memref_slice %arg9[%dma_wait3A_534, %dma_wait3A_535] : memref<8x128xi32, #tpu.memory_space<vmem>> -> memref<1x128xi32, #tpu.memory_space<vmem>>
    %dma_wait3A_537 = tpu.memref_squeeze %dma_wait3A_536 : memref<1x128xi32, #tpu.memory_space<vmem>> -> memref<128xi32, #tpu.memory_space<vmem>>
    %dma_wait3A_538 = arith.constant 0 : i32
    %dma_wait3A_539 = tpu.memref_slice %arg4[%add3A_533, %dma_wait3A_538] : memref<2560x128xi32, #tpu.memory_space<hbm>> -> memref<1x128xi32, #tpu.memory_space<hbm>>
    %dma_wait3A_540 = tpu.memref_squeeze %dma_wait3A_539 : memref<1x128xi32, #tpu.memory_space<hbm>> -> memref<128xi32, #tpu.memory_space<hbm>>
    %dma_wait3A_541 = arith.constant 0 : i32
    %dma_wait3A_542 = tpu.memref_slice %arg9[%dma_wait3A_534, %dma_wait3A_541] : memref<8x128xi32, #tpu.memory_space<vmem>> -> memref<1x128xi32, #tpu.memory_space<vmem>>
    %dma_wait3A_543 = tpu.memref_squeeze %dma_wait3A_542 : memref<1x128xi32, #tpu.memory_space<vmem>> -> memref<128xi32, #tpu.memory_space<vmem>>
    %dma_wait3A_544 = arith.constant 0 : i32
    %dma_wait3A_545 = tpu.memref_slice %arg4[%add3A_533, %dma_wait3A_544] : memref<2560x128xi32, #tpu.memory_space<hbm>> -> memref<1x128xi32, #tpu.memory_space<hbm>>
    %dma_wait3A_546 = tpu.memref_squeeze %dma_wait3A_545 : memref<1x128xi32, #tpu.memory_space<hbm>> -> memref<128xi32, #tpu.memory_space<hbm>>
    tpu.wait_dma2 semaphore(%arg15 : memref<!tpu.dma_semaphore, #tpu.memory_space<semaphore_mem>>) src(%dma_wait3A_546 : memref<128xi32, #tpu.memory_space<hbm>>) dst(%dma_wait3A_543 : memref<128xi32, #tpu.memory_space<vmem>>)
    %dma_start3A_547 = arith.constant 0 : i32
    %dma_start3A_548 = arith.constant 0 : i32
    %dma_start3A_549 = arith.constant 0 : i32
    %dma_start3A_550 = arith.constant 0 : i32
    %dma_start3A_551 = tpu.memref_slice %arg10[%dma_start3A_548, %dma_start3A_549, %dma_start3A_550] : memref<2x128x64xf32, #tpu.memory_space<vmem>> -> memref<1x128x64xf32, #tpu.memory_space<vmem>>
    %dma_start3A_552 = tpu.memref_squeeze %dma_start3A_551 : memref<1x128x64xf32, #tpu.memory_space<vmem>> -> memref<128x64xf32, #tpu.memory_space<vmem>>
    %dma_start3A_553 = arith.constant 0 : i32
    %dma_start3A_554 = tpu.memref_slice %arg8[%dma_start3A_547, %dma_start3A_553] : memref<8x128xi32, #tpu.memory_space<vmem>> -> memref<1x128xi32, #tpu.memory_space<vmem>>
    %dma_start3A_555 = tpu.memref_squeeze %dma_start3A_554 : memref<1x128xi32, #tpu.memory_space<vmem>> -> memref<128xi32, #tpu.memory_space<vmem>>
    %dma_start3A_556 = arith.constant 0 : i32
    %dma_start3A_557 = arith.constant 0 : i32
    %dma_start3A_558 = tpu.memref_slice %arg6[%dma_start3A_556, %dma_start3A_557] : memref<10240x64xf32, #tpu.memory_space<vmem_shared>> -> memref<10240x64xf32, #tpu.memory_space<vmem_shared>>
    tpu.enqueue_indirect_dma source(%dma_start3A_558 : memref<10240x64xf32, #tpu.memory_space<vmem_shared>>) target(%dma_start3A_552 : memref<128x64xf32, #tpu.memory_space<vmem>>) offsets(%dma_start3A_555 : memref<128xi32, #tpu.memory_space<vmem>>) semaphore(%arg11 : memref<!tpu.dma_semaphore, #tpu.memory_space<semaphore_mem>>)
    %dma_start3A_559 = arith.constant 1 : i32
    %dma_start3A_560 = arith.constant 3 : i32
    %dma_start3A_561 = arith.constant 0 : i32
    %dma_start3A_562 = arith.constant 0 : i32
    %dma_start3A_563 = tpu.memref_slice %arg10[%dma_start3A_559, %dma_start3A_561, %dma_start3A_562] : memref<2x128x64xf32, #tpu.memory_space<vmem>> -> memref<1x128x64xf32, #tpu.memory_space<vmem>>
    %dma_start3A_564 = tpu.memref_squeeze %dma_start3A_563 : memref<1x128x64xf32, #tpu.memory_space<vmem>> -> memref<128x64xf32, #tpu.memory_space<vmem>>
    %dma_start3A_565 = arith.constant 0 : i32
    %dma_start3A_566 = tpu.memref_slice %arg9[%dma_start3A_560, %dma_start3A_565] : memref<8x128xi32, #tpu.memory_space<vmem>> -> memref<1x128xi32, #tpu.memory_space<vmem>>
    %dma_start3A_567 = tpu.memref_squeeze %dma_start3A_566 : memref<1x128xi32, #tpu.memory_space<vmem>> -> memref<128xi32, #tpu.memory_space<vmem>>
    %dma_start3A_568 = arith.constant 0 : i32
    %dma_start3A_569 = arith.constant 0 : i32
    %dma_start3A_570 = tpu.memref_slice %arg7[%dma_start3A_568, %dma_start3A_569] : memref<10240x64xf32, #tpu.memory_space<vmem_shared>> -> memref<10240x64xf32, #tpu.memory_space<vmem_shared>>
    tpu.enqueue_indirect_dma source(%dma_start3A_564 : memref<128x64xf32, #tpu.memory_space<vmem>>) target(%dma_start3A_570 : memref<10240x64xf32, #tpu.memory_space<vmem_shared>>) offsets(%dma_start3A_567 : memref<128xi32, #tpu.memory_space<vmem>>) semaphore(%arg14 : memref<!tpu.dma_semaphore, #tpu.memory_space<semaphore_mem>>) {add = true}
    %scan3A_571 = arith.constant 0 : i32
    %scan3A_572 = arith.constant 1 : i32
    %scan3A_573 = arith.constant 38 : i32
    %scan3A_574 = arith.addi %scan3A_572, %scan3A_573 : i32
    %scan3A_575 = arith.constant 1 : i32
    scf.for %scan3A_890 = %scan3A_572 to %scan3A_574 step %scan3A_575  : i32 {
      %mul3A_891 = arith.constant 4 : i32
      %mul3A_892 = arith.muli %mul3A_891, %scan3A_890 : i32
      %dma_wait3A_893 = arith.constant 0 : i32
      %dma_wait3A_894 = arith.constant 0 : i32
      %dma_wait3A_895 = arith.constant 0 : i32
      %dma_wait3A_896 = arith.constant 0 : i32
      %dma_wait3A_897 = tpu.memref_slice %arg10[%dma_wait3A_894, %dma_wait3A_895, %dma_wait3A_896] : memref<2x128x64xf32, #tpu.memory_space<vmem>> -> memref<1x128x64xf32, #tpu.memory_space<vmem>>
      %dma_wait3A_898 = tpu.memref_squeeze %dma_wait3A_897 : memref<1x128x64xf32, #tpu.memory_space<vmem>> -> memref<128x64xf32, #tpu.memory_space<vmem>>
      %dma_wait3A_899 = arith.constant 0 : i32
      %dma_wait3A_900 = tpu.memref_slice %arg8[%dma_wait3A_893, %dma_wait3A_899] : memref<8x128xi32, #tpu.memory_space<vmem>> -> memref<1x128xi32, #tpu.memory_space<vmem>>
      %dma_wait3A_901 = tpu.memref_squeeze %dma_wait3A_900 : memref<1x128xi32, #tpu.memory_space<vmem>> -> memref<128xi32, #tpu.memory_space<vmem>>
      %dma_wait3A_902 = arith.constant 0 : i32
      %dma_wait3A_903 = arith.constant 0 : i32
      %dma_wait3A_904 = tpu.memref_slice %arg6[%dma_wait3A_902, %dma_wait3A_903] : memref<10240x64xf32, #tpu.memory_space<vmem_shared>> -> memref<10240x64xf32, #tpu.memory_space<vmem_shared>>
      tpu.wait_indirect_dma semaphore(%arg11 : memref<!tpu.dma_semaphore, #tpu.memory_space<semaphore_mem>>) src(%dma_wait3A_904 : memref<10240x64xf32, #tpu.memory_space<vmem_shared>>) dst(%dma_wait3A_898 : memref<128x64xf32, #tpu.memory_space<vmem>>)
      %dma_wait3A_905 = arith.constant 1 : i32
      %dma_wait3A_906 = arith.constant 3 : i32
      %dma_wait3A_907 = arith.constant 0 : i32
      %dma_wait3A_908 = arith.constant 0 : i32
      %dma_wait3A_909 = tpu.memref_slice %arg10[%dma_wait3A_905, %dma_wait3A_907, %dma_wait3A_908] : memref<2x128x64xf32, #tpu.memory_space<vmem>> -> memref<1x128x64xf32, #tpu.memory_space<vmem>>
      %dma_wait3A_910 = tpu.memref_squeeze %dma_wait3A_909 : memref<1x128x64xf32, #tpu.memory_space<vmem>> -> memref<128x64xf32, #tpu.memory_space<vmem>>
      %dma_wait3A_911 = arith.constant 0 : i32
      %dma_wait3A_912 = tpu.memref_slice %arg9[%dma_wait3A_906, %dma_wait3A_911] : memref<8x128xi32, #tpu.memory_space<vmem>> -> memref<1x128xi32, #tpu.memory_space<vmem>>
      %dma_wait3A_913 = tpu.memref_squeeze %dma_wait3A_912 : memref<1x128xi32, #tpu.memory_space<vmem>> -> memref<128xi32, #tpu.memory_space<vmem>>
      %dma_wait3A_914 = arith.constant 0 : i32
      %dma_wait3A_915 = arith.constant 0 : i32
      %dma_wait3A_916 = tpu.memref_slice %arg7[%dma_wait3A_914, %dma_wait3A_915] : memref<10240x64xf32, #tpu.memory_space<vmem_shared>> -> memref<10240x64xf32, #tpu.memory_space<vmem_shared>>
      tpu.wait_indirect_dma semaphore(%arg14 : memref<!tpu.dma_semaphore, #tpu.memory_space<semaphore_mem>>) src(%dma_wait3A_910 : memref<128x64xf32, #tpu.memory_space<vmem>>) dst(%dma_wait3A_916 : memref<10240x64xf32, #tpu.memory_space<vmem_shared>>)
      %add3A_917 = arith.constant 3 : i32
      %add3A_918 = arith.addi %mul3A_892, %add3A_917 : i32
      %add3A_919 = arith.addi %mul3A_20, %add3A_918 : i32
      %dma_start3A_920 = arith.constant 3 : i32
      %dma_start3A_921 = arith.constant 0 : i32
      %dma_start3A_922 = tpu.memref_slice %arg8[%dma_start3A_920, %dma_start3A_921] : memref<8x128xi32, #tpu.memory_space<vmem>> -> memref<1x128xi32, #tpu.memory_space<vmem>>
      %dma_start3A_923 = tpu.memref_squeeze %dma_start3A_922 : memref<1x128xi32, #tpu.memory_space<vmem>> -> memref<128xi32, #tpu.memory_space<vmem>>
      %dma_start3A_924 = arith.constant 0 : i32
      %dma_start3A_925 = tpu.memref_slice %arg3[%add3A_919, %dma_start3A_924] : memref<2560x128xi32, #tpu.memory_space<hbm>> -> memref<1x128xi32, #tpu.memory_space<hbm>>
      %dma_start3A_926 = tpu.memref_squeeze %dma_start3A_925 : memref<1x128xi32, #tpu.memory_space<hbm>> -> memref<128xi32, #tpu.memory_space<hbm>>
      %dma_start3A_927 = arith.constant 0 : i32
      %dma_start3A_928 = tpu.memref_slice %arg8[%dma_start3A_920, %dma_start3A_927] : memref<8x128xi32, #tpu.memory_space<vmem>> -> memref<1x128xi32, #tpu.memory_space<vmem>>
      %dma_start3A_929 = tpu.memref_squeeze %dma_start3A_928 : memref<1x128xi32, #tpu.memory_space<vmem>> -> memref<128xi32, #tpu.memory_space<vmem>>
      %dma_start3A_930 = arith.constant 0 : i32
      %dma_start3A_931 = tpu.memref_slice %arg3[%add3A_919, %dma_start3A_930] : memref<2560x128xi32, #tpu.memory_space<hbm>> -> memref<1x128xi32, #tpu.memory_space<hbm>>
      %dma_start3A_932 = tpu.memref_squeeze %dma_start3A_931 : memref<1x128xi32, #tpu.memory_space<hbm>> -> memref<128xi32, #tpu.memory_space<hbm>>
      tpu.enqueue_dma source(%dma_start3A_932 : memref<128xi32, #tpu.memory_space<hbm>>) target(%dma_start3A_929 : memref<128xi32, #tpu.memory_space<vmem>>) target_semaphore(%arg18 : memref<!tpu.dma_semaphore, #tpu.memory_space<semaphore_mem>>)
      %add3A_933 = arith.addi %mul3A_20, %add3A_918 : i32
      %dma_start3A_934 = arith.constant 3 : i32
      %dma_start3A_935 = arith.constant 0 : i32
      %dma_start3A_936 = tpu.memref_slice %arg9[%dma_start3A_934, %dma_start3A_935] : memref<8x128xi32, #tpu.memory_space<vmem>> -> memref<1x128xi32, #tpu.memory_space<vmem>>
      %dma_start3A_937 = tpu.memref_squeeze %dma_start3A_936 : memref<1x128xi32, #tpu.memory_space<vmem>> -> memref<128xi32, #tpu.memory_space<vmem>>
      %dma_start3A_938 = arith.constant 0 : i32
      %dma_start3A_939 = tpu.memref_slice %arg4[%add3A_933, %dma_start3A_938] : memref<2560x128xi32, #tpu.memory_space<hbm>> -> memref<1x128xi32, #tpu.memory_space<hbm>>
      %dma_start3A_940 = tpu.memref_squeeze %dma_start3A_939 : memref<1x128xi32, #tpu.memory_space<hbm>> -> memref<128xi32, #tpu.memory_space<hbm>>
      %dma_start3A_941 = arith.constant 0 : i32
      %dma_start3A_942 = tpu.memref_slice %arg9[%dma_start3A_934, %dma_start3A_941] : memref<8x128xi32, #tpu.memory_space<vmem>> -> memref<1x128xi32, #tpu.memory_space<vmem>>
      %dma_start3A_943 = tpu.memref_squeeze %dma_start3A_942 : memref<1x128xi32, #tpu.memory_space<vmem>> -> memref<128xi32, #tpu.memory_space<vmem>>
      %dma_start3A_944 = arith.constant 0 : i32
      %dma_start3A_945 = tpu.memref_slice %arg4[%add3A_933, %dma_start3A_944] : memref<2560x128xi32, #tpu.memory_space<hbm>> -> memref<1x128xi32, #tpu.memory_space<hbm>>
      %dma_start3A_946 = tpu.memref_squeeze %dma_start3A_945 : memref<1x128xi32, #tpu.memory_space<hbm>> -> memref<128xi32, #tpu.memory_space<hbm>>
      tpu.enqueue_dma source(%dma_start3A_946 : memref<128xi32, #tpu.memory_space<hbm>>) target(%dma_start3A_943 : memref<128xi32, #tpu.memory_space<vmem>>) target_semaphore(%arg18 : memref<!tpu.dma_semaphore, #tpu.memory_space<semaphore_mem>>)
      %add3A_947 = arith.constant 1 : i32
      %add3A_948 = arith.addi %mul3A_892, %add3A_947 : i32
      %add3A_949 = arith.addi %mul3A_20, %add3A_948 : i32
      %dma_wait3A_950 = arith.constant 1 : i32
      %dma_wait3A_951 = arith.constant 0 : i32
      %dma_wait3A_952 = tpu.memref_slice %arg8[%dma_wait3A_950, %dma_wait3A_951] : memref<8x128xi32, #tpu.memory_space<vmem>> -> memref<1x128xi32, #tpu.memory_space<vmem>>
      %dma_wait3A_953 = tpu.memref_squeeze %dma_wait3A_952 : memref<1x128xi32, #tpu.memory_space<vmem>> -> memref<128xi32, #tpu.memory_space<vmem>>
      %dma_wait3A_954 = arith.constant 0 : i32
      %dma_wait3A_955 = tpu.memref_slice %arg3[%add3A_949, %dma_wait3A_954] : memref<2560x128xi32, #tpu.memory_space<hbm>> -> memref<1x128xi32, #tpu.memory_space<hbm>>
      %dma_wait3A_956 = tpu.memref_squeeze %dma_wait3A_955 : memref<1x128xi32, #tpu.memory_space<hbm>> -> memref<128xi32, #tpu.memory_space<hbm>>
      %dma_wait3A_957 = arith.constant 0 : i32
      %dma_wait3A_958 = tpu.memref_slice %arg8[%dma_wait3A_950, %dma_wait3A_957] : memref<8x128xi32, #tpu.memory_space<vmem>> -> memref<1x128xi32, #tpu.memory_space<vmem>>
      %dma_wait3A_959 = tpu.memref_squeeze %dma_wait3A_958 : memref<1x128xi32, #tpu.memory_space<vmem>> -> memref<128xi32, #tpu.memory_space<vmem>>
      %dma_wait3A_960 = arith.constant 0 : i32
      %dma_wait3A_961 = tpu.memref_slice %arg3[%add3A_949, %dma_wait3A_960] : memref<2560x128xi32, #tpu.memory_space<hbm>> -> memref<1x128xi32, #tpu.memory_space<hbm>>
      %dma_wait3A_962 = tpu.memref_squeeze %dma_wait3A_961 : memref<1x128xi32, #tpu.memory_space<hbm>> -> memref<128xi32, #tpu.memory_space<hbm>>
      tpu.wait_dma2 semaphore(%arg16 : memref<!tpu.dma_semaphore, #tpu.memory_space<semaphore_mem>>) src(%dma_wait3A_962 : memref<128xi32, #tpu.memory_space<hbm>>) dst(%dma_wait3A_959 : memref<128xi32, #tpu.memory_space<vmem>>)
      %add3A_963 = arith.addi %mul3A_20, %add3A_948 : i32
      %dma_wait3A_964 = arith.constant 1 : i32
      %dma_wait3A_965 = arith.constant 0 : i32
      %dma_wait3A_966 = tpu.memref_slice %arg9[%dma_wait3A_964, %dma_wait3A_965] : memref<8x128xi32, #tpu.memory_space<vmem>> -> memref<1x128xi32, #tpu.memory_space<vmem>>
      %dma_wait3A_967 = tpu.memref_squeeze %dma_wait3A_966 : memref<1x128xi32, #tpu.memory_space<vmem>> -> memref<128xi32, #tpu.memory_space<vmem>>
      %dma_wait3A_968 = arith.constant 0 : i32
      %dma_wait3A_969 = tpu.memref_slice %arg4[%add3A_963, %dma_wait3A_968] : memref<2560x128xi32, #tpu.memory_space<hbm>> -> memref<1x128xi32, #tpu.memory_space<hbm>>
      %dma_wait3A_970 = tpu.memref_squeeze %dma_wait3A_969 : memref<1x128xi32, #tpu.memory_space<hbm>> -> memref<128xi32, #tpu.memory_space<hbm>>
      %dma_wait3A_971 = arith.constant 0 : i32
      %dma_wait3A_972 = tpu.memref_slice %arg9[%dma_wait3A_964, %dma_wait3A_971] : memref<8x128xi32, #tpu.memory_space<vmem>> -> memref<1x128xi32, #tpu.memory_space<vmem>>
      %dma_wait3A_973 = tpu.memref_squeeze %dma_wait3A_972 : memref<1x128xi32, #tpu.memory_space<vmem>> -> memref<128xi32, #tpu.memory_space<vmem>>
      %dma_wait3A_974 = arith.constant 0 : i32
      %dma_wait3A_975 = tpu.memref_slice %arg4[%add3A_963, %dma_wait3A_974] : memref<2560x128xi32, #tpu.memory_space<hbm>> -> memref<1x128xi32, #tpu.memory_space<hbm>>
      %dma_wait3A_976 = tpu.memref_squeeze %dma_wait3A_975 : memref<1x128xi32, #tpu.memory_space<hbm>> -> memref<128xi32, #tpu.memory_space<hbm>>
      tpu.wait_dma2 semaphore(%arg16 : memref<!tpu.dma_semaphore, #tpu.memory_space<semaphore_mem>>) src(%dma_wait3A_976 : memref<128xi32, #tpu.memory_space<hbm>>) dst(%dma_wait3A_973 : memref<128xi32, #tpu.memory_space<vmem>>)
      %dma_start3A_977 = arith.constant 1 : i32
      %dma_start3A_978 = arith.constant 1 : i32
      %dma_start3A_979 = arith.constant 0 : i32
      %dma_start3A_980 = arith.constant 0 : i32
      %dma_start3A_981 = tpu.memref_slice %arg10[%dma_start3A_978, %dma_start3A_979, %dma_start3A_980] : memref<2x128x64xf32, #tpu.memory_space<vmem>> -> memref<1x128x64xf32, #tpu.memory_space<vmem>>
      %dma_start3A_982 = tpu.memref_squeeze %dma_start3A_981 : memref<1x128x64xf32, #tpu.memory_space<vmem>> -> memref<128x64xf32, #tpu.memory_space<vmem>>
      %dma_start3A_983 = arith.constant 0 : i32
      %dma_start3A_984 = tpu.memref_slice %arg8[%dma_start3A_977, %dma_start3A_983] : memref<8x128xi32, #tpu.memory_space<vmem>> -> memref<1x128xi32, #tpu.memory_space<vmem>>
      %dma_start3A_985 = tpu.memref_squeeze %dma_start3A_984 : memref<1x128xi32, #tpu.memory_space<vmem>> -> memref<128xi32, #tpu.memory_space<vmem>>
      %dma_start3A_986 = arith.constant 0 : i32
      %dma_start3A_987 = arith.constant 0 : i32
      %dma_start3A_988 = tpu.memref_slice %arg6[%dma_start3A_986, %dma_start3A_987] : memref<10240x64xf32, #tpu.memory_space<vmem_shared>> -> memref<10240x64xf32, #tpu.memory_space<vmem_shared>>
      tpu.enqueue_indirect_dma source(%dma_start3A_988 : memref<10240x64xf32, #tpu.memory_space<vmem_shared>>) target(%dma_start3A_982 : memref<128x64xf32, #tpu.memory_space<vmem>>) offsets(%dma_start3A_985 : memref<128xi32, #tpu.memory_space<vmem>>) semaphore(%arg12 : memref<!tpu.dma_semaphore, #tpu.memory_space<semaphore_mem>>)
      %dma_start3A_989 = arith.constant 0 : i32
      %dma_start3A_990 = arith.constant 0 : i32
      %dma_start3A_991 = arith.constant 0 : i32
      %dma_start3A_992 = arith.constant 0 : i32
      %dma_start3A_993 = tpu.memref_slice %arg10[%dma_start3A_989, %dma_start3A_991, %dma_start3A_992] : memref<2x128x64xf32, #tpu.memory_space<vmem>> -> memref<1x128x64xf32, #tpu.memory_space<vmem>>
      %dma_start3A_994 = tpu.memref_squeeze %dma_start3A_993 : memref<1x128x64xf32, #tpu.memory_space<vmem>> -> memref<128x64xf32, #tpu.memory_space<vmem>>
      %dma_start3A_995 = arith.constant 0 : i32
      %dma_start3A_996 = tpu.memref_slice %arg9[%dma_start3A_990, %dma_start3A_995] : memref<8x128xi32, #tpu.memory_space<vmem>> -> memref<1x128xi32, #tpu.memory_space<vmem>>
      %dma_start3A_997 = tpu.memref_squeeze %dma_start3A_996 : memref<1x128xi32, #tpu.memory_space<vmem>> -> memref<128xi32, #tpu.memory_space<vmem>>
      %dma_start3A_998 = arith.constant 0 : i32
      %dma_start3A_999 = arith.constant 0 : i32
      %dma_start3A_1000 = tpu.memref_slice %arg7[%dma_start3A_998, %dma_start3A_999] : memref<10240x64xf32, #tpu.memory_space<vmem_shared>> -> memref<10240x64xf32, #tpu.memory_space<vmem_shared>>
      tpu.enqueue_indirect_dma source(%dma_start3A_994 : memref<128x64xf32, #tpu.memory_space<vmem>>) target(%dma_start3A_1000 : memref<10240x64xf32, #tpu.memory_space<vmem_shared>>) offsets(%dma_start3A_997 : memref<128xi32, #tpu.memory_space<vmem>>) semaphore(%arg13 : memref<!tpu.dma_semaphore, #tpu.memory_space<semaphore_mem>>) {add = true}
      %dma_wait3A_1001 = arith.constant 1 : i32
      %dma_wait3A_1002 = arith.constant 1 : i32
      %dma_wait3A_1003 = arith.constant 0 : i32
      %dma_wait3A_1004 = arith.constant 0 : i32
      %dma_wait3A_1005 = tpu.memref_slice %arg10[%dma_wait3A_1002, %dma_wait3A_1003, %dma_wait3A_1004] : memref<2x128x64xf32, #tpu.memory_space<vmem>> -> memref<1x128x64xf32, #tpu.memory_space<vmem>>
      %dma_wait3A_1006 = tpu.memref_squeeze %dma_wait3A_1005 : memref<1x128x64xf32, #tpu.memory_space<vmem>> -> memref<128x64xf32, #tpu.memory_space<vmem>>
      %dma_wait3A_1007 = arith.constant 0 : i32
      %dma_wait3A_1008 = tpu.memref_slice %arg8[%dma_wait3A_1001, %dma_wait3A_1007] : memref<8x128xi32, #tpu.memory_space<vmem>> -> memref<1x128xi32, #tpu.memory_space<vmem>>
      %dma_wait3A_1009 = tpu.memref_squeeze %dma_wait3A_1008 : memref<1x128xi32, #tpu.memory_space<vmem>> -> memref<128xi32, #tpu.memory_space<vmem>>
      %dma_wait3A_1010 = arith.constant 0 : i32
      %dma_wait3A_1011 = arith.constant 0 : i32
      %dma_wait3A_1012 = tpu.memref_slice %arg6[%dma_wait3A_1010, %dma_wait3A_1011] : memref<10240x64xf32, #tpu.memory_space<vmem_shared>> -> memref<10240x64xf32, #tpu.memory_space<vmem_shared>>
      tpu.wait_indirect_dma semaphore(%arg12 : memref<!tpu.dma_semaphore, #tpu.memory_space<semaphore_mem>>) src(%dma_wait3A_1012 : memref<10240x64xf32, #tpu.memory_space<vmem_shared>>) dst(%dma_wait3A_1006 : memref<128x64xf32, #tpu.memory_space<vmem>>)
      %dma_wait3A_1013 = arith.constant 0 : i32
      %dma_wait3A_1014 = arith.constant 0 : i32
      %dma_wait3A_1015 = arith.constant 0 : i32
      %dma_wait3A_1016 = arith.constant 0 : i32
      %dma_wait3A_1017 = tpu.memref_slice %arg10[%dma_wait3A_1013, %dma_wait3A_1015, %dma_wait3A_1016] : memref<2x128x64xf32, #tpu.memory_space<vmem>> -> memref<1x128x64xf32, #tpu.memory_space<vmem>>
      %dma_wait3A_1018 = tpu.memref_squeeze %dma_wait3A_1017 : memref<1x128x64xf32, #tpu.memory_space<vmem>> -> memref<128x64xf32, #tpu.memory_space<vmem>>
      %dma_wait3A_1019 = arith.constant 0 : i32
      %dma_wait3A_1020 = tpu.memref_slice %arg9[%dma_wait3A_1014, %dma_wait3A_1019] : memref<8x128xi32, #tpu.memory_space<vmem>> -> memref<1x128xi32, #tpu.memory_space<vmem>>
      %dma_wait3A_1021 = tpu.memref_squeeze %dma_wait3A_1020 : memref<1x128xi32, #tpu.memory_space<vmem>> -> memref<128xi32, #tpu.memory_space<vmem>>
      %dma_wait3A_1022 = arith.constant 0 : i32
      %dma_wait3A_1023 = arith.constant 0 : i32
      %dma_wait3A_1024 = tpu.memref_slice %arg7[%dma_wait3A_1022, %dma_wait3A_1023] : memref<10240x64xf32, #tpu.memory_space<vmem_shared>> -> memref<10240x64xf32, #tpu.memory_space<vmem_shared>>
      tpu.wait_indirect_dma semaphore(%arg13 : memref<!tpu.dma_semaphore, #tpu.memory_space<semaphore_mem>>) src(%dma_wait3A_1018 : memref<128x64xf32, #tpu.memory_space<vmem>>) dst(%dma_wait3A_1024 : memref<10240x64xf32, #tpu.memory_space<vmem_shared>>)
      %add3A_1025 = arith.constant 4 : i32
      %add3A_1026 = arith.addi %mul3A_892, %add3A_1025 : i32
      %add3A_1027 = arith.addi %mul3A_20, %add3A_1026 : i32
      %dma_start3A_1028 = arith.constant 0 : i32
      %dma_start3A_1029 = arith.constant 0 : i32
      %dma_start3A_1030 = tpu.memref_slice %arg8[%dma_start3A_1028, %dma_start3A_1029] : memref<8x128xi32, #tpu.memory_space<vmem>> -> memref<1x128xi32, #tpu.memory_space<vmem>>
      %dma_start3A_1031 = tpu.memref_squeeze %dma_start3A_1030 : memref<1x128xi32, #tpu.memory_space<vmem>> -> memref<128xi32, #tpu.memory_space<vmem>>
      %dma_start3A_1032 = arith.constant 0 : i32
      %dma_start3A_1033 = tpu.memref_slice %arg3[%add3A_1027, %dma_start3A_1032] : memref<2560x128xi32, #tpu.memory_space<hbm>> -> memref<1x128xi32, #tpu.memory_space<hbm>>
      %dma_start3A_1034 = tpu.memref_squeeze %dma_start3A_1033 : memref<1x128xi32, #tpu.memory_space<hbm>> -> memref<128xi32, #tpu.memory_space<hbm>>
      %dma_start3A_1035 = arith.constant 0 : i32
      %dma_start3A_1036 = tpu.memref_slice %arg8[%dma_start3A_1028, %dma_start3A_1035] : memref<8x128xi32, #tpu.memory_space<vmem>> -> memref<1x128xi32, #tpu.memory_space<vmem>>
      %dma_start3A_1037 = tpu.memref_squeeze %dma_start3A_1036 : memref<1x128xi32, #tpu.memory_space<vmem>> -> memref<128xi32, #tpu.memory_space<vmem>>
      %dma_start3A_1038 = arith.constant 0 : i32
      %dma_start3A_1039 = tpu.memref_slice %arg3[%add3A_1027, %dma_start3A_1038] : memref<2560x128xi32, #tpu.memory_space<hbm>> -> memref<1x128xi32, #tpu.memory_space<hbm>>
      %dma_start3A_1040 = tpu.memref_squeeze %dma_start3A_1039 : memref<1x128xi32, #tpu.memory_space<hbm>> -> memref<128xi32, #tpu.memory_space<hbm>>
      tpu.enqueue_dma source(%dma_start3A_1040 : memref<128xi32, #tpu.memory_space<hbm>>) target(%dma_start3A_1037 : memref<128xi32, #tpu.memory_space<vmem>>) target_semaphore(%arg15 : memref<!tpu.dma_semaphore, #tpu.memory_space<semaphore_mem>>)
      %add3A_1041 = arith.addi %mul3A_20, %add3A_1026 : i32
      %dma_start3A_1042 = arith.constant 0 : i32
      %dma_start3A_1043 = arith.constant 0 : i32
      %dma_start3A_1044 = tpu.memref_slice %arg9[%dma_start3A_1042, %dma_start3A_1043] : memref<8x128xi32, #tpu.memory_space<vmem>> -> memref<1x128xi32, #tpu.memory_space<vmem>>
      %dma_start3A_1045 = tpu.memref_squeeze %dma_start3A_1044 : memref<1x128xi32, #tpu.memory_space<vmem>> -> memref<128xi32, #tpu.memory_space<vmem>>
      %dma_start3A_1046 = arith.constant 0 : i32
      %dma_start3A_1047 = tpu.memref_slice %arg4[%add3A_1041, %dma_start3A_1046] : memref<2560x128xi32, #tpu.memory_space<hbm>> -> memref<1x128xi32, #tpu.memory_space<hbm>>
      %dma_start3A_1048 = tpu.memref_squeeze %dma_start3A_1047 : memref<1x128xi32, #tpu.memory_space<hbm>> -> memref<128xi32, #tpu.memory_space<hbm>>
      %dma_start3A_1049 = arith.constant 0 : i32
      %dma_start3A_1050 = tpu.memref_slice %arg9[%dma_start3A_1042, %dma_start3A_1049] : memref<8x128xi32, #tpu.memory_space<vmem>> -> memref<1x128xi32, #tpu.memory_space<vmem>>
      %dma_start3A_1051 = tpu.memref_squeeze %dma_start3A_1050 : memref<1x128xi32, #tpu.memory_space<vmem>> -> memref<128xi32, #tpu.memory_space<vmem>>
      %dma_start3A_1052 = arith.constant 0 : i32
      %dma_start3A_1053 = tpu.memref_slice %arg4[%add3A_1041, %dma_start3A_1052] : memref<2560x128xi32, #tpu.memory_space<hbm>> -> memref<1x128xi32, #tpu.memory_space<hbm>>
      %dma_start3A_1054 = tpu.memref_squeeze %dma_start3A_1053 : memref<1x128xi32, #tpu.memory_space<hbm>> -> memref<128xi32, #tpu.memory_space<hbm>>
      tpu.enqueue_dma source(%dma_start3A_1054 : memref<128xi32, #tpu.memory_space<hbm>>) target(%dma_start3A_1051 : memref<128xi32, #tpu.memory_space<vmem>>) target_semaphore(%arg15 : memref<!tpu.dma_semaphore, #tpu.memory_space<semaphore_mem>>)
      %add3A_1055 = arith.constant 2 : i32
      %add3A_1056 = arith.addi %mul3A_892, %add3A_1055 : i32
      %add3A_1057 = arith.addi %mul3A_20, %add3A_1056 : i32
      %dma_wait3A_1058 = arith.constant 2 : i32
      %dma_wait3A_1059 = arith.constant 0 : i32
      %dma_wait3A_1060 = tpu.memref_slice %arg8[%dma_wait3A_1058, %dma_wait3A_1059] : memref<8x128xi32, #tpu.memory_space<vmem>> -> memref<1x128xi32, #tpu.memory_space<vmem>>
      %dma_wait3A_1061 = tpu.memref_squeeze %dma_wait3A_1060 : memref<1x128xi32, #tpu.memory_space<vmem>> -> memref<128xi32, #tpu.memory_space<vmem>>
      %dma_wait3A_1062 = arith.constant 0 : i32
      %dma_wait3A_1063 = tpu.memref_slice %arg3[%add3A_1057, %dma_wait3A_1062] : memref<2560x128xi32, #tpu.memory_space<hbm>> -> memref<1x128xi32, #tpu.memory_space<hbm>>
      %dma_wait3A_1064 = tpu.memref_squeeze %dma_wait3A_1063 : memref<1x128xi32, #tpu.memory_space<hbm>> -> memref<128xi32, #tpu.memory_space<hbm>>
      %dma_wait3A_1065 = arith.constant 0 : i32
      %dma_wait3A_1066 = tpu.memref_slice %arg8[%dma_wait3A_1058, %dma_wait3A_1065] : memref<8x128xi32, #tpu.memory_space<vmem>> -> memref<1x128xi32, #tpu.memory_space<vmem>>
      %dma_wait3A_1067 = tpu.memref_squeeze %dma_wait3A_1066 : memref<1x128xi32, #tpu.memory_space<vmem>> -> memref<128xi32, #tpu.memory_space<vmem>>
      %dma_wait3A_1068 = arith.constant 0 : i32
      %dma_wait3A_1069 = tpu.memref_slice %arg3[%add3A_1057, %dma_wait3A_1068] : memref<2560x128xi32, #tpu.memory_space<hbm>> -> memref<1x128xi32, #tpu.memory_space<hbm>>
      %dma_wait3A_1070 = tpu.memref_squeeze %dma_wait3A_1069 : memref<1x128xi32, #tpu.memory_space<hbm>> -> memref<128xi32, #tpu.memory_space<hbm>>
      tpu.wait_dma2 semaphore(%arg17 : memref<!tpu.dma_semaphore, #tpu.memory_space<semaphore_mem>>) src(%dma_wait3A_1070 : memref<128xi32, #tpu.memory_space<hbm>>) dst(%dma_wait3A_1067 : memref<128xi32, #tpu.memory_space<vmem>>)
      %add3A_1071 = arith.addi %mul3A_20, %add3A_1056 : i32
      %dma_wait3A_1072 = arith.constant 2 : i32
      %dma_wait3A_1073 = arith.constant 0 : i32
      %dma_wait3A_1074 = tpu.memref_slice %arg9[%dma_wait3A_1072, %dma_wait3A_1073] : memref<8x128xi32, #tpu.memory_space<vmem>> -> memref<1x128xi32, #tpu.memory_space<vmem>>
      %dma_wait3A_1075 = tpu.memref_squeeze %dma_wait3A_1074 : memref<1x128xi32, #tpu.memory_space<vmem>> -> memref<128xi32, #tpu.memory_space<vmem>>
      %dma_wait3A_1076 = arith.constant 0 : i32
      %dma_wait3A_1077 = tpu.memref_slice %arg4[%add3A_1071, %dma_wait3A_1076] : memref<2560x128xi32, #tpu.memory_space<hbm>> -> memref<1x128xi32, #tpu.memory_space<hbm>>
      %dma_wait3A_1078 = tpu.memref_squeeze %dma_wait3A_1077 : memref<1x128xi32, #tpu.memory_space<hbm>> -> memref<128xi32, #tpu.memory_space<hbm>>
      %dma_wait3A_1079 = arith.constant 0 : i32
      %dma_wait3A_1080 = tpu.memref_slice %arg9[%dma_wait3A_1072, %dma_wait3A_1079] : memref<8x128xi32, #tpu.memory_space<vmem>> -> memref<1x128xi32, #tpu.memory_space<vmem>>
      %dma_wait3A_1081 = tpu.memref_squeeze %dma_wait3A_1080 : memref<1x128xi32, #tpu.memory_space<vmem>> -> memref<128xi32, #tpu.memory_space<vmem>>
      %dma_wait3A_1082 = arith.constant 0 : i32
      %dma_wait3A_1083 = tpu.memref_slice %arg4[%add3A_1071, %dma_wait3A_1082] : memref<2560x128xi32, #tpu.memory_space<hbm>> -> memref<1x128xi32, #tpu.memory_space<hbm>>
      %dma_wait3A_1084 = tpu.memref_squeeze %dma_wait3A_1083 : memref<1x128xi32, #tpu.memory_space<hbm>> -> memref<128xi32, #tpu.memory_space<hbm>>
      tpu.wait_dma2 semaphore(%arg17 : memref<!tpu.dma_semaphore, #tpu.memory_space<semaphore_mem>>) src(%dma_wait3A_1084 : memref<128xi32, #tpu.memory_space<hbm>>) dst(%dma_wait3A_1081 : memref<128xi32, #tpu.memory_space<vmem>>)
      %dma_start3A_1085 = arith.constant 2 : i32
      %dma_start3A_1086 = arith.constant 0 : i32
      %dma_start3A_1087 = arith.constant 0 : i32
      %dma_start3A_1088 = arith.constant 0 : i32
      %dma_start3A_1089 = tpu.memref_slice %arg10[%dma_start3A_1086, %dma_start3A_1087, %dma_start3A_1088] : memref<2x128x64xf32, #tpu.memory_space<vmem>> -> memref<1x128x64xf32, #tpu.memory_space<vmem>>
      %dma_start3A_1090 = tpu.memref_squeeze %dma_start3A_1089 : memref<1x128x64xf32, #tpu.memory_space<vmem>> -> memref<128x64xf32, #tpu.memory_space<vmem>>
      %dma_start3A_1091 = arith.constant 0 : i32
      %dma_start3A_1092 = tpu.memref_slice %arg8[%dma_start3A_1085, %dma_start3A_1091] : memref<8x128xi32, #tpu.memory_space<vmem>> -> memref<1x128xi32, #tpu.memory_space<vmem>>
      %dma_start3A_1093 = tpu.memref_squeeze %dma_start3A_1092 : memref<1x128xi32, #tpu.memory_space<vmem>> -> memref<128xi32, #tpu.memory_space<vmem>>
      %dma_start3A_1094 = arith.constant 0 : i32
      %dma_start3A_1095 = arith.constant 0 : i32
      %dma_start3A_1096 = tpu.memref_slice %arg6[%dma_start3A_1094, %dma_start3A_1095] : memref<10240x64xf32, #tpu.memory_space<vmem_shared>> -> memref<10240x64xf32, #tpu.memory_space<vmem_shared>>
      tpu.enqueue_indirect_dma source(%dma_start3A_1096 : memref<10240x64xf32, #tpu.memory_space<vmem_shared>>) target(%dma_start3A_1090 : memref<128x64xf32, #tpu.memory_space<vmem>>) offsets(%dma_start3A_1093 : memref<128xi32, #tpu.memory_space<vmem>>) semaphore(%arg11 : memref<!tpu.dma_semaphore, #tpu.memory_space<semaphore_mem>>)
      %dma_start3A_1097 = arith.constant 1 : i32
      %dma_start3A_1098 = arith.constant 1 : i32
      %dma_start3A_1099 = arith.constant 0 : i32
      %dma_start3A_1100 = arith.constant 0 : i32
      %dma_start3A_1101 = tpu.memref_slice %arg10[%dma_start3A_1097, %dma_start3A_1099, %dma_start3A_1100] : memref<2x128x64xf32, #tpu.memory_space<vmem>> -> memref<1x128x64xf32, #tpu.memory_space<vmem>>
      %dma_start3A_1102 = tpu.memref_squeeze %dma_start3A_1101 : memref<1x128x64xf32, #tpu.memory_space<vmem>> -> memref<128x64xf32, #tpu.memory_space<vmem>>
      %dma_start3A_1103 = arith.constant 0 : i32
      %dma_start3A_1104 = tpu.memref_slice %arg9[%dma_start3A_1098, %dma_start3A_1103] : memref<8x128xi32, #tpu.memory_space<vmem>> -> memref<1x128xi32, #tpu.memory_space<vmem>>
      %dma_start3A_1105 = tpu.memref_squeeze %dma_start3A_1104 : memref<1x128xi32, #tpu.memory_space<vmem>> -> memref<128xi32, #tpu.memory_space<vmem>>
      %dma_start3A_1106 = arith.constant 0 : i32
      %dma_start3A_1107 = arith.constant 0 : i32
      %dma_start3A_1108 = tpu.memref_slice %arg7[%dma_start3A_1106, %dma_start3A_1107] : memref<10240x64xf32, #tpu.memory_space<vmem_shared>> -> memref<10240x64xf32, #tpu.memory_space<vmem_shared>>
      tpu.enqueue_indirect_dma source(%dma_start3A_1102 : memref<128x64xf32, #tpu.memory_space<vmem>>) target(%dma_start3A_1108 : memref<10240x64xf32, #tpu.memory_space<vmem_shared>>) offsets(%dma_start3A_1105 : memref<128xi32, #tpu.memory_space<vmem>>) semaphore(%arg14 : memref<!tpu.dma_semaphore, #tpu.memory_space<semaphore_mem>>) {add = true}
      %dma_wait3A_1109 = arith.constant 2 : i32
      %dma_wait3A_1110 = arith.constant 0 : i32
      %dma_wait3A_1111 = arith.constant 0 : i32
      %dma_wait3A_1112 = arith.constant 0 : i32
      %dma_wait3A_1113 = tpu.memref_slice %arg10[%dma_wait3A_1110, %dma_wait3A_1111, %dma_wait3A_1112] : memref<2x128x64xf32, #tpu.memory_space<vmem>> -> memref<1x128x64xf32, #tpu.memory_space<vmem>>
      %dma_wait3A_1114 = tpu.memref_squeeze %dma_wait3A_1113 : memref<1x128x64xf32, #tpu.memory_space<vmem>> -> memref<128x64xf32, #tpu.memory_space<vmem>>
      %dma_wait3A_1115 = arith.constant 0 : i32
      %dma_wait3A_1116 = tpu.memref_slice %arg8[%dma_wait3A_1109, %dma_wait3A_1115] : memref<8x128xi32, #tpu.memory_space<vmem>> -> memref<1x128xi32, #tpu.memory_space<vmem>>
      %dma_wait3A_1117 = tpu.memref_squeeze %dma_wait3A_1116 : memref<1x128xi32, #tpu.memory_space<vmem>> -> memref<128xi32, #tpu.memory_space<vmem>>
      %dma_wait3A_1118 = arith.constant 0 : i32
      %dma_wait3A_1119 = arith.constant 0 : i32
      %dma_wait3A_1120 = tpu.memref_slice %arg6[%dma_wait3A_1118, %dma_wait3A_1119] : memref<10240x64xf32, #tpu.memory_space<vmem_shared>> -> memref<10240x64xf32, #tpu.memory_space<vmem_shared>>
      tpu.wait_indirect_dma semaphore(%arg11 : memref<!tpu.dma_semaphore, #tpu.memory_space<semaphore_mem>>) src(%dma_wait3A_1120 : memref<10240x64xf32, #tpu.memory_space<vmem_shared>>) dst(%dma_wait3A_1114 : memref<128x64xf32, #tpu.memory_space<vmem>>)
      %dma_wait3A_1121 = arith.constant 1 : i32
      %dma_wait3A_1122 = arith.constant 1 : i32
      %dma_wait3A_1123 = arith.constant 0 : i32
      %dma_wait3A_1124 = arith.constant 0 : i32
      %dma_wait3A_1125 = tpu.memref_slice %arg10[%dma_wait3A_1121, %dma_wait3A_1123, %dma_wait3A_1124] : memref<2x128x64xf32, #tpu.memory_space<vmem>> -> memref<1x128x64xf32, #tpu.memory_space<vmem>>
      %dma_wait3A_1126 = tpu.memref_squeeze %dma_wait3A_1125 : memref<1x128x64xf32, #tpu.memory_space<vmem>> -> memref<128x64xf32, #tpu.memory_space<vmem>>
      %dma_wait3A_1127 = arith.constant 0 : i32
      %dma_wait3A_1128 = tpu.memref_slice %arg9[%dma_wait3A_1122, %dma_wait3A_1127] : memref<8x128xi32, #tpu.memory_space<vmem>> -> memref<1x128xi32, #tpu.memory_space<vmem>>
      %dma_wait3A_1129 = tpu.memref_squeeze %dma_wait3A_1128 : memref<1x128xi32, #tpu.memory_space<vmem>> -> memref<128xi32, #tpu.memory_space<vmem>>
      %dma_wait3A_1130 = arith.constant 0 : i32
      %dma_wait3A_1131 = arith.constant 0 : i32
      %dma_wait3A_1132 = tpu.memref_slice %arg7[%dma_wait3A_1130, %dma_wait3A_1131] : memref<10240x64xf32, #tpu.memory_space<vmem_shared>> -> memref<10240x64xf32, #tpu.memory_space<vmem_shared>>
      tpu.wait_indirect_dma semaphore(%arg14 : memref<!tpu.dma_semaphore, #tpu.memory_space<semaphore_mem>>) src(%dma_wait3A_1126 : memref<128x64xf32, #tpu.memory_space<vmem>>) dst(%dma_wait3A_1132 : memref<10240x64xf32, #tpu.memory_space<vmem_shared>>)
      %add3A_1133 = arith.constant 5 : i32
      %add3A_1134 = arith.addi %mul3A_892, %add3A_1133 : i32
      %add3A_1135 = arith.addi %mul3A_20, %add3A_1134 : i32
      %dma_start3A_1136 = arith.constant 1 : i32
      %dma_start3A_1137 = arith.constant 0 : i32
      %dma_start3A_1138 = tpu.memref_slice %arg8[%dma_start3A_1136, %dma_start3A_1137] : memref<8x128xi32, #tpu.memory_space<vmem>> -> memref<1x128xi32, #tpu.memory_space<vmem>>
      %dma_start3A_1139 = tpu.memref_squeeze %dma_start3A_1138 : memref<1x128xi32, #tpu.memory_space<vmem>> -> memref<128xi32, #tpu.memory_space<vmem>>
      %dma_start3A_1140 = arith.constant 0 : i32
      %dma_start3A_1141 = tpu.memref_slice %arg3[%add3A_1135, %dma_start3A_1140] : memref<2560x128xi32, #tpu.memory_space<hbm>> -> memref<1x128xi32, #tpu.memory_space<hbm>>
      %dma_start3A_1142 = tpu.memref_squeeze %dma_start3A_1141 : memref<1x128xi32, #tpu.memory_space<hbm>> -> memref<128xi32, #tpu.memory_space<hbm>>
      %dma_start3A_1143 = arith.constant 0 : i32
      %dma_start3A_1144 = tpu.memref_slice %arg8[%dma_start3A_1136, %dma_start3A_1143] : memref<8x128xi32, #tpu.memory_space<vmem>> -> memref<1x128xi32, #tpu.memory_space<vmem>>
      %dma_start3A_1145 = tpu.memref_squeeze %dma_start3A_1144 : memref<1x128xi32, #tpu.memory_space<vmem>> -> memref<128xi32, #tpu.memory_space<vmem>>
      %dma_start3A_1146 = arith.constant 0 : i32
      %dma_start3A_1147 = tpu.memref_slice %arg3[%add3A_1135, %dma_start3A_1146] : memref<2560x128xi32, #tpu.memory_space<hbm>> -> memref<1x128xi32, #tpu.memory_space<hbm>>
      %dma_start3A_1148 = tpu.memref_squeeze %dma_start3A_1147 : memref<1x128xi32, #tpu.memory_space<hbm>> -> memref<128xi32, #tpu.memory_space<hbm>>
      tpu.enqueue_dma source(%dma_start3A_1148 : memref<128xi32, #tpu.memory_space<hbm>>) target(%dma_start3A_1145 : memref<128xi32, #tpu.memory_space<vmem>>) target_semaphore(%arg16 : memref<!tpu.dma_semaphore, #tpu.memory_space<semaphore_mem>>)
      %add3A_1149 = arith.addi %mul3A_20, %add3A_1134 : i32
      %dma_start3A_1150 = arith.constant 1 : i32
      %dma_start3A_1151 = arith.constant 0 : i32
      %dma_start3A_1152 = tpu.memref_slice %arg9[%dma_start3A_1150, %dma_start3A_1151] : memref<8x128xi32, #tpu.memory_space<vmem>> -> memref<1x128xi32, #tpu.memory_space<vmem>>
      %dma_start3A_1153 = tpu.memref_squeeze %dma_start3A_1152 : memref<1x128xi32, #tpu.memory_space<vmem>> -> memref<128xi32, #tpu.memory_space<vmem>>
      %dma_start3A_1154 = arith.constant 0 : i32
      %dma_start3A_1155 = tpu.memref_slice %arg4[%add3A_1149, %dma_start3A_1154] : memref<2560x128xi32, #tpu.memory_space<hbm>> -> memref<1x128xi32, #tpu.memory_space<hbm>>
      %dma_start3A_1156 = tpu.memref_squeeze %dma_start3A_1155 : memref<1x128xi32, #tpu.memory_space<hbm>> -> memref<128xi32, #tpu.memory_space<hbm>>
      %dma_start3A_1157 = arith.constant 0 : i32
      %dma_start3A_1158 = tpu.memref_slice %arg9[%dma_start3A_1150, %dma_start3A_1157] : memref<8x128xi32, #tpu.memory_space<vmem>> -> memref<1x128xi32, #tpu.memory_space<vmem>>
      %dma_start3A_1159 = tpu.memref_squeeze %dma_start3A_1158 : memref<1x128xi32, #tpu.memory_space<vmem>> -> memref<128xi32, #tpu.memory_space<vmem>>
      %dma_start3A_1160 = arith.constant 0 : i32
      %dma_start3A_1161 = tpu.memref_slice %arg4[%add3A_1149, %dma_start3A_1160] : memref<2560x128xi32, #tpu.memory_space<hbm>> -> memref<1x128xi32, #tpu.memory_space<hbm>>
      %dma_start3A_1162 = tpu.memref_squeeze %dma_start3A_1161 : memref<1x128xi32, #tpu.memory_space<hbm>> -> memref<128xi32, #tpu.memory_space<hbm>>
      tpu.enqueue_dma source(%dma_start3A_1162 : memref<128xi32, #tpu.memory_space<hbm>>) target(%dma_start3A_1159 : memref<128xi32, #tpu.memory_space<vmem>>) target_semaphore(%arg16 : memref<!tpu.dma_semaphore, #tpu.memory_space<semaphore_mem>>)
      %add3A_1163 = arith.constant 3 : i32
      %add3A_1164 = arith.addi %mul3A_892, %add3A_1163 : i32
      %add3A_1165 = arith.addi %mul3A_20, %add3A_1164 : i32
      %dma_wait3A_1166 = arith.constant 3 : i32
      %dma_wait3A_1167 = arith.constant 0 : i32
      %dma_wait3A_1168 = tpu.memref_slice %arg8[%dma_wait3A_1166, %dma_wait3A_1167] : memref<8x128xi32, #tpu.memory_space<vmem>> -> memref<1x128xi32, #tpu.memory_space<vmem>>
      %dma_wait3A_1169 = tpu.memref_squeeze %dma_wait3A_1168 : memref<1x128xi32, #tpu.memory_space<vmem>> -> memref<128xi32, #tpu.memory_space<vmem>>
      %dma_wait3A_1170 = arith.constant 0 : i32
      %dma_wait3A_1171 = tpu.memref_slice %arg3[%add3A_1165, %dma_wait3A_1170] : memref<2560x128xi32, #tpu.memory_space<hbm>> -> memref<1x128xi32, #tpu.memory_space<hbm>>
      %dma_wait3A_1172 = tpu.memref_squeeze %dma_wait3A_1171 : memref<1x128xi32, #tpu.memory_space<hbm>> -> memref<128xi32, #tpu.memory_space<hbm>>
      %dma_wait3A_1173 = arith.constant 0 : i32
      %dma_wait3A_1174 = tpu.memref_slice %arg8[%dma_wait3A_1166, %dma_wait3A_1173] : memref<8x128xi32, #tpu.memory_space<vmem>> -> memref<1x128xi32, #tpu.memory_space<vmem>>
      %dma_wait3A_1175 = tpu.memref_squeeze %dma_wait3A_1174 : memref<1x128xi32, #tpu.memory_space<vmem>> -> memref<128xi32, #tpu.memory_space<vmem>>
      %dma_wait3A_1176 = arith.constant 0 : i32
      %dma_wait3A_1177 = tpu.memref_slice %arg3[%add3A_1165, %dma_wait3A_1176] : memref<2560x128xi32, #tpu.memory_space<hbm>> -> memref<1x128xi32, #tpu.memory_space<hbm>>
      %dma_wait3A_1178 = tpu.memref_squeeze %dma_wait3A_1177 : memref<1x128xi32, #tpu.memory_space<hbm>> -> memref<128xi32, #tpu.memory_space<hbm>>
      tpu.wait_dma2 semaphore(%arg18 : memref<!tpu.dma_semaphore, #tpu.memory_space<semaphore_mem>>) src(%dma_wait3A_1178 : memref<128xi32, #tpu.memory_space<hbm>>) dst(%dma_wait3A_1175 : memref<128xi32, #tpu.memory_space<vmem>>)
      %add3A_1179 = arith.addi %mul3A_20, %add3A_1164 : i32
      %dma_wait3A_1180 = arith.constant 3 : i32
      %dma_wait3A_1181 = arith.constant 0 : i32
      %dma_wait3A_1182 = tpu.memref_slice %arg9[%dma_wait3A_1180, %dma_wait3A_1181] : memref<8x128xi32, #tpu.memory_space<vmem>> -> memref<1x128xi32, #tpu.memory_space<vmem>>
      %dma_wait3A_1183 = tpu.memref_squeeze %dma_wait3A_1182 : memref<1x128xi32, #tpu.memory_space<vmem>> -> memref<128xi32, #tpu.memory_space<vmem>>
      %dma_wait3A_1184 = arith.constant 0 : i32
      %dma_wait3A_1185 = tpu.memref_slice %arg4[%add3A_1179, %dma_wait3A_1184] : memref<2560x128xi32, #tpu.memory_space<hbm>> -> memref<1x128xi32, #tpu.memory_space<hbm>>
      %dma_wait3A_1186 = tpu.memref_squeeze %dma_wait3A_1185 : memref<1x128xi32, #tpu.memory_space<hbm>> -> memref<128xi32, #tpu.memory_space<hbm>>
      %dma_wait3A_1187 = arith.constant 0 : i32
      %dma_wait3A_1188 = tpu.memref_slice %arg9[%dma_wait3A_1180, %dma_wait3A_1187] : memref<8x128xi32, #tpu.memory_space<vmem>> -> memref<1x128xi32, #tpu.memory_space<vmem>>
      %dma_wait3A_1189 = tpu.memref_squeeze %dma_wait3A_1188 : memref<1x128xi32, #tpu.memory_space<vmem>> -> memref<128xi32, #tpu.memory_space<vmem>>
      %dma_wait3A_1190 = arith.constant 0 : i32
      %dma_wait3A_1191 = tpu.memref_slice %arg4[%add3A_1179, %dma_wait3A_1190] : memref<2560x128xi32, #tpu.memory_space<hbm>> -> memref<1x128xi32, #tpu.memory_space<hbm>>
      %dma_wait3A_1192 = tpu.memref_squeeze %dma_wait3A_1191 : memref<1x128xi32, #tpu.memory_space<hbm>> -> memref<128xi32, #tpu.memory_space<hbm>>
      tpu.wait_dma2 semaphore(%arg18 : memref<!tpu.dma_semaphore, #tpu.memory_space<semaphore_mem>>) src(%dma_wait3A_1192 : memref<128xi32, #tpu.memory_space<hbm>>) dst(%dma_wait3A_1189 : memref<128xi32, #tpu.memory_space<vmem>>)
      %dma_start3A_1193 = arith.constant 3 : i32
      %dma_start3A_1194 = arith.constant 1 : i32
      %dma_start3A_1195 = arith.constant 0 : i32
      %dma_start3A_1196 = arith.constant 0 : i32
      %dma_start3A_1197 = tpu.memref_slice %arg10[%dma_start3A_1194, %dma_start3A_1195, %dma_start3A_1196] : memref<2x128x64xf32, #tpu.memory_space<vmem>> -> memref<1x128x64xf32, #tpu.memory_space<vmem>>
      %dma_start3A_1198 = tpu.memref_squeeze %dma_start3A_1197 : memref<1x128x64xf32, #tpu.memory_space<vmem>> -> memref<128x64xf32, #tpu.memory_space<vmem>>
      %dma_start3A_1199 = arith.constant 0 : i32
      %dma_start3A_1200 = tpu.memref_slice %arg8[%dma_start3A_1193, %dma_start3A_1199] : memref<8x128xi32, #tpu.memory_space<vmem>> -> memref<1x128xi32, #tpu.memory_space<vmem>>
      %dma_start3A_1201 = tpu.memref_squeeze %dma_start3A_1200 : memref<1x128xi32, #tpu.memory_space<vmem>> -> memref<128xi32, #tpu.memory_space<vmem>>
      %dma_start3A_1202 = arith.constant 0 : i32
      %dma_start3A_1203 = arith.constant 0 : i32
      %dma_start3A_1204 = tpu.memref_slice %arg6[%dma_start3A_1202, %dma_start3A_1203] : memref<10240x64xf32, #tpu.memory_space<vmem_shared>> -> memref<10240x64xf32, #tpu.memory_space<vmem_shared>>
      tpu.enqueue_indirect_dma source(%dma_start3A_1204 : memref<10240x64xf32, #tpu.memory_space<vmem_shared>>) target(%dma_start3A_1198 : memref<128x64xf32, #tpu.memory_space<vmem>>) offsets(%dma_start3A_1201 : memref<128xi32, #tpu.memory_space<vmem>>) semaphore(%arg12 : memref<!tpu.dma_semaphore, #tpu.memory_space<semaphore_mem>>)
      %dma_start3A_1205 = arith.constant 0 : i32
      %dma_start3A_1206 = arith.constant 2 : i32
      %dma_start3A_1207 = arith.constant 0 : i32
      %dma_start3A_1208 = arith.constant 0 : i32
      %dma_start3A_1209 = tpu.memref_slice %arg10[%dma_start3A_1205, %dma_start3A_1207, %dma_start3A_1208] : memref<2x128x64xf32, #tpu.memory_space<vmem>> -> memref<1x128x64xf32, #tpu.memory_space<vmem>>
      %dma_start3A_1210 = tpu.memref_squeeze %dma_start3A_1209 : memref<1x128x64xf32, #tpu.memory_space<vmem>> -> memref<128x64xf32, #tpu.memory_space<vmem>>
      %dma_start3A_1211 = arith.constant 0 : i32
      %dma_start3A_1212 = tpu.memref_slice %arg9[%dma_start3A_1206, %dma_start3A_1211] : memref<8x128xi32, #tpu.memory_space<vmem>> -> memref<1x128xi32, #tpu.memory_space<vmem>>
      %dma_start3A_1213 = tpu.memref_squeeze %dma_start3A_1212 : memref<1x128xi32, #tpu.memory_space<vmem>> -> memref<128xi32, #tpu.memory_space<vmem>>
      %dma_start3A_1214 = arith.constant 0 : i32
      %dma_start3A_1215 = arith.constant 0 : i32
      %dma_start3A_1216 = tpu.memref_slice %arg7[%dma_start3A_1214, %dma_start3A_1215] : memref<10240x64xf32, #tpu.memory_space<vmem_shared>> -> memref<10240x64xf32, #tpu.memory_space<vmem_shared>>
      tpu.enqueue_indirect_dma source(%dma_start3A_1210 : memref<128x64xf32, #tpu.memory_space<vmem>>) target(%dma_start3A_1216 : memref<10240x64xf32, #tpu.memory_space<vmem_shared>>) offsets(%dma_start3A_1213 : memref<128xi32, #tpu.memory_space<vmem>>) semaphore(%arg13 : memref<!tpu.dma_semaphore, #tpu.memory_space<semaphore_mem>>) {add = true}
      %dma_wait3A_1217 = arith.constant 3 : i32
      %dma_wait3A_1218 = arith.constant 1 : i32
      %dma_wait3A_1219 = arith.constant 0 : i32
      %dma_wait3A_1220 = arith.constant 0 : i32
      %dma_wait3A_1221 = tpu.memref_slice %arg10[%dma_wait3A_1218, %dma_wait3A_1219, %dma_wait3A_1220] : memref<2x128x64xf32, #tpu.memory_space<vmem>> -> memref<1x128x64xf32, #tpu.memory_space<vmem>>
      %dma_wait3A_1222 = tpu.memref_squeeze %dma_wait3A_1221 : memref<1x128x64xf32, #tpu.memory_space<vmem>> -> memref<128x64xf32, #tpu.memory_space<vmem>>
      %dma_wait3A_1223 = arith.constant 0 : i32
      %dma_wait3A_1224 = tpu.memref_slice %arg8[%dma_wait3A_1217, %dma_wait3A_1223] : memref<8x128xi32, #tpu.memory_space<vmem>> -> memref<1x128xi32, #tpu.memory_space<vmem>>
      %dma_wait3A_1225 = tpu.memref_squeeze %dma_wait3A_1224 : memref<1x128xi32, #tpu.memory_space<vmem>> -> memref<128xi32, #tpu.memory_space<vmem>>
      %dma_wait3A_1226 = arith.constant 0 : i32
      %dma_wait3A_1227 = arith.constant 0 : i32
      %dma_wait3A_1228 = tpu.memref_slice %arg6[%dma_wait3A_1226, %dma_wait3A_1227] : memref<10240x64xf32, #tpu.memory_space<vmem_shared>> -> memref<10240x64xf32, #tpu.memory_space<vmem_shared>>
      tpu.wait_indirect_dma semaphore(%arg12 : memref<!tpu.dma_semaphore, #tpu.memory_space<semaphore_mem>>) src(%dma_wait3A_1228 : memref<10240x64xf32, #tpu.memory_space<vmem_shared>>) dst(%dma_wait3A_1222 : memref<128x64xf32, #tpu.memory_space<vmem>>)
      %dma_wait3A_1229 = arith.constant 0 : i32
      %dma_wait3A_1230 = arith.constant 2 : i32
      %dma_wait3A_1231 = arith.constant 0 : i32
      %dma_wait3A_1232 = arith.constant 0 : i32
      %dma_wait3A_1233 = tpu.memref_slice %arg10[%dma_wait3A_1229, %dma_wait3A_1231, %dma_wait3A_1232] : memref<2x128x64xf32, #tpu.memory_space<vmem>> -> memref<1x128x64xf32, #tpu.memory_space<vmem>>
      %dma_wait3A_1234 = tpu.memref_squeeze %dma_wait3A_1233 : memref<1x128x64xf32, #tpu.memory_space<vmem>> -> memref<128x64xf32, #tpu.memory_space<vmem>>
      %dma_wait3A_1235 = arith.constant 0 : i32
      %dma_wait3A_1236 = tpu.memref_slice %arg9[%dma_wait3A_1230, %dma_wait3A_1235] : memref<8x128xi32, #tpu.memory_space<vmem>> -> memref<1x128xi32, #tpu.memory_space<vmem>>
      %dma_wait3A_1237 = tpu.memref_squeeze %dma_wait3A_1236 : memref<1x128xi32, #tpu.memory_space<vmem>> -> memref<128xi32, #tpu.memory_space<vmem>>
      %dma_wait3A_1238 = arith.constant 0 : i32
      %dma_wait3A_1239 = arith.constant 0 : i32
      %dma_wait3A_1240 = tpu.memref_slice %arg7[%dma_wait3A_1238, %dma_wait3A_1239] : memref<10240x64xf32, #tpu.memory_space<vmem_shared>> -> memref<10240x64xf32, #tpu.memory_space<vmem_shared>>
      tpu.wait_indirect_dma semaphore(%arg13 : memref<!tpu.dma_semaphore, #tpu.memory_space<semaphore_mem>>) src(%dma_wait3A_1234 : memref<128x64xf32, #tpu.memory_space<vmem>>) dst(%dma_wait3A_1240 : memref<10240x64xf32, #tpu.memory_space<vmem_shared>>)
      %add3A_1241 = arith.constant 6 : i32
      %add3A_1242 = arith.addi %mul3A_892, %add3A_1241 : i32
      %add3A_1243 = arith.addi %mul3A_20, %add3A_1242 : i32
      %dma_start3A_1244 = arith.constant 2 : i32
      %dma_start3A_1245 = arith.constant 0 : i32
      %dma_start3A_1246 = tpu.memref_slice %arg8[%dma_start3A_1244, %dma_start3A_1245] : memref<8x128xi32, #tpu.memory_space<vmem>> -> memref<1x128xi32, #tpu.memory_space<vmem>>
      %dma_start3A_1247 = tpu.memref_squeeze %dma_start3A_1246 : memref<1x128xi32, #tpu.memory_space<vmem>> -> memref<128xi32, #tpu.memory_space<vmem>>
      %dma_start3A_1248 = arith.constant 0 : i32
      %dma_start3A_1249 = tpu.memref_slice %arg3[%add3A_1243, %dma_start3A_1248] : memref<2560x128xi32, #tpu.memory_space<hbm>> -> memref<1x128xi32, #tpu.memory_space<hbm>>
      %dma_start3A_1250 = tpu.memref_squeeze %dma_start3A_1249 : memref<1x128xi32, #tpu.memory_space<hbm>> -> memref<128xi32, #tpu.memory_space<hbm>>
      %dma_start3A_1251 = arith.constant 0 : i32
      %dma_start3A_1252 = tpu.memref_slice %arg8[%dma_start3A_1244, %dma_start3A_1251] : memref<8x128xi32, #tpu.memory_space<vmem>> -> memref<1x128xi32, #tpu.memory_space<vmem>>
      %dma_start3A_1253 = tpu.memref_squeeze %dma_start3A_1252 : memref<1x128xi32, #tpu.memory_space<vmem>> -> memref<128xi32, #tpu.memory_space<vmem>>
      %dma_start3A_1254 = arith.constant 0 : i32
      %dma_start3A_1255 = tpu.memref_slice %arg3[%add3A_1243, %dma_start3A_1254] : memref<2560x128xi32, #tpu.memory_space<hbm>> -> memref<1x128xi32, #tpu.memory_space<hbm>>
      %dma_start3A_1256 = tpu.memref_squeeze %dma_start3A_1255 : memref<1x128xi32, #tpu.memory_space<hbm>> -> memref<128xi32, #tpu.memory_space<hbm>>
      tpu.enqueue_dma source(%dma_start3A_1256 : memref<128xi32, #tpu.memory_space<hbm>>) target(%dma_start3A_1253 : memref<128xi32, #tpu.memory_space<vmem>>) target_semaphore(%arg17 : memref<!tpu.dma_semaphore, #tpu.memory_space<semaphore_mem>>)
      %add3A_1257 = arith.addi %mul3A_20, %add3A_1242 : i32
      %dma_start3A_1258 = arith.constant 2 : i32
      %dma_start3A_1259 = arith.constant 0 : i32
      %dma_start3A_1260 = tpu.memref_slice %arg9[%dma_start3A_1258, %dma_start3A_1259] : memref<8x128xi32, #tpu.memory_space<vmem>> -> memref<1x128xi32, #tpu.memory_space<vmem>>
      %dma_start3A_1261 = tpu.memref_squeeze %dma_start3A_1260 : memref<1x128xi32, #tpu.memory_space<vmem>> -> memref<128xi32, #tpu.memory_space<vmem>>
      %dma_start3A_1262 = arith.constant 0 : i32
      %dma_start3A_1263 = tpu.memref_slice %arg4[%add3A_1257, %dma_start3A_1262] : memref<2560x128xi32, #tpu.memory_space<hbm>> -> memref<1x128xi32, #tpu.memory_space<hbm>>
      %dma_start3A_1264 = tpu.memref_squeeze %dma_start3A_1263 : memref<1x128xi32, #tpu.memory_space<hbm>> -> memref<128xi32, #tpu.memory_space<hbm>>
      %dma_start3A_1265 = arith.constant 0 : i32
      %dma_start3A_1266 = tpu.memref_slice %arg9[%dma_start3A_1258, %dma_start3A_1265] : memref<8x128xi32, #tpu.memory_space<vmem>> -> memref<1x128xi32, #tpu.memory_space<vmem>>
      %dma_start3A_1267 = tpu.memref_squeeze %dma_start3A_1266 : memref<1x128xi32, #tpu.memory_space<vmem>> -> memref<128xi32, #tpu.memory_space<vmem>>
      %dma_start3A_1268 = arith.constant 0 : i32
      %dma_start3A_1269 = tpu.memref_slice %arg4[%add3A_1257, %dma_start3A_1268] : memref<2560x128xi32, #tpu.memory_space<hbm>> -> memref<1x128xi32, #tpu.memory_space<hbm>>
      %dma_start3A_1270 = tpu.memref_squeeze %dma_start3A_1269 : memref<1x128xi32, #tpu.memory_space<hbm>> -> memref<128xi32, #tpu.memory_space<hbm>>
      tpu.enqueue_dma source(%dma_start3A_1270 : memref<128xi32, #tpu.memory_space<hbm>>) target(%dma_start3A_1267 : memref<128xi32, #tpu.memory_space<vmem>>) target_semaphore(%arg17 : memref<!tpu.dma_semaphore, #tpu.memory_space<semaphore_mem>>)
      %add3A_1271 = arith.constant 4 : i32
      %add3A_1272 = arith.addi %mul3A_892, %add3A_1271 : i32
      %add3A_1273 = arith.addi %mul3A_20, %add3A_1272 : i32
      %dma_wait3A_1274 = arith.constant 0 : i32
      %dma_wait3A_1275 = arith.constant 0 : i32
      %dma_wait3A_1276 = tpu.memref_slice %arg8[%dma_wait3A_1274, %dma_wait3A_1275] : memref<8x128xi32, #tpu.memory_space<vmem>> -> memref<1x128xi32, #tpu.memory_space<vmem>>
      %dma_wait3A_1277 = tpu.memref_squeeze %dma_wait3A_1276 : memref<1x128xi32, #tpu.memory_space<vmem>> -> memref<128xi32, #tpu.memory_space<vmem>>
      %dma_wait3A_1278 = arith.constant 0 : i32
      %dma_wait3A_1279 = tpu.memref_slice %arg3[%add3A_1273, %dma_wait3A_1278] : memref<2560x128xi32, #tpu.memory_space<hbm>> -> memref<1x128xi32, #tpu.memory_space<hbm>>
      %dma_wait3A_1280 = tpu.memref_squeeze %dma_wait3A_1279 : memref<1x128xi32, #tpu.memory_space<hbm>> -> memref<128xi32, #tpu.memory_space<hbm>>
      %dma_wait3A_1281 = arith.constant 0 : i32
      %dma_wait3A_1282 = tpu.memref_slice %arg8[%dma_wait3A_1274, %dma_wait3A_1281] : memref<8x128xi32, #tpu.memory_space<vmem>> -> memref<1x128xi32, #tpu.memory_space<vmem>>
      %dma_wait3A_1283 = tpu.memref_squeeze %dma_wait3A_1282 : memref<1x128xi32, #tpu.memory_space<vmem>> -> memref<128xi32, #tpu.memory_space<vmem>>
      %dma_wait3A_1284 = arith.constant 0 : i32
      %dma_wait3A_1285 = tpu.memref_slice %arg3[%add3A_1273, %dma_wait3A_1284] : memref<2560x128xi32, #tpu.memory_space<hbm>> -> memref<1x128xi32, #tpu.memory_space<hbm>>
      %dma_wait3A_1286 = tpu.memref_squeeze %dma_wait3A_1285 : memref<1x128xi32, #tpu.memory_space<hbm>> -> memref<128xi32, #tpu.memory_space<hbm>>
      tpu.wait_dma2 semaphore(%arg15 : memref<!tpu.dma_semaphore, #tpu.memory_space<semaphore_mem>>) src(%dma_wait3A_1286 : memref<128xi32, #tpu.memory_space<hbm>>) dst(%dma_wait3A_1283 : memref<128xi32, #tpu.memory_space<vmem>>)
      %add3A_1287 = arith.addi %mul3A_20, %add3A_1272 : i32
      %dma_wait3A_1288 = arith.constant 0 : i32
      %dma_wait3A_1289 = arith.constant 0 : i32
      %dma_wait3A_1290 = tpu.memref_slice %arg9[%dma_wait3A_1288, %dma_wait3A_1289] : memref<8x128xi32, #tpu.memory_space<vmem>> -> memref<1x128xi32, #tpu.memory_space<vmem>>
      %dma_wait3A_1291 = tpu.memref_squeeze %dma_wait3A_1290 : memref<1x128xi32, #tpu.memory_space<vmem>> -> memref<128xi32, #tpu.memory_space<vmem>>
      %dma_wait3A_1292 = arith.constant 0 : i32
      %dma_wait3A_1293 = tpu.memref_slice %arg4[%add3A_1287, %dma_wait3A_1292] : memref<2560x128xi32, #tpu.memory_space<hbm>> -> memref<1x128xi32, #tpu.memory_space<hbm>>
      %dma_wait3A_1294 = tpu.memref_squeeze %dma_wait3A_1293 : memref<1x128xi32, #tpu.memory_space<hbm>> -> memref<128xi32, #tpu.memory_space<hbm>>
      %dma_wait3A_1295 = arith.constant 0 : i32
      %dma_wait3A_1296 = tpu.memref_slice %arg9[%dma_wait3A_1288, %dma_wait3A_1295] : memref<8x128xi32, #tpu.memory_space<vmem>> -> memref<1x128xi32, #tpu.memory_space<vmem>>
      %dma_wait3A_1297 = tpu.memref_squeeze %dma_wait3A_1296 : memref<1x128xi32, #tpu.memory_space<vmem>> -> memref<128xi32, #tpu.memory_space<vmem>>
      %dma_wait3A_1298 = arith.constant 0 : i32
      %dma_wait3A_1299 = tpu.memref_slice %arg4[%add3A_1287, %dma_wait3A_1298] : memref<2560x128xi32, #tpu.memory_space<hbm>> -> memref<1x128xi32, #tpu.memory_space<hbm>>
      %dma_wait3A_1300 = tpu.memref_squeeze %dma_wait3A_1299 : memref<1x128xi32, #tpu.memory_space<hbm>> -> memref<128xi32, #tpu.memory_space<hbm>>
      tpu.wait_dma2 semaphore(%arg15 : memref<!tpu.dma_semaphore, #tpu.memory_space<semaphore_mem>>) src(%dma_wait3A_1300 : memref<128xi32, #tpu.memory_space<hbm>>) dst(%dma_wait3A_1297 : memref<128xi32, #tpu.memory_space<vmem>>)
      %dma_start3A_1301 = arith.constant 0 : i32
      %dma_start3A_1302 = arith.constant 0 : i32
      %dma_start3A_1303 = arith.constant 0 : i32
      %dma_start3A_1304 = arith.constant 0 : i32
      %dma_start3A_1305 = tpu.memref_slice %arg10[%dma_start3A_1302, %dma_start3A_1303, %dma_start3A_1304] : memref<2x128x64xf32, #tpu.memory_space<vmem>> -> memref<1x128x64xf32, #tpu.memory_space<vmem>>
      %dma_start3A_1306 = tpu.memref_squeeze %dma_start3A_1305 : memref<1x128x64xf32, #tpu.memory_space<vmem>> -> memref<128x64xf32, #tpu.memory_space<vmem>>
      %dma_start3A_1307 = arith.constant 0 : i32
      %dma_start3A_1308 = tpu.memref_slice %arg8[%dma_start3A_1301, %dma_start3A_1307] : memref<8x128xi32, #tpu.memory_space<vmem>> -> memref<1x128xi32, #tpu.memory_space<vmem>>
      %dma_start3A_1309 = tpu.memref_squeeze %dma_start3A_1308 : memref<1x128xi32, #tpu.memory_space<vmem>> -> memref<128xi32, #tpu.memory_space<vmem>>
      %dma_start3A_1310 = arith.constant 0 : i32
      %dma_start3A_1311 = arith.constant 0 : i32
      %dma_start3A_1312 = tpu.memref_slice %arg6[%dma_start3A_1310, %dma_start3A_1311] : memref<10240x64xf32, #tpu.memory_space<vmem_shared>> -> memref<10240x64xf32, #tpu.memory_space<vmem_shared>>
      tpu.enqueue_indirect_dma source(%dma_start3A_1312 : memref<10240x64xf32, #tpu.memory_space<vmem_shared>>) target(%dma_start3A_1306 : memref<128x64xf32, #tpu.memory_space<vmem>>) offsets(%dma_start3A_1309 : memref<128xi32, #tpu.memory_space<vmem>>) semaphore(%arg11 : memref<!tpu.dma_semaphore, #tpu.memory_space<semaphore_mem>>)
      %dma_start3A_1313 = arith.constant 1 : i32
      %dma_start3A_1314 = arith.constant 3 : i32
      %dma_start3A_1315 = arith.constant 0 : i32
      %dma_start3A_1316 = arith.constant 0 : i32
      %dma_start3A_1317 = tpu.memref_slice %arg10[%dma_start3A_1313, %dma_start3A_1315, %dma_start3A_1316] : memref<2x128x64xf32, #tpu.memory_space<vmem>> -> memref<1x128x64xf32, #tpu.memory_space<vmem>>
      %dma_start3A_1318 = tpu.memref_squeeze %dma_start3A_1317 : memref<1x128x64xf32, #tpu.memory_space<vmem>> -> memref<128x64xf32, #tpu.memory_space<vmem>>
      %dma_start3A_1319 = arith.constant 0 : i32
      %dma_start3A_1320 = tpu.memref_slice %arg9[%dma_start3A_1314, %dma_start3A_1319] : memref<8x128xi32, #tpu.memory_space<vmem>> -> memref<1x128xi32, #tpu.memory_space<vmem>>
      %dma_start3A_1321 = tpu.memref_squeeze %dma_start3A_1320 : memref<1x128xi32, #tpu.memory_space<vmem>> -> memref<128xi32, #tpu.memory_space<vmem>>
      %dma_start3A_1322 = arith.constant 0 : i32
      %dma_start3A_1323 = arith.constant 0 : i32
      %dma_start3A_1324 = tpu.memref_slice %arg7[%dma_start3A_1322, %dma_start3A_1323] : memref<10240x64xf32, #tpu.memory_space<vmem_shared>> -> memref<10240x64xf32, #tpu.memory_space<vmem_shared>>
      tpu.enqueue_indirect_dma source(%dma_start3A_1318 : memref<128x64xf32, #tpu.memory_space<vmem>>) target(%dma_start3A_1324 : memref<10240x64xf32, #tpu.memory_space<vmem_shared>>) offsets(%dma_start3A_1321 : memref<128xi32, #tpu.memory_space<vmem>>) semaphore(%arg14 : memref<!tpu.dma_semaphore, #tpu.memory_space<semaphore_mem>>) {add = true}
    }
    %scan3A_576 = arith.constant 38 : i32
    %dma_wait3A_577 = arith.constant 0 : i32
    %dma_wait3A_578 = arith.constant 0 : i32
    %dma_wait3A_579 = arith.constant 0 : i32
    %dma_wait3A_580 = arith.constant 0 : i32
    %dma_wait3A_581 = tpu.memref_slice %arg10[%dma_wait3A_578, %dma_wait3A_579, %dma_wait3A_580] : memref<2x128x64xf32, #tpu.memory_space<vmem>> -> memref<1x128x64xf32, #tpu.memory_space<vmem>>
    %dma_wait3A_582 = tpu.memref_squeeze %dma_wait3A_581 : memref<1x128x64xf32, #tpu.memory_space<vmem>> -> memref<128x64xf32, #tpu.memory_space<vmem>>
    %dma_wait3A_583 = arith.constant 0 : i32
    %dma_wait3A_584 = tpu.memref_slice %arg8[%dma_wait3A_577, %dma_wait3A_583] : memref<8x128xi32, #tpu.memory_space<vmem>> -> memref<1x128xi32, #tpu.memory_space<vmem>>
    %dma_wait3A_585 = tpu.memref_squeeze %dma_wait3A_584 : memref<1x128xi32, #tpu.memory_space<vmem>> -> memref<128xi32, #tpu.memory_space<vmem>>
    %dma_wait3A_586 = arith.constant 0 : i32
    %dma_wait3A_587 = arith.constant 0 : i32
    %dma_wait3A_588 = tpu.memref_slice %arg6[%dma_wait3A_586, %dma_wait3A_587] : memref<10240x64xf32, #tpu.memory_space<vmem_shared>> -> memref<10240x64xf32, #tpu.memory_space<vmem_shared>>
    tpu.wait_indirect_dma semaphore(%arg11 : memref<!tpu.dma_semaphore, #tpu.memory_space<semaphore_mem>>) src(%dma_wait3A_588 : memref<10240x64xf32, #tpu.memory_space<vmem_shared>>) dst(%dma_wait3A_582 : memref<128x64xf32, #tpu.memory_space<vmem>>)
    %dma_wait3A_589 = arith.constant 1 : i32
    %dma_wait3A_590 = arith.constant 3 : i32
    %dma_wait3A_591 = arith.constant 0 : i32
    %dma_wait3A_592 = arith.constant 0 : i32
    %dma_wait3A_593 = tpu.memref_slice %arg10[%dma_wait3A_589, %dma_wait3A_591, %dma_wait3A_592] : memref<2x128x64xf32, #tpu.memory_space<vmem>> -> memref<1x128x64xf32, #tpu.memory_space<vmem>>
    %dma_wait3A_594 = tpu.memref_squeeze %dma_wait3A_593 : memref<1x128x64xf32, #tpu.memory_space<vmem>> -> memref<128x64xf32, #tpu.memory_space<vmem>>
    %dma_wait3A_595 = arith.constant 0 : i32
    %dma_wait3A_596 = tpu.memref_slice %arg9[%dma_wait3A_590, %dma_wait3A_595] : memref<8x128xi32, #tpu.memory_space<vmem>> -> memref<1x128xi32, #tpu.memory_space<vmem>>
    %dma_wait3A_597 = tpu.memref_squeeze %dma_wait3A_596 : memref<1x128xi32, #tpu.memory_space<vmem>> -> memref<128xi32, #tpu.memory_space<vmem>>
    %dma_wait3A_598 = arith.constant 0 : i32
    %dma_wait3A_599 = arith.constant 0 : i32
    %dma_wait3A_600 = tpu.memref_slice %arg7[%dma_wait3A_598, %dma_wait3A_599] : memref<10240x64xf32, #tpu.memory_space<vmem_shared>> -> memref<10240x64xf32, #tpu.memory_space<vmem_shared>>
    tpu.wait_indirect_dma semaphore(%arg14 : memref<!tpu.dma_semaphore, #tpu.memory_space<semaphore_mem>>) src(%dma_wait3A_594 : memref<128x64xf32, #tpu.memory_space<vmem>>) dst(%dma_wait3A_600 : memref<10240x64xf32, #tpu.memory_space<vmem_shared>>)
    %add3A_601 = arith.constant 159 : i32
    %add3A_602 = arith.addi %mul3A_20, %add3A_601 : i32
    %dma_start3A_603 = arith.constant 3 : i32
    %dma_start3A_604 = arith.constant 0 : i32
    %dma_start3A_605 = tpu.memref_slice %arg8[%dma_start3A_603, %dma_start3A_604] : memref<8x128xi32, #tpu.memory_space<vmem>> -> memref<1x128xi32, #tpu.memory_space<vmem>>
    %dma_start3A_606 = tpu.memref_squeeze %dma_start3A_605 : memref<1x128xi32, #tpu.memory_space<vmem>> -> memref<128xi32, #tpu.memory_space<vmem>>
    %dma_start3A_607 = arith.constant 0 : i32
    %dma_start3A_608 = tpu.memref_slice %arg3[%add3A_602, %dma_start3A_607] : memref<2560x128xi32, #tpu.memory_space<hbm>> -> memref<1x128xi32, #tpu.memory_space<hbm>>
    %dma_start3A_609 = tpu.memref_squeeze %dma_start3A_608 : memref<1x128xi32, #tpu.memory_space<hbm>> -> memref<128xi32, #tpu.memory_space<hbm>>
    %dma_start3A_610 = arith.constant 0 : i32
    %dma_start3A_611 = tpu.memref_slice %arg8[%dma_start3A_603, %dma_start3A_610] : memref<8x128xi32, #tpu.memory_space<vmem>> -> memref<1x128xi32, #tpu.memory_space<vmem>>
    %dma_start3A_612 = tpu.memref_squeeze %dma_start3A_611 : memref<1x128xi32, #tpu.memory_space<vmem>> -> memref<128xi32, #tpu.memory_space<vmem>>
    %dma_start3A_613 = arith.constant 0 : i32
    %dma_start3A_614 = tpu.memref_slice %arg3[%add3A_602, %dma_start3A_613] : memref<2560x128xi32, #tpu.memory_space<hbm>> -> memref<1x128xi32, #tpu.memory_space<hbm>>
    %dma_start3A_615 = tpu.memref_squeeze %dma_start3A_614 : memref<1x128xi32, #tpu.memory_space<hbm>> -> memref<128xi32, #tpu.memory_space<hbm>>
    tpu.enqueue_dma source(%dma_start3A_615 : memref<128xi32, #tpu.memory_space<hbm>>) target(%dma_start3A_612 : memref<128xi32, #tpu.memory_space<vmem>>) target_semaphore(%arg18 : memref<!tpu.dma_semaphore, #tpu.memory_space<semaphore_mem>>)
    %add3A_616 = arith.constant 159 : i32
    %add3A_617 = arith.addi %mul3A_20, %add3A_616 : i32
    %dma_start3A_618 = arith.constant 3 : i32
    %dma_start3A_619 = arith.constant 0 : i32
    %dma_start3A_620 = tpu.memref_slice %arg9[%dma_start3A_618, %dma_start3A_619] : memref<8x128xi32, #tpu.memory_space<vmem>> -> memref<1x128xi32, #tpu.memory_space<vmem>>
    %dma_start3A_621 = tpu.memref_squeeze %dma_start3A_620 : memref<1x128xi32, #tpu.memory_space<vmem>> -> memref<128xi32, #tpu.memory_space<vmem>>
    %dma_start3A_622 = arith.constant 0 : i32
    %dma_start3A_623 = tpu.memref_slice %arg4[%add3A_617, %dma_start3A_622] : memref<2560x128xi32, #tpu.memory_space<hbm>> -> memref<1x128xi32, #tpu.memory_space<hbm>>
    %dma_start3A_624 = tpu.memref_squeeze %dma_start3A_623 : memref<1x128xi32, #tpu.memory_space<hbm>> -> memref<128xi32, #tpu.memory_space<hbm>>
    %dma_start3A_625 = arith.constant 0 : i32
    %dma_start3A_626 = tpu.memref_slice %arg9[%dma_start3A_618, %dma_start3A_625] : memref<8x128xi32, #tpu.memory_space<vmem>> -> memref<1x128xi32, #tpu.memory_space<vmem>>
    %dma_start3A_627 = tpu.memref_squeeze %dma_start3A_626 : memref<1x128xi32, #tpu.memory_space<vmem>> -> memref<128xi32, #tpu.memory_space<vmem>>
    %dma_start3A_628 = arith.constant 0 : i32
    %dma_start3A_629 = tpu.memref_slice %arg4[%add3A_617, %dma_start3A_628] : memref<2560x128xi32, #tpu.memory_space<hbm>> -> memref<1x128xi32, #tpu.memory_space<hbm>>
    %dma_start3A_630 = tpu.memref_squeeze %dma_start3A_629 : memref<1x128xi32, #tpu.memory_space<hbm>> -> memref<128xi32, #tpu.memory_space<hbm>>
    tpu.enqueue_dma source(%dma_start3A_630 : memref<128xi32, #tpu.memory_space<hbm>>) target(%dma_start3A_627 : memref<128xi32, #tpu.memory_space<vmem>>) target_semaphore(%arg18 : memref<!tpu.dma_semaphore, #tpu.memory_space<semaphore_mem>>)
    %add3A_631 = arith.constant 157 : i32
    %add3A_632 = arith.addi %mul3A_20, %add3A_631 : i32
    %dma_wait3A_633 = arith.constant 1 : i32
    %dma_wait3A_634 = arith.constant 0 : i32
    %dma_wait3A_635 = tpu.memref_slice %arg8[%dma_wait3A_633, %dma_wait3A_634] : memref<8x128xi32, #tpu.memory_space<vmem>> -> memref<1x128xi32, #tpu.memory_space<vmem>>
    %dma_wait3A_636 = tpu.memref_squeeze %dma_wait3A_635 : memref<1x128xi32, #tpu.memory_space<vmem>> -> memref<128xi32, #tpu.memory_space<vmem>>
    %dma_wait3A_637 = arith.constant 0 : i32
    %dma_wait3A_638 = tpu.memref_slice %arg3[%add3A_632, %dma_wait3A_637] : memref<2560x128xi32, #tpu.memory_space<hbm>> -> memref<1x128xi32, #tpu.memory_space<hbm>>
    %dma_wait3A_639 = tpu.memref_squeeze %dma_wait3A_638 : memref<1x128xi32, #tpu.memory_space<hbm>> -> memref<128xi32, #tpu.memory_space<hbm>>
    %dma_wait3A_640 = arith.constant 0 : i32
    %dma_wait3A_641 = tpu.memref_slice %arg8[%dma_wait3A_633, %dma_wait3A_640] : memref<8x128xi32, #tpu.memory_space<vmem>> -> memref<1x128xi32, #tpu.memory_space<vmem>>
    %dma_wait3A_642 = tpu.memref_squeeze %dma_wait3A_641 : memref<1x128xi32, #tpu.memory_space<vmem>> -> memref<128xi32, #tpu.memory_space<vmem>>
    %dma_wait3A_643 = arith.constant 0 : i32
    %dma_wait3A_644 = tpu.memref_slice %arg3[%add3A_632, %dma_wait3A_643] : memref<2560x128xi32, #tpu.memory_space<hbm>> -> memref<1x128xi32, #tpu.memory_space<hbm>>
    %dma_wait3A_645 = tpu.memref_squeeze %dma_wait3A_644 : memref<1x128xi32, #tpu.memory_space<hbm>> -> memref<128xi32, #tpu.memory_space<hbm>>
    tpu.wait_dma2 semaphore(%arg16 : memref<!tpu.dma_semaphore, #tpu.memory_space<semaphore_mem>>) src(%dma_wait3A_645 : memref<128xi32, #tpu.memory_space<hbm>>) dst(%dma_wait3A_642 : memref<128xi32, #tpu.memory_space<vmem>>)
    %add3A_646 = arith.constant 157 : i32
    %add3A_647 = arith.addi %mul3A_20, %add3A_646 : i32
    %dma_wait3A_648 = arith.constant 1 : i32
    %dma_wait3A_649 = arith.constant 0 : i32
    %dma_wait3A_650 = tpu.memref_slice %arg9[%dma_wait3A_648, %dma_wait3A_649] : memref<8x128xi32, #tpu.memory_space<vmem>> -> memref<1x128xi32, #tpu.memory_space<vmem>>
    %dma_wait3A_651 = tpu.memref_squeeze %dma_wait3A_650 : memref<1x128xi32, #tpu.memory_space<vmem>> -> memref<128xi32, #tpu.memory_space<vmem>>
    %dma_wait3A_652 = arith.constant 0 : i32
    %dma_wait3A_653 = tpu.memref_slice %arg4[%add3A_647, %dma_wait3A_652] : memref<2560x128xi32, #tpu.memory_space<hbm>> -> memref<1x128xi32, #tpu.memory_space<hbm>>
    %dma_wait3A_654 = tpu.memref_squeeze %dma_wait3A_653 : memref<1x128xi32, #tpu.memory_space<hbm>> -> memref<128xi32, #tpu.memory_space<hbm>>
    %dma_wait3A_655 = arith.constant 0 : i32
    %dma_wait3A_656 = tpu.memref_slice %arg9[%dma_wait3A_648, %dma_wait3A_655] : memref<8x128xi32, #tpu.memory_space<vmem>> -> memref<1x128xi32, #tpu.memory_space<vmem>>
    %dma_wait3A_657 = tpu.memref_squeeze %dma_wait3A_656 : memref<1x128xi32, #tpu.memory_space<vmem>> -> memref<128xi32, #tpu.memory_space<vmem>>
    %dma_wait3A_658 = arith.constant 0 : i32
    %dma_wait3A_659 = tpu.memref_slice %arg4[%add3A_647, %dma_wait3A_658] : memref<2560x128xi32, #tpu.memory_space<hbm>> -> memref<1x128xi32, #tpu.memory_space<hbm>>
    %dma_wait3A_660 = tpu.memref_squeeze %dma_wait3A_659 : memref<1x128xi32, #tpu.memory_space<hbm>> -> memref<128xi32, #tpu.memory_space<hbm>>
    tpu.wait_dma2 semaphore(%arg16 : memref<!tpu.dma_semaphore, #tpu.memory_space<semaphore_mem>>) src(%dma_wait3A_660 : memref<128xi32, #tpu.memory_space<hbm>>) dst(%dma_wait3A_657 : memref<128xi32, #tpu.memory_space<vmem>>)
    %dma_start3A_661 = arith.constant 1 : i32
    %dma_start3A_662 = arith.constant 1 : i32
    %dma_start3A_663 = arith.constant 0 : i32
    %dma_start3A_664 = arith.constant 0 : i32
    %dma_start3A_665 = tpu.memref_slice %arg10[%dma_start3A_662, %dma_start3A_663, %dma_start3A_664] : memref<2x128x64xf32, #tpu.memory_space<vmem>> -> memref<1x128x64xf32, #tpu.memory_space<vmem>>
    %dma_start3A_666 = tpu.memref_squeeze %dma_start3A_665 : memref<1x128x64xf32, #tpu.memory_space<vmem>> -> memref<128x64xf32, #tpu.memory_space<vmem>>
    %dma_start3A_667 = arith.constant 0 : i32
    %dma_start3A_668 = tpu.memref_slice %arg8[%dma_start3A_661, %dma_start3A_667] : memref<8x128xi32, #tpu.memory_space<vmem>> -> memref<1x128xi32, #tpu.memory_space<vmem>>
    %dma_start3A_669 = tpu.memref_squeeze %dma_start3A_668 : memref<1x128xi32, #tpu.memory_space<vmem>> -> memref<128xi32, #tpu.memory_space<vmem>>
    %dma_start3A_670 = arith.constant 0 : i32
    %dma_start3A_671 = arith.constant 0 : i32
    %dma_start3A_672 = tpu.memref_slice %arg6[%dma_start3A_670, %dma_start3A_671] : memref<10240x64xf32, #tpu.memory_space<vmem_shared>> -> memref<10240x64xf32, #tpu.memory_space<vmem_shared>>
    tpu.enqueue_indirect_dma source(%dma_start3A_672 : memref<10240x64xf32, #tpu.memory_space<vmem_shared>>) target(%dma_start3A_666 : memref<128x64xf32, #tpu.memory_space<vmem>>) offsets(%dma_start3A_669 : memref<128xi32, #tpu.memory_space<vmem>>) semaphore(%arg12 : memref<!tpu.dma_semaphore, #tpu.memory_space<semaphore_mem>>)
    %dma_start3A_673 = arith.constant 0 : i32
    %dma_start3A_674 = arith.constant 0 : i32
    %dma_start3A_675 = arith.constant 0 : i32
    %dma_start3A_676 = arith.constant 0 : i32
    %dma_start3A_677 = tpu.memref_slice %arg10[%dma_start3A_673, %dma_start3A_675, %dma_start3A_676] : memref<2x128x64xf32, #tpu.memory_space<vmem>> -> memref<1x128x64xf32, #tpu.memory_space<vmem>>
    %dma_start3A_678 = tpu.memref_squeeze %dma_start3A_677 : memref<1x128x64xf32, #tpu.memory_space<vmem>> -> memref<128x64xf32, #tpu.memory_space<vmem>>
    %dma_start3A_679 = arith.constant 0 : i32
    %dma_start3A_680 = tpu.memref_slice %arg9[%dma_start3A_674, %dma_start3A_679] : memref<8x128xi32, #tpu.memory_space<vmem>> -> memref<1x128xi32, #tpu.memory_space<vmem>>
    %dma_start3A_681 = tpu.memref_squeeze %dma_start3A_680 : memref<1x128xi32, #tpu.memory_space<vmem>> -> memref<128xi32, #tpu.memory_space<vmem>>
    %dma_start3A_682 = arith.constant 0 : i32
    %dma_start3A_683 = arith.constant 0 : i32
    %dma_start3A_684 = tpu.memref_slice %arg7[%dma_start3A_682, %dma_start3A_683] : memref<10240x64xf32, #tpu.memory_space<vmem_shared>> -> memref<10240x64xf32, #tpu.memory_space<vmem_shared>>
    tpu.enqueue_indirect_dma source(%dma_start3A_678 : memref<128x64xf32, #tpu.memory_space<vmem>>) target(%dma_start3A_684 : memref<10240x64xf32, #tpu.memory_space<vmem_shared>>) offsets(%dma_start3A_681 : memref<128xi32, #tpu.memory_space<vmem>>) semaphore(%arg13 : memref<!tpu.dma_semaphore, #tpu.memory_space<semaphore_mem>>) {add = true}
    %dma_wait3A_685 = arith.constant 1 : i32
    %dma_wait3A_686 = arith.constant 1 : i32
    %dma_wait3A_687 = arith.constant 0 : i32
    %dma_wait3A_688 = arith.constant 0 : i32
    %dma_wait3A_689 = tpu.memref_slice %arg10[%dma_wait3A_686, %dma_wait3A_687, %dma_wait3A_688] : memref<2x128x64xf32, #tpu.memory_space<vmem>> -> memref<1x128x64xf32, #tpu.memory_space<vmem>>
    %dma_wait3A_690 = tpu.memref_squeeze %dma_wait3A_689 : memref<1x128x64xf32, #tpu.memory_space<vmem>> -> memref<128x64xf32, #tpu.memory_space<vmem>>
    %dma_wait3A_691 = arith.constant 0 : i32
    %dma_wait3A_692 = tpu.memref_slice %arg8[%dma_wait3A_685, %dma_wait3A_691] : memref<8x128xi32, #tpu.memory_space<vmem>> -> memref<1x128xi32, #tpu.memory_space<vmem>>
    %dma_wait3A_693 = tpu.memref_squeeze %dma_wait3A_692 : memref<1x128xi32, #tpu.memory_space<vmem>> -> memref<128xi32, #tpu.memory_space<vmem>>
    %dma_wait3A_694 = arith.constant 0 : i32
    %dma_wait3A_695 = arith.constant 0 : i32
    %dma_wait3A_696 = tpu.memref_slice %arg6[%dma_wait3A_694, %dma_wait3A_695] : memref<10240x64xf32, #tpu.memory_space<vmem_shared>> -> memref<10240x64xf32, #tpu.memory_space<vmem_shared>>
    tpu.wait_indirect_dma semaphore(%arg12 : memref<!tpu.dma_semaphore, #tpu.memory_space<semaphore_mem>>) src(%dma_wait3A_696 : memref<10240x64xf32, #tpu.memory_space<vmem_shared>>) dst(%dma_wait3A_690 : memref<128x64xf32, #tpu.memory_space<vmem>>)
    %dma_wait3A_697 = arith.constant 0 : i32
    %dma_wait3A_698 = arith.constant 0 : i32
    %dma_wait3A_699 = arith.constant 0 : i32
    %dma_wait3A_700 = arith.constant 0 : i32
    %dma_wait3A_701 = tpu.memref_slice %arg10[%dma_wait3A_697, %dma_wait3A_699, %dma_wait3A_700] : memref<2x128x64xf32, #tpu.memory_space<vmem>> -> memref<1x128x64xf32, #tpu.memory_space<vmem>>
    %dma_wait3A_702 = tpu.memref_squeeze %dma_wait3A_701 : memref<1x128x64xf32, #tpu.memory_space<vmem>> -> memref<128x64xf32, #tpu.memory_space<vmem>>
    %dma_wait3A_703 = arith.constant 0 : i32
    %dma_wait3A_704 = tpu.memref_slice %arg9[%dma_wait3A_698, %dma_wait3A_703] : memref<8x128xi32, #tpu.memory_space<vmem>> -> memref<1x128xi32, #tpu.memory_space<vmem>>
    %dma_wait3A_705 = tpu.memref_squeeze %dma_wait3A_704 : memref<1x128xi32, #tpu.memory_space<vmem>> -> memref<128xi32, #tpu.memory_space<vmem>>
    %dma_wait3A_706 = arith.constant 0 : i32
    %dma_wait3A_707 = arith.constant 0 : i32
    %dma_wait3A_708 = tpu.memref_slice %arg7[%dma_wait3A_706, %dma_wait3A_707] : memref<10240x64xf32, #tpu.memory_space<vmem_shared>> -> memref<10240x64xf32, #tpu.memory_space<vmem_shared>>
    tpu.wait_indirect_dma semaphore(%arg13 : memref<!tpu.dma_semaphore, #tpu.memory_space<semaphore_mem>>) src(%dma_wait3A_702 : memref<128x64xf32, #tpu.memory_space<vmem>>) dst(%dma_wait3A_708 : memref<10240x64xf32, #tpu.memory_space<vmem_shared>>)
    %add3A_709 = arith.constant 158 : i32
    %add3A_710 = arith.addi %mul3A_20, %add3A_709 : i32
    %dma_wait3A_711 = arith.constant 2 : i32
    %dma_wait3A_712 = arith.constant 0 : i32
    %dma_wait3A_713 = tpu.memref_slice %arg8[%dma_wait3A_711, %dma_wait3A_712] : memref<8x128xi32, #tpu.memory_space<vmem>> -> memref<1x128xi32, #tpu.memory_space<vmem>>
    %dma_wait3A_714 = tpu.memref_squeeze %dma_wait3A_713 : memref<1x128xi32, #tpu.memory_space<vmem>> -> memref<128xi32, #tpu.memory_space<vmem>>
    %dma_wait3A_715 = arith.constant 0 : i32
    %dma_wait3A_716 = tpu.memref_slice %arg3[%add3A_710, %dma_wait3A_715] : memref<2560x128xi32, #tpu.memory_space<hbm>> -> memref<1x128xi32, #tpu.memory_space<hbm>>
    %dma_wait3A_717 = tpu.memref_squeeze %dma_wait3A_716 : memref<1x128xi32, #tpu.memory_space<hbm>> -> memref<128xi32, #tpu.memory_space<hbm>>
    %dma_wait3A_718 = arith.constant 0 : i32
    %dma_wait3A_719 = tpu.memref_slice %arg8[%dma_wait3A_711, %dma_wait3A_718] : memref<8x128xi32, #tpu.memory_space<vmem>> -> memref<1x128xi32, #tpu.memory_space<vmem>>
    %dma_wait3A_720 = tpu.memref_squeeze %dma_wait3A_719 : memref<1x128xi32, #tpu.memory_space<vmem>> -> memref<128xi32, #tpu.memory_space<vmem>>
    %dma_wait3A_721 = arith.constant 0 : i32
    %dma_wait3A_722 = tpu.memref_slice %arg3[%add3A_710, %dma_wait3A_721] : memref<2560x128xi32, #tpu.memory_space<hbm>> -> memref<1x128xi32, #tpu.memory_space<hbm>>
    %dma_wait3A_723 = tpu.memref_squeeze %dma_wait3A_722 : memref<1x128xi32, #tpu.memory_space<hbm>> -> memref<128xi32, #tpu.memory_space<hbm>>
    tpu.wait_dma2 semaphore(%arg17 : memref<!tpu.dma_semaphore, #tpu.memory_space<semaphore_mem>>) src(%dma_wait3A_723 : memref<128xi32, #tpu.memory_space<hbm>>) dst(%dma_wait3A_720 : memref<128xi32, #tpu.memory_space<vmem>>)
    %add3A_724 = arith.constant 158 : i32
    %add3A_725 = arith.addi %mul3A_20, %add3A_724 : i32
    %dma_wait3A_726 = arith.constant 2 : i32
    %dma_wait3A_727 = arith.constant 0 : i32
    %dma_wait3A_728 = tpu.memref_slice %arg9[%dma_wait3A_726, %dma_wait3A_727] : memref<8x128xi32, #tpu.memory_space<vmem>> -> memref<1x128xi32, #tpu.memory_space<vmem>>
    %dma_wait3A_729 = tpu.memref_squeeze %dma_wait3A_728 : memref<1x128xi32, #tpu.memory_space<vmem>> -> memref<128xi32, #tpu.memory_space<vmem>>
    %dma_wait3A_730 = arith.constant 0 : i32
    %dma_wait3A_731 = tpu.memref_slice %arg4[%add3A_725, %dma_wait3A_730] : memref<2560x128xi32, #tpu.memory_space<hbm>> -> memref<1x128xi32, #tpu.memory_space<hbm>>
    %dma_wait3A_732 = tpu.memref_squeeze %dma_wait3A_731 : memref<1x128xi32, #tpu.memory_space<hbm>> -> memref<128xi32, #tpu.memory_space<hbm>>
    %dma_wait3A_733 = arith.constant 0 : i32
    %dma_wait3A_734 = tpu.memref_slice %arg9[%dma_wait3A_726, %dma_wait3A_733] : memref<8x128xi32, #tpu.memory_space<vmem>> -> memref<1x128xi32, #tpu.memory_space<vmem>>
    %dma_wait3A_735 = tpu.memref_squeeze %dma_wait3A_734 : memref<1x128xi32, #tpu.memory_space<vmem>> -> memref<128xi32, #tpu.memory_space<vmem>>
    %dma_wait3A_736 = arith.constant 0 : i32
    %dma_wait3A_737 = tpu.memref_slice %arg4[%add3A_725, %dma_wait3A_736] : memref<2560x128xi32, #tpu.memory_space<hbm>> -> memref<1x128xi32, #tpu.memory_space<hbm>>
    %dma_wait3A_738 = tpu.memref_squeeze %dma_wait3A_737 : memref<1x128xi32, #tpu.memory_space<hbm>> -> memref<128xi32, #tpu.memory_space<hbm>>
    tpu.wait_dma2 semaphore(%arg17 : memref<!tpu.dma_semaphore, #tpu.memory_space<semaphore_mem>>) src(%dma_wait3A_738 : memref<128xi32, #tpu.memory_space<hbm>>) dst(%dma_wait3A_735 : memref<128xi32, #tpu.memory_space<vmem>>)
    %dma_start3A_739 = arith.constant 2 : i32
    %dma_start3A_740 = arith.constant 0 : i32
    %dma_start3A_741 = arith.constant 0 : i32
    %dma_start3A_742 = arith.constant 0 : i32
    %dma_start3A_743 = tpu.memref_slice %arg10[%dma_start3A_740, %dma_start3A_741, %dma_start3A_742] : memref<2x128x64xf32, #tpu.memory_space<vmem>> -> memref<1x128x64xf32, #tpu.memory_space<vmem>>
    %dma_start3A_744 = tpu.memref_squeeze %dma_start3A_743 : memref<1x128x64xf32, #tpu.memory_space<vmem>> -> memref<128x64xf32, #tpu.memory_space<vmem>>
    %dma_start3A_745 = arith.constant 0 : i32
    %dma_start3A_746 = tpu.memref_slice %arg8[%dma_start3A_739, %dma_start3A_745] : memref<8x128xi32, #tpu.memory_space<vmem>> -> memref<1x128xi32, #tpu.memory_space<vmem>>
    %dma_start3A_747 = tpu.memref_squeeze %dma_start3A_746 : memref<1x128xi32, #tpu.memory_space<vmem>> -> memref<128xi32, #tpu.memory_space<vmem>>
    %dma_start3A_748 = arith.constant 0 : i32
    %dma_start3A_749 = arith.constant 0 : i32
    %dma_start3A_750 = tpu.memref_slice %arg6[%dma_start3A_748, %dma_start3A_749] : memref<10240x64xf32, #tpu.memory_space<vmem_shared>> -> memref<10240x64xf32, #tpu.memory_space<vmem_shared>>
    tpu.enqueue_indirect_dma source(%dma_start3A_750 : memref<10240x64xf32, #tpu.memory_space<vmem_shared>>) target(%dma_start3A_744 : memref<128x64xf32, #tpu.memory_space<vmem>>) offsets(%dma_start3A_747 : memref<128xi32, #tpu.memory_space<vmem>>) semaphore(%arg11 : memref<!tpu.dma_semaphore, #tpu.memory_space<semaphore_mem>>)
    %dma_start3A_751 = arith.constant 1 : i32
    %dma_start3A_752 = arith.constant 1 : i32
    %dma_start3A_753 = arith.constant 0 : i32
    %dma_start3A_754 = arith.constant 0 : i32
    %dma_start3A_755 = tpu.memref_slice %arg10[%dma_start3A_751, %dma_start3A_753, %dma_start3A_754] : memref<2x128x64xf32, #tpu.memory_space<vmem>> -> memref<1x128x64xf32, #tpu.memory_space<vmem>>
    %dma_start3A_756 = tpu.memref_squeeze %dma_start3A_755 : memref<1x128x64xf32, #tpu.memory_space<vmem>> -> memref<128x64xf32, #tpu.memory_space<vmem>>
    %dma_start3A_757 = arith.constant 0 : i32
    %dma_start3A_758 = tpu.memref_slice %arg9[%dma_start3A_752, %dma_start3A_757] : memref<8x128xi32, #tpu.memory_space<vmem>> -> memref<1x128xi32, #tpu.memory_space<vmem>>
    %dma_start3A_759 = tpu.memref_squeeze %dma_start3A_758 : memref<1x128xi32, #tpu.memory_space<vmem>> -> memref<128xi32, #tpu.memory_space<vmem>>
    %dma_start3A_760 = arith.constant 0 : i32
    %dma_start3A_761 = arith.constant 0 : i32
    %dma_start3A_762 = tpu.memref_slice %arg7[%dma_start3A_760, %dma_start3A_761] : memref<10240x64xf32, #tpu.memory_space<vmem_shared>> -> memref<10240x64xf32, #tpu.memory_space<vmem_shared>>
    tpu.enqueue_indirect_dma source(%dma_start3A_756 : memref<128x64xf32, #tpu.memory_space<vmem>>) target(%dma_start3A_762 : memref<10240x64xf32, #tpu.memory_space<vmem_shared>>) offsets(%dma_start3A_759 : memref<128xi32, #tpu.memory_space<vmem>>) semaphore(%arg14 : memref<!tpu.dma_semaphore, #tpu.memory_space<semaphore_mem>>) {add = true}
    %dma_wait3A_763 = arith.constant 2 : i32
    %dma_wait3A_764 = arith.constant 0 : i32
    %dma_wait3A_765 = arith.constant 0 : i32
    %dma_wait3A_766 = arith.constant 0 : i32
    %dma_wait3A_767 = tpu.memref_slice %arg10[%dma_wait3A_764, %dma_wait3A_765, %dma_wait3A_766] : memref<2x128x64xf32, #tpu.memory_space<vmem>> -> memref<1x128x64xf32, #tpu.memory_space<vmem>>
    %dma_wait3A_768 = tpu.memref_squeeze %dma_wait3A_767 : memref<1x128x64xf32, #tpu.memory_space<vmem>> -> memref<128x64xf32, #tpu.memory_space<vmem>>
    %dma_wait3A_769 = arith.constant 0 : i32
    %dma_wait3A_770 = tpu.memref_slice %arg8[%dma_wait3A_763, %dma_wait3A_769] : memref<8x128xi32, #tpu.memory_space<vmem>> -> memref<1x128xi32, #tpu.memory_space<vmem>>
    %dma_wait3A_771 = tpu.memref_squeeze %dma_wait3A_770 : memref<1x128xi32, #tpu.memory_space<vmem>> -> memref<128xi32, #tpu.memory_space<vmem>>
    %dma_wait3A_772 = arith.constant 0 : i32
    %dma_wait3A_773 = arith.constant 0 : i32
    %dma_wait3A_774 = tpu.memref_slice %arg6[%dma_wait3A_772, %dma_wait3A_773] : memref<10240x64xf32, #tpu.memory_space<vmem_shared>> -> memref<10240x64xf32, #tpu.memory_space<vmem_shared>>
    tpu.wait_indirect_dma semaphore(%arg11 : memref<!tpu.dma_semaphore, #tpu.memory_space<semaphore_mem>>) src(%dma_wait3A_774 : memref<10240x64xf32, #tpu.memory_space<vmem_shared>>) dst(%dma_wait3A_768 : memref<128x64xf32, #tpu.memory_space<vmem>>)
    %dma_wait3A_775 = arith.constant 1 : i32
    %dma_wait3A_776 = arith.constant 1 : i32
    %dma_wait3A_777 = arith.constant 0 : i32
    %dma_wait3A_778 = arith.constant 0 : i32
    %dma_wait3A_779 = tpu.memref_slice %arg10[%dma_wait3A_775, %dma_wait3A_777, %dma_wait3A_778] : memref<2x128x64xf32, #tpu.memory_space<vmem>> -> memref<1x128x64xf32, #tpu.memory_space<vmem>>
    %dma_wait3A_780 = tpu.memref_squeeze %dma_wait3A_779 : memref<1x128x64xf32, #tpu.memory_space<vmem>> -> memref<128x64xf32, #tpu.memory_space<vmem>>
    %dma_wait3A_781 = arith.constant 0 : i32
    %dma_wait3A_782 = tpu.memref_slice %arg9[%dma_wait3A_776, %dma_wait3A_781] : memref<8x128xi32, #tpu.memory_space<vmem>> -> memref<1x128xi32, #tpu.memory_space<vmem>>
    %dma_wait3A_783 = tpu.memref_squeeze %dma_wait3A_782 : memref<1x128xi32, #tpu.memory_space<vmem>> -> memref<128xi32, #tpu.memory_space<vmem>>
    %dma_wait3A_784 = arith.constant 0 : i32
    %dma_wait3A_785 = arith.constant 0 : i32
    %dma_wait3A_786 = tpu.memref_slice %arg7[%dma_wait3A_784, %dma_wait3A_785] : memref<10240x64xf32, #tpu.memory_space<vmem_shared>> -> memref<10240x64xf32, #tpu.memory_space<vmem_shared>>
    tpu.wait_indirect_dma semaphore(%arg14 : memref<!tpu.dma_semaphore, #tpu.memory_space<semaphore_mem>>) src(%dma_wait3A_780 : memref<128x64xf32, #tpu.memory_space<vmem>>) dst(%dma_wait3A_786 : memref<10240x64xf32, #tpu.memory_space<vmem_shared>>)
    %add3A_787 = arith.constant 159 : i32
    %add3A_788 = arith.addi %mul3A_20, %add3A_787 : i32
    %dma_wait3A_789 = arith.constant 3 : i32
    %dma_wait3A_790 = arith.constant 0 : i32
    %dma_wait3A_791 = tpu.memref_slice %arg8[%dma_wait3A_789, %dma_wait3A_790] : memref<8x128xi32, #tpu.memory_space<vmem>> -> memref<1x128xi32, #tpu.memory_space<vmem>>
    %dma_wait3A_792 = tpu.memref_squeeze %dma_wait3A_791 : memref<1x128xi32, #tpu.memory_space<vmem>> -> memref<128xi32, #tpu.memory_space<vmem>>
    %dma_wait3A_793 = arith.constant 0 : i32
    %dma_wait3A_794 = tpu.memref_slice %arg3[%add3A_788, %dma_wait3A_793] : memref<2560x128xi32, #tpu.memory_space<hbm>> -> memref<1x128xi32, #tpu.memory_space<hbm>>
    %dma_wait3A_795 = tpu.memref_squeeze %dma_wait3A_794 : memref<1x128xi32, #tpu.memory_space<hbm>> -> memref<128xi32, #tpu.memory_space<hbm>>
    %dma_wait3A_796 = arith.constant 0 : i32
    %dma_wait3A_797 = tpu.memref_slice %arg8[%dma_wait3A_789, %dma_wait3A_796] : memref<8x128xi32, #tpu.memory_space<vmem>> -> memref<1x128xi32, #tpu.memory_space<vmem>>
    %dma_wait3A_798 = tpu.memref_squeeze %dma_wait3A_797 : memref<1x128xi32, #tpu.memory_space<vmem>> -> memref<128xi32, #tpu.memory_space<vmem>>
    %dma_wait3A_799 = arith.constant 0 : i32
    %dma_wait3A_800 = tpu.memref_slice %arg3[%add3A_788, %dma_wait3A_799] : memref<2560x128xi32, #tpu.memory_space<hbm>> -> memref<1x128xi32, #tpu.memory_space<hbm>>
    %dma_wait3A_801 = tpu.memref_squeeze %dma_wait3A_800 : memref<1x128xi32, #tpu.memory_space<hbm>> -> memref<128xi32, #tpu.memory_space<hbm>>
    tpu.wait_dma2 semaphore(%arg18 : memref<!tpu.dma_semaphore, #tpu.memory_space<semaphore_mem>>) src(%dma_wait3A_801 : memref<128xi32, #tpu.memory_space<hbm>>) dst(%dma_wait3A_798 : memref<128xi32, #tpu.memory_space<vmem>>)
    %add3A_802 = arith.constant 159 : i32
    %add3A_803 = arith.addi %mul3A_20, %add3A_802 : i32
    %dma_wait3A_804 = arith.constant 3 : i32
    %dma_wait3A_805 = arith.constant 0 : i32
    %dma_wait3A_806 = tpu.memref_slice %arg9[%dma_wait3A_804, %dma_wait3A_805] : memref<8x128xi32, #tpu.memory_space<vmem>> -> memref<1x128xi32, #tpu.memory_space<vmem>>
    %dma_wait3A_807 = tpu.memref_squeeze %dma_wait3A_806 : memref<1x128xi32, #tpu.memory_space<vmem>> -> memref<128xi32, #tpu.memory_space<vmem>>
    %dma_wait3A_808 = arith.constant 0 : i32
    %dma_wait3A_809 = tpu.memref_slice %arg4[%add3A_803, %dma_wait3A_808] : memref<2560x128xi32, #tpu.memory_space<hbm>> -> memref<1x128xi32, #tpu.memory_space<hbm>>
    %dma_wait3A_810 = tpu.memref_squeeze %dma_wait3A_809 : memref<1x128xi32, #tpu.memory_space<hbm>> -> memref<128xi32, #tpu.memory_space<hbm>>
    %dma_wait3A_811 = arith.constant 0 : i32
    %dma_wait3A_812 = tpu.memref_slice %arg9[%dma_wait3A_804, %dma_wait3A_811] : memref<8x128xi32, #tpu.memory_space<vmem>> -> memref<1x128xi32, #tpu.memory_space<vmem>>
    %dma_wait3A_813 = tpu.memref_squeeze %dma_wait3A_812 : memref<1x128xi32, #tpu.memory_space<vmem>> -> memref<128xi32, #tpu.memory_space<vmem>>
    %dma_wait3A_814 = arith.constant 0 : i32
    %dma_wait3A_815 = tpu.memref_slice %arg4[%add3A_803, %dma_wait3A_814] : memref<2560x128xi32, #tpu.memory_space<hbm>> -> memref<1x128xi32, #tpu.memory_space<hbm>>
    %dma_wait3A_816 = tpu.memref_squeeze %dma_wait3A_815 : memref<1x128xi32, #tpu.memory_space<hbm>> -> memref<128xi32, #tpu.memory_space<hbm>>
    tpu.wait_dma2 semaphore(%arg18 : memref<!tpu.dma_semaphore, #tpu.memory_space<semaphore_mem>>) src(%dma_wait3A_816 : memref<128xi32, #tpu.memory_space<hbm>>) dst(%dma_wait3A_813 : memref<128xi32, #tpu.memory_space<vmem>>)
    %dma_start3A_817 = arith.constant 3 : i32
    %dma_start3A_818 = arith.constant 1 : i32
    %dma_start3A_819 = arith.constant 0 : i32
    %dma_start3A_820 = arith.constant 0 : i32
    %dma_start3A_821 = tpu.memref_slice %arg10[%dma_start3A_818, %dma_start3A_819, %dma_start3A_820] : memref<2x128x64xf32, #tpu.memory_space<vmem>> -> memref<1x128x64xf32, #tpu.memory_space<vmem>>
    %dma_start3A_822 = tpu.memref_squeeze %dma_start3A_821 : memref<1x128x64xf32, #tpu.memory_space<vmem>> -> memref<128x64xf32, #tpu.memory_space<vmem>>
    %dma_start3A_823 = arith.constant 0 : i32
    %dma_start3A_824 = tpu.memref_slice %arg8[%dma_start3A_817, %dma_start3A_823] : memref<8x128xi32, #tpu.memory_space<vmem>> -> memref<1x128xi32, #tpu.memory_space<vmem>>
    %dma_start3A_825 = tpu.memref_squeeze %dma_start3A_824 : memref<1x128xi32, #tpu.memory_space<vmem>> -> memref<128xi32, #tpu.memory_space<vmem>>
    %dma_start3A_826 = arith.constant 0 : i32
    %dma_start3A_827 = arith.constant 0 : i32
    %dma_start3A_828 = tpu.memref_slice %arg6[%dma_start3A_826, %dma_start3A_827] : memref<10240x64xf32, #tpu.memory_space<vmem_shared>> -> memref<10240x64xf32, #tpu.memory_space<vmem_shared>>
    tpu.enqueue_indirect_dma source(%dma_start3A_828 : memref<10240x64xf32, #tpu.memory_space<vmem_shared>>) target(%dma_start3A_822 : memref<128x64xf32, #tpu.memory_space<vmem>>) offsets(%dma_start3A_825 : memref<128xi32, #tpu.memory_space<vmem>>) semaphore(%arg12 : memref<!tpu.dma_semaphore, #tpu.memory_space<semaphore_mem>>)
    %dma_start3A_829 = arith.constant 0 : i32
    %dma_start3A_830 = arith.constant 2 : i32
    %dma_start3A_831 = arith.constant 0 : i32
    %dma_start3A_832 = arith.constant 0 : i32
    %dma_start3A_833 = tpu.memref_slice %arg10[%dma_start3A_829, %dma_start3A_831, %dma_start3A_832] : memref<2x128x64xf32, #tpu.memory_space<vmem>> -> memref<1x128x64xf32, #tpu.memory_space<vmem>>
    %dma_start3A_834 = tpu.memref_squeeze %dma_start3A_833 : memref<1x128x64xf32, #tpu.memory_space<vmem>> -> memref<128x64xf32, #tpu.memory_space<vmem>>
    %dma_start3A_835 = arith.constant 0 : i32
    %dma_start3A_836 = tpu.memref_slice %arg9[%dma_start3A_830, %dma_start3A_835] : memref<8x128xi32, #tpu.memory_space<vmem>> -> memref<1x128xi32, #tpu.memory_space<vmem>>
    %dma_start3A_837 = tpu.memref_squeeze %dma_start3A_836 : memref<1x128xi32, #tpu.memory_space<vmem>> -> memref<128xi32, #tpu.memory_space<vmem>>
    %dma_start3A_838 = arith.constant 0 : i32
    %dma_start3A_839 = arith.constant 0 : i32
    %dma_start3A_840 = tpu.memref_slice %arg7[%dma_start3A_838, %dma_start3A_839] : memref<10240x64xf32, #tpu.memory_space<vmem_shared>> -> memref<10240x64xf32, #tpu.memory_space<vmem_shared>>
    tpu.enqueue_indirect_dma source(%dma_start3A_834 : memref<128x64xf32, #tpu.memory_space<vmem>>) target(%dma_start3A_840 : memref<10240x64xf32, #tpu.memory_space<vmem_shared>>) offsets(%dma_start3A_837 : memref<128xi32, #tpu.memory_space<vmem>>) semaphore(%arg13 : memref<!tpu.dma_semaphore, #tpu.memory_space<semaphore_mem>>) {add = true}
    %dma_wait3A_841 = arith.constant 3 : i32
    %dma_wait3A_842 = arith.constant 1 : i32
    %dma_wait3A_843 = arith.constant 0 : i32
    %dma_wait3A_844 = arith.constant 0 : i32
    %dma_wait3A_845 = tpu.memref_slice %arg10[%dma_wait3A_842, %dma_wait3A_843, %dma_wait3A_844] : memref<2x128x64xf32, #tpu.memory_space<vmem>> -> memref<1x128x64xf32, #tpu.memory_space<vmem>>
    %dma_wait3A_846 = tpu.memref_squeeze %dma_wait3A_845 : memref<1x128x64xf32, #tpu.memory_space<vmem>> -> memref<128x64xf32, #tpu.memory_space<vmem>>
    %dma_wait3A_847 = arith.constant 0 : i32
    %dma_wait3A_848 = tpu.memref_slice %arg8[%dma_wait3A_841, %dma_wait3A_847] : memref<8x128xi32, #tpu.memory_space<vmem>> -> memref<1x128xi32, #tpu.memory_space<vmem>>
    %dma_wait3A_849 = tpu.memref_squeeze %dma_wait3A_848 : memref<1x128xi32, #tpu.memory_space<vmem>> -> memref<128xi32, #tpu.memory_space<vmem>>
    %dma_wait3A_850 = arith.constant 0 : i32
    %dma_wait3A_851 = arith.constant 0 : i32
    %dma_wait3A_852 = tpu.memref_slice %arg6[%dma_wait3A_850, %dma_wait3A_851] : memref<10240x64xf32, #tpu.memory_space<vmem_shared>> -> memref<10240x64xf32, #tpu.memory_space<vmem_shared>>
    tpu.wait_indirect_dma semaphore(%arg12 : memref<!tpu.dma_semaphore, #tpu.memory_space<semaphore_mem>>) src(%dma_wait3A_852 : memref<10240x64xf32, #tpu.memory_space<vmem_shared>>) dst(%dma_wait3A_846 : memref<128x64xf32, #tpu.memory_space<vmem>>)
    %dma_wait3A_853 = arith.constant 0 : i32
    %dma_wait3A_854 = arith.constant 2 : i32
    %dma_wait3A_855 = arith.constant 0 : i32
    %dma_wait3A_856 = arith.constant 0 : i32
    %dma_wait3A_857 = tpu.memref_slice %arg10[%dma_wait3A_853, %dma_wait3A_855, %dma_wait3A_856] : memref<2x128x64xf32, #tpu.memory_space<vmem>> -> memref<1x128x64xf32, #tpu.memory_space<vmem>>
    %dma_wait3A_858 = tpu.memref_squeeze %dma_wait3A_857 : memref<1x128x64xf32, #tpu.memory_space<vmem>> -> memref<128x64xf32, #tpu.memory_space<vmem>>
    %dma_wait3A_859 = arith.constant 0 : i32
    %dma_wait3A_860 = tpu.memref_slice %arg9[%dma_wait3A_854, %dma_wait3A_859] : memref<8x128xi32, #tpu.memory_space<vmem>> -> memref<1x128xi32, #tpu.memory_space<vmem>>
    %dma_wait3A_861 = tpu.memref_squeeze %dma_wait3A_860 : memref<1x128xi32, #tpu.memory_space<vmem>> -> memref<128xi32, #tpu.memory_space<vmem>>
    %dma_wait3A_862 = arith.constant 0 : i32
    %dma_wait3A_863 = arith.constant 0 : i32
    %dma_wait3A_864 = tpu.memref_slice %arg7[%dma_wait3A_862, %dma_wait3A_863] : memref<10240x64xf32, #tpu.memory_space<vmem_shared>> -> memref<10240x64xf32, #tpu.memory_space<vmem_shared>>
    tpu.wait_indirect_dma semaphore(%arg13 : memref<!tpu.dma_semaphore, #tpu.memory_space<semaphore_mem>>) src(%dma_wait3A_858 : memref<128x64xf32, #tpu.memory_space<vmem>>) dst(%dma_wait3A_864 : memref<10240x64xf32, #tpu.memory_space<vmem_shared>>)
    %dma_start3A_865 = arith.constant 1 : i32
    %dma_start3A_866 = arith.constant 3 : i32
    %dma_start3A_867 = arith.constant 0 : i32
    %dma_start3A_868 = arith.constant 0 : i32
    %dma_start3A_869 = tpu.memref_slice %arg10[%dma_start3A_865, %dma_start3A_867, %dma_start3A_868] : memref<2x128x64xf32, #tpu.memory_space<vmem>> -> memref<1x128x64xf32, #tpu.memory_space<vmem>>
    %dma_start3A_870 = tpu.memref_squeeze %dma_start3A_869 : memref<1x128x64xf32, #tpu.memory_space<vmem>> -> memref<128x64xf32, #tpu.memory_space<vmem>>
    %dma_start3A_871 = arith.constant 0 : i32
    %dma_start3A_872 = tpu.memref_slice %arg9[%dma_start3A_866, %dma_start3A_871] : memref<8x128xi32, #tpu.memory_space<vmem>> -> memref<1x128xi32, #tpu.memory_space<vmem>>
    %dma_start3A_873 = tpu.memref_squeeze %dma_start3A_872 : memref<1x128xi32, #tpu.memory_space<vmem>> -> memref<128xi32, #tpu.memory_space<vmem>>
    %dma_start3A_874 = arith.constant 0 : i32
    %dma_start3A_875 = arith.constant 0 : i32
    %dma_start3A_876 = tpu.memref_slice %arg7[%dma_start3A_874, %dma_start3A_875] : memref<10240x64xf32, #tpu.memory_space<vmem_shared>> -> memref<10240x64xf32, #tpu.memory_space<vmem_shared>>
    tpu.enqueue_indirect_dma source(%dma_start3A_870 : memref<128x64xf32, #tpu.memory_space<vmem>>) target(%dma_start3A_876 : memref<10240x64xf32, #tpu.memory_space<vmem_shared>>) offsets(%dma_start3A_873 : memref<128xi32, #tpu.memory_space<vmem>>) semaphore(%arg14 : memref<!tpu.dma_semaphore, #tpu.memory_space<semaphore_mem>>) {add = true}
    %dma_wait3A_877 = arith.constant 1 : i32
    %dma_wait3A_878 = arith.constant 3 : i32
    %dma_wait3A_879 = arith.constant 0 : i32
    %dma_wait3A_880 = arith.constant 0 : i32
    %dma_wait3A_881 = tpu.memref_slice %arg10[%dma_wait3A_877, %dma_wait3A_879, %dma_wait3A_880] : memref<2x128x64xf32, #tpu.memory_space<vmem>> -> memref<1x128x64xf32, #tpu.memory_space<vmem>>
    %dma_wait3A_882 = tpu.memref_squeeze %dma_wait3A_881 : memref<1x128x64xf32, #tpu.memory_space<vmem>> -> memref<128x64xf32, #tpu.memory_space<vmem>>
    %dma_wait3A_883 = arith.constant 0 : i32
    %dma_wait3A_884 = tpu.memref_slice %arg9[%dma_wait3A_878, %dma_wait3A_883] : memref<8x128xi32, #tpu.memory_space<vmem>> -> memref<1x128xi32, #tpu.memory_space<vmem>>
    %dma_wait3A_885 = tpu.memref_squeeze %dma_wait3A_884 : memref<1x128xi32, #tpu.memory_space<vmem>> -> memref<128xi32, #tpu.memory_space<vmem>>
    %dma_wait3A_886 = arith.constant 0 : i32
    %dma_wait3A_887 = arith.constant 0 : i32
    %dma_wait3A_888 = tpu.memref_slice %arg7[%dma_wait3A_886, %dma_wait3A_887] : memref<10240x64xf32, #tpu.memory_space<vmem_shared>> -> memref<10240x64xf32, #tpu.memory_space<vmem_shared>>
    tpu.wait_indirect_dma semaphore(%arg14 : memref<!tpu.dma_semaphore, #tpu.memory_space<semaphore_mem>>) src(%dma_wait3A_882 : memref<128x64xf32, #tpu.memory_space<vmem>>) dst(%dma_wait3A_888 : memref<10240x64xf32, #tpu.memory_space<vmem_shared>>)
    %barrier3A_889 = arith.constant 0 : index
    tpu.barrier barrier_id(%barrier3A_889)
    "tpu.region"() ({
      %run_scoped3A_890 = tpu.sem_alloc : memref<!tpu.dma_semaphore, #tpu.memory_space<semaphore_mem>>
      %dma_start3A_891 = arith.constant 0 : i32
      %dma_start3A_892 = tpu.memref_slice %arg5[%arg0, %mul3A_0, %dma_start3A_891] : memref<2x10240x64xf32, #tpu.memory_space<hbm>> -> memref<1x640x64xf32, #tpu.memory_space<hbm>>
      %dma_start3A_893 = tpu.memref_squeeze %dma_start3A_892 : memref<1x640x64xf32, #tpu.memory_space<hbm>> -> memref<640x64xf32, #tpu.memory_space<hbm>>
      %dma_start3A_894 = arith.constant 0 : i32
      %dma_start3A_895 = tpu.memref_slice %arg7[%mul3A_0, %dma_start3A_894] : memref<10240x64xf32, #tpu.memory_space<vmem_shared>> -> memref<640x64xf32, #tpu.memory_space<vmem_shared>>
      tpu.enqueue_dma source(%dma_start3A_895 : memref<640x64xf32, #tpu.memory_space<vmem_shared>>) target(%dma_start3A_893 : memref<640x64xf32, #tpu.memory_space<hbm>>) target_semaphore(%run_scoped3A_890 : memref<!tpu.dma_semaphore, #tpu.memory_space<semaphore_mem>>)
      %dma_wait3A_896 = arith.constant 0 : i32
      %dma_wait3A_897 = tpu.memref_slice %arg5[%arg0, %mul3A_0, %dma_wait3A_896] : memref<2x10240x64xf32, #tpu.memory_space<hbm>> -> memref<1x640x64xf32, #tpu.memory_space<hbm>>
      %dma_wait3A_898 = tpu.memref_squeeze %dma_wait3A_897 : memref<1x640x64xf32, #tpu.memory_space<hbm>> -> memref<640x64xf32, #tpu.memory_space<hbm>>
      %dma_wait3A_899 = arith.constant 0 : i32
      %dma_wait3A_900 = tpu.memref_slice %arg7[%mul3A_0, %dma_wait3A_899] : memref<10240x64xf32, #tpu.memory_space<vmem_shared>> -> memref<640x64xf32, #tpu.memory_space<vmem_shared>>
      tpu.wait_dma2 semaphore(%run_scoped3A_890 : memref<!tpu.dma_semaphore, #tpu.memory_space<semaphore_mem>>) src(%dma_wait3A_900 : memref<640x64xf32, #tpu.memory_space<vmem_shared>>) dst(%dma_wait3A_898 : memref<640x64xf32, #tpu.memory_space<hbm>>)
      tpu.yield
    }) : () -> ()
    return
  }
}

module attributes {stable_mosaic.version = 14 : i64} {
  func.func @_scale_body(%arg0: i32, %arg1: memref<2048x128xf32, #tpu.memory_space<vmem>>, %arg2: memref<2x2048x1xf32, #tpu.memory_space<vmem>>, %arg3: memref<2x2048x64xf32, #tpu.memory_space<vmem>>) attributes {dimension_semantics = [#tpu.dimension_semantics<arbitrary>], iteration_bounds = array<i64: 5>, scalar_prefetch = 0 : i64, scratch_operands = 0 : i64, tpu.core_type = #tpu.core_type<tc>, window_params = [{transform_indices = @transform_0, window_bounds = array<i64: 2048, 128>}, {transform_indices = @transform_1, window_bounds = array<i64: 2, 2048, 1>}, {transform_indices = @transform_2, window_bounds = array<i64: 2, 2048, 64>}]} {
    %get3A = arith.constant 0 : index
    %get3A_0 = arith.constant 0 : index
    %get3A_1 = arith.constant 0 : index
    %get3A_2 = vector.load %arg2[%get3A, %get3A_0, %get3A_1] : memref<2x2048x1xf32, #tpu.memory_space<vmem>>, vector<1x2048x1xf32>
    %get3A_3 = vector.shape_cast %get3A_2 : vector<1x2048x1xf32> to vector<2048x1xf32>
    %get3A_4 = arith.constant 1 : index
    %get3A_5 = arith.constant 0 : index
    %get3A_6 = arith.constant 0 : index
    %get3A_7 = vector.load %arg2[%get3A_4, %get3A_5, %get3A_6] : memref<2x2048x1xf32, #tpu.memory_space<vmem>>, vector<1x2048x1xf32>
    %get3A_8 = vector.shape_cast %get3A_7 : vector<1x2048x1xf32> to vector<2048x1xf32>
    %add3A = arith.addf %get3A_3, %get3A_8 : vector<2048x1xf32>
    %get3A_9 = arith.constant 0 : index
    %get3A_10 = arith.constant 0 : index
    %get3A_11 = vector.load %arg1[%get3A_9, %get3A_10] : memref<2048x128xf32, #tpu.memory_space<vmem>>, vector<2048x128xf32>
    %max3A = arith.constant 1.000000e+00 : f32
    %max3A_12 = vector.broadcast %max3A : f32 to vector<2048x1xf32>
    %max3A_13 = arith.maximumf %add3A, %max3A_12 : vector<2048x1xf32>
    %rsqrt3A = math.rsqrt %max3A_13 : vector<2048x1xf32>
    %mul3A = vector.broadcast %rsqrt3A : vector<2048x1xf32> to vector<2048x128xf32>
    %mul3A_14 = arith.mulf %get3A_11, %mul3A : vector<2048x128xf32>
    %slice3A = vector.extract_strided_slice %mul3A_14 {offsets = [0, 0], sizes = [2048, 64], strides = [1, 1]} : vector<2048x128xf32> to vector<2048x64xf32>
    %swap3A = arith.constant 0 : index
    %swap3A_15 = arith.constant 0 : index
    %swap3A_16 = arith.constant 0 : index
    %swap3A_17 = vector.load %arg3[%swap3A, %swap3A_15, %swap3A_16] : memref<2x2048x64xf32, #tpu.memory_space<vmem>>, vector<1x2048x64xf32>
    %swap3A_18 = vector.shape_cast %swap3A_17 : vector<1x2048x64xf32> to vector<2048x64xf32>
    %swap3A_19 = vector.shape_cast %slice3A : vector<2048x64xf32> to vector<1x2048x64xf32>
    tpu.vector_store %arg3[%swap3A, %swap3A_15, %swap3A_16], %swap3A_19 {strides = array<i32>} : memref<2x2048x64xf32, #tpu.memory_space<vmem>>, vector<1x2048x64xf32>,
    %slice3A_20 = vector.extract_strided_slice %mul3A_14 {offsets = [0, 64], sizes = [2048, 64], strides = [1, 1]} : vector<2048x128xf32> to vector<2048x64xf32>
    %swap3A_21 = arith.constant 1 : index
    %swap3A_22 = arith.constant 0 : index
    %swap3A_23 = arith.constant 0 : index
    %swap3A_24 = vector.load %arg3[%swap3A_21, %swap3A_22, %swap3A_23] : memref<2x2048x64xf32, #tpu.memory_space<vmem>>, vector<1x2048x64xf32>
    %swap3A_25 = vector.shape_cast %swap3A_24 : vector<1x2048x64xf32> to vector<2048x64xf32>
    %swap3A_26 = vector.shape_cast %slice3A_20 : vector<2048x64xf32> to vector<1x2048x64xf32>
    tpu.vector_store %arg3[%swap3A_21, %swap3A_22, %swap3A_23], %swap3A_26 {strides = array<i32>} : memref<2x2048x64xf32, #tpu.memory_space<vmem>>, vector<1x2048x64xf32>,
    return
  }
  func.func @transform_0(%arg0: i32) -> (i32, i32) {
    %c0_i32 = arith.constant 0 : i32
    %c0_i32_0 = arith.constant 0 : i32
    return %arg0, %c0_i32 : i32, i32
  }
  func.func @transform_1(%arg0: i32) -> (i32, i32, i32) {
    %c0_i32 = arith.constant 0 : i32
    %c0_i32_0 = arith.constant 0 : i32
    %c0_i32_1 = arith.constant 0 : i32
    return %c0_i32, %arg0, %c0_i32_0 : i32, i32, i32
  }
  func.func @transform_2(%arg0: i32) -> (i32, i32, i32) {
    %c0_i32 = arith.constant 0 : i32
    %c0_i32_0 = arith.constant 0 : i32
    %c0_i32_1 = arith.constant 0 : i32
    return %c0_i32, %arg0, %c0_i32_0 : i32, i32, i32
  }
}

module attributes {stable_mosaic.version = 14 : i64} {
  func.func @_combine_body(%arg0: i32, %arg1: memref<2x2000x64xf32, #tpu.memory_space<vmem>>, %arg2: memref<2x2000x1xf32, #tpu.memory_space<vmem>>, %arg3: memref<128x128xf32, #tpu.memory_space<vmem>>, %arg4: memref<2000x128xf32, #tpu.memory_space<vmem>>) attributes {dimension_semantics = [#tpu.dimension_semantics<arbitrary>], iteration_bounds = array<i64: 5>, scalar_prefetch = 0 : i64, scratch_operands = 0 : i64, tpu.core_type = #tpu.core_type<tc>, window_params = [{transform_indices = @transform_0, window_bounds = array<i64: 2, 2000, 64>}, {transform_indices = @transform_1, window_bounds = array<i64: 2, 2000, 1>}, {pipeline_mode = #tpu.pipeline_mode<synchronous>, transform_indices = @transform_2, window_bounds = array<i64: 128, 128>}, {transform_indices = @transform_3, window_bounds = array<i64: 2000, 128>}]} {
    %get3A = arith.constant 0 : index
    %get3A_0 = arith.constant 0 : index
    %get3A_1 = arith.constant 0 : index
    %get3A_2 = vector.load %arg2[%get3A, %get3A_0, %get3A_1] : memref<2x2000x1xf32, #tpu.memory_space<vmem>>, vector<1x2000x1xf32>
    %get3A_3 = vector.shape_cast %get3A_2 : vector<1x2000x1xf32> to vector<2000x1xf32>
    %get3A_4 = arith.constant 1 : index
    %get3A_5 = arith.constant 0 : index
    %get3A_6 = arith.constant 0 : index
    %get3A_7 = vector.load %arg2[%get3A_4, %get3A_5, %get3A_6] : memref<2x2000x1xf32, #tpu.memory_space<vmem>>, vector<1x2000x1xf32>
    %get3A_8 = vector.shape_cast %get3A_7 : vector<1x2000x1xf32> to vector<2000x1xf32>
    %add3A = arith.addf %get3A_3, %get3A_8 : vector<2000x1xf32>
    %get3A_9 = arith.constant 0 : index
    %get3A_10 = arith.constant 0 : index
    %get3A_11 = arith.constant 0 : index
    %get3A_12 = vector.load %arg1[%get3A_9, %get3A_10, %get3A_11] : memref<2x2000x64xf32, #tpu.memory_space<vmem>>, vector<1x2000x64xf32>
    %get3A_13 = vector.shape_cast %get3A_12 : vector<1x2000x64xf32> to vector<2000x64xf32>
    %get3A_14 = arith.constant 1 : index
    %get3A_15 = arith.constant 0 : index
    %get3A_16 = arith.constant 0 : index
    %get3A_17 = vector.load %arg1[%get3A_14, %get3A_15, %get3A_16] : memref<2x2000x64xf32, #tpu.memory_space<vmem>>, vector<1x2000x64xf32>
    %get3A_18 = vector.shape_cast %get3A_17 : vector<1x2000x64xf32> to vector<2000x64xf32>
    %concatenate3A = tpu.concatenate %get3A_13, %get3A_18 in 1 : vector<2000x64xf32>, vector<2000x64xf32> -> vector<2000x128xf32>
    %max3A = arith.constant 1.000000e+00 : f32
    %max3A_19 = vector.broadcast %max3A : f32 to vector<2000x1xf32>
    %max3A_20 = arith.maximumf %add3A, %max3A_19 : vector<2000x1xf32>
    %rsqrt3A = math.rsqrt %max3A_20 : vector<2000x1xf32>
    %mul3A = vector.broadcast %rsqrt3A : vector<2000x1xf32> to vector<2000x128xf32>
    %mul3A_21 = arith.mulf %concatenate3A, %mul3A : vector<2000x128xf32>
    %get3A_22 = arith.constant 0 : index
    %get3A_23 = arith.constant 0 : index
    %get3A_24 = vector.load %arg3[%get3A_22, %get3A_23] : memref<128x128xf32, #tpu.memory_space<vmem>>, vector<128x128xf32>
    %dot_general3A = arith.constant dense<0.000000e+00> : vector<2000x128xf32>
    %dot_general3A_25 = tpu.matmul %mul3A_21, %get3A_24, %dot_general3A {dimension_numbers = #tpu.dot_dimension_numbers<[1], [0], [0], [1], [0, 0, 1, 1], [], []>, transpose_lhs_hint = false} : vector<2000x128xf32>, vector<128x128xf32>, vector<2000x128xf32> -> vector<2000x128xf32>
    %swap3A = arith.constant 0 : index
    %swap3A_26 = arith.constant 0 : index
    %swap3A_27 = vector.load %arg4[%swap3A, %swap3A_26] : memref<2000x128xf32, #tpu.memory_space<vmem>>, vector<2000x128xf32>
    tpu.vector_store %arg4[%swap3A, %swap3A_26], %dot_general3A_25 {strides = array<i32>} : memref<2000x128xf32, #tpu.memory_space<vmem>>, vector<2000x128xf32>,
    return
  }
  func.func @transform_0(%arg0: i32) -> (i32, i32, i32) {
    %c0_i32 = arith.constant 0 : i32
    %c0_i32_0 = arith.constant 0 : i32
    %c0_i32_1 = arith.constant 0 : i32
    return %c0_i32, %arg0, %c0_i32_0 : i32, i32, i32
  }
  func.func @transform_1(%arg0: i32) -> (i32, i32, i32) {
    %c0_i32 = arith.constant 0 : i32
    %c0_i32_0 = arith.constant 0 : i32
    %c0_i32_1 = arith.constant 0 : i32
    return %c0_i32, %arg0, %c0_i32_0 : i32, i32, i32
  }
  func.func @transform_2(%arg0: i32) -> (i32, i32) {
    %c0_i32 = arith.constant 0 : i32
    %c0_i32_0 = arith.constant 0 : i32
    %c0_i32_1 = arith.constant 0 : i32
    return %c0_i32, %c0_i32_0 : i32, i32
  }
  func.func @transform_3(%arg0: i32) -> (i32, i32) {
    %c0_i32 = arith.constant 0 : i32
    %c0_i32_0 = arith.constant 0 : i32
    return %arg0, %c0_i32 : i32, i32
  }
}

</mosaic_0001>

<sc_bundles>
// kernel: kernel.6.cloned.1.call-start
scs
__scs_entry_jumppad:
0x0: {  	(pc) =	sbr.rel $0x88, $3  }
0x1: {  	(tag) =	ssettag $0x0;
	lr =	simm.s32 $0x1  }
0x2: {  	[smem:$0x3F9E] =	sst lr;
	_ =	strace $0xD0000000  }
0x3: {  	_ = 	snop  }
0x4: {  	_ = 	snop  }
0x5: {  	_ = 	snop  }
0x6: {  	_ = 	snop  }
0x7: {  	_ = 	snop  }
__scs_overlays_trampoline_lowered:
0x8: {  	[smem:$0x3FAD] =	sst s0  }
0x9: {  	[smem:$0x3FAE] =	sst s1  }
0xa: {  	[smem:$0x3FAF] =	sst s2  }
0xb: {  	[smem:$0x3FB0] =	sst s3  }
0xc: {  	[smem:$0x3FB1] =	sst s4  }
0xd: {  	[smem:$0x3FB2] =	sst s5  }
0xe: {  	[smem:$0x3FB3] =	sst s6  }
0xf: {  	[smem:$0x3FB4] =	sst s7  }
0x10: {  	[smem:$0x3FB5] =	sst s8  }
0x11: {  	[smem:$0x3FB6] =	sst s9;
	s0 =	simm.s32 @!p0 $0x0  }
0x12: {  	s1 =	sld [smem:$0x3F9C];
	s0 =	simm.s32 @p0 $0x1  }
0x13: {  	[smem:$0x3FB7] =	sst s0;
	s0 =	simm.s32 @!p1 $0x0  }
0x14: {  	s2 =	sld [smem:$0x3F9B];
	s0 =	simm.s32 @p1 $0x1  }
0x15: {  	[smem:$0x3FB8] =	sst s0;
	s0 =	simm.s32 @!p2 $0x0  }
0x16: {  	s3 =	sld [smem:$0x3FDB];
	s0 =	simm.s32 @p2 $0x1  }
0x17: {  	s4 =	simm.s32 $0x1BF5;
	[smem:$0x3FBA] =	sst s0  }
0x18: {  	s0 =	sld [smem:$0x3F9D];
	_ =	swait.ge [sflag:s4], $0x0  }
0x19: {  	s7 =	sld [smem:$0x3F9E]  }
0x1a: {  	s8 =	sadd.s32 $0xFFFFE003, lr  }
0x1b: {  	s9 =	sadd.s32 $0xFFFFFEF7, lr;
	s5 =	simm.s32 $0xFFFFFFFF;
	p2 =	slt.u32 s8, $0xFFFFF086  }
0x1c: {  	p1 =	slt.u32 s9, $0xF7A;
	s5 =	simm.s32 @!p2 $0x0  }
0x1d: {  	s5 =	simm.s32 @p1 $0x1;
	p0 =	seq.s32 s7, s2  }
0x1e: {  	s7 =	smul.u32 @!p0 $0xF7A, s2;
	p2 =	seq.s32 @!p0 s5, $0x0  }
0x1f: {  	s9 =	smul.u32 $0xF7A, s1;
	s8 =	simm.s32 @!p0 $0x1BF5;
	p2 =	por !p2, p0  }
0x20: {  	[sflag:s8] =	ssyncset.s32 @!p0 $0xFFFFF086;
	s6 =	sadd.s32 @!p0 s3, s7;
	s7 =	simm.s32 @!p0 $0x108  }
0x21: {  	s3 =	sadd.s32 s3, s9;
	s6 =	sadd.s32 @!p0 $0x88, s6;
	s7 =	simm.s32 @p2 $0x1082  }
0x22: {  	[simem:s7], [sflag:s8] =	dma.local @!p0 [hbm:s6], $0xF7A  }
0x23: {  	s9 =	sor.u32 $0xD0000000, s2;
	s6 =	simm.s32 $0x108;
	_ =	swait.ge @!p0 [sflag:s8], $0x0  }
0x24: {  	s3 =	sadd.s32 $0x88, s3;
	s6 =	simm.s32 @!p1 $0x1082;
	[sflag:s4] =	ssyncset.s32 $0xFFFFF086  }
0x25: {  	[simem:s6], [sflag:s4] =	dma.local [hbm:s3], $0xF7A  }
0x26: {  	[smem:$0x3F9E] =	sst s1;
	(tag) =	ssettag s2;
	_ =	strace s9  }
0x27: {  	s1 =	sld [smem:$0x3FAE]  }
0x28: {  	s2 =	sld [smem:$0x3FAF]  }
0x29: {  	s4 =	sld [smem:$0x3FB1]  }
0x2a: {  	p0 =	seq.s32 s5, $0x0;
	s5 =	sld [smem:$0x3FB2]  }
0x2b: {  	s6 =	sld [smem:$0x3FB3]  }
0x2c: {  	s7 =	sld [smem:$0x3FB4]  }
0x2d: {  	s3 =	simm.s32 $0x108;
	s8 =	sld [smem:$0x3FB5]  }
0x2e: {  	s3 =	simm.s32 @!p0 $0x1082;
	s9 =	sld [smem:$0x3FB6]  }
0x2f: {  	lr =	sadd.s32 s0, s3;
	s0 =	sld [smem:$0x3FAD]  }
0x30: {  	s3 =	sld [smem:$0x3FB0]  }
0x31: {  	[smem:$0x3FB9] =	sst s10  }
0x32: {  	s10 =	sld [smem:$0x3FB7];
	_ =	sdelay $0x3  }
0x33: {  	p0 =	seq.s32 s10, $0x1;
	s10 =	sld [smem:$0x3FB9];
	_ =	sdelay $0x3  }
0x34: {  	[smem:$0x3FB9] =	sst s10  }
0x35: {  	s10 =	sld [smem:$0x3FB8];
	_ =	sdelay $0x3  }
0x36: {  	p1 =	seq.s32 s10, $0x1;
	s10 =	sld [smem:$0x3FB9];
	_ =	sdelay $0x3  }
0x37: {  	[smem:$0x3FB9] =	sst s10  }
0x38: {  	s10 =	sld [smem:$0x3FBA]  }
0x39: {  	_ = 	snop;
	(pc) =	sbr.ind lr, $3  }
0x3a: {  	_ = 	snop  }
0x3b: {  	_ = 	snop  }
0x3c: {  	p2 =	seq.s32 s10, $0x1;
	s10 =	sld [smem:$0x3FB9]  }
0x3d: {  	_ =	shalt  }
0x3e: {  	_ =	shalt  }
0x3f: {  	_ =	shalt  }
0x40: {  	_ =	shalt  }
0x41: {  	_ =	shalt  }
0x42: {  	_ =	shalt  }
0x43: {  	_ =	shalt  }
0x44: {  	_ =	shalt  }
0x45: {  	_ =	shalt  }
0x46: {  	_ =	shalt  }
0x47: {  	_ =	shalt  }
0x48: {  	_ =	shalt  }
0x49: {  	_ =	shalt  }
0x4a: {  	_ =	shalt  }
0x4b: {  	_ =	shalt  }
0x4c: {  	_ =	shalt  }
0x4d: {  	_ =	shalt  }
0x4e: {  	_ =	shalt  }
0x4f: {  	_ =	shalt  }
0x50: {  	_ =	shalt  }
0x51: {  	_ =	shalt  }
0x52: {  	_ =	shalt  }
0x53: {  	_ =	shalt  }
0x54: {  	_ =	shalt  }
0x55: {  	_ =	shalt  }
0x56: {  	_ =	shalt  }
0x57: {  	_ =	shalt  }
0x58: {  	_ =	shalt  }
0x59: {  	_ =	shalt  }
0x5a: {  	_ =	shalt  }
0x5b: {  	_ =	shalt  }
0x5c: {  	_ =	shalt  }
0x5d: {  	_ =	shalt  }
0x5e: {  	_ =	shalt  }
0x5f: {  	_ =	shalt  }
0x60: {  	_ =	shalt  }
0x61: {  	_ =	shalt  }
0x62: {  	_ =	shalt  }
0x63: {  	_ =	shalt  }
0x64: {  	_ =	shalt  }
0x65: {  	_ =	shalt  }
0x66: {  	_ =	shalt  }
0x67: {  	_ =	shalt  }
0x68: {  	_ =	shalt  }
0x69: {  	_ =	shalt  }
0x6a: {  	_ =	shalt  }
0x6b: {  	_ =	shalt  }
0x6c: {  	_ =	shalt  }
0x6d: {  	_ =	shalt  }
0x6e: {  	_ =	shalt  }
0x6f: {  	_ =	shalt  }
0x70: {  	_ =	shalt  }
0x71: {  	_ =	shalt  }
0x72: {  	_ =	shalt  }
0x73: {  	_ =	shalt  }
0x74: {  	_ =	shalt  }
0x75: {  	_ =	shalt  }
0x76: {  	_ =	shalt  }
0x77: {  	_ =	shalt  }
0x78: {  	_ =	shalt  }
0x79: {  	_ =	shalt  }
0x7a: {  	_ =	shalt  }
0x7b: {  	_ =	shalt  }
0x7c: {  	_ =	shalt  }
0x7d: {  	_ =	shalt  }
0x7e: {  	_ =	shalt  }
0x7f: {  	_ =	shalt  }
0x80: {  	_ =	shalt  }
0x81: {  	_ =	shalt  }
0x82: {  	_ =	shalt  }
0x83: {  	_ =	shalt  }
0x84: {  	_ =	shalt  }
0x85: {  	_ =	shalt  }
0x86: {  	_ =	shalt  }
0x87: {  	_ =	shalt  }
.Lfunc_end0:
.L_simem_size_0:
called_computation_lowered:
.L_overlay_start_0:
0x88: {  	s2 =	sld [smem:$0x3FD9]  }
0x89: {  	s3 =	sld [smem:$0x3FFE];
	_ =	sdelay $0x1  }
0x8a: {  	s1 =	srdreg.scid  }
0x8b: {  	s0 =	sand.u32 $0x1, s1  }
0x8c: {  	s17 =	sshll.u32 s0, $0xA;
	s2 =	sadd.s32 s3, s2  }
0x8d: {  	s2 =	sadd.s32 s2, s17  }
0x8e: {  	[smem:$0x3FC5] =	sst s2  }
0x8f: {  	_ = 	snop  }
0x90: {  	s2 =	sld [smem:$0x3FD0];
	(tm) =	ssettm $0x1  }
0x91: {  	s18 =	sld [smem:$0x3FFB];
	_ =	sdelay $0x3  }
0x92: {  	_ =	strace s18  }
0x93: {  	s3 =	sld [smem:$0x3FFC];
	_ =	sdelay $0x3  }
0x94: {  	_ =	strace s3  }
0x95: {  	s3 =	sld [smem:$0x3FFD];
	_ =	sdelay $0x3  }
0x96: {  	_ =	strace s3  }
0x97: {  	_ =	strace $0x8FFFFFFF  }
0x98: {  	s19 =	sld [smem:$0x3FDB];
	_ =	sdelay $0x1  }
0x99: {  	s4 =	simm.s32 $_scs_section_size  }
0x9a: {  	s5 =	simm.s32 $_size__tile_overlayer_lowered;
	s6 =	simm.s32 $_tile_overlayer_lowered  }
0x9b: {  	s22 =	simm.s32 $0x1BFF;
	s21 =	sshll.u32 s6, $0x1;
	s3 =	sadd.s32 s4, s19  }
0x9c: {  	s7 =	simm.s32 $0x0;
	s20 =	sshll.u32 s5, $0x1;
	s5 =	sadd.s32 s21, s3  }
0x9d: {  	[timem:s7], [sflag:s22] =	dma.local [hbm:s5], s20  }
0x9e: {  	_ =	swait.ge [sflag:s22], s20  }
0x9f: {  	s4 =	ssub.s32 $0x0, s20;
	[sflag:s22] =	ssyncset.done $0x0  }
0xa0: {  	[sflag:s22] =	ssyncadd.s32 s4;
	_ =	sdelay $0x1  }
0xa1: {  	s23 =	simm.s32 $0x1B8B  }
0xa2: {  	_ =	swait.ge [sflag:s23], $0x1  }
0xa3: {  	[sflag:s23] =	ssyncset.done $0x0  }
0xa4: {  	s25 =	simm.s32 $0x1B8E;
	s24 =	sld [smem:$0x3FFE];
	[sflag:s23] =	ssyncadd.s32 $0xFFFFFFFF  }
0xa5: {  	s26 =	simm.s32 $execute0_lowered;
	[smem:$0x3FD2] =	sst s25  }
0xa6: {  	s5 =	sshll.u32 s26, $0x1;
	_ =	strace $0x80000046;
	[dreg:$0x1] =	wrdreg $0xFFFFFFFF  }
0xa7: {  	s28 =	simm.s32 $_size_execute0_lowered;
	s3 =	sadd.s32 s3, s5;
	[dreg:$0x0] =	wrdreg $0x0  }
0xa8: {  	s5 =	sshll.u32 s28, $0x1;
	[dreg:$0x2] =	wrdreg s3  }
0xa9: {  	[dreg:$0x3] =	wrdreg s5  }
0xaa: {  	[dreg:$0x4] =	wrdreg $0xC0  }
0xab: {  	_ =	task [dreg:s7], $0x5FFFF  }
0xac: {  	[dreg:$0x1] =	wrdreg $0xFFFFFFFF  }
0xad: {  	[dreg:$0x0] =	wrdreg $0x60  }
0xae: {  	[dreg:$0x2] =	wrdreg s24  }
0xaf: {  	[dreg:$0x3] =	wrdreg s2  }
0xb0: {  	[dreg:$0x4] =	wrdreg $0x0  }
0xb1: {  	[dreg:$0x5] =	wrdreg $0x2800  }
0xb2: {  	[dreg:$0x6] =	wrdreg $0x9  }
0xb3: {  	_ =	task.clear_ibuf [dreg:s7], $0x7FFFF;
	_ =	strace $0x90000046  }
0xb4: {  	s29 =	simm.s32 $0x9;
	_ =	strace $0x80000048  }
0xb5: {  	_ =	swait.ge [sflag:s29], $0x1  }
0xb6: {  	[sflag:s29] =	ssyncadd.s32 $0xFFFFFFFF  }
0xb7: {  	_ =	strace $0x90000048  }
0xb8: {  	_ =	sfence  }
0xb9: {  	s30 =	sld [smem:$0x0];
	_ =	sdelay $0x2  }
0xba: {  	s31 =	sshll.u32 s1, $0xD;
	s1 =	sshrl.u32 s1, $0x2  }
0xbb: {  	s3 =	sand.u32 $0x4000, s31;
	s1 =	sadd.s32 s1, s30  }
0xbc: {  	s0 =	sor.u32 s3, s0;
	s1 =	sshll.u32 s1, $0x11  }
0xbd: {  	s0 =	sor.u32 s1, s0  }
0xbe: {  	s0 =	sadd.s32 $0x8F2B, s0  }
0xbf: {  	[sflag:s0] =	ssyncadd.remote.s32 $0x1  }
0xc0: {  	_ =	sfence.sel $0xFFFF  }
0xc1: {  	[dreg:$0x0] =	wrdreg $0xFFFFFFFF;
	(pc) =	sbr.abs _section_cstart, $3  }
0xc2: {  	[dreg:$0x1] =	wrdreg $0xFFFFFFFF  }
0xc3: {  	_ =	task.clear_ibuf [dreg:s7], $0x2FFFF;
	_ =	strace $0x9FFFFFFF  }
0xc4: {  	(tm) =	ssettm $0x7FFFFFFF  }
0xc5: {  	_ =	shalt  }
tec
execute0_lowered:
.L_overlay_start_1:
0x0: {  	(tag) =	ssettag $0x1  }
0x1: {  	s0 =	rddreg [dreg:$0x0]  }
0x2: {  	s8 =	rddreg [dreg:$0x1]  }
0x3: {  	s1 =	rddreg [dreg:$0x2]  }
0x4: {  	s3 =	rddreg [dreg:$0x3];
	s5 =	srdreg.scid;
	s4 =	simm.s32 $0x0  }
0x5: {  	s2 =	stileid.u32;
	s13 =	simm.s32 $0x9;
	s16 =	simm.s32 $0x80  }
0x6: {  	s17 =	simm.s32 $0x5500;
	s18 =	simm.s32 $0x1;
	s19 =	simm.s32 $0x5  }
0x7: {  	s20 =	simm.s32 $0x2;
	s21 =	simm.s32 $0x6;
	s22 =	simm.s32 $0x3  }
0x8: {  	s23 =	simm.s32 $0x7;
	s24 =	simm.s32 $0x4;
	s25 =	simm.s32 $0x8  }
0x9: {  	s28 =	simm.s32 $0x10;
	s29 =	simm.s32 $0x0;
	s7 =	smul.u32 $0x500, s2  }
0xa: {  	s5 =	sand.u32 $0x1, s5;
	[smem:$0x7FF] =	sst s4;
	s31 =	smul.u32 $0x280, s2  }
0xb: {  	s6 =	sshll.u32 s5, $0x4;
	_ =	strace $0x80000047;
	s9 =	sshll.u32 s5, $0x7  }
0xc: {  	s5 =	ssub.s32 $0x2, s5;
	s6 =	sor.u32 s2, s6;
	s26 =	sor.u32 s9, s7  }
0xd: {  	s30 =	sshrl.u32 s5, $0x1;
	s10 =	smul.u32 $0x500, s6;
	s6 =	sshrl.u32 s26, $0x3  }
0xe: {  	s12 =	ssub.s32 s5, s30;
	s5 =	sadd.s32 s31, s1;
	s26 =	simm.s32 $0x20  }
0xf: {  	s11 =	sadd.s32 s10, s0;
	s0 =	sadd.s32 s6, s0;
	s6 =	sadd.s32 s31, s3  }
0x10: {  	s8 =	sadd.s32 s8, s10;
	s7 =	sadd.s32 $0x1600, s11;
	s9 =	sadd.s32 $0xB600, s0  }
0x11: {  	v0 =	vimm.f32 $1.000000000e+00;
	v1 =	vimm.f32 $0.0e+00;
	s10 =	sadd.s32 $0xC000, s0;
	s11 =	smax.u32 s12, $0x1;
	s12 =	simm.s32 $0x5580  }
.LBB2_1:
0x12: {  	[tilespmem:$0x5500] =	vst v0  }
0x13: {  	[tilespmem:$0x5510] =	vst v0  }
0x14: {  	[tilespmem:$0x5520] =	vst v0  }
0x15: {  	[tilespmem:$0x5530] =	vst v0  }
0x16: {  	[tilespmem:$0x5540] =	vst v0  }
0x17: {  	[tilespmem:$0x5550] =	vst v0  }
0x18: {  	[tilespmem:$0x5560] =	vst v0  }
0x19: {  	[tilespmem:$0x5570] =	vst v0  }
0x1a: {  	[tilespmem:$0x5580] =	vst v1  }
0x1b: {  	[tilespmem:$0x5590] =	vst v1  }
0x1c: {  	[tilespmem:$0x55A0] =	vst v1  }
0x1d: {  	[tilespmem:$0x55B0] =	vst v1  }
0x1e: {  	[tilespmem:$0x55C0] =	vst v1  }
0x1f: {  	[tilespmem:$0x55D0] =	vst v1  }
0x20: {  	[tilespmem:$0x55E0] =	vst v1  }
0x21: {  	[tilespmem:$0x55F0] =	vst v1  }
0x22: {  	[tilespmem:$0x5600] =	vst v1  }
0x23: {  	[tilespmem:$0x5610] =	vst v1  }
0x24: {  	[tilespmem:$0x5620] =	vst v1  }
0x25: {  	[tilespmem:$0x5630] =	vst v1  }
0x26: {  	[tilespmem:$0x5640] =	vst v1  }
0x27: {  	[tilespmem:$0x5650] =	vst v1  }
0x28: {  	[tilespmem:$0x5660] =	vst v1  }
0x29: {  	[tilespmem:$0x5670] =	vst v1  }
0x2a: {  	[tilespmem:$0x5680] =	vst v1  }
0x2b: {  	[tilespmem:$0x5690] =	vst v1  }
0x2c: {  	[tilespmem:$0x56A0] =	vst v1  }
0x2d: {  	[tilespmem:$0x56B0] =	vst v1  }
0x2e: {  	[tilespmem:$0x56C0] =	vst v1  }
0x2f: {  	[tilespmem:$0x56D0] =	vst v1  }
0x30: {  	[tilespmem:$0x56E0] =	vst v1  }
0x31: {  	[tilespmem:$0x56F0] =	vst v1  }
0x32: {  	[tilespmem:$0x5700] =	vst v1  }
0x33: {  	[tilespmem:$0x5710] =	vst v1  }
0x34: {  	[tilespmem:$0x5720] =	vst v1  }
0x35: {  	[tilespmem:$0x5730] =	vst v1  }
0x36: {  	[tilespmem:$0x5740] =	vst v1  }
0x37: {  	[tilespmem:$0x5750] =	vst v1  }
0x38: {  	[tilespmem:$0x5760] =	vst v1  }
0x39: {  	[tilespmem:$0x5770] =	vst v1  }
0x3a: {  	[tilespmem:$0x5780] =	vst v1  }
0x3b: {  	[tilespmem:$0x5790] =	vst v1  }
0x3c: {  	[tilespmem:$0x57A0] =	vst v1  }
0x3d: {  	[tilespmem:$0x57B0] =	vst v1  }
0x3e: {  	[tilespmem:$0x57C0] =	vst v1  }
0x3f: {  	[tilespmem:$0x57D0] =	vst v1  }
0x40: {  	[tilespmem:$0x57E0] =	vst v1  }
0x41: {  	[tilespmem:$0x57F0] =	vst v1  }
0x42: {  	[spmem:s5] =	stream.linear.scatter [tilespmem:s12], [sflag:$0x9], $0x280, $0x38;
	[tilespmem:$0x5800] =	vst v63  }
0x43: {  	_ =	swait.ge [sflag:s13], $0x280  }
0x44: {  	[sflag:s13] =	ssyncset.done $0x0  }
0x45: {  	[sflag:s13] =	ssyncadd.s32 $0xFFFFFD80  }
0x46: {  	[spmem:s6] =	stream.linear.scatter [tilespmem:s12], [sflag:$0x9], $0x280, $0x38;
	[tilespmem:$0x5800] =	vst v63  }
0x47: {  	_ =	swait.ge [sflag:s13], $0x280  }
0x48: {  	[sflag:s13] =	ssyncset.done $0x0  }
0x49: {  	[sflag:s13] =	ssyncadd.s32 $0xFFFFFD80  }
0x4a: {  	s0 =	simm.s32 $0x500;
	[bflag:$0x0] =	sbarrier.arrive $0xFFFF  }
0x4b: {  	[tilespmem:s0], [sflag:$0x9] =	stream.linear.gather [hbm4b:s7+s4], $0x2800, $0x38;
	[tilespmem:$0x5800] =	vst v63  }
0x4c: {  	_ =	swait.ge [sflag:s13], $0x2800  }
0x4d: {  	[sflag:s13] =	ssyncset.done $0x0  }
0x4e: {  	s14 =	simm.s32 $0x2D00;
	[sflag:s13] =	ssyncadd.s32 $0xFFFFD800  }
0x4f: {  	[tilespmem:s14], [sflag:$0x9] =	stream.linear.gather [hbm4b:s8+s4], $0x2800, $0x38;
	[tilespmem:$0x5800] =	vst v63  }
0x50: {  	_ =	swait.ge [sflag:s13], $0x2800  }
0x51: {  	[sflag:s13] =	ssyncset.done $0x0  }
0x52: {  	s15 =	simm.s32 $0x500;
	[sflag:s13] =	ssyncadd.s32 $0xFFFFD800  }
0x53: {  	[spmem:s1] =	stream.indirect.scatter.add.f32 [tilespmem:s17], [sflag:$0x1], $0x1, s15, s16, $0xb8;
	[tilespmem:$0x5800] =	vst v63  }
0x54: {  	s31 =	simm.s32 $0x2D00  }
0x55: {  	[spmem:s3] =	stream.indirect.scatter.add.f32 [tilespmem:s17], [sflag:$0x5], $0x1, s31, s16, $0xb8;
	[tilespmem:$0x5800] =	vst v63  }
0x56: {  	s14 =	simm.s32 $0x580  }
0x57: {  	[spmem:s1] =	stream.indirect.scatter.add.f32 [tilespmem:s17], [sflag:$0x2], $0x1, s14, s16, $0xb8;
	[tilespmem:$0x5800] =	vst v63  }
0x58: {  	s15 =	simm.s32 $0x2D80  }
0x59: {  	[spmem:s3] =	stream.indirect.scatter.add.f32 [tilespmem:s17], [sflag:$0x6], $0x1, s15, s16, $0xb8;
	[tilespmem:$0x5800] =	vst v63  }
0x5a: {  	s31 =	simm.s32 $0x600  }
0x5b: {  	[spmem:s1] =	stream.indirect.scatter.add.f32 [tilespmem:s17], [sflag:$0x3], $0x1, s31, s16, $0xb8;
	[tilespmem:$0x5800] =	vst v63  }
0x5c: {  	s14 =	simm.s32 $0x2E00  }
0x5d: {  	[spmem:s3] =	stream.indirect.scatter.add.f32 [tilespmem:s17], [sflag:$0x7], $0x1, s14, s16, $0xb8;
	[tilespmem:$0x5800] =	vst v63  }
0x5e: {  	s15 =	simm.s32 $0x680  }
0x5f: {  	[spmem:s1] =	stream.indirect.scatter.add.f32 [tilespmem:s17], [sflag:$0x4], $0x1, s15, s16, $0xb8;
	[tilespmem:$0x5800] =	vst v63  }
0x60: {  	s31 =	simm.s32 $0x2E80  }
0x61: {  	[spmem:s3] =	stream.indirect.scatter.add.f32 [tilespmem:s17], [sflag:$0x8], $0x1, s31, s16, $0xb8;
	[tilespmem:$0x5800] =	vst v63  }
0x62: {  	_ =	swait.ge [sflag:s18], $0x80  }
0x63: {  	[sflag:s18] =	ssyncset.done $0x0  }
0x64: {  	[sflag:s18] =	ssyncadd.s32 $0xFFFFFF80  }
0x65: {  	_ =	swait.ge [sflag:s19], $0x80  }
0x66: {  	[sflag:s19] =	ssyncset.done $0x0  }
0x67: {  	[sflag:s19] =	ssyncadd.s32 $0xFFFFFF80  }
0x68: {  	_ =	swait.ge [sflag:s20], $0x80  }
0x69: {  	[sflag:s20] =	ssyncset.done $0x0  }
0x6a: {  	[sflag:s20] =	ssyncadd.s32 $0xFFFFFF80  }
0x6b: {  	_ =	swait.ge [sflag:s21], $0x80  }
0x6c: {  	[sflag:s21] =	ssyncset.done $0x0  }
0x6d: {  	[sflag:s21] =	ssyncadd.s32 $0xFFFFFF80  }
0x6e: {  	_ =	swait.ge [sflag:s22], $0x80  }
0x6f: {  	[sflag:s22] =	ssyncset.done $0x0  }
0x70: {  	[sflag:s22] =	ssyncadd.s32 $0xFFFFFF80  }
0x71: {  	_ =	swait.ge [sflag:s23], $0x80  }
0x72: {  	[sflag:s23] =	ssyncset.done $0x0  }
0x73: {  	[sflag:s23] =	ssyncadd.s32 $0xFFFFFF80  }
0x74: {  	_ =	swait.ge [sflag:s24], $0x80  }
0x75: {  	[sflag:s24] =	ssyncset.done $0x0  }
0x76: {  	[sflag:s24] =	ssyncadd.s32 $0xFFFFFF80  }
0x77: {  	_ =	swait.ge [sflag:s25], $0x80  }
0x78: {  	s30 =	simm.s32 $0x1000;
	s0 =	simm.s32 $0x200;
	[sflag:s25] =	ssyncset.done $0x0  }
.LBB2_2:
0x79: {  	s15 =	sadd.s32 $0x500, s0  }
0x7a: {  	[sflag:s25] =	ssyncadd.s32 $0xFFFFFF80;
	s31 =	smov.u32 s30;
	s14 =	sadd.s32 $0x800, s30  }
0x7b: {  	[spmem:s1] =	stream.indirect.scatter.add.f32 [tilespmem:s17], [sflag:$0x1], $0x1, s15, s16, $0xb8;
	[tilespmem:$0x5800] =	vst v63  }
0x7c: {  	p0 =	sne.s32 s30, $0x9800;
	s15 =	sadd.s32 $0x2D00, s0  }
0x7d: {  	[spmem:s3] =	stream.indirect.scatter.add.f32 [tilespmem:s17], [sflag:$0x5], $0x1, s15, s16, $0xb8;
	[tilespmem:$0x5800] =	vst v63  }
0x7e: {  	s15 =	sadd.s32 $0x580, s0  }
0x7f: {  	[spmem:s1] =	stream.indirect.scatter.add.f32 [tilespmem:s17], [sflag:$0x2], $0x1, s15, s16, $0xb8;
	[tilespmem:$0x5800] =	vst v63  }
0x80: {  	s15 =	sadd.s32 $0x2D80, s0  }
0x81: {  	[spmem:s3] =	stream.indirect.scatter.add.f32 [tilespmem:s17], [sflag:$0x6], $0x1, s15, s16, $0xb8;
	[tilespmem:$0x5800] =	vst v63  }
0x82: {  	s15 =	sadd.s32 $0x600, s0  }
0x83: {  	[spmem:s1] =	stream.indirect.scatter.add.f32 [tilespmem:s17], [sflag:$0x3], $0x1, s15, s16, $0xb8;
	[tilespmem:$0x5800] =	vst v63  }
0x84: {  	s15 =	sadd.s32 $0x2E00, s0  }
0x85: {  	[spmem:s3] =	stream.indirect.scatter.add.f32 [tilespmem:s17], [sflag:$0x7], $0x1, s15, s16, $0xb8;
	[tilespmem:$0x5800] =	vst v63  }
0x86: {  	s15 =	sadd.s32 $0x680, s0  }
0x87: {  	[spmem:s1] =	stream.indirect.scatter.add.f32 [tilespmem:s17], [sflag:$0x4], $0x1, s15, s16, $0xb8;
	[tilespmem:$0x5800] =	vst v63  }
0x88: {  	s0 =	sadd.s32 $0x2E80, s0  }
0x89: {  	[spmem:s3] =	stream.indirect.scatter.add.f32 [tilespmem:s17], [sflag:$0x8], $0x1, s0, s16, $0xb8;
	[tilespmem:$0x5800] =	vst v63  }
0x8a: {  	_ =	swait.ge [sflag:s18], $0x80  }
0x8b: {  	[sflag:s18] =	ssyncset.done $0x0  }
0x8c: {  	[sflag:s18] =	ssyncadd.s32 $0xFFFFFF80  }
0x8d: {  	_ =	swait.ge [sflag:s19], $0x80  }
0x8e: {  	[sflag:s19] =	ssyncset.done $0x0  }
0x8f: {  	[sflag:s19] =	ssyncadd.s32 $0xFFFFFF80  }
0x90: {  	_ =	swait.ge [sflag:s20], $0x80  }
0x91: {  	[sflag:s20] =	ssyncset.done $0x0  }
0x92: {  	[sflag:s20] =	ssyncadd.s32 $0xFFFFFF80  }
0x93: {  	_ =	swait.ge [sflag:s21], $0x80  }
0x94: {  	[sflag:s21] =	ssyncset.done $0x0  }
0x95: {  	[sflag:s21] =	ssyncadd.s32 $0xFFFFFF80  }
0x96: {  	_ =	swait.ge [sflag:s22], $0x80  }
0x97: {  	[sflag:s22] =	ssyncset.done $0x0  }
0x98: {  	[sflag:s22] =	ssyncadd.s32 $0xFFFFFF80  }
0x99: {  	_ =	swait.ge [sflag:s23], $0x80  }
0x9a: {  	[sflag:s23] =	ssyncset.done $0x0  }
0x9b: {  	[sflag:s23] =	ssyncadd.s32 $0xFFFFFF80  }
.Ltmp0:
0x9c: {  	_ =	swait.ge [sflag:s24], $0x80;
	(pc) =	sbr.rel @p0 .LBB2_2-.Ltmp0, $4  }
0x9d: {  	[sflag:s24] =	ssyncset.done $0x0  }
0x9e: {  	[sflag:s24] =	ssyncadd.s32 $0xFFFFFF80  }
0x9f: {  	_ =	swait.ge [sflag:s25], $0x80  }
0xa0: {  	s30 =	smov.u32 s14;
	s0 =	sshra.s32 s31, $0x2;
	[sflag:s25] =	ssyncset.done $0x0  }
0xa1: {  	s14 =	sadd.s32 $0x500, s0;
	[sflag:s25] =	ssyncadd.s32 $0xFFFFFF80  }
0xa2: {  	[spmem:s1] =	stream.indirect.scatter.add.f32 [tilespmem:s17], [sflag:$0x1], $0x1, s14, s16, $0xb8;
	[tilespmem:$0x5800] =	vst v63  }
0xa3: {  	s15 =	sadd.s32 $0x2D00, s0  }
0xa4: {  	[spmem:s3] =	stream.indirect.scatter.add.f32 [tilespmem:s17], [sflag:$0x5], $0x1, s15, s16, $0xb8;
	[tilespmem:$0x5800] =	vst v63  }
0xa5: {  	s30 =	sadd.s32 $0x580, s0  }
0xa6: {  	[spmem:s1] =	stream.indirect.scatter.add.f32 [tilespmem:s17], [sflag:$0x2], $0x1, s30, s16, $0xb8;
	[tilespmem:$0x5800] =	vst v63  }
0xa7: {  	s31 =	sadd.s32 $0x2D80, s0  }
0xa8: {  	[spmem:s3] =	stream.indirect.scatter.add.f32 [tilespmem:s17], [sflag:$0x6], $0x1, s31, s16, $0xb8;
	[tilespmem:$0x5800] =	vst v63  }
0xa9: {  	s15 =	sadd.s32 $0x600, s0  }
0xaa: {  	[spmem:s1] =	stream.indirect.scatter.add.f32 [tilespmem:s17], [sflag:$0x3], $0x1, s15, s16, $0xb8;
	[tilespmem:$0x5800] =	vst v63  }
0xab: {  	s30 =	sadd.s32 $0x2E00, s0  }
0xac: {  	[spmem:s3] =	stream.indirect.scatter.add.f32 [tilespmem:s17], [sflag:$0x7], $0x1, s30, s16, $0xb8;
	[tilespmem:$0x5800] =	vst v63  }
0xad: {  	s31 =	sadd.s32 $0x680, s0  }
0xae: {  	[spmem:s1] =	stream.indirect.scatter.add.f32 [tilespmem:s17], [sflag:$0x4], $0x1, s31, s16, $0xb8;
	[tilespmem:$0x5800] =	vst v63  }
0xaf: {  	s14 =	sadd.s32 $0x2E80, s0  }
0xb0: {  	[spmem:s3] =	stream.indirect.scatter.add.f32 [tilespmem:s17], [sflag:$0x8], $0x1, s14, s16, $0xb8;
	[tilespmem:$0x5800] =	vst v63  }
0xb1: {  	_ =	swait.ge [sflag:s18], $0x80  }
0xb2: {  	[sflag:s18] =	ssyncset.done $0x0  }
0xb3: {  	[sflag:s18] =	ssyncadd.s32 $0xFFFFFF80  }
0xb4: {  	_ =	swait.ge [sflag:s19], $0x80  }
0xb5: {  	[sflag:s19] =	ssyncset.done $0x0  }
0xb6: {  	[sflag:s19] =	ssyncadd.s32 $0xFFFFFF80  }
0xb7: {  	_ =	swait.ge [sflag:s20], $0x80  }
0xb8: {  	[sflag:s20] =	ssyncset.done $0x0  }
0xb9: {  	[sflag:s20] =	ssyncadd.s32 $0xFFFFFF80  }
0xba: {  	_ =	swait.ge [sflag:s21], $0x80  }
0xbb: {  	[sflag:s21] =	ssyncset.done $0x0  }
0xbc: {  	[sflag:s21] =	ssyncadd.s32 $0xFFFFFF80  }
0xbd: {  	_ =	swait.ge [sflag:s22], $0x80  }
0xbe: {  	[sflag:s22] =	ssyncset.done $0x0  }
0xbf: {  	[sflag:s22] =	ssyncadd.s32 $0xFFFFFF80  }
0xc0: {  	_ =	swait.ge [sflag:s23], $0x80  }
0xc1: {  	[sflag:s23] =	ssyncset.done $0x0  }
0xc2: {  	[sflag:s23] =	ssyncadd.s32 $0xFFFFFF80  }
0xc3: {  	_ =	swait.ge [sflag:s24], $0x80  }
0xc4: {  	[sflag:s24] =	ssyncset.done $0x0  }
0xc5: {  	[sflag:s24] =	ssyncadd.s32 $0xFFFFFF80  }
0xc6: {  	_ =	swait.ge [sflag:s25], $0x80  }
0xc7: {  	[sflag:s25] =	ssyncset.done $0x0  }
0xc8: {  	s15 =	sshll.u32 s2, $0x6;
	[sflag:s25] =	ssyncadd.s32 $0xFFFFFF80  }
0xc9: {  	s0 =	sor.u32 $0x1C09, s15;
	s30 =	sshrl.u32 s5, $0x3;
	[bflag:$0x0] =	sbarrier.arrive $0xFFFF  }
0xca: {  	[hbm:s9@s26], [sflag:s0] =	dma.strided [spmem:s30@s28], $0x50, s18, $0x10   }
0xcb: {  	s29 =	sadd.s32 $0x1, s29;
	_ =	swait.ge [sflag:s13], $0x50  }
0xcc: {  	p0 =	sne.s32 s29, s11;
	[sflag:s13] =	ssyncset.done $0x0  }
.Ltmp1:
0xcd: {  	s31 =	sshrl.u32 s6, $0x3;
	[sflag:s13] =	ssyncadd.s32 $0xFFFFFFB0;
	(pc) =	sbr.rel @p0 .LBB2_1-.Ltmp1, $4  }
0xce: {  	[hbm:s10@s26], [sflag:s0] =	dma.strided [spmem:s31@s28], $0x50, s18, $0x10   }
0xcf: {  	_ =	swait.ge [sflag:s13], $0x50  }
0xd0: {  	[sflag:s13] =	ssyncset.done $0x0  }
0xd1: {  	[sflag:s13] =	ssyncadd.s32 $0xFFFFFFB0  }
0xd2: {  	_ =	sfence.sel $0x180000  }
0xd3: {  	[bflag:$0x0] =	sbarrier.arrive $0xFFFF  }
0xd4: {  	_ =	strace $0x90000047  }
0xd5: {  	[bflag:$0x2] =	sbarrier.arrive $0xFFFF  }
0xd6: {  	p0 =	sne.s32 s2, $0x0;
	s0 =	rddreg [dreg:$0x4]  }
0xd7: {  	s0 =	sadd.s32 @!p0 $0x100000, s0  }
0xd8: {  	[sflag:s0] =	ssyncadd.tile.s32 @!p0 $0x1;
	_ =	shalt  }
.Lfunc_end2:
_tile_overlayer_lowered:
.L_overlay_start_2:
0xd9: {  	(tag) =	ssettag $0x2  }
0xda: {  	s0 =	rddreg [dreg:$0x0];
	s2 =	stileid.u32  }
0xdb: {  	s1 =	rddreg [dreg:$0x1];
	p0 =	sne.s32 s2, $0x0  }
0xdc: {  	s3 =	rddreg [dreg:$0x2];
	[bflag:$0x3] =	sbarrier.arrive $0xFFFF;
	s2 =	simm.s32 @!p0 $0x1C09  }
0xdd: {  	[timem:s3], [sflag:s2] =	dma.local @!p0 [hbm:s0], s1  }
0xde: {  	s0 =	simm.s32 @!p0 $0x9  }
0xdf: {  	_ =	swait.ge @!p0 [sflag:s0], s1  }
0xe0: {  	s1 =	ssub.s32 @!p0 $0x0, s1;
	[sflag:s0] =	ssyncset.done @!p0 $0x0  }
0xe1: {  	[sflag:s0] =	ssyncadd.s32 @!p0 s1  }
0xe2: {  	[bflag:$0x3] =	sbarrier.arrive $0xFFFF  }
0xe3: {  	_ =	shalt  }

// kernel: kernel.9.cloned.1.call-start
scs
__scs_entry_jumppad:
0x0: {  	(pc) =	sbr.rel $0x88, $3  }
0x1: {  	(tag) =	ssettag $0x0;
	lr =	simm.s32 $0x1  }
0x2: {  	[smem:$0x3F9E] =	sst lr;
	_ =	strace $0xD0000000  }
0x3: {  	_ = 	snop  }
0x4: {  	_ = 	snop  }
0x5: {  	_ = 	snop  }
0x6: {  	_ = 	snop  }
0x7: {  	_ = 	snop  }
__scs_overlays_trampoline_lowered:
0x8: {  	[smem:$0x3FAD] =	sst s0  }
0x9: {  	[smem:$0x3FAE] =	sst s1  }
0xa: {  	[smem:$0x3FAF] =	sst s2  }
0xb: {  	[smem:$0x3FB0] =	sst s3  }
0xc: {  	[smem:$0x3FB1] =	sst s4  }
0xd: {  	[smem:$0x3FB2] =	sst s5  }
0xe: {  	[smem:$0x3FB3] =	sst s6  }
0xf: {  	[smem:$0x3FB4] =	sst s7  }
0x10: {  	[smem:$0x3FB5] =	sst s8  }
0x11: {  	[smem:$0x3FB6] =	sst s9;
	s0 =	simm.s32 @!p0 $0x0  }
0x12: {  	s1 =	sld [smem:$0x3F9C];
	s0 =	simm.s32 @p0 $0x1  }
0x13: {  	[smem:$0x3FB7] =	sst s0;
	s0 =	simm.s32 @!p1 $0x0  }
0x14: {  	s2 =	sld [smem:$0x3F9B];
	s0 =	simm.s32 @p1 $0x1  }
0x15: {  	[smem:$0x3FB8] =	sst s0;
	s0 =	simm.s32 @!p2 $0x0  }
0x16: {  	s3 =	sld [smem:$0x3FDB];
	s0 =	simm.s32 @p2 $0x1  }
0x17: {  	s4 =	simm.s32 $0x1BF5;
	[smem:$0x3FBA] =	sst s0  }
0x18: {  	s0 =	sld [smem:$0x3F9D];
	_ =	swait.ge [sflag:s4], $0x0  }
0x19: {  	s7 =	sld [smem:$0x3F9E]  }
0x1a: {  	s8 =	sadd.s32 $0xFFFFE003, lr  }
0x1b: {  	s9 =	sadd.s32 $0xFFFFFEF7, lr;
	s5 =	simm.s32 $0xFFFFFFFF;
	p2 =	slt.u32 s8, $0xFFFFF086  }
0x1c: {  	p1 =	slt.u32 s9, $0xF7A;
	s5 =	simm.s32 @!p2 $0x0  }
0x1d: {  	s5 =	simm.s32 @p1 $0x1;
	p0 =	seq.s32 s7, s2  }
0x1e: {  	s7 =	smul.u32 @!p0 $0xF7A, s2;
	p2 =	seq.s32 @!p0 s5, $0x0  }
0x1f: {  	s9 =	smul.u32 $0xF7A, s1;
	s8 =	simm.s32 @!p0 $0x1BF5;
	p2 =	por !p2, p0  }
0x20: {  	[sflag:s8] =	ssyncset.s32 @!p0 $0xFFFFF086;
	s6 =	sadd.s32 @!p0 s3, s7;
	s7 =	simm.s32 @!p0 $0x108  }
0x21: {  	s3 =	sadd.s32 s3, s9;
	s6 =	sadd.s32 @!p0 $0x88, s6;
	s7 =	simm.s32 @p2 $0x1082  }
0x22: {  	[simem:s7], [sflag:s8] =	dma.local @!p0 [hbm:s6], $0xF7A  }
0x23: {  	s9 =	sor.u32 $0xD0000000, s2;
	s6 =	simm.s32 $0x108;
	_ =	swait.ge @!p0 [sflag:s8], $0x0  }
0x24: {  	s3 =	sadd.s32 $0x88, s3;
	s6 =	simm.s32 @!p1 $0x1082;
	[sflag:s4] =	ssyncset.s32 $0xFFFFF086  }
0x25: {  	[simem:s6], [sflag:s4] =	dma.local [hbm:s3], $0xF7A  }
0x26: {  	[smem:$0x3F9E] =	sst s1;
	(tag) =	ssettag s2;
	_ =	strace s9  }
0x27: {  	s1 =	sld [smem:$0x3FAE]  }
0x28: {  	s2 =	sld [smem:$0x3FAF]  }
0x29: {  	s4 =	sld [smem:$0x3FB1]  }
0x2a: {  	p0 =	seq.s32 s5, $0x0;
	s5 =	sld [smem:$0x3FB2]  }
0x2b: {  	s6 =	sld [smem:$0x3FB3]  }
0x2c: {  	s7 =	sld [smem:$0x3FB4]  }
0x2d: {  	s3 =	simm.s32 $0x108;
	s8 =	sld [smem:$0x3FB5]  }
0x2e: {  	s3 =	simm.s32 @!p0 $0x1082;
	s9 =	sld [smem:$0x3FB6]  }
0x2f: {  	lr =	sadd.s32 s0, s3;
	s0 =	sld [smem:$0x3FAD]  }
0x30: {  	s3 =	sld [smem:$0x3FB0]  }
0x31: {  	[smem:$0x3FB9] =	sst s10  }
0x32: {  	s10 =	sld [smem:$0x3FB7];
	_ =	sdelay $0x3  }
0x33: {  	p0 =	seq.s32 s10, $0x1;
	s10 =	sld [smem:$0x3FB9];
	_ =	sdelay $0x3  }
0x34: {  	[smem:$0x3FB9] =	sst s10  }
0x35: {  	s10 =	sld [smem:$0x3FB8];
	_ =	sdelay $0x3  }
0x36: {  	p1 =	seq.s32 s10, $0x1;
	s10 =	sld [smem:$0x3FB9];
	_ =	sdelay $0x3  }
0x37: {  	[smem:$0x3FB9] =	sst s10  }
0x38: {  	s10 =	sld [smem:$0x3FBA]  }
0x39: {  	_ = 	snop;
	(pc) =	sbr.ind lr, $3  }
0x3a: {  	_ = 	snop  }
0x3b: {  	_ = 	snop  }
0x3c: {  	p2 =	seq.s32 s10, $0x1;
	s10 =	sld [smem:$0x3FB9]  }
0x3d: {  	_ =	shalt  }
0x3e: {  	_ =	shalt  }
0x3f: {  	_ =	shalt  }
0x40: {  	_ =	shalt  }
0x41: {  	_ =	shalt  }
0x42: {  	_ =	shalt  }
0x43: {  	_ =	shalt  }
0x44: {  	_ =	shalt  }
0x45: {  	_ =	shalt  }
0x46: {  	_ =	shalt  }
0x47: {  	_ =	shalt  }
0x48: {  	_ =	shalt  }
0x49: {  	_ =	shalt  }
0x4a: {  	_ =	shalt  }
0x4b: {  	_ =	shalt  }
0x4c: {  	_ =	shalt  }
0x4d: {  	_ =	shalt  }
0x4e: {  	_ =	shalt  }
0x4f: {  	_ =	shalt  }
0x50: {  	_ =	shalt  }
0x51: {  	_ =	shalt  }
0x52: {  	_ =	shalt  }
0x53: {  	_ =	shalt  }
0x54: {  	_ =	shalt  }
0x55: {  	_ =	shalt  }
0x56: {  	_ =	shalt  }
0x57: {  	_ =	shalt  }
0x58: {  	_ =	shalt  }
0x59: {  	_ =	shalt  }
0x5a: {  	_ =	shalt  }
0x5b: {  	_ =	shalt  }
0x5c: {  	_ =	shalt  }
0x5d: {  	_ =	shalt  }
0x5e: {  	_ =	shalt  }
0x5f: {  	_ =	shalt  }
0x60: {  	_ =	shalt  }
0x61: {  	_ =	shalt  }
0x62: {  	_ =	shalt  }
0x63: {  	_ =	shalt  }
0x64: {  	_ =	shalt  }
0x65: {  	_ =	shalt  }
0x66: {  	_ =	shalt  }
0x67: {  	_ =	shalt  }
0x68: {  	_ =	shalt  }
0x69: {  	_ =	shalt  }
0x6a: {  	_ =	shalt  }
0x6b: {  	_ =	shalt  }
0x6c: {  	_ =	shalt  }
0x6d: {  	_ =	shalt  }
0x6e: {  	_ =	shalt  }
0x6f: {  	_ =	shalt  }
0x70: {  	_ =	shalt  }
0x71: {  	_ =	shalt  }
0x72: {  	_ =	shalt  }
0x73: {  	_ =	shalt  }
0x74: {  	_ =	shalt  }
0x75: {  	_ =	shalt  }
0x76: {  	_ =	shalt  }
0x77: {  	_ =	shalt  }
0x78: {  	_ =	shalt  }
0x79: {  	_ =	shalt  }
0x7a: {  	_ =	shalt  }
0x7b: {  	_ =	shalt  }
0x7c: {  	_ =	shalt  }
0x7d: {  	_ =	shalt  }
0x7e: {  	_ =	shalt  }
0x7f: {  	_ =	shalt  }
0x80: {  	_ =	shalt  }
0x81: {  	_ =	shalt  }
0x82: {  	_ =	shalt  }
0x83: {  	_ =	shalt  }
0x84: {  	_ =	shalt  }
0x85: {  	_ =	shalt  }
0x86: {  	_ =	shalt  }
0x87: {  	_ =	shalt  }
.Lfunc_end0:
.L_simem_size_0:
called_computation.1_lowered:
.L_overlay_start_0:
0x88: {  	s2 =	sld [smem:$0x3FD9]  }
0x89: {  	s3 =	sld [smem:$0x3FFE];
	_ =	sdelay $0x1  }
0x8a: {  	s1 =	srdreg.scid  }
0x8b: {  	s0 =	sand.u32 $0x1, s1  }
0x8c: {  	s17 =	sshll.u32 s0, $0xA;
	s2 =	sadd.s32 s3, s2  }
0x8d: {  	s2 =	sadd.s32 s2, s17  }
0x8e: {  	[smem:$0x3FC5] =	sst s2  }
0x8f: {  	_ = 	snop  }
0x90: {  	s2 =	sld [smem:$0x3FD0];
	(tm) =	ssettm $0x1  }
0x91: {  	s18 =	sld [smem:$0x3FFB];
	_ =	sdelay $0x3  }
0x92: {  	_ =	strace s18  }
0x93: {  	s3 =	sld [smem:$0x3FFC];
	_ =	sdelay $0x3  }
0x94: {  	_ =	strace s3  }
0x95: {  	s3 =	sld [smem:$0x3FFD];
	_ =	sdelay $0x3  }
0x96: {  	_ =	strace s3  }
0x97: {  	_ =	strace $0x8FFFFFFF  }
0x98: {  	s19 =	sld [smem:$0x3FDB];
	_ =	sdelay $0x1  }
0x99: {  	s4 =	simm.s32 $_scs_section_size  }
0x9a: {  	s5 =	simm.s32 $_size__tile_overlayer_lowered;
	s6 =	simm.s32 $_tile_overlayer_lowered  }
0x9b: {  	s22 =	simm.s32 $0x1BFF;
	s21 =	sshll.u32 s6, $0x1;
	s3 =	sadd.s32 s4, s19  }
0x9c: {  	s7 =	simm.s32 $0x0;
	s20 =	sshll.u32 s5, $0x1;
	s5 =	sadd.s32 s21, s3  }
0x9d: {  	[timem:s7], [sflag:s22] =	dma.local [hbm:s5], s20  }
0x9e: {  	_ =	swait.ge [sflag:s22], s20  }
0x9f: {  	s4 =	ssub.s32 $0x0, s20;
	[sflag:s22] =	ssyncset.done $0x0  }
0xa0: {  	[sflag:s22] =	ssyncadd.s32 s4;
	_ =	sdelay $0x1  }
0xa1: {  	s23 =	simm.s32 $0x1B8B  }
0xa2: {  	_ =	swait.ge [sflag:s23], $0x1  }
0xa3: {  	[sflag:s23] =	ssyncset.done $0x0  }
0xa4: {  	s25 =	simm.s32 $0x1B8E;
	s24 =	sld [smem:$0x3FFE];
	[sflag:s23] =	ssyncadd.s32 $0xFFFFFFFF  }
0xa5: {  	s26 =	simm.s32 $execute0_lowered;
	[smem:$0x3FD2] =	sst s25  }
0xa6: {  	s5 =	sshll.u32 s26, $0x1;
	_ =	strace $0x80000049;
	[dreg:$0x1] =	wrdreg $0xFFFFFFFF  }
0xa7: {  	s28 =	simm.s32 $_size_execute0_lowered;
	s3 =	sadd.s32 s3, s5;
	[dreg:$0x0] =	wrdreg $0x0  }
0xa8: {  	s5 =	sshll.u32 s28, $0x1;
	[dreg:$0x2] =	wrdreg s3  }
0xa9: {  	[dreg:$0x3] =	wrdreg s5  }
0xaa: {  	[dreg:$0x4] =	wrdreg $0xC0  }
0xab: {  	_ =	task [dreg:s7], $0x5FFFF  }
0xac: {  	[dreg:$0x1] =	wrdreg $0xFFFFFFFF  }
0xad: {  	[dreg:$0x0] =	wrdreg $0x60  }
0xae: {  	[dreg:$0x2] =	wrdreg s24  }
0xaf: {  	[dreg:$0x3] =	wrdreg s2  }
0xb0: {  	[dreg:$0x4] =	wrdreg $0x0  }
0xb1: {  	[dreg:$0x5] =	wrdreg $0xA0000  }
0xb2: {  	[dreg:$0x6] =	wrdreg $0x9  }
0xb3: {  	_ =	task.clear_ibuf [dreg:s7], $0x7FFFF;
	_ =	strace $0x90000049  }
0xb4: {  	s29 =	simm.s32 $0x9;
	_ =	strace $0x8000004B  }
0xb5: {  	_ =	swait.ge [sflag:s29], $0x1  }
0xb6: {  	[sflag:s29] =	ssyncadd.s32 $0xFFFFFFFF  }
0xb7: {  	_ =	strace $0x9000004B  }
0xb8: {  	_ =	sfence  }
0xb9: {  	s30 =	sld [smem:$0x0];
	_ =	sdelay $0x2  }
0xba: {  	s31 =	sshll.u32 s1, $0xD;
	s1 =	sshrl.u32 s1, $0x2  }
0xbb: {  	s3 =	sand.u32 $0x4000, s31;
	s1 =	sadd.s32 s1, s30  }
0xbc: {  	s0 =	sor.u32 s3, s0;
	s1 =	sshll.u32 s1, $0x11  }
0xbd: {  	s0 =	sor.u32 s1, s0  }
0xbe: {  	s0 =	sadd.s32 $0x8F2B, s0  }
0xbf: {  	[sflag:s0] =	ssyncadd.remote.s32 $0x1  }
0xc0: {  	_ =	sfence.sel $0xFFFF  }
0xc1: {  	[dreg:$0x0] =	wrdreg $0xFFFFFFFF;
	(pc) =	sbr.abs _section_cstart, $3  }
0xc2: {  	[dreg:$0x1] =	wrdreg $0xFFFFFFFF  }
0xc3: {  	_ =	task.clear_ibuf [dreg:s7], $0x2FFFF;
	_ =	strace $0x9FFFFFFF  }
0xc4: {  	(tm) =	ssettm $0x7FFFFFFF  }
0xc5: {  	_ =	shalt  }
tec
execute0_lowered:
.L_overlay_start_1:
0x0: {  	(tag) =	ssettag $0x1  }
0x1: {  	s0 =	rddreg [dreg:$0x0]  }
0x2: {  	s1 =	rddreg [dreg:$0x1]  }
0x3: {  	s3 =	rddreg [dreg:$0x2]  }
0x4: {  	s4 =	rddreg [dreg:$0x3]  }
0x5: {  	s2 =	srdreg.scid;
	s12 =	stileid.u32  }
0x6: {  	s5 =	simm.s32 $0x0;
	s28 =	simm.s32 $0x3;
	s29 =	simm.s32 $0x7  }
0x7: {  	s30 =	simm.s32 $0x4;
	s31 =	simm.s32 $0x8;
	s8 =	smul.u32 $0x14000, s12  }
0x8: {  	s2 =	sand.u32 $0x1, s2;
	[smem:$0x7FF] =	sst s5;
	s10 =	smul.u32 $0x50000, s12  }
0x9: {  	s6 =	sadd.s32 $0x1600, s0;
	s26 =	sshll.u32 s12, $0x6;
	s15 =	smul.u32 $0xA00, s12  }
0xa: {  	s7 =	smul.u32 $0x140000, s2;
	_ =	strace $0x8000004A;
	s2 =	ssub.s32 $0x2, s2  }
0xb: {  	s9 =	sshrl.u32 s2, $0x1;
	s11 =	sadd.s32 s8, s3;
	s10 =	sshrl.u32 s10, $0x2  }
0xc: {  	s13 =	sadd.s32 s8, s4;
	s17 =	sor.u32 $0x10, s15;
	s20 =	sor.u32 $0x20, s15  }
0xd: {  	s21 =	sor.u32 $0x30, s15;
	s18 =	sadd.s32 s6, s17;
	[dreg:$0x6] =	wrdreg s13  }
0xe: {  	s25 =	sor.u32 $0x40, s15;
	s19 =	sadd.s32 s1, s17;
	[dreg:$0xb] =	wrdreg s18  }
0xf: {  	s7 =	sadd.s32 s8, s7;
	s22 =	sadd.s32 s6, s20;
	[dreg:$0xc] =	wrdreg s19  }
0x10: {  	s2 =	ssub.s32 s2, s9;
	s23 =	sadd.s32 s6, s21;
	[dreg:$0xd] =	wrdreg s22  }
0x11: {  	s9 =	sor.u32 $0x1C09, s26;
	s24 =	sadd.s32 s1, s21;
	[dreg:$0xf] =	wrdreg s23  }
0x12: {  	s26 =	smul.u32 $0x5000, s12;
	s17 =	sor.u32 $0x60, s15;
	[dreg:$0x10] =	wrdreg s24  }
0x13: {  	s7 =	sshrl.u32 s7, $0x3;
	s19 =	sadd.s32 s6, s17;
	[dreg:$0x5] =	wrdreg s9  }
0x14: {  	s23 =	smax.u32 s2, $0x1;
	s24 =	sshrl.u32 s11, $0x3;
	[dreg:$0x15] =	wrdreg s19  }
0x15: {  	s0 =	sadd.s32 s7, s0;
	s7 =	sadd.s32 s10, s4;
	[dreg:$0x1b] =	wrdreg s23  }
0x16: {  	s12 =	simm.s32 $0x14800;
	[dreg:$0x1c] =	wrdreg s24;
	s10 =	sadd.s32 $0x4000, s7  }
0x17: {  	s11 =	simm.s32 $0x9;
	s16 =	sadd.s32 $0x8000, s7;
	[dreg:$0x7] =	wrdreg s10  }
0x18: {  	s2 =	simm.s32 $0x0;
	s14 =	sadd.s32 $0xC000, s7;
	[dreg:$0x8] =	wrdreg s16  }
0x19: {  	s19 =	simm.s32 $0x5;
	s8 =	sadd.s32 $0x10000, s7;
	[dreg:$0x9] =	wrdreg s14  }
0x1a: {  	s23 =	simm.s32 $0x14580;
	s7 =	sadd.s32 s6, s25;
	[dreg:$0xa] =	wrdreg s8  }
0x1b: {  	s24 =	simm.s32 $0x6;
	s22 =	sadd.s32 $0xCA00, s0;
	[dreg:$0x11] =	wrdreg s7  }
0x1c: {  	s0 =	sadd.s32 $0x5CA00, s0;
	s8 =	sadd.s32 s1, s20;
	[dreg:$0x19] =	wrdreg s22  }
0x1d: {  	s14 =	sor.u32 $0x50, s15;
	s10 =	sshrl.u32 s26, $0x3;
	[dreg:$0x1a] =	wrdreg s0  }
0x1e: {  	s20 =	sadd.s32 s1, s17;
	s26 =	sadd.s32 s1, s15;
	[dreg:$0xe] =	wrdreg s8  }
0x1f: {  	s17 =	simm.s32 $0x14100;
	s22 =	simm.s32 $0x14180;
	[dreg:$0x16] =	wrdreg s20  }
0x20: {  	s8 =	sadd.s32 s1, s25;
	s16 =	sadd.s32 s6, s14;
	[dreg:$0x1e] =	wrdreg s26  }
0x21: {  	s18 =	sadd.s32 $0x9F0, s10;
	s25 =	sadd.s32 s6, s15;
	[dreg:$0x12] =	wrdreg s8  }
0x22: {  	s20 =	simm.s32 $0x80;
	s26 =	simm.s32 $0x2;
	[dreg:$0x13] =	wrdreg s16  }
0x23: {  	s8 =	sadd.s32 s1, s14;
	s21 =	sadd.s32 s6, s18;
	[dreg:$0x1d] =	wrdreg s25  }
0x24: {  	s14 =	simm.s32 $0x14000;
	s16 =	simm.s32 $0x14480;
	[dreg:$0x14] =	wrdreg s8  }
0x25: {  	s25 =	simm.s32 $0x18800;
	[dreg:$0x17] =	wrdreg s21;
	s8 =	sadd.s32 s1, s18  }
0x26: {  	v0 =	vimm.f32 $0.0e+00;
	s18 =	simm.s32 $0x14500;
	s21 =	simm.s32 $0x1;
	[dreg:$0x18] =	wrdreg s8  }
.LBB2_1:
0x27: {  	[dreg:$0x1f] =	wrdreg s2  }
0x28: {  	s0 =	rddreg [dreg:$0x19]  }
0x29: {  	s10 =	rddreg [dreg:$0x1c]  }
0x2a: {  	[spmem:s10], [sflag:s9] =	dma.local [hbm:s0], $0x2800  }
0x2b: {  	_ =	swait.ge [sflag:s11], $0x2800  }
0x2c: {  	[sflag:s11] =	ssyncset.done $0x0  }
0x2d: {  	s8 =	simm.s32 $0x200;
	s2 =	simm.s32 $0x0;
	[sflag:s11] =	ssyncadd.s32 $0xFFFFD800  }
.LBB2_2:
0x2e: {  	p0 =	sne.s32 s8, $0xFE00;
	[tilespmem:s2+$0x14830] =	vst v0;
	s10 =	smov.u32 s8;
	s8 =	sadd.s32 $0x200, s8  }
.Ltmp0:
0x2f: {  	[tilespmem:s2+$0x14820] =	vst v0;
	(pc) =	sbr.rel @p0 .LBB2_2-.Ltmp0, $3  }
0x30: {  	[tilespmem:s2+$0x14800] =	vst v0  }
0x31: {  	[tilespmem:s2+$0x14810] =	vst v0;
	_ =	sdelay $0x1  }
0x32: {  	s2 =	sshra.s32 s10, $0x2  }
0x33: {  	[tilespmem:s2+$0x14830] =	vst v0  }
0x34: {  	[tilespmem:s2+$0x14820] =	vst v0  }
0x35: {  	[tilespmem:s2+$0x14800] =	vst v0  }
0x36: {  	[tilespmem:s2+$0x14810] =	vst v0  }
0x37: {  	[spmem:s13] =	stream.linear.scatter [tilespmem:s12], [sflag:$0x9], $0x4000, $0x38;
	[tilespmem:$0x1C800] =	vst v63  }
0x38: {  	_ =	swait.ge [sflag:s11], $0x4000  }
0x39: {  	[sflag:s11] =	ssyncset.done $0x0  }
0x3a: {  	s0 =	rddreg [dreg:$0x7];
	[sflag:s11] =	ssyncadd.s32 $0xFFFFC000  }
0x3b: {  	[spmem:s0] =	stream.linear.scatter [tilespmem:s12], [sflag:$0x9], $0x4000, $0x38;
	[tilespmem:$0x1C800] =	vst v63  }
0x3c: {  	_ =	swait.ge [sflag:s11], $0x4000  }
0x3d: {  	[sflag:s11] =	ssyncset.done $0x0  }
0x3e: {  	s7 =	rddreg [dreg:$0x8];
	[sflag:s11] =	ssyncadd.s32 $0xFFFFC000  }
0x3f: {  	[spmem:s7] =	stream.linear.scatter [tilespmem:s12], [sflag:$0x9], $0x4000, $0x38;
	[tilespmem:$0x1C800] =	vst v63  }
0x40: {  	_ =	swait.ge [sflag:s11], $0x4000  }
0x41: {  	[sflag:s11] =	ssyncset.done $0x0  }
0x42: {  	s8 =	rddreg [dreg:$0x9];
	[sflag:s11] =	ssyncadd.s32 $0xFFFFC000  }
0x43: {  	[spmem:s8] =	stream.linear.scatter [tilespmem:s12], [sflag:$0x9], $0x4000, $0x38;
	[tilespmem:$0x1C800] =	vst v63  }
0x44: {  	_ =	swait.ge [sflag:s11], $0x4000  }
0x45: {  	[sflag:s11] =	ssyncset.done $0x0  }
0x46: {  	s9 =	rddreg [dreg:$0xa];
	[sflag:s11] =	ssyncadd.s32 $0xFFFFC000  }
0x47: {  	[spmem:s9] =	stream.linear.scatter [tilespmem:s12], [sflag:$0x9], $0x4000, $0x38;
	[tilespmem:$0x1C800] =	vst v63  }
0x48: {  	_ =	swait.ge [sflag:s11], $0x4000  }
0x49: {  	[sflag:s11] =	ssyncset.done $0x0  }
0x4a: {  	[sflag:s11] =	ssyncadd.s32 $0xFFFFC000  }
0x4b: {  	[bflag:$0x0] =	sbarrier.arrive $0xFFFF  }
0x4c: {  	s10 =	rddreg [dreg:$0x1d]  }
0x4d: {  	[tilespmem:s14], [sflag:$0x5] =	stream.linear.gather [hbm4b:s10+s5], $0x80, $0x38;
	[tilespmem:$0x1C800] =	vst v63  }
0x4e: {  	s9 =	simm.s32 $0x14400;
	s11 =	rddreg [dreg:$0x1e]  }
0x4f: {  	[tilespmem:s9], [sflag:$0x5] =	stream.linear.gather [hbm4b:s11+s5], $0x80, $0x38;
	[tilespmem:$0x1C800] =	vst v63  }
0x50: {  	s13 =	rddreg [dreg:$0xb];
	s11 =	simm.s32 $0x14080  }
0x51: {  	[tilespmem:s11], [sflag:$0x6] =	stream.linear.gather [hbm4b:s13+s5], $0x80, $0x38;
	[tilespmem:$0x1C800] =	vst v63  }
0x52: {  	s2 =	rddreg [dreg:$0xc]  }
0x53: {  	[tilespmem:s16], [sflag:$0x6] =	stream.linear.gather [hbm4b:s2+s5], $0x80, $0x38;
	[tilespmem:$0x1C800] =	vst v63  }
0x54: {  	s7 =	rddreg [dreg:$0xd]  }
0x55: {  	[tilespmem:s17], [sflag:$0x7] =	stream.linear.gather [hbm4b:s7+s5], $0x80, $0x38;
	[tilespmem:$0x1C800] =	vst v63  }
0x56: {  	s8 =	rddreg [dreg:$0xe]  }
0x57: {  	[tilespmem:s18], [sflag:$0x7] =	stream.linear.gather [hbm4b:s8+s5], $0x80, $0x38;
	[tilespmem:$0x1C800] =	vst v63  }
0x58: {  	_ =	swait.ge [sflag:s19], $0x80  }
0x59: {  	[sflag:s19] =	ssyncset.done $0x0  }
0x5a: {  	[sflag:s19] =	ssyncadd.s32 $0xFFFFFF80  }
0x5b: {  	_ =	swait.ge [sflag:s19], $0x80  }
0x5c: {  	[sflag:s19] =	ssyncset.done $0x0  }
0x5d: {  	[sflag:s19] =	ssyncadd.s32 $0xFFFFFF80  }
0x5e: {  	[tilespmem:s12], [sflag:$0x1] =	stream.indirect.gather [spmem:s3], $0x40, s14, s20, $0xb8;
	[tilespmem:$0x1C800] =	vst v63  }
0x5f: {  	_ =	swait.ge [sflag:s21], $0x2000  }
0x60: {  	[sflag:s21] =	ssyncset.done $0x0  }
0x61: {  	s10 =	rddreg [dreg:$0xf];
	[sflag:s21] =	ssyncadd.s32 $0xFFFFE000  }
0x62: {  	[tilespmem:s22], [sflag:$0x8] =	stream.linear.gather [hbm4b:s10+s5], $0x80, $0x38;
	[tilespmem:$0x1C800] =	vst v63  }
0x63: {  	s13 =	rddreg [dreg:$0x10]  }
0x64: {  	[tilespmem:s23], [sflag:$0x8] =	stream.linear.gather [hbm4b:s13+s5], $0x80, $0x38;
	[tilespmem:$0x1C800] =	vst v63  }
0x65: {  	_ =	swait.ge [sflag:s24], $0x80  }
0x66: {  	[sflag:s24] =	ssyncset.done $0x0  }
0x67: {  	[sflag:s24] =	ssyncadd.s32 $0xFFFFFF80  }
0x68: {  	_ =	swait.ge [sflag:s24], $0x80  }
0x69: {  	[sflag:s24] =	ssyncset.done $0x0  }
0x6a: {  	[sflag:s24] =	ssyncadd.s32 $0xFFFFFF80  }
0x6b: {  	[tilespmem:s25], [sflag:$0x2] =	stream.indirect.gather [spmem:s3], $0x40, s11, s20, $0xb8;
	[tilespmem:$0x1C800] =	vst v63  }
0x6c: {  	_ = 	snop  }
0x6d: {  	[spmem:s4] =	stream.indirect.scatter.add.f32 [tilespmem:s12], [sflag:$0x3], $0x40, s9, s20, $0xb8;
	[tilespmem:$0x1C800] =	vst v63  }
0x6e: {  	_ =	swait.ge [sflag:s26], $0x2000  }
0x6f: {  	[sflag:s26] =	ssyncset.done $0x0  }
0x70: {  	[sflag:s26] =	ssyncadd.s32 $0xFFFFE000  }
0x71: {  	_ =	swait.ge [sflag:s28], $0x2000  }
0x72: {  	[sflag:s28] =	ssyncset.done $0x0  }
0x73: {  	s2 =	rddreg [dreg:$0x11];
	[sflag:s28] =	ssyncadd.s32 $0xFFFFE000  }
0x74: {  	[tilespmem:s14], [sflag:$0x5] =	stream.linear.gather [hbm4b:s2+s5], $0x80, $0x38;
	[tilespmem:$0x1C800] =	vst v63  }
0x75: {  	s7 =	rddreg [dreg:$0x12]  }
0x76: {  	[tilespmem:s9], [sflag:$0x5] =	stream.linear.gather [hbm4b:s7+s5], $0x80, $0x38;
	[tilespmem:$0x1C800] =	vst v63  }
0x77: {  	_ =	swait.ge [sflag:s29], $0x80  }
0x78: {  	[sflag:s29] =	ssyncset.done $0x0  }
0x79: {  	[sflag:s29] =	ssyncadd.s32 $0xFFFFFF80  }
0x7a: {  	_ =	swait.ge [sflag:s29], $0x80  }
0x7b: {  	[sflag:s29] =	ssyncset.done $0x0  }
0x7c: {  	[sflag:s29] =	ssyncadd.s32 $0xFFFFFF80  }
0x7d: {  	[tilespmem:s12], [sflag:$0x1] =	stream.indirect.gather [spmem:s3], $0x40, s17, s20, $0xb8;
	[tilespmem:$0x1C800] =	vst v63  }
0x7e: {  	_ = 	snop  }
0x7f: {  	[spmem:s4] =	stream.indirect.scatter.add.f32 [tilespmem:s25], [sflag:$0x4], $0x40, s16, s20, $0xb8;
	[tilespmem:$0x1C800] =	vst v63  }
0x80: {  	_ =	swait.ge [sflag:s21], $0x2000  }
0x81: {  	[sflag:s21] =	ssyncset.done $0x0  }
0x82: {  	[sflag:s21] =	ssyncadd.s32 $0xFFFFE000  }
0x83: {  	_ =	swait.ge [sflag:s30], $0x2000  }
0x84: {  	[sflag:s30] =	ssyncset.done $0x0  }
0x85: {  	s8 =	rddreg [dreg:$0x13];
	[sflag:s30] =	ssyncadd.s32 $0xFFFFE000  }
0x86: {  	[tilespmem:s11], [sflag:$0x6] =	stream.linear.gather [hbm4b:s8+s5], $0x80, $0x38;
	[tilespmem:$0x1C800] =	vst v63  }
0x87: {  	s10 =	rddreg [dreg:$0x14]  }
0x88: {  	[tilespmem:s16], [sflag:$0x6] =	stream.linear.gather [hbm4b:s10+s5], $0x80, $0x38;
	[tilespmem:$0x1C800] =	vst v63  }
0x89: {  	_ =	swait.ge [sflag:s31], $0x80  }
0x8a: {  	[sflag:s31] =	ssyncset.done $0x0  }
0x8b: {  	[sflag:s31] =	ssyncadd.s32 $0xFFFFFF80  }
0x8c: {  	_ =	swait.ge [sflag:s31], $0x80  }
0x8d: {  	[sflag:s31] =	ssyncset.done $0x0  }
0x8e: {  	[sflag:s31] =	ssyncadd.s32 $0xFFFFFF80  }
0x8f: {  	[tilespmem:s25], [sflag:$0x2] =	stream.indirect.gather [spmem:s3], $0x40, s22, s20, $0xb8;
	[tilespmem:$0x1C800] =	vst v63  }
0x90: {  	_ = 	snop  }
0x91: {  	[spmem:s4] =	stream.indirect.scatter.add.f32 [tilespmem:s12], [sflag:$0x3], $0x40, s18, s20, $0xb8;
	[tilespmem:$0x1C800] =	vst v63  }
0x92: {  	_ =	swait.ge [sflag:s26], $0x2000  }
0x93: {  	[sflag:s26] =	ssyncset.done $0x0  }
0x94: {  	[sflag:s26] =	ssyncadd.s32 $0xFFFFE000  }
0x95: {  	_ =	swait.ge [sflag:s28], $0x2000  }
0x96: {  	[sflag:s28] =	ssyncset.done $0x0  }
0x97: {  	s13 =	rddreg [dreg:$0x15];
	[sflag:s28] =	ssyncadd.s32 $0xFFFFE000  }
0x98: {  	[tilespmem:s17], [sflag:$0x7] =	stream.linear.gather [hbm4b:s13+s5], $0x80, $0x38;
	[tilespmem:$0x1C800] =	vst v63  }
0x99: {  	s2 =	rddreg [dreg:$0x16]  }
0x9a: {  	[tilespmem:s18], [sflag:$0x7] =	stream.linear.gather [hbm4b:s2+s5], $0x80, $0x38;
	[tilespmem:$0x1C800] =	vst v63  }
0x9b: {  	_ =	swait.ge [sflag:s19], $0x80  }
0x9c: {  	[sflag:s19] =	ssyncset.done $0x0  }
0x9d: {  	[sflag:s19] =	ssyncadd.s32 $0xFFFFFF80  }
0x9e: {  	_ =	swait.ge [sflag:s19], $0x80  }
0x9f: {  	[sflag:s19] =	ssyncset.done $0x0  }
0xa0: {  	[sflag:s19] =	ssyncadd.s32 $0xFFFFFF80  }
0xa1: {  	[tilespmem:s12], [sflag:$0x1] =	stream.indirect.gather [spmem:s3], $0x40, s14, s20, $0xb8;
	[tilespmem:$0x1C800] =	vst v63  }
0xa2: {  	_ = 	snop  }
0xa3: {  	[spmem:s4] =	stream.indirect.scatter.add.f32 [tilespmem:s25], [sflag:$0x4], $0x40, s23, s20, $0xb8;
	[tilespmem:$0x1C800] =	vst v63  }
0xa4: {  	s2 =	sadd.s32 $0xA0, s15;
	_ =	swait.ge [sflag:s21], $0x2000  }
0xa5: {  	s8 =	simm.s32 $0x40;
	s10 =	sadd.s32 $0xFFFFFFA0, s2;
	[sflag:s21] =	ssyncset.done $0x0  }
0xa6: {  	s8 =	sand.u32 $0x40, s8;
	s10 =	sand.u32 $0x1FF80, s10;
	[sflag:s21] =	ssyncadd.s32 $0xFFFFE000  }
0xa7: {  	s8 =	sor.u32 s10, s8;
	_ =	swait.ge [sflag:s30], $0x2000  }
0xa8: {  	s8 =	sor.u32 $0x30, s8;
	[sflag:s30] =	ssyncset.done $0x0  }
0xa9: {  	s7 =	sadd.s32 s6, s8;
	[sflag:s30] =	ssyncadd.s32 $0xFFFFE000  }
0xaa: {  	[tilespmem:s22], [sflag:$0x8] =	stream.linear.gather [hbm4b:s7+s5], $0x80, $0x38;
	[tilespmem:$0x1C800] =	vst v63  }
0xab: {  	s8 =	sadd.s32 s1, s8  }
0xac: {  	[tilespmem:s23], [sflag:$0x8] =	stream.linear.gather [hbm4b:s8+s5], $0x80, $0x38;
	[tilespmem:$0x1C800] =	vst v63  }
0xad: {  	_ =	swait.ge [sflag:s24], $0x80  }
0xae: {  	[sflag:s24] =	ssyncset.done $0x0  }
0xaf: {  	[sflag:s24] =	ssyncadd.s32 $0xFFFFFF80  }
0xb0: {  	_ =	swait.ge [sflag:s24], $0x80  }
0xb1: {  	[sflag:s24] =	ssyncset.done $0x0  }
0xb2: {  	[sflag:s24] =	ssyncadd.s32 $0xFFFFFF80  }
0xb3: {  	[tilespmem:s25], [sflag:$0x2] =	stream.indirect.gather [spmem:s3], $0x40, s11, s20, $0xb8;
	[tilespmem:$0x1C800] =	vst v63  }
0xb4: {  	_ = 	snop  }
0xb5: {  	[spmem:s4] =	stream.indirect.scatter.add.f32 [tilespmem:s12], [sflag:$0x3], $0x40, s9, s20, $0xb8;
	[tilespmem:$0x1C800] =	vst v63  }
0xb6: {  	_ =	swait.ge [sflag:s26], $0x2000  }
0xb7: {  	[sflag:s26] =	ssyncset.done $0x0  }
0xb8: {  	s13 =	simm.s32 $0x80;
	s0 =	sadd.s32 $0xFFFFFFE0, s2;
	[sflag:s26] =	ssyncadd.s32 $0xFFFFE000  }
0xb9: {  	s10 =	sand.u32 $0x1FF80, s0;
	s8 =	sand.u32 $0x40, s13;
	_ =	swait.ge [sflag:s28], $0x2000  }
0xba: {  	s8 =	sor.u32 s8, s10;
	[sflag:s28] =	ssyncset.done $0x0  }
0xbb: {  	s10 =	sadd.s32 s6, s8;
	[sflag:s28] =	ssyncadd.s32 $0xFFFFE000  }
0xbc: {  	[tilespmem:s14], [sflag:$0x5] =	stream.linear.gather [hbm4b:s10+s5], $0x80, $0x38;
	[tilespmem:$0x1C800] =	vst v63  }
0xbd: {  	s8 =	sadd.s32 s1, s8  }
0xbe: {  	[tilespmem:s9], [sflag:$0x5] =	stream.linear.gather [hbm4b:s8+s5], $0x80, $0x38;
	[tilespmem:$0x1C800] =	vst v63  }
0xbf: {  	_ =	swait.ge [sflag:s29], $0x80  }
0xc0: {  	[sflag:s29] =	ssyncset.done $0x0  }
0xc1: {  	[sflag:s29] =	ssyncadd.s32 $0xFFFFFF80  }
0xc2: {  	_ =	swait.ge [sflag:s29], $0x80  }
0xc3: {  	[sflag:s29] =	ssyncset.done $0x0  }
0xc4: {  	[sflag:s29] =	ssyncadd.s32 $0xFFFFFF80  }
0xc5: {  	[tilespmem:s12], [sflag:$0x1] =	stream.indirect.gather [spmem:s3], $0x40, s17, s20, $0xb8;
	[tilespmem:$0x1C800] =	vst v63  }
0xc6: {  	_ = 	snop  }
0xc7: {  	[spmem:s4] =	stream.indirect.scatter.add.f32 [tilespmem:s25], [sflag:$0x4], $0x40, s16, s20, $0xb8;
	[tilespmem:$0x1C800] =	vst v63  }
0xc8: {  	_ =	swait.ge [sflag:s21], $0x2000  }
0xc9: {  	[sflag:s21] =	ssyncset.done $0x0  }
0xca: {  	s7 =	simm.s32 $0x90;
	s9 =	sadd.s32 $0xFFFFFFF0, s2;
	[sflag:s21] =	ssyncadd.s32 $0xFFFFE000  }
0xcb: {  	s8 =	sand.u32 $0x50, s7;
	s10 =	sand.u32 $0x1FF80, s9;
	_ =	swait.ge [sflag:s30], $0x2000  }
0xcc: {  	s8 =	sor.u32 s8, s10;
	[sflag:s30] =	ssyncset.done $0x0  }
0xcd: {  	s10 =	sadd.s32 s6, s8;
	[sflag:s30] =	ssyncadd.s32 $0xFFFFE000  }
0xce: {  	[tilespmem:s11], [sflag:$0x6] =	stream.linear.gather [hbm4b:s10+s5], $0x80, $0x38;
	[tilespmem:$0x1C800] =	vst v63  }
0xcf: {  	s8 =	sadd.s32 s1, s8  }
0xd0: {  	[tilespmem:s16], [sflag:$0x6] =	stream.linear.gather [hbm4b:s8+s5], $0x80, $0x38;
	[tilespmem:$0x1C800] =	vst v63  }
0xd1: {  	_ =	swait.ge [sflag:s31], $0x80  }
0xd2: {  	[sflag:s31] =	ssyncset.done $0x0  }
0xd3: {  	[sflag:s31] =	ssyncadd.s32 $0xFFFFFF80  }
0xd4: {  	_ =	swait.ge [sflag:s31], $0x80  }
0xd5: {  	[sflag:s31] =	ssyncset.done $0x0  }
0xd6: {  	[sflag:s31] =	ssyncadd.s32 $0xFFFFFF80  }
0xd7: {  	[tilespmem:s25], [sflag:$0x2] =	stream.indirect.gather [spmem:s3], $0x40, s22, s20, $0xb8;
	[tilespmem:$0x1C800] =	vst v63  }
0xd8: {  	_ = 	snop  }
0xd9: {  	[spmem:s4] =	stream.indirect.scatter.add.f32 [tilespmem:s12], [sflag:$0x3], $0x40, s18, s20, $0xb8;
	[tilespmem:$0x1C800] =	vst v63  }
0xda: {  	_ =	swait.ge [sflag:s26], $0x2000  }
0xdb: {  	[sflag:s26] =	ssyncset.done $0x0  }
0xdc: {  	s13 =	simm.s32 $0xA0;
	[sflag:s26] =	ssyncadd.s32 $0xFFFFE000  }
0xdd: {  	s2 =	sand.u32 $0x1FF80, s2;
	s8 =	sand.u32 $0x60, s13;
	_ =	swait.ge [sflag:s28], $0x2000  }
0xde: {  	s2 =	sor.u32 s8, s2;
	[sflag:s28] =	ssyncset.done $0x0  }
0xdf: {  	s8 =	sadd.s32 s6, s2;
	[sflag:s28] =	ssyncadd.s32 $0xFFFFE000  }
0xe0: {  	[tilespmem:s17], [sflag:$0x7] =	stream.linear.gather [hbm4b:s8+s5], $0x80, $0x38;
	[tilespmem:$0x1C800] =	vst v63  }
0xe1: {  	s2 =	sadd.s32 s1, s2  }
0xe2: {  	[tilespmem:s18], [sflag:$0x7] =	stream.linear.gather [hbm4b:s2+s5], $0x80, $0x38;
	[tilespmem:$0x1C800] =	vst v63  }
0xe3: {  	_ =	swait.ge [sflag:s19], $0x80  }
0xe4: {  	[sflag:s19] =	ssyncset.done $0x0  }
0xe5: {  	[sflag:s19] =	ssyncadd.s32 $0xFFFFFF80  }
0xe6: {  	_ =	swait.ge [sflag:s19], $0x80  }
0xe7: {  	[sflag:s19] =	ssyncset.done $0x0  }
0xe8: {  	s2 =	simm.s32 $0xE0;
	[sflag:s19] =	ssyncadd.s32 $0xFFFFFF80  }
0xe9: {  	[tilespmem:s12], [sflag:$0x1] =	stream.indirect.gather [spmem:s3], $0x40, s14, s20, $0xb8;
	[tilespmem:$0x1C800] =	vst v63  }
.LBB2_4:
0xea: {  	[spmem:s4] =	stream.indirect.scatter.add.f32 [tilespmem:s25], [sflag:$0x4], $0x40, s23, s20, $0xb8;
	[tilespmem:$0x1C800] =	vst v63  }
0xeb: {  	s8 =	sadd.s32 $0xFFFFFFA0, s2  }
0xec: {  	s10 =	sadd.s32 $0xFFFFFFE0, s2;
	s9 =	sadd.s32 s2, s15;
	_ =	swait.ge [sflag:s21], $0x2000  }
0xed: {  	s0 =	sadd.s32 $0xFFFFFFF0, s2;
	s11 =	sadd.s32 $0xFFFFFFA0, s9;
	[sflag:s21] =	ssyncset.done $0x0  }
0xee: {  	s7 =	sadd.s32 $0xFFFFFFE0, s9;
	s8 =	sand.u32 $0x40, s8;
	[sflag:s21] =	ssyncadd.s32 $0xFFFFE000  }
0xef: {  	s10 =	sand.u32 $0x40, s10;
	s11 =	sand.u32 $0x1FF80, s11;
	s7 =	sand.u32 $0x1FF80, s7  }
0xf0: {  	s8 =	sor.u32 s11, s8;
	s11 =	sand.u32 $0x60, s2;
	_ =	swait.ge [sflag:s30], $0x2000  }
0xf1: {  	s14 =	sadd.s32 $0xFFFFFFF0, s9;
	s8 =	sor.u32 $0x30, s8;
	[sflag:s30] =	ssyncset.done $0x0  }
0xf2: {  	s0 =	sand.u32 $0x50, s0;
	s13 =	sadd.s32 s6, s8;
	[sflag:s30] =	ssyncadd.s32 $0xFFFFE000  }
0xf3: {  	[tilespmem:s22], [sflag:$0x8] =	stream.linear.gather [hbm4b:s13+s5], $0x80, $0x38;
	[tilespmem:$0x1C800] =	vst v63  }
0xf4: {  	s8 =	sadd.s32 s1, s8;
	s13 =	sand.u32 $0x1FF80, s14;
	s14 =	simm.s32 $0x14000  }
0xf5: {  	[tilespmem:s23], [sflag:$0x8] =	stream.linear.gather [hbm4b:s8+s5], $0x80, $0x38;
	[tilespmem:$0x1C800] =	vst v63  }
0xf6: {  	s7 =	sor.u32 s10, s7;
	s8 =	sor.u32 s0, s13  }
0xf7: {  	s0 =	sand.u32 $0x1FF80, s9;
	s9 =	simm.s32 $0x14400;
	_ =	swait.ge [sflag:s24], $0x80  }
0xf8: {  	s10 =	sor.u32 s11, s0;
	s11 =	simm.s32 $0x14080;
	[sflag:s24] =	ssyncset.done $0x0  }
0xf9: {  	p0 =	sne.s32 s2, $0x9E0;
	s2 =	sadd.s32 $0x40, s2;
	[sflag:s24] =	ssyncadd.s32 $0xFFFFFF80  }
0xfa: {  	_ =	swait.ge [sflag:s24], $0x80  }
0xfb: {  	[sflag:s24] =	ssyncset.done $0x0  }
0xfc: {  	[sflag:s24] =	ssyncadd.s32 $0xFFFFFF80  }
0xfd: {  	[tilespmem:s25], [sflag:$0x2] =	stream.indirect.gather [spmem:s3], $0x40, s11, s20, $0xb8;
	[tilespmem:$0x1C800] =	vst v63  }
0xfe: {  	_ = 	snop  }
0xff: {  	[spmem:s4] =	stream.indirect.scatter.add.f32 [tilespmem:s12], [sflag:$0x3], $0x40, s9, s20, $0xb8;
	[tilespmem:$0x1C800] =	vst v63  }
0x100: {  	_ =	swait.ge [sflag:s26], $0x2000  }
0x101: {  	[sflag:s26] =	ssyncset.done $0x0  }
0x102: {  	[sflag:s26] =	ssyncadd.s32 $0xFFFFE000  }
0x103: {  	_ =	swait.ge [sflag:s28], $0x2000  }
0x104: {  	[sflag:s28] =	ssyncset.done $0x0  }
0x105: {  	s0 =	sadd.s32 s6, s7;
	[sflag:s28] =	ssyncadd.s32 $0xFFFFE000  }
0x106: {  	[tilespmem:s14], [sflag:$0x5] =	stream.linear.gather [hbm4b:s0+s5], $0x80, $0x38;
	[tilespmem:$0x1C800] =	vst v63  }
0x107: {  	s0 =	sadd.s32 s1, s7  }
0x108: {  	[tilespmem:s9], [sflag:$0x5] =	stream.linear.gather [hbm4b:s0+s5], $0x80, $0x38;
	[tilespmem:$0x1C800] =	vst v63  }
0x109: {  	_ =	swait.ge [sflag:s29], $0x80  }
0x10a: {  	[sflag:s29] =	ssyncset.done $0x0  }
0x10b: {  	[sflag:s29] =	ssyncadd.s32 $0xFFFFFF80  }
0x10c: {  	_ =	swait.ge [sflag:s29], $0x80  }
0x10d: {  	[sflag:s29] =	ssyncset.done $0x0  }
0x10e: {  	[sflag:s29] =	ssyncadd.s32 $0xFFFFFF80  }
0x10f: {  	[tilespmem:s12], [sflag:$0x1] =	stream.indirect.gather [spmem:s3], $0x40, s17, s20, $0xb8;
	[tilespmem:$0x1C800] =	vst v63  }
0x110: {  	_ = 	snop  }
0x111: {  	[spmem:s4] =	stream.indirect.scatter.add.f32 [tilespmem:s25], [sflag:$0x4], $0x40, s16, s20, $0xb8;
	[tilespmem:$0x1C800] =	vst v63  }
0x112: {  	_ =	swait.ge [sflag:s21], $0x2000  }
0x113: {  	[sflag:s21] =	ssyncset.done $0x0  }
0x114: {  	[sflag:s21] =	ssyncadd.s32 $0xFFFFE000  }
0x115: {  	_ =	swait.ge [sflag:s30], $0x2000  }
0x116: {  	[sflag:s30] =	ssyncset.done $0x0  }
0x117: {  	s0 =	sadd.s32 s6, s8;
	[sflag:s30] =	ssyncadd.s32 $0xFFFFE000  }
0x118: {  	[tilespmem:s11], [sflag:$0x6] =	stream.linear.gather [hbm4b:s0+s5], $0x80, $0x38;
	[tilespmem:$0x1C800] =	vst v63  }
0x119: {  	s0 =	sadd.s32 s1, s8  }
0x11a: {  	[tilespmem:s16], [sflag:$0x6] =	stream.linear.gather [hbm4b:s0+s5], $0x80, $0x38;
	[tilespmem:$0x1C800] =	vst v63  }
0x11b: {  	_ =	swait.ge [sflag:s31], $0x80  }
0x11c: {  	[sflag:s31] =	ssyncset.done $0x0  }
0x11d: {  	[sflag:s31] =	ssyncadd.s32 $0xFFFFFF80  }
0x11e: {  	_ =	swait.ge [sflag:s31], $0x80  }
0x11f: {  	[sflag:s31] =	ssyncset.done $0x0  }
0x120: {  	[sflag:s31] =	ssyncadd.s32 $0xFFFFFF80  }
0x121: {  	[tilespmem:s25], [sflag:$0x2] =	stream.indirect.gather [spmem:s3], $0x40, s22, s20, $0xb8;
	[tilespmem:$0x1C800] =	vst v63  }
0x122: {  	_ = 	snop  }
0x123: {  	[spmem:s4] =	stream.indirect.scatter.add.f32 [tilespmem:s12], [sflag:$0x3], $0x40, s18, s20, $0xb8;
	[tilespmem:$0x1C800] =	vst v63  }
0x124: {  	_ =	swait.ge [sflag:s26], $0x2000  }
0x125: {  	[sflag:s26] =	ssyncset.done $0x0  }
0x126: {  	[sflag:s26] =	ssyncadd.s32 $0xFFFFE000  }
0x127: {  	_ =	swait.ge [sflag:s28], $0x2000  }
0x128: {  	[sflag:s28] =	ssyncset.done $0x0  }
0x129: {  	s0 =	sadd.s32 s6, s10;
	[sflag:s28] =	ssyncadd.s32 $0xFFFFE000  }
0x12a: {  	[tilespmem:s17], [sflag:$0x7] =	stream.linear.gather [hbm4b:s0+s5], $0x80, $0x38;
	[tilespmem:$0x1C800] =	vst v63  }
0x12b: {  	s0 =	sadd.s32 s1, s10  }
0x12c: {  	[tilespmem:s18], [sflag:$0x7] =	stream.linear.gather [hbm4b:s0+s5], $0x80, $0x38;
	[tilespmem:$0x1C800] =	vst v63  }
0x12d: {  	_ =	swait.ge [sflag:s19], $0x80  }
0x12e: {  	[sflag:s19] =	ssyncset.done $0x0  }
.Ltmp1:
0x12f: {  	[sflag:s19] =	ssyncadd.s32 $0xFFFFFF80;
	(pc) =	sbr.rel @p0 .LBB2_4-.Ltmp1, $4  }
0x130: {  	_ =	swait.ge [sflag:s19], $0x80  }
0x131: {  	[sflag:s19] =	ssyncset.done $0x0  }
0x132: {  	[sflag:s19] =	ssyncadd.s32 $0xFFFFFF80  }
0x133: {  	[tilespmem:s12], [sflag:$0x1] =	stream.indirect.gather [spmem:s3], $0x40, s14, s20, $0xb8;
	[tilespmem:$0x1C800] =	vst v63  }
0x134: {  	[spmem:s4] =	stream.indirect.scatter.add.f32 [tilespmem:s25], [sflag:$0x4], $0x40, s23, s20, $0xb8;
	[tilespmem:$0x1C800] =	vst v63  }
0x135: {  	_ =	swait.ge [sflag:s21], $0x2000  }
0x136: {  	[sflag:s21] =	ssyncset.done $0x0  }
0x137: {  	[sflag:s21] =	ssyncadd.s32 $0xFFFFE000  }
0x138: {  	_ =	swait.ge [sflag:s30], $0x2000  }
0x139: {  	[sflag:s30] =	ssyncset.done $0x0  }
0x13a: {  	s0 =	rddreg [dreg:$0x17];
	[sflag:s30] =	ssyncadd.s32 $0xFFFFE000  }
0x13b: {  	[tilespmem:s22], [sflag:$0x8] =	stream.linear.gather [hbm4b:s0+s5], $0x80, $0x38;
	[tilespmem:$0x1C800] =	vst v63  }
0x13c: {  	s2 =	rddreg [dreg:$0x18]  }
0x13d: {  	[tilespmem:s23], [sflag:$0x8] =	stream.linear.gather [hbm4b:s2+s5], $0x80, $0x38;
	[tilespmem:$0x1C800] =	vst v63  }
0x13e: {  	_ =	swait.ge [sflag:s24], $0x80  }
0x13f: {  	[sflag:s24] =	ssyncset.done $0x0  }
0x140: {  	[sflag:s24] =	ssyncadd.s32 $0xFFFFFF80  }
0x141: {  	_ =	swait.ge [sflag:s24], $0x80  }
0x142: {  	[sflag:s24] =	ssyncset.done $0x0  }
0x143: {  	[sflag:s24] =	ssyncadd.s32 $0xFFFFFF80  }
0x144: {  	[tilespmem:s25], [sflag:$0x2] =	stream.indirect.gather [spmem:s3], $0x40, s11, s20, $0xb8;
	[tilespmem:$0x1C800] =	vst v63  }
0x145: {  	_ = 	snop  }
0x146: {  	[spmem:s4] =	stream.indirect.scatter.add.f32 [tilespmem:s12], [sflag:$0x3], $0x40, s9, s20, $0xb8;
	[tilespmem:$0x1C800] =	vst v63  }
0x147: {  	_ =	swait.ge [sflag:s26], $0x2000  }
0x148: {  	[sflag:s26] =	ssyncset.done $0x0  }
0x149: {  	[sflag:s26] =	ssyncadd.s32 $0xFFFFE000  }
0x14a: {  	_ =	swait.ge [sflag:s28], $0x2000  }
0x14b: {  	[sflag:s28] =	ssyncset.done $0x0  }
0x14c: {  	[sflag:s28] =	ssyncadd.s32 $0xFFFFE000  }
0x14d: {  	_ =	swait.ge [sflag:s29], $0x80  }
0x14e: {  	[sflag:s29] =	ssyncset.done $0x0  }
0x14f: {  	[sflag:s29] =	ssyncadd.s32 $0xFFFFFF80  }
0x150: {  	_ =	swait.ge [sflag:s29], $0x80  }
0x151: {  	[sflag:s29] =	ssyncset.done $0x0  }
0x152: {  	[sflag:s29] =	ssyncadd.s32 $0xFFFFFF80  }
0x153: {  	[tilespmem:s12], [sflag:$0x1] =	stream.indirect.gather [spmem:s3], $0x40, s17, s20, $0xb8;
	[tilespmem:$0x1C800] =	vst v63  }
0x154: {  	_ = 	snop  }
0x155: {  	[spmem:s4] =	stream.indirect.scatter.add.f32 [tilespmem:s25], [sflag:$0x4], $0x40, s16, s20, $0xb8;
	[tilespmem:$0x1C800] =	vst v63  }
0x156: {  	_ =	swait.ge [sflag:s21], $0x2000  }
0x157: {  	[sflag:s21] =	ssyncset.done $0x0  }
0x158: {  	[sflag:s21] =	ssyncadd.s32 $0xFFFFE000  }
0x159: {  	_ =	swait.ge [sflag:s30], $0x2000  }
0x15a: {  	[sflag:s30] =	ssyncset.done $0x0  }
0x15b: {  	[sflag:s30] =	ssyncadd.s32 $0xFFFFE000  }
0x15c: {  	_ =	swait.ge [sflag:s31], $0x80  }
0x15d: {  	[sflag:s31] =	ssyncset.done $0x0  }
0x15e: {  	[sflag:s31] =	ssyncadd.s32 $0xFFFFFF80  }
0x15f: {  	_ =	swait.ge [sflag:s31], $0x80  }
0x160: {  	[sflag:s31] =	ssyncset.done $0x0  }
0x161: {  	[sflag:s31] =	ssyncadd.s32 $0xFFFFFF80  }
0x162: {  	[tilespmem:s25], [sflag:$0x2] =	stream.indirect.gather [spmem:s3], $0x40, s22, s20, $0xb8;
	[tilespmem:$0x1C800] =	vst v63  }
0x163: {  	_ = 	snop  }
0x164: {  	[spmem:s4] =	stream.indirect.scatter.add.f32 [tilespmem:s12], [sflag:$0x3], $0x40, s18, s20, $0xb8;
	[tilespmem:$0x1C800] =	vst v63  }
0x165: {  	_ =	swait.ge [sflag:s26], $0x2000  }
0x166: {  	[sflag:s26] =	ssyncset.done $0x0  }
0x167: {  	[sflag:s26] =	ssyncadd.s32 $0xFFFFE000  }
0x168: {  	_ =	swait.ge [sflag:s28], $0x2000  }
0x169: {  	[sflag:s28] =	ssyncset.done $0x0  }
0x16a: {  	[sflag:s28] =	ssyncadd.s32 $0xFFFFE000  }
0x16b: {  	[spmem:s4] =	stream.indirect.scatter.add.f32 [tilespmem:s25], [sflag:$0x4], $0x40, s23, s20, $0xb8;
	[tilespmem:$0x1C800] =	vst v63  }
0x16c: {  	_ =	swait.ge [sflag:s30], $0x2000  }
0x16d: {  	[sflag:s30] =	ssyncset.done $0x0  }
0x16e: {  	[sflag:s30] =	ssyncadd.s32 $0xFFFFE000  }
0x16f: {  	[bflag:$0x0] =	sbarrier.arrive $0xFFFF  }
0x170: {  	s13 =	rddreg [dreg:$0x6]  }
0x171: {  	s9 =	rddreg [dreg:$0x5]  }
0x172: {  	s11 =	simm.s32 $0x9;
	s2 =	rddreg [dreg:$0x1a];
	s7 =	sshrl.u32 s13, $0x3  }
0x173: {  	[hbm:s2], [sflag:s9] =	dma.local [spmem:s7], $0x2800  }
0x174: {  	_ =	swait.ge [sflag:s11], $0x2800  }
0x175: {  	s8 =	rddreg [dreg:$0x1f]  }
0x176: {  	s10 =	rddreg [dreg:$0x1b];
	s2 =	sadd.s32 $0x1, s8  }
0x177: {  	p0 =	sne.s32 s2, s10  }
.Ltmp2:
0x178: {  	_ = 	snop;
	(pc) =	sbr.rel @p0 .LBB2_1-.Ltmp2, $3  }
0x179: {  	_ =	sdelay $0x1  }
0x17a: {  	[sflag:s11] =	ssyncset.done $0x0  }
0x17b: {  	[sflag:s11] =	ssyncadd.s32 $0xFFFFD800  }
0x17c: {  	_ =	sfence.sel $0x180000  }
0x17d: {  	[bflag:$0x0] =	sbarrier.arrive $0xFFFF  }
0x17e: {  	_ =	strace $0x9000004A  }
0x17f: {  	s0 =	stileid.u32;
	[bflag:$0x2] =	sbarrier.arrive $0xFFFF  }
0x180: {  	p0 =	sne.s32 s0, $0x0;
	s0 =	rddreg [dreg:$0x4]  }
0x181: {  	s0 =	sadd.s32 @!p0 $0x100000, s0  }
0x182: {  	[sflag:s0] =	ssyncadd.tile.s32 @!p0 $0x1;
	_ =	shalt  }
.Lfunc_end2:
_tile_overlayer_lowered:
.L_overlay_start_2:
0x183: {  	(tag) =	ssettag $0x2  }
0x184: {  	s0 =	rddreg [dreg:$0x0];
	s2 =	stileid.u32  }
0x185: {  	s1 =	rddreg [dreg:$0x1];
	p0 =	sne.s32 s2, $0x0  }
0x186: {  	s3 =	rddreg [dreg:$0x2];
	[bflag:$0x3] =	sbarrier.arrive $0xFFFF;
	s2 =	simm.s32 @!p0 $0x1C09  }
0x187: {  	[timem:s3], [sflag:s2] =	dma.local @!p0 [hbm:s0], s1  }
0x188: {  	s0 =	simm.s32 @!p0 $0x9  }
0x189: {  	_ =	swait.ge @!p0 [sflag:s0], s1  }
0x18a: {  	s1 =	ssub.s32 @!p0 $0x0, s1;
	[sflag:s0] =	ssyncset.done @!p0 $0x0  }
0x18b: {  	[sflag:s0] =	ssyncadd.s32 @!p0 s1  }
0x18c: {  	[bflag:$0x3] =	sbarrier.arrive $0xFFFF  }
0x18d: {  	_ =	shalt  }

</sc_bundles>
